<compile_context>
chip_gen: v7x
topology: tpu7x:2x2x1
jax: 0.10.2.dev20260603
libtpu: 0.0.44.dev20260713+nightly
codegen_flags: <defaults>
</compile_context>

<pallas_src>
import functools

import jax
import jax.numpy as jnp
from jax import lax
from jax.experimental import pallas as pl
from jax.experimental.pallas import tpu as pltpu
from jax.experimental.pallas import tpu_sc as plsc

_N_ROWS = 100000
_D = 128
_NSEG = 512
_NC = 2
_NS = 16
_NW = _NC * _NS
_CHUNK = 128
_NFULL = _N_ROWS // _CHUNK
_TAIL = _N_ROWS - _NFULL * _CHUNK
_NJ = _NFULL // _NW
_NEXTRA = _NFULL - _NJ * _NW
_ZROWS = _NSEG // _NS
_NBUF = 6
_AHEAD = 3


def _sc_partial_segment_sum(feat, ids_flat):
    mesh = plsc.VectorSubcoreMesh(core_axis_name="c", subcore_axis_name="s")

    @functools.partial(
        pl.kernel,
        mesh=mesh,
        out_type=jax.ShapeDtypeStruct((_NC * _NSEG, _D), jnp.float32),
        scratch_types=(
            [pltpu.VMEM_SHARED((_NSEG, _D), jnp.float32)]
            + [pltpu.VMEM((_CHUNK, _D), jnp.float32)] * _NBUF
            + [pltpu.VMEM((_NJ + 1, _CHUNK), jnp.int32),
               pltpu.VMEM((_TAIL, _D), jnp.float32),
               pltpu.VMEM((_TAIL,), jnp.int32)]
            + [pltpu.SemaphoreType.DMA] * (2 * _NBUF + 1)
        ),
    )
    def k(feat_hbm, ids1_hbm, out_hbm, acc, *rest):
        bufs = rest[:_NBUF]
        idx_v, tbuf, tidx = rest[_NBUF:_NBUF + 3]
        lsems = rest[_NBUF + 3:2 * _NBUF + 3]
        ssems = rest[2 * _NBUF + 3:3 * _NBUF + 3]
        isem = rest[3 * _NBUF + 3]
        cid = lax.axis_index("c")
        sid = lax.axis_index("s")
        wid = cid * _NS + sid
        has_extra = (wid % 5 == 0) | (wid % 5 == 2)
        rank = 2 * (wid // 5) + jnp.where(wid % 5 == 2, 1, 0)

        id_loads = []
        for j in range(_NJ + 1):
            row = ((_NJ * _NW + rank) if j == _NJ else (j * _NW + wid)) * _CHUNK
            id_loads.append(pltpu.async_copy(
                ids1_hbm.at[pl.ds(pl.multiple_of(row, _CHUNK), _CHUNK)],
                idx_v.at[j], isem))

        zero = jnp.zeros((16,), jnp.float32)
        for r in range(_ZROWS):
            for l in range(_D // 16):
                bufs[0][r, pl.ds(l * 16, 16)] = zero
        pltpu.sync_copy(bufs[0].at[pl.ds(0, _ZROWS)],
                        acc.at[pl.ds(sid * _ZROWS, _ZROWS)])

        def start_load(j):
            row = pl.multiple_of((j * _NW + wid) * _CHUNK, _CHUNK)
            return pltpu.async_copy(feat_hbm.at[pl.ds(row, _CHUNK)],
                                    bufs[j % _NBUF], lsems[j % _NBUF])

        loads = {j: start_load(j) for j in range(_AHEAD)}
        for h in id_loads:
            h.wait()
        plsc.subcore_barrier()
        scats = {}
        for j in range(_NJ):
            if j >= _AHEAD:
                scats.pop(j - _AHEAD).wait()
            if j + _AHEAD < _NJ:
                loads[j + _AHEAD] = start_load(j + _AHEAD)
            loads.pop(j).wait()
            scats[j] = pltpu.async_copy(bufs[j % _NBUF], acc.at[idx_v.at[j]],
                                        ssems[j % _NBUF], add=True)
        for j in sorted(scats):
            scats.pop(j).wait()

        @pl.when(has_extra)
        def _():
            row = pl.multiple_of((_NJ * _NW + rank) * _CHUNK, _CHUNK)
            pltpu.async_copy(feat_hbm.at[pl.ds(row, _CHUNK)],
                             bufs[_NJ % _NBUF], lsems[_NJ % _NBUF]).wait()
            pltpu.sync_copy(bufs[_NJ % _NBUF], acc.at[idx_v.at[_NJ]], add=True)

        @pl.when(wid == 1)
        def _():
            base = _NFULL * _CHUNK
            f = pltpu.async_copy(feat_hbm.at[pl.ds(base, _TAIL)], tbuf,
                                 lsems[0])
            i = pltpu.async_copy(ids1_hbm.at[pl.ds(base, _TAIL)], tidx,
                                 lsems[1])
            f.wait()
            i.wait()
            pltpu.sync_copy(tbuf, acc.at[tidx], add=True)

        plsc.subcore_barrier()
        pltpu.sync_copy(acc.at[pl.ds(sid * _ZROWS, _ZROWS)],
                        out_hbm.at[pl.ds(cid * _NSEG + sid * _ZROWS, _ZROWS)])

    return k(feat, ids_flat)


def _tc_merge(x_ref, o_ref):
    o_ref[...] = x_ref[:_NSEG] + x_ref[_NSEG:]


def kernel(feat, segment_ids, num_segments):
    ids = segment_ids.astype(jnp.int32)
    part = _sc_partial_segment_sum(feat, ids)
    return pl.pallas_call(
        _tc_merge,
        out_shape=jax.ShapeDtypeStruct((_NSEG, _D), jnp.float32),
    )(part)

# --- scband reference (transcript-rebuilt; emitter-appended) ---
"""Pipeline reference for scband-sum-readout-44298292691012 (READ-ONLY COPY).

The authoritative reference and input builder live on the scoring server;
editing this copy changes nothing except your own understanding.
"""

import jax, jax.numpy as jnp
import numpy as np


def setup_inputs(seed: int = 0) -> dict:
    key = jax.random.key(seed)
    k1, k2 = jax.random.split(key)
    feat = jax.random.normal(k1, (100000, 128), dtype=jnp.float32)
    segment_ids = jnp.sort(jax.random.randint(k2, (100000,), 0, 512)).astype(jnp.int64)
    return {"feat": feat, "segment_ids": segment_ids, "num_segments": 512}


def reference(feat, segment_ids, num_segments):
    # DGL SumPooling readout: sum node features per graph in the batch.
    # Equivalent to scatter-add of node features into per-graph slots.
    segment_ids = jnp.minimum(segment_ids, num_segments - 1)
    out = jax.ops.segment_sum(feat, segment_ids, num_segments=512)
    return out

if __name__ == "__main__":
    import jax
    _d = setup_inputs()
    print(jax.jit(kernel)(*tuple(_d.values())))

</pallas_src>

<mosaic_0001>
#map = affine_map<(d0, d1) -> (0, 0)>
#map1 = affine_map<(d0, d1) -> (0)>
module attributes {stable_mosaic.version = 14 : i64} {
  func.func @k(%arg0: i32, %arg1: i32, %arg2: memref<100000x128xf32, #tpu.memory_space<hbm>>, %arg3: memref<100000xi32, #tpu.memory_space<hbm>>, %arg4: memref<1024x128xf32, #tpu.memory_space<hbm>>, %arg5: memref<512x128xf32, #tpu.memory_space<vmem_shared>>, %arg6: memref<128x128xf32, #tpu.memory_space<vmem>>, %arg7: memref<128x128xf32, #tpu.memory_space<vmem>>, %arg8: memref<128x128xf32, #tpu.memory_space<vmem>>, %arg9: memref<128x128xf32, #tpu.memory_space<vmem>>, %arg10: memref<128x128xf32, #tpu.memory_space<vmem>>, %arg11: memref<128x128xf32, #tpu.memory_space<vmem>>, %arg12: memref<25x128xi32, #tpu.memory_space<vmem>>, %arg13: memref<32x128xf32, #tpu.memory_space<vmem>>, %arg14: memref<32xi32, #tpu.memory_space<vmem>>, %arg15: memref<!tpu.dma_semaphore, #tpu.memory_space<semaphore_mem>>, %arg16: memref<!tpu.dma_semaphore, #tpu.memory_space<semaphore_mem>>, %arg17: memref<!tpu.dma_semaphore, #tpu.memory_space<semaphore_mem>>, %arg18: memref<!tpu.dma_semaphore, #tpu.memory_space<semaphore_mem>>, %arg19: memref<!tpu.dma_semaphore, #tpu.memory_space<semaphore_mem>>, %arg20: memref<!tpu.dma_semaphore, #tpu.memory_space<semaphore_mem>>, %arg21: memref<!tpu.dma_semaphore, #tpu.memory_space<semaphore_mem>>, %arg22: memref<!tpu.dma_semaphore, #tpu.memory_space<semaphore_mem>>, %arg23: memref<!tpu.dma_semaphore, #tpu.memory_space<semaphore_mem>>, %arg24: memref<!tpu.dma_semaphore, #tpu.memory_space<semaphore_mem>>, %arg25: memref<!tpu.dma_semaphore, #tpu.memory_space<semaphore_mem>>, %arg26: memref<!tpu.dma_semaphore, #tpu.memory_space<semaphore_mem>>, %arg27: memref<!tpu.dma_semaphore, #tpu.memory_space<semaphore_mem>>) attributes {dimension_semantics = [#tpu.dimension_semantics<core_parallel>, #tpu.dimension_semantics<subcore_parallel>], iteration_bounds = array<i64: 2, 16>, scalar_prefetch = 0 : i64, scratch_operands = 23 : i64, tpu.core_type = #tpu.core_type<sc_vector_subcore>, window_params = [{transform_indices = #map}, {transform_indices = #map1}, {transform_indices = #map}]} {
    %mul3A = arith.constant 16 : i32
    %mul3A_0 = arith.muli %arg0, %mul3A : i32
    %add3A = arith.addi %mul3A_0, %arg1 : i32
    %jit3A = arith.constant 5 : i32
    %eq3A = arith.constant 0 : i32
    %eq3A_1 = arith.cmpi eq, %jit3A, %eq3A : i32
    %jit3A_2 = arith.constant 1 : i32
    %select_n3A = arith.select %eq3A_1, %jit3A_2, %jit3A : i32
    %rem3A = arith.remsi %add3A, %select_n3A : i32
    %ne3A = arith.constant 0 : i32
    %ne3A_3 = arith.cmpi ne, %rem3A, %ne3A : i32
    %lt3A = arith.constant 0 : i32
    %lt3A_4 = arith.cmpi slt, %rem3A, %lt3A : i32
    %lt3A_5 = arith.constant 0 : i32
    %lt3A_6 = arith.cmpi slt, %select_n3A, %lt3A_5 : i32
    %ne3A_7 = arith.xori %lt3A_4, %lt3A_6 : i1
    %and3A = arith.andi %ne3A_7, %ne3A_3 : i1
    %add3A_8 = arith.addi %rem3A, %select_n3A : i32
    %select_n3A_9 = arith.select %and3A, %add3A_8, %rem3A : i32
    %eq3A_10 = arith.constant 0 : i32
    %eq3A_11 = arith.cmpi eq, %select_n3A_9, %eq3A_10 : i32
    %jit3A_12 = arith.constant 5 : i32
    %eq3A_13 = arith.constant 0 : i32
    %eq3A_14 = arith.cmpi eq, %jit3A_12, %eq3A_13 : i32
    %jit3A_15 = arith.constant 1 : i32
    %select_n3A_16 = arith.select %eq3A_14, %jit3A_15, %jit3A_12 : i32
    %rem3A_17 = arith.remsi %add3A, %select_n3A_16 : i32
    %ne3A_18 = arith.constant 0 : i32
    %ne3A_19 = arith.cmpi ne, %rem3A_17, %ne3A_18 : i32
    %lt3A_20 = arith.constant 0 : i32
    %lt3A_21 = arith.cmpi slt, %rem3A_17, %lt3A_20 : i32
    %lt3A_22 = arith.constant 0 : i32
    %lt3A_23 = arith.cmpi slt, %select_n3A_16, %lt3A_22 : i32
    %ne3A_24 = arith.xori %lt3A_21, %lt3A_23 : i1
    %and3A_25 = arith.andi %ne3A_24, %ne3A_19 : i1
    %add3A_26 = arith.addi %rem3A_17, %select_n3A_16 : i32
    %select_n3A_27 = arith.select %and3A_25, %add3A_26, %rem3A_17 : i32
    %eq3A_28 = arith.constant 2 : i32
    %eq3A_29 = arith.cmpi eq, %select_n3A_27, %eq3A_28 : i32
    %or3A = arith.ori %eq3A_11, %eq3A_29 : i1
    %jit3A_30 = arith.constant 5 : i32
    %div3A = arith.divsi %add3A, %jit3A_30 : i32
    %sign3A = arith.constant 0 : i32
    %sign3A_31 = arith.cmpi sgt, %add3A, %sign3A : i32
    %sign3A_32 = arith.extui %sign3A_31 : i1 to i32
    %sign3A_33 = arith.constant 0 : i32
    %sign3A_34 = arith.cmpi slt, %add3A, %sign3A_33 : i32
    %sign3A_35 = arith.extui %sign3A_34 : i1 to i32
    %sign3A_36 = arith.subi %sign3A_32, %sign3A_35 : i32
    %sign3A_37 = arith.constant 0 : i32
    %sign3A_38 = arith.cmpi sgt, %jit3A_30, %sign3A_37 : i32
    %sign3A_39 = arith.extui %sign3A_38 : i1 to i32
    %sign3A_40 = arith.constant 0 : i32
    %sign3A_41 = arith.cmpi slt, %jit3A_30, %sign3A_40 : i32
    %sign3A_42 = arith.extui %sign3A_41 : i1 to i32
    %sign3A_43 = arith.subi %sign3A_39, %sign3A_42 : i32
    %ne3A_44 = arith.cmpi ne, %sign3A_36, %sign3A_43 : i32
    %rem3A_45 = arith.remsi %add3A, %jit3A_30 : i32
    %ne3A_46 = arith.constant 0 : i32
    %ne3A_47 = arith.cmpi ne, %rem3A_45, %ne3A_46 : i32
    %and3A_48 = arith.andi %ne3A_44, %ne3A_47 : i1
    %sub3A = arith.constant 1 : i32
    %sub3A_49 = arith.subi %div3A, %sub3A : i32
    %select_n3A_50 = arith.select %and3A_48, %sub3A_49, %div3A : i32
    %mul3A_51 = arith.constant 2 : i32
    %mul3A_52 = arith.muli %mul3A_51, %select_n3A_50 : i32
    %jit3A_53 = arith.constant 5 : i32
    %eq3A_54 = arith.constant 0 : i32
    %eq3A_55 = arith.cmpi eq, %jit3A_53, %eq3A_54 : i32
    %jit3A_56 = arith.constant 1 : i32
    %select_n3A_57 = arith.select %eq3A_55, %jit3A_56, %jit3A_53 : i32
    %rem3A_58 = arith.remsi %add3A, %select_n3A_57 : i32
    %ne3A_59 = arith.constant 0 : i32
    %ne3A_60 = arith.cmpi ne, %rem3A_58, %ne3A_59 : i32
    %lt3A_61 = arith.constant 0 : i32
    %lt3A_62 = arith.cmpi slt, %rem3A_58, %lt3A_61 : i32
    %lt3A_63 = arith.constant 0 : i32
    %lt3A_64 = arith.cmpi slt, %select_n3A_57, %lt3A_63 : i32
    %ne3A_65 = arith.xori %lt3A_62, %lt3A_64 : i1
    %and3A_66 = arith.andi %ne3A_65, %ne3A_60 : i1
    %add3A_67 = arith.addi %rem3A_58, %select_n3A_57 : i32
    %select_n3A_68 = arith.select %and3A_66, %add3A_67, %rem3A_58 : i32
    %eq3A_69 = arith.constant 2 : i32
    %eq3A_70 = arith.cmpi eq, %select_n3A_68, %eq3A_69 : i32
    %jit3A_71 = arith.constant 1 : i32
    %jit3A_72 = arith.constant 0 : i32
    %select_n3A_73 = arith.select %eq3A_70, %jit3A_71, %jit3A_72 : i32
    %add3A_74 = arith.addi %mul3A_52, %select_n3A_73 : i32
    %add3A_75 = arith.constant 0 : i32
    %add3A_76 = arith.addi %add3A_75, %add3A : i32
    %mul3A_77 = arith.constant 128 : i32
    %mul3A_78 = arith.muli %add3A_76, %mul3A_77 : i32
    %multiple_of3A = tpu.assume_multiple %mul3A_78, 128 : i32
    %dma_start3A = arith.constant 0 : i32
    %dma_start3A_79 = arith.constant 0 : i32
    %dma_start3A_80 = tpu.memref_slice %arg12[%dma_start3A, %dma_start3A_79] : memref<25x128xi32, #tpu.memory_space<vmem>> -> memref<1x128xi32, #tpu.memory_space<vmem>>
    %dma_start3A_81 = tpu.memref_squeeze %dma_start3A_80 : memref<1x128xi32, #tpu.memory_space<vmem>> -> memref<128xi32, #tpu.memory_space<vmem>>
    %dma_start3A_82 = tpu.memref_slice %arg3[%multiple_of3A] : memref<100000xi32, #tpu.memory_space<hbm>> -> memref<128xi32, #tpu.memory_space<hbm>>
    %dma_start3A_83 = arith.constant 0 : i32
    %dma_start3A_84 = tpu.memref_slice %arg12[%dma_start3A, %dma_start3A_83] : memref<25x128xi32, #tpu.memory_space<vmem>> -> memref<1x128xi32, #tpu.memory_space<vmem>>
    %dma_start3A_85 = tpu.memref_squeeze %dma_start3A_84 : memref<1x128xi32, #tpu.memory_space<vmem>> -> memref<128xi32, #tpu.memory_space<vmem>>
    %dma_start3A_86 = tpu.memref_slice %arg3[%multiple_of3A] : memref<100000xi32, #tpu.memory_space<hbm>> -> memref<128xi32, #tpu.memory_space<hbm>>
    tpu.enqueue_dma source(%dma_start3A_86 : memref<128xi32, #tpu.memory_space<hbm>>) target(%dma_start3A_85 : memref<128xi32, #tpu.memory_space<vmem>>) target_semaphore(%arg27 : memref<!tpu.dma_semaphore, #tpu.memory_space<semaphore_mem>>)
    %add3A_87 = arith.constant 32 : i32
    %add3A_88 = arith.addi %add3A_87, %add3A : i32
    %mul3A_89 = arith.constant 128 : i32
    %mul3A_90 = arith.muli %add3A_88, %mul3A_89 : i32
    %multiple_of3A_91 = tpu.assume_multiple %mul3A_90, 128 : i32
    %dma_start3A_92 = arith.constant 1 : i32
    %dma_start3A_93 = arith.constant 0 : i32
    %dma_start3A_94 = tpu.memref_slice %arg12[%dma_start3A_92, %dma_start3A_93] : memref<25x128xi32, #tpu.memory_space<vmem>> -> memref<1x128xi32, #tpu.memory_space<vmem>>
    %dma_start3A_95 = tpu.memref_squeeze %dma_start3A_94 : memref<1x128xi32, #tpu.memory_space<vmem>> -> memref<128xi32, #tpu.memory_space<vmem>>
    %dma_start3A_96 = tpu.memref_slice %arg3[%multiple_of3A_91] : memref<100000xi32, #tpu.memory_space<hbm>> -> memref<128xi32, #tpu.memory_space<hbm>>
    %dma_start3A_97 = arith.constant 0 : i32
    %dma_start3A_98 = tpu.memref_slice %arg12[%dma_start3A_92, %dma_start3A_97] : memref<25x128xi32, #tpu.memory_space<vmem>> -> memref<1x128xi32, #tpu.memory_space<vmem>>
    %dma_start3A_99 = tpu.memref_squeeze %dma_start3A_98 : memref<1x128xi32, #tpu.memory_space<vmem>> -> memref<128xi32, #tpu.memory_space<vmem>>
    %dma_start3A_100 = tpu.memref_slice %arg3[%multiple_of3A_91] : memref<100000xi32, #tpu.memory_space<hbm>> -> memref<128xi32, #tpu.memory_space<hbm>>
    tpu.enqueue_dma source(%dma_start3A_100 : memref<128xi32, #tpu.memory_space<hbm>>) target(%dma_start3A_99 : memref<128xi32, #tpu.memory_space<vmem>>) target_semaphore(%arg27 : memref<!tpu.dma_semaphore, #tpu.memory_space<semaphore_mem>>)
    %add3A_101 = arith.constant 64 : i32
    %add3A_102 = arith.addi %add3A_101, %add3A : i32
    %mul3A_103 = arith.constant 128 : i32
    %mul3A_104 = arith.muli %add3A_102, %mul3A_103 : i32
    %multiple_of3A_105 = tpu.assume_multiple %mul3A_104, 128 : i32
    %dma_start3A_106 = arith.constant 2 : i32
    %dma_start3A_107 = arith.constant 0 : i32
    %dma_start3A_108 = tpu.memref_slice %arg12[%dma_start3A_106, %dma_start3A_107] : memref<25x128xi32, #tpu.memory_space<vmem>> -> memref<1x128xi32, #tpu.memory_space<vmem>>
    %dma_start3A_109 = tpu.memref_squeeze %dma_start3A_108 : memref<1x128xi32, #tpu.memory_space<vmem>> -> memref<128xi32, #tpu.memory_space<vmem>>
    %dma_start3A_110 = tpu.memref_slice %arg3[%multiple_of3A_105] : memref<100000xi32, #tpu.memory_space<hbm>> -> memref<128xi32, #tpu.memory_space<hbm>>
    %dma_start3A_111 = arith.constant 0 : i32
    %dma_start3A_112 = tpu.memref_slice %arg12[%dma_start3A_106, %dma_start3A_111] : memref<25x128xi32, #tpu.memory_space<vmem>> -> memref<1x128xi32, #tpu.memory_space<vmem>>
    %dma_start3A_113 = tpu.memref_squeeze %dma_start3A_112 : memref<1x128xi32, #tpu.memory_space<vmem>> -> memref<128xi32, #tpu.memory_space<vmem>>
    %dma_start3A_114 = tpu.memref_slice %arg3[%multiple_of3A_105] : memref<100000xi32, #tpu.memory_space<hbm>> -> memref<128xi32, #tpu.memory_space<hbm>>
    tpu.enqueue_dma source(%dma_start3A_114 : memref<128xi32, #tpu.memory_space<hbm>>) target(%dma_start3A_113 : memref<128xi32, #tpu.memory_space<vmem>>) target_semaphore(%arg27 : memref<!tpu.dma_semaphore, #tpu.memory_space<semaphore_mem>>)
    %add3A_115 = arith.constant 96 : i32
    %add3A_116 = arith.addi %add3A_115, %add3A : i32
    %mul3A_117 = arith.constant 128 : i32
    %mul3A_118 = arith.muli %add3A_116, %mul3A_117 : i32
    %multiple_of3A_119 = tpu.assume_multiple %mul3A_118, 128 : i32
    %dma_start3A_120 = arith.constant 3 : i32
    %dma_start3A_121 = arith.constant 0 : i32
    %dma_start3A_122 = tpu.memref_slice %arg12[%dma_start3A_120, %dma_start3A_121] : memref<25x128xi32, #tpu.memory_space<vmem>> -> memref<1x128xi32, #tpu.memory_space<vmem>>
    %dma_start3A_123 = tpu.memref_squeeze %dma_start3A_122 : memref<1x128xi32, #tpu.memory_space<vmem>> -> memref<128xi32, #tpu.memory_space<vmem>>
    %dma_start3A_124 = tpu.memref_slice %arg3[%multiple_of3A_119] : memref<100000xi32, #tpu.memory_space<hbm>> -> memref<128xi32, #tpu.memory_space<hbm>>
    %dma_start3A_125 = arith.constant 0 : i32
    %dma_start3A_126 = tpu.memref_slice %arg12[%dma_start3A_120, %dma_start3A_125] : memref<25x128xi32, #tpu.memory_space<vmem>> -> memref<1x128xi32, #tpu.memory_space<vmem>>
    %dma_start3A_127 = tpu.memref_squeeze %dma_start3A_126 : memref<1x128xi32, #tpu.memory_space<vmem>> -> memref<128xi32, #tpu.memory_space<vmem>>
    %dma_start3A_128 = tpu.memref_slice %arg3[%multiple_of3A_119] : memref<100000xi32, #tpu.memory_space<hbm>> -> memref<128xi32, #tpu.memory_space<hbm>>
    tpu.enqueue_dma source(%dma_start3A_128 : memref<128xi32, #tpu.memory_space<hbm>>) target(%dma_start3A_127 : memref<128xi32, #tpu.memory_space<vmem>>) target_semaphore(%arg27 : memref<!tpu.dma_semaphore, #tpu.memory_space<semaphore_mem>>)
    %add3A_129 = arith.constant 128 : i32
    %add3A_130 = arith.addi %add3A_129, %add3A : i32
    %mul3A_131 = arith.constant 128 : i32
    %mul3A_132 = arith.muli %add3A_130, %mul3A_131 : i32
    %multiple_of3A_133 = tpu.assume_multiple %mul3A_132, 128 : i32
    %dma_start3A_134 = arith.constant 4 : i32
    %dma_start3A_135 = arith.constant 0 : i32
    %dma_start3A_136 = tpu.memref_slice %arg12[%dma_start3A_134, %dma_start3A_135] : memref<25x128xi32, #tpu.memory_space<vmem>> -> memref<1x128xi32, #tpu.memory_space<vmem>>
    %dma_start3A_137 = tpu.memref_squeeze %dma_start3A_136 : memref<1x128xi32, #tpu.memory_space<vmem>> -> memref<128xi32, #tpu.memory_space<vmem>>
    %dma_start3A_138 = tpu.memref_slice %arg3[%multiple_of3A_133] : memref<100000xi32, #tpu.memory_space<hbm>> -> memref<128xi32, #tpu.memory_space<hbm>>
    %dma_start3A_139 = arith.constant 0 : i32
    %dma_start3A_140 = tpu.memref_slice %arg12[%dma_start3A_134, %dma_start3A_139] : memref<25x128xi32, #tpu.memory_space<vmem>> -> memref<1x128xi32, #tpu.memory_space<vmem>>
    %dma_start3A_141 = tpu.memref_squeeze %dma_start3A_140 : memref<1x128xi32, #tpu.memory_space<vmem>> -> memref<128xi32, #tpu.memory_space<vmem>>
    %dma_start3A_142 = tpu.memref_slice %arg3[%multiple_of3A_133] : memref<100000xi32, #tpu.memory_space<hbm>> -> memref<128xi32, #tpu.memory_space<hbm>>
    tpu.enqueue_dma source(%dma_start3A_142 : memref<128xi32, #tpu.memory_space<hbm>>) target(%dma_start3A_141 : memref<128xi32, #tpu.memory_space<vmem>>) target_semaphore(%arg27 : memref<!tpu.dma_semaphore, #tpu.memory_space<semaphore_mem>>)
    %add3A_143 = arith.constant 160 : i32
    %add3A_144 = arith.addi %add3A_143, %add3A : i32
    %mul3A_145 = arith.constant 128 : i32
    %mul3A_146 = arith.muli %add3A_144, %mul3A_145 : i32
    %multiple_of3A_147 = tpu.assume_multiple %mul3A_146, 128 : i32
    %dma_start3A_148 = arith.constant 5 : i32
    %dma_start3A_149 = arith.constant 0 : i32
    %dma_start3A_150 = tpu.memref_slice %arg12[%dma_start3A_148, %dma_start3A_149] : memref<25x128xi32, #tpu.memory_space<vmem>> -> memref<1x128xi32, #tpu.memory_space<vmem>>
    %dma_start3A_151 = tpu.memref_squeeze %dma_start3A_150 : memref<1x128xi32, #tpu.memory_space<vmem>> -> memref<128xi32, #tpu.memory_space<vmem>>
    %dma_start3A_152 = tpu.memref_slice %arg3[%multiple_of3A_147] : memref<100000xi32, #tpu.memory_space<hbm>> -> memref<128xi32, #tpu.memory_space<hbm>>
    %dma_start3A_153 = arith.constant 0 : i32
    %dma_start3A_154 = tpu.memref_slice %arg12[%dma_start3A_148, %dma_start3A_153] : memref<25x128xi32, #tpu.memory_space<vmem>> -> memref<1x128xi32, #tpu.memory_space<vmem>>
    %dma_start3A_155 = tpu.memref_squeeze %dma_start3A_154 : memref<1x128xi32, #tpu.memory_space<vmem>> -> memref<128xi32, #tpu.memory_space<vmem>>
    %dma_start3A_156 = tpu.memref_slice %arg3[%multiple_of3A_147] : memref<100000xi32, #tpu.memory_space<hbm>> -> memref<128xi32, #tpu.memory_space<hbm>>
    tpu.enqueue_dma source(%dma_start3A_156 : memref<128xi32, #tpu.memory_space<hbm>>) target(%dma_start3A_155 : memref<128xi32, #tpu.memory_space<vmem>>) target_semaphore(%arg27 : memref<!tpu.dma_semaphore, #tpu.memory_space<semaphore_mem>>)
    %add3A_157 = arith.constant 192 : i32
    %add3A_158 = arith.addi %add3A_157, %add3A : i32
    %mul3A_159 = arith.constant 128 : i32
    %mul3A_160 = arith.muli %add3A_158, %mul3A_159 : i32
    %multiple_of3A_161 = tpu.assume_multiple %mul3A_160, 128 : i32
    %dma_start3A_162 = arith.constant 6 : i32
    %dma_start3A_163 = arith.constant 0 : i32
    %dma_start3A_164 = tpu.memref_slice %arg12[%dma_start3A_162, %dma_start3A_163] : memref<25x128xi32, #tpu.memory_space<vmem>> -> memref<1x128xi32, #tpu.memory_space<vmem>>
    %dma_start3A_165 = tpu.memref_squeeze %dma_start3A_164 : memref<1x128xi32, #tpu.memory_space<vmem>> -> memref<128xi32, #tpu.memory_space<vmem>>
    %dma_start3A_166 = tpu.memref_slice %arg3[%multiple_of3A_161] : memref<100000xi32, #tpu.memory_space<hbm>> -> memref<128xi32, #tpu.memory_space<hbm>>
    %dma_start3A_167 = arith.constant 0 : i32
    %dma_start3A_168 = tpu.memref_slice %arg12[%dma_start3A_162, %dma_start3A_167] : memref<25x128xi32, #tpu.memory_space<vmem>> -> memref<1x128xi32, #tpu.memory_space<vmem>>
    %dma_start3A_169 = tpu.memref_squeeze %dma_start3A_168 : memref<1x128xi32, #tpu.memory_space<vmem>> -> memref<128xi32, #tpu.memory_space<vmem>>
    %dma_start3A_170 = tpu.memref_slice %arg3[%multiple_of3A_161] : memref<100000xi32, #tpu.memory_space<hbm>> -> memref<128xi32, #tpu.memory_space<hbm>>
    tpu.enqueue_dma source(%dma_start3A_170 : memref<128xi32, #tpu.memory_space<hbm>>) target(%dma_start3A_169 : memref<128xi32, #tpu.memory_space<vmem>>) target_semaphore(%arg27 : memref<!tpu.dma_semaphore, #tpu.memory_space<semaphore_mem>>)
    %add3A_171 = arith.constant 224 : i32
    %add3A_172 = arith.addi %add3A_171, %add3A : i32
    %mul3A_173 = arith.constant 128 : i32
    %mul3A_174 = arith.muli %add3A_172, %mul3A_173 : i32
    %multiple_of3A_175 = tpu.assume_multiple %mul3A_174, 128 : i32
    %dma_start3A_176 = arith.constant 7 : i32
    %dma_start3A_177 = arith.constant 0 : i32
    %dma_start3A_178 = tpu.memref_slice %arg12[%dma_start3A_176, %dma_start3A_177] : memref<25x128xi32, #tpu.memory_space<vmem>> -> memref<1x128xi32, #tpu.memory_space<vmem>>
    %dma_start3A_179 = tpu.memref_squeeze %dma_start3A_178 : memref<1x128xi32, #tpu.memory_space<vmem>> -> memref<128xi32, #tpu.memory_space<vmem>>
    %dma_start3A_180 = tpu.memref_slice %arg3[%multiple_of3A_175] : memref<100000xi32, #tpu.memory_space<hbm>> -> memref<128xi32, #tpu.memory_space<hbm>>
    %dma_start3A_181 = arith.constant 0 : i32
    %dma_start3A_182 = tpu.memref_slice %arg12[%dma_start3A_176, %dma_start3A_181] : memref<25x128xi32, #tpu.memory_space<vmem>> -> memref<1x128xi32, #tpu.memory_space<vmem>>
    %dma_start3A_183 = tpu.memref_squeeze %dma_start3A_182 : memref<1x128xi32, #tpu.memory_space<vmem>> -> memref<128xi32, #tpu.memory_space<vmem>>
    %dma_start3A_184 = tpu.memref_slice %arg3[%multiple_of3A_175] : memref<100000xi32, #tpu.memory_space<hbm>> -> memref<128xi32, #tpu.memory_space<hbm>>
    tpu.enqueue_dma source(%dma_start3A_184 : memref<128xi32, #tpu.memory_space<hbm>>) target(%dma_start3A_183 : memref<128xi32, #tpu.memory_space<vmem>>) target_semaphore(%arg27 : memref<!tpu.dma_semaphore, #tpu.memory_space<semaphore_mem>>)
    %add3A_185 = arith.constant 256 : i32
    %add3A_186 = arith.addi %add3A_185, %add3A : i32
    %mul3A_187 = arith.constant 128 : i32
    %mul3A_188 = arith.muli %add3A_186, %mul3A_187 : i32
    %multiple_of3A_189 = tpu.assume_multiple %mul3A_188, 128 : i32
    %dma_start3A_190 = arith.constant 8 : i32
    %dma_start3A_191 = arith.constant 0 : i32
    %dma_start3A_192 = tpu.memref_slice %arg12[%dma_start3A_190, %dma_start3A_191] : memref<25x128xi32, #tpu.memory_space<vmem>> -> memref<1x128xi32, #tpu.memory_space<vmem>>
    %dma_start3A_193 = tpu.memref_squeeze %dma_start3A_192 : memref<1x128xi32, #tpu.memory_space<vmem>> -> memref<128xi32, #tpu.memory_space<vmem>>
    %dma_start3A_194 = tpu.memref_slice %arg3[%multiple_of3A_189] : memref<100000xi32, #tpu.memory_space<hbm>> -> memref<128xi32, #tpu.memory_space<hbm>>
    %dma_start3A_195 = arith.constant 0 : i32
    %dma_start3A_196 = tpu.memref_slice %arg12[%dma_start3A_190, %dma_start3A_195] : memref<25x128xi32, #tpu.memory_space<vmem>> -> memref<1x128xi32, #tpu.memory_space<vmem>>
    %dma_start3A_197 = tpu.memref_squeeze %dma_start3A_196 : memref<1x128xi32, #tpu.memory_space<vmem>> -> memref<128xi32, #tpu.memory_space<vmem>>
    %dma_start3A_198 = tpu.memref_slice %arg3[%multiple_of3A_189] : memref<100000xi32, #tpu.memory_space<hbm>> -> memref<128xi32, #tpu.memory_space<hbm>>
    tpu.enqueue_dma source(%dma_start3A_198 : memref<128xi32, #tpu.memory_space<hbm>>) target(%dma_start3A_197 : memref<128xi32, #tpu.memory_space<vmem>>) target_semaphore(%arg27 : memref<!tpu.dma_semaphore, #tpu.memory_space<semaphore_mem>>)
    %add3A_199 = arith.constant 288 : i32
    %add3A_200 = arith.addi %add3A_199, %add3A : i32
    %mul3A_201 = arith.constant 128 : i32
    %mul3A_202 = arith.muli %add3A_200, %mul3A_201 : i32
    %multiple_of3A_203 = tpu.assume_multiple %mul3A_202, 128 : i32
    %dma_start3A_204 = arith.constant 9 : i32
    %dma_start3A_205 = arith.constant 0 : i32
    %dma_start3A_206 = tpu.memref_slice %arg12[%dma_start3A_204, %dma_start3A_205] : memref<25x128xi32, #tpu.memory_space<vmem>> -> memref<1x128xi32, #tpu.memory_space<vmem>>
    %dma_start3A_207 = tpu.memref_squeeze %dma_start3A_206 : memref<1x128xi32, #tpu.memory_space<vmem>> -> memref<128xi32, #tpu.memory_space<vmem>>
    %dma_start3A_208 = tpu.memref_slice %arg3[%multiple_of3A_203] : memref<100000xi32, #tpu.memory_space<hbm>> -> memref<128xi32, #tpu.memory_space<hbm>>
    %dma_start3A_209 = arith.constant 0 : i32
    %dma_start3A_210 = tpu.memref_slice %arg12[%dma_start3A_204, %dma_start3A_209] : memref<25x128xi32, #tpu.memory_space<vmem>> -> memref<1x128xi32, #tpu.memory_space<vmem>>
    %dma_start3A_211 = tpu.memref_squeeze %dma_start3A_210 : memref<1x128xi32, #tpu.memory_space<vmem>> -> memref<128xi32, #tpu.memory_space<vmem>>
    %dma_start3A_212 = tpu.memref_slice %arg3[%multiple_of3A_203] : memref<100000xi32, #tpu.memory_space<hbm>> -> memref<128xi32, #tpu.memory_space<hbm>>
    tpu.enqueue_dma source(%dma_start3A_212 : memref<128xi32, #tpu.memory_space<hbm>>) target(%dma_start3A_211 : memref<128xi32, #tpu.memory_space<vmem>>) target_semaphore(%arg27 : memref<!tpu.dma_semaphore, #tpu.memory_space<semaphore_mem>>)
    %add3A_213 = arith.constant 320 : i32
    %add3A_214 = arith.addi %add3A_213, %add3A : i32
    %mul3A_215 = arith.constant 128 : i32
    %mul3A_216 = arith.muli %add3A_214, %mul3A_215 : i32
    %multiple_of3A_217 = tpu.assume_multiple %mul3A_216, 128 : i32
    %dma_start3A_218 = arith.constant 10 : i32
    %dma_start3A_219 = arith.constant 0 : i32
    %dma_start3A_220 = tpu.memref_slice %arg12[%dma_start3A_218, %dma_start3A_219] : memref<25x128xi32, #tpu.memory_space<vmem>> -> memref<1x128xi32, #tpu.memory_space<vmem>>
    %dma_start3A_221 = tpu.memref_squeeze %dma_start3A_220 : memref<1x128xi32, #tpu.memory_space<vmem>> -> memref<128xi32, #tpu.memory_space<vmem>>
    %dma_start3A_222 = tpu.memref_slice %arg3[%multiple_of3A_217] : memref<100000xi32, #tpu.memory_space<hbm>> -> memref<128xi32, #tpu.memory_space<hbm>>
    %dma_start3A_223 = arith.constant 0 : i32
    %dma_start3A_224 = tpu.memref_slice %arg12[%dma_start3A_218, %dma_start3A_223] : memref<25x128xi32, #tpu.memory_space<vmem>> -> memref<1x128xi32, #tpu.memory_space<vmem>>
    %dma_start3A_225 = tpu.memref_squeeze %dma_start3A_224 : memref<1x128xi32, #tpu.memory_space<vmem>> -> memref<128xi32, #tpu.memory_space<vmem>>
    %dma_start3A_226 = tpu.memref_slice %arg3[%multiple_of3A_217] : memref<100000xi32, #tpu.memory_space<hbm>> -> memref<128xi32, #tpu.memory_space<hbm>>
    tpu.enqueue_dma source(%dma_start3A_226 : memref<128xi32, #tpu.memory_space<hbm>>) target(%dma_start3A_225 : memref<128xi32, #tpu.memory_space<vmem>>) target_semaphore(%arg27 : memref<!tpu.dma_semaphore, #tpu.memory_space<semaphore_mem>>)
    %add3A_227 = arith.constant 352 : i32
    %add3A_228 = arith.addi %add3A_227, %add3A : i32
    %mul3A_229 = arith.constant 128 : i32
    %mul3A_230 = arith.muli %add3A_228, %mul3A_229 : i32
    %multiple_of3A_231 = tpu.assume_multiple %mul3A_230, 128 : i32
    %dma_start3A_232 = arith.constant 11 : i32
    %dma_start3A_233 = arith.constant 0 : i32
    %dma_start3A_234 = tpu.memref_slice %arg12[%dma_start3A_232, %dma_start3A_233] : memref<25x128xi32, #tpu.memory_space<vmem>> -> memref<1x128xi32, #tpu.memory_space<vmem>>
    %dma_start3A_235 = tpu.memref_squeeze %dma_start3A_234 : memref<1x128xi32, #tpu.memory_space<vmem>> -> memref<128xi32, #tpu.memory_space<vmem>>
    %dma_start3A_236 = tpu.memref_slice %arg3[%multiple_of3A_231] : memref<100000xi32, #tpu.memory_space<hbm>> -> memref<128xi32, #tpu.memory_space<hbm>>
    %dma_start3A_237 = arith.constant 0 : i32
    %dma_start3A_238 = tpu.memref_slice %arg12[%dma_start3A_232, %dma_start3A_237] : memref<25x128xi32, #tpu.memory_space<vmem>> -> memref<1x128xi32, #tpu.memory_space<vmem>>
    %dma_start3A_239 = tpu.memref_squeeze %dma_start3A_238 : memref<1x128xi32, #tpu.memory_space<vmem>> -> memref<128xi32, #tpu.memory_space<vmem>>
    %dma_start3A_240 = tpu.memref_slice %arg3[%multiple_of3A_231] : memref<100000xi32, #tpu.memory_space<hbm>> -> memref<128xi32, #tpu.memory_space<hbm>>
    tpu.enqueue_dma source(%dma_start3A_240 : memref<128xi32, #tpu.memory_space<hbm>>) target(%dma_start3A_239 : memref<128xi32, #tpu.memory_space<vmem>>) target_semaphore(%arg27 : memref<!tpu.dma_semaphore, #tpu.memory_space<semaphore_mem>>)
    %add3A_241 = arith.constant 384 : i32
    %add3A_242 = arith.addi %add3A_241, %add3A : i32
    %mul3A_243 = arith.constant 128 : i32
    %mul3A_244 = arith.muli %add3A_242, %mul3A_243 : i32
    %multiple_of3A_245 = tpu.assume_multiple %mul3A_244, 128 : i32
    %dma_start3A_246 = arith.constant 12 : i32
    %dma_start3A_247 = arith.constant 0 : i32
    %dma_start3A_248 = tpu.memref_slice %arg12[%dma_start3A_246, %dma_start3A_247] : memref<25x128xi32, #tpu.memory_space<vmem>> -> memref<1x128xi32, #tpu.memory_space<vmem>>
    %dma_start3A_249 = tpu.memref_squeeze %dma_start3A_248 : memref<1x128xi32, #tpu.memory_space<vmem>> -> memref<128xi32, #tpu.memory_space<vmem>>
    %dma_start3A_250 = tpu.memref_slice %arg3[%multiple_of3A_245] : memref<100000xi32, #tpu.memory_space<hbm>> -> memref<128xi32, #tpu.memory_space<hbm>>
    %dma_start3A_251 = arith.constant 0 : i32
    %dma_start3A_252 = tpu.memref_slice %arg12[%dma_start3A_246, %dma_start3A_251] : memref<25x128xi32, #tpu.memory_space<vmem>> -> memref<1x128xi32, #tpu.memory_space<vmem>>
    %dma_start3A_253 = tpu.memref_squeeze %dma_start3A_252 : memref<1x128xi32, #tpu.memory_space<vmem>> -> memref<128xi32, #tpu.memory_space<vmem>>
    %dma_start3A_254 = tpu.memref_slice %arg3[%multiple_of3A_245] : memref<100000xi32, #tpu.memory_space<hbm>> -> memref<128xi32, #tpu.memory_space<hbm>>
    tpu.enqueue_dma source(%dma_start3A_254 : memref<128xi32, #tpu.memory_space<hbm>>) target(%dma_start3A_253 : memref<128xi32, #tpu.memory_space<vmem>>) target_semaphore(%arg27 : memref<!tpu.dma_semaphore, #tpu.memory_space<semaphore_mem>>)
    %add3A_255 = arith.constant 416 : i32
    %add3A_256 = arith.addi %add3A_255, %add3A : i32
    %mul3A_257 = arith.constant 128 : i32
    %mul3A_258 = arith.muli %add3A_256, %mul3A_257 : i32
    %multiple_of3A_259 = tpu.assume_multiple %mul3A_258, 128 : i32
    %dma_start3A_260 = arith.constant 13 : i32
    %dma_start3A_261 = arith.constant 0 : i32
    %dma_start3A_262 = tpu.memref_slice %arg12[%dma_start3A_260, %dma_start3A_261] : memref<25x128xi32, #tpu.memory_space<vmem>> -> memref<1x128xi32, #tpu.memory_space<vmem>>
    %dma_start3A_263 = tpu.memref_squeeze %dma_start3A_262 : memref<1x128xi32, #tpu.memory_space<vmem>> -> memref<128xi32, #tpu.memory_space<vmem>>
    %dma_start3A_264 = tpu.memref_slice %arg3[%multiple_of3A_259] : memref<100000xi32, #tpu.memory_space<hbm>> -> memref<128xi32, #tpu.memory_space<hbm>>
    %dma_start3A_265 = arith.constant 0 : i32
    %dma_start3A_266 = tpu.memref_slice %arg12[%dma_start3A_260, %dma_start3A_265] : memref<25x128xi32, #tpu.memory_space<vmem>> -> memref<1x128xi32, #tpu.memory_space<vmem>>
    %dma_start3A_267 = tpu.memref_squeeze %dma_start3A_266 : memref<1x128xi32, #tpu.memory_space<vmem>> -> memref<128xi32, #tpu.memory_space<vmem>>
    %dma_start3A_268 = tpu.memref_slice %arg3[%multiple_of3A_259] : memref<100000xi32, #tpu.memory_space<hbm>> -> memref<128xi32, #tpu.memory_space<hbm>>
    tpu.enqueue_dma source(%dma_start3A_268 : memref<128xi32, #tpu.memory_space<hbm>>) target(%dma_start3A_267 : memref<128xi32, #tpu.memory_space<vmem>>) target_semaphore(%arg27 : memref<!tpu.dma_semaphore, #tpu.memory_space<semaphore_mem>>)
    %add3A_269 = arith.constant 448 : i32
    %add3A_270 = arith.addi %add3A_269, %add3A : i32
    %mul3A_271 = arith.constant 128 : i32
    %mul3A_272 = arith.muli %add3A_270, %mul3A_271 : i32
    %multiple_of3A_273 = tpu.assume_multiple %mul3A_272, 128 : i32
    %dma_start3A_274 = arith.constant 14 : i32
    %dma_start3A_275 = arith.constant 0 : i32
    %dma_start3A_276 = tpu.memref_slice %arg12[%dma_start3A_274, %dma_start3A_275] : memref<25x128xi32, #tpu.memory_space<vmem>> -> memref<1x128xi32, #tpu.memory_space<vmem>>
    %dma_start3A_277 = tpu.memref_squeeze %dma_start3A_276 : memref<1x128xi32, #tpu.memory_space<vmem>> -> memref<128xi32, #tpu.memory_space<vmem>>
    %dma_start3A_278 = tpu.memref_slice %arg3[%multiple_of3A_273] : memref<100000xi32, #tpu.memory_space<hbm>> -> memref<128xi32, #tpu.memory_space<hbm>>
    %dma_start3A_279 = arith.constant 0 : i32
    %dma_start3A_280 = tpu.memref_slice %arg12[%dma_start3A_274, %dma_start3A_279] : memref<25x128xi32, #tpu.memory_space<vmem>> -> memref<1x128xi32, #tpu.memory_space<vmem>>
    %dma_start3A_281 = tpu.memref_squeeze %dma_start3A_280 : memref<1x128xi32, #tpu.memory_space<vmem>> -> memref<128xi32, #tpu.memory_space<vmem>>
    %dma_start3A_282 = tpu.memref_slice %arg3[%multiple_of3A_273] : memref<100000xi32, #tpu.memory_space<hbm>> -> memref<128xi32, #tpu.memory_space<hbm>>
    tpu.enqueue_dma source(%dma_start3A_282 : memref<128xi32, #tpu.memory_space<hbm>>) target(%dma_start3A_281 : memref<128xi32, #tpu.memory_space<vmem>>) target_semaphore(%arg27 : memref<!tpu.dma_semaphore, #tpu.memory_space<semaphore_mem>>)
    %add3A_283 = arith.constant 480 : i32
    %add3A_284 = arith.addi %add3A_283, %add3A : i32
    %mul3A_285 = arith.constant 128 : i32
    %mul3A_286 = arith.muli %add3A_284, %mul3A_285 : i32
    %multiple_of3A_287 = tpu.assume_multiple %mul3A_286, 128 : i32
    %dma_start3A_288 = arith.constant 15 : i32
    %dma_start3A_289 = arith.constant 0 : i32
    %dma_start3A_290 = tpu.memref_slice %arg12[%dma_start3A_288, %dma_start3A_289] : memref<25x128xi32, #tpu.memory_space<vmem>> -> memref<1x128xi32, #tpu.memory_space<vmem>>
    %dma_start3A_291 = tpu.memref_squeeze %dma_start3A_290 : memref<1x128xi32, #tpu.memory_space<vmem>> -> memref<128xi32, #tpu.memory_space<vmem>>
    %dma_start3A_292 = tpu.memref_slice %arg3[%multiple_of3A_287] : memref<100000xi32, #tpu.memory_space<hbm>> -> memref<128xi32, #tpu.memory_space<hbm>>
    %dma_start3A_293 = arith.constant 0 : i32
    %dma_start3A_294 = tpu.memref_slice %arg12[%dma_start3A_288, %dma_start3A_293] : memref<25x128xi32, #tpu.memory_space<vmem>> -> memref<1x128xi32, #tpu.memory_space<vmem>>
    %dma_start3A_295 = tpu.memref_squeeze %dma_start3A_294 : memref<1x128xi32, #tpu.memory_space<vmem>> -> memref<128xi32, #tpu.memory_space<vmem>>
    %dma_start3A_296 = tpu.memref_slice %arg3[%multiple_of3A_287] : memref<100000xi32, #tpu.memory_space<hbm>> -> memref<128xi32, #tpu.memory_space<hbm>>
    tpu.enqueue_dma source(%dma_start3A_296 : memref<128xi32, #tpu.memory_space<hbm>>) target(%dma_start3A_295 : memref<128xi32, #tpu.memory_space<vmem>>) target_semaphore(%arg27 : memref<!tpu.dma_semaphore, #tpu.memory_space<semaphore_mem>>)
    %add3A_297 = arith.constant 512 : i32
    %add3A_298 = arith.addi %add3A_297, %add3A : i32
    %mul3A_299 = arith.constant 128 : i32
    %mul3A_300 = arith.muli %add3A_298, %mul3A_299 : i32
    %multiple_of3A_301 = tpu.assume_multiple %mul3A_300, 128 : i32
    %dma_start3A_302 = arith.constant 16 : i32
    %dma_start3A_303 = arith.constant 0 : i32
    %dma_start3A_304 = tpu.memref_slice %arg12[%dma_start3A_302, %dma_start3A_303] : memref<25x128xi32, #tpu.memory_space<vmem>> -> memref<1x128xi32, #tpu.memory_space<vmem>>
    %dma_start3A_305 = tpu.memref_squeeze %dma_start3A_304 : memref<1x128xi32, #tpu.memory_space<vmem>> -> memref<128xi32, #tpu.memory_space<vmem>>
    %dma_start3A_306 = tpu.memref_slice %arg3[%multiple_of3A_301] : memref<100000xi32, #tpu.memory_space<hbm>> -> memref<128xi32, #tpu.memory_space<hbm>>
    %dma_start3A_307 = arith.constant 0 : i32
    %dma_start3A_308 = tpu.memref_slice %arg12[%dma_start3A_302, %dma_start3A_307] : memref<25x128xi32, #tpu.memory_space<vmem>> -> memref<1x128xi32, #tpu.memory_space<vmem>>
    %dma_start3A_309 = tpu.memref_squeeze %dma_start3A_308 : memref<1x128xi32, #tpu.memory_space<vmem>> -> memref<128xi32, #tpu.memory_space<vmem>>
    %dma_start3A_310 = tpu.memref_slice %arg3[%multiple_of3A_301] : memref<100000xi32, #tpu.memory_space<hbm>> -> memref<128xi32, #tpu.memory_space<hbm>>
    tpu.enqueue_dma source(%dma_start3A_310 : memref<128xi32, #tpu.memory_space<hbm>>) target(%dma_start3A_309 : memref<128xi32, #tpu.memory_space<vmem>>) target_semaphore(%arg27 : memref<!tpu.dma_semaphore, #tpu.memory_space<semaphore_mem>>)
    %add3A_311 = arith.constant 544 : i32
    %add3A_312 = arith.addi %add3A_311, %add3A : i32
    %mul3A_313 = arith.constant 128 : i32
    %mul3A_314 = arith.muli %add3A_312, %mul3A_313 : i32
    %multiple_of3A_315 = tpu.assume_multiple %mul3A_314, 128 : i32
    %dma_start3A_316 = arith.constant 17 : i32
    %dma_start3A_317 = arith.constant 0 : i32
    %dma_start3A_318 = tpu.memref_slice %arg12[%dma_start3A_316, %dma_start3A_317] : memref<25x128xi32, #tpu.memory_space<vmem>> -> memref<1x128xi32, #tpu.memory_space<vmem>>
    %dma_start3A_319 = tpu.memref_squeeze %dma_start3A_318 : memref<1x128xi32, #tpu.memory_space<vmem>> -> memref<128xi32, #tpu.memory_space<vmem>>
    %dma_start3A_320 = tpu.memref_slice %arg3[%multiple_of3A_315] : memref<100000xi32, #tpu.memory_space<hbm>> -> memref<128xi32, #tpu.memory_space<hbm>>
    %dma_start3A_321 = arith.constant 0 : i32
    %dma_start3A_322 = tpu.memref_slice %arg12[%dma_start3A_316, %dma_start3A_321] : memref<25x128xi32, #tpu.memory_space<vmem>> -> memref<1x128xi32, #tpu.memory_space<vmem>>
    %dma_start3A_323 = tpu.memref_squeeze %dma_start3A_322 : memref<1x128xi32, #tpu.memory_space<vmem>> -> memref<128xi32, #tpu.memory_space<vmem>>
    %dma_start3A_324 = tpu.memref_slice %arg3[%multiple_of3A_315] : memref<100000xi32, #tpu.memory_space<hbm>> -> memref<128xi32, #tpu.memory_space<hbm>>
    tpu.enqueue_dma source(%dma_start3A_324 : memref<128xi32, #tpu.memory_space<hbm>>) target(%dma_start3A_323 : memref<128xi32, #tpu.memory_space<vmem>>) target_semaphore(%arg27 : memref<!tpu.dma_semaphore, #tpu.memory_space<semaphore_mem>>)
    %add3A_325 = arith.constant 576 : i32
    %add3A_326 = arith.addi %add3A_325, %add3A : i32
    %mul3A_327 = arith.constant 128 : i32
    %mul3A_328 = arith.muli %add3A_326, %mul3A_327 : i32
    %multiple_of3A_329 = tpu.assume_multiple %mul3A_328, 128 : i32
    %dma_start3A_330 = arith.constant 18 : i32
    %dma_start3A_331 = arith.constant 0 : i32
    %dma_start3A_332 = tpu.memref_slice %arg12[%dma_start3A_330, %dma_start3A_331] : memref<25x128xi32, #tpu.memory_space<vmem>> -> memref<1x128xi32, #tpu.memory_space<vmem>>
    %dma_start3A_333 = tpu.memref_squeeze %dma_start3A_332 : memref<1x128xi32, #tpu.memory_space<vmem>> -> memref<128xi32, #tpu.memory_space<vmem>>
    %dma_start3A_334 = tpu.memref_slice %arg3[%multiple_of3A_329] : memref<100000xi32, #tpu.memory_space<hbm>> -> memref<128xi32, #tpu.memory_space<hbm>>
    %dma_start3A_335 = arith.constant 0 : i32
    %dma_start3A_336 = tpu.memref_slice %arg12[%dma_start3A_330, %dma_start3A_335] : memref<25x128xi32, #tpu.memory_space<vmem>> -> memref<1x128xi32, #tpu.memory_space<vmem>>
    %dma_start3A_337 = tpu.memref_squeeze %dma_start3A_336 : memref<1x128xi32, #tpu.memory_space<vmem>> -> memref<128xi32, #tpu.memory_space<vmem>>
    %dma_start3A_338 = tpu.memref_slice %arg3[%multiple_of3A_329] : memref<100000xi32, #tpu.memory_space<hbm>> -> memref<128xi32, #tpu.memory_space<hbm>>
    tpu.enqueue_dma source(%dma_start3A_338 : memref<128xi32, #tpu.memory_space<hbm>>) target(%dma_start3A_337 : memref<128xi32, #tpu.memory_space<vmem>>) target_semaphore(%arg27 : memref<!tpu.dma_semaphore, #tpu.memory_space<semaphore_mem>>)
    %add3A_339 = arith.constant 608 : i32
    %add3A_340 = arith.addi %add3A_339, %add3A : i32
    %mul3A_341 = arith.constant 128 : i32
    %mul3A_342 = arith.muli %add3A_340, %mul3A_341 : i32
    %multiple_of3A_343 = tpu.assume_multiple %mul3A_342, 128 : i32
    %dma_start3A_344 = arith.constant 19 : i32
    %dma_start3A_345 = arith.constant 0 : i32
    %dma_start3A_346 = tpu.memref_slice %arg12[%dma_start3A_344, %dma_start3A_345] : memref<25x128xi32, #tpu.memory_space<vmem>> -> memref<1x128xi32, #tpu.memory_space<vmem>>
    %dma_start3A_347 = tpu.memref_squeeze %dma_start3A_346 : memref<1x128xi32, #tpu.memory_space<vmem>> -> memref<128xi32, #tpu.memory_space<vmem>>
    %dma_start3A_348 = tpu.memref_slice %arg3[%multiple_of3A_343] : memref<100000xi32, #tpu.memory_space<hbm>> -> memref<128xi32, #tpu.memory_space<hbm>>
    %dma_start3A_349 = arith.constant 0 : i32
    %dma_start3A_350 = tpu.memref_slice %arg12[%dma_start3A_344, %dma_start3A_349] : memref<25x128xi32, #tpu.memory_space<vmem>> -> memref<1x128xi32, #tpu.memory_space<vmem>>
    %dma_start3A_351 = tpu.memref_squeeze %dma_start3A_350 : memref<1x128xi32, #tpu.memory_space<vmem>> -> memref<128xi32, #tpu.memory_space<vmem>>
    %dma_start3A_352 = tpu.memref_slice %arg3[%multiple_of3A_343] : memref<100000xi32, #tpu.memory_space<hbm>> -> memref<128xi32, #tpu.memory_space<hbm>>
    tpu.enqueue_dma source(%dma_start3A_352 : memref<128xi32, #tpu.memory_space<hbm>>) target(%dma_start3A_351 : memref<128xi32, #tpu.memory_space<vmem>>) target_semaphore(%arg27 : memref<!tpu.dma_semaphore, #tpu.memory_space<semaphore_mem>>)
    %add3A_353 = arith.constant 640 : i32
    %add3A_354 = arith.addi %add3A_353, %add3A : i32
    %mul3A_355 = arith.constant 128 : i32
    %mul3A_356 = arith.muli %add3A_354, %mul3A_355 : i32
    %multiple_of3A_357 = tpu.assume_multiple %mul3A_356, 128 : i32
    %dma_start3A_358 = arith.constant 20 : i32
    %dma_start3A_359 = arith.constant 0 : i32
    %dma_start3A_360 = tpu.memref_slice %arg12[%dma_start3A_358, %dma_start3A_359] : memref<25x128xi32, #tpu.memory_space<vmem>> -> memref<1x128xi32, #tpu.memory_space<vmem>>
    %dma_start3A_361 = tpu.memref_squeeze %dma_start3A_360 : memref<1x128xi32, #tpu.memory_space<vmem>> -> memref<128xi32, #tpu.memory_space<vmem>>
    %dma_start3A_362 = tpu.memref_slice %arg3[%multiple_of3A_357] : memref<100000xi32, #tpu.memory_space<hbm>> -> memref<128xi32, #tpu.memory_space<hbm>>
    %dma_start3A_363 = arith.constant 0 : i32
    %dma_start3A_364 = tpu.memref_slice %arg12[%dma_start3A_358, %dma_start3A_363] : memref<25x128xi32, #tpu.memory_space<vmem>> -> memref<1x128xi32, #tpu.memory_space<vmem>>
    %dma_start3A_365 = tpu.memref_squeeze %dma_start3A_364 : memref<1x128xi32, #tpu.memory_space<vmem>> -> memref<128xi32, #tpu.memory_space<vmem>>
    %dma_start3A_366 = tpu.memref_slice %arg3[%multiple_of3A_357] : memref<100000xi32, #tpu.memory_space<hbm>> -> memref<128xi32, #tpu.memory_space<hbm>>
    tpu.enqueue_dma source(%dma_start3A_366 : memref<128xi32, #tpu.memory_space<hbm>>) target(%dma_start3A_365 : memref<128xi32, #tpu.memory_space<vmem>>) target_semaphore(%arg27 : memref<!tpu.dma_semaphore, #tpu.memory_space<semaphore_mem>>)
    %add3A_367 = arith.constant 672 : i32
    %add3A_368 = arith.addi %add3A_367, %add3A : i32
    %mul3A_369 = arith.constant 128 : i32
    %mul3A_370 = arith.muli %add3A_368, %mul3A_369 : i32
    %multiple_of3A_371 = tpu.assume_multiple %mul3A_370, 128 : i32
    %dma_start3A_372 = arith.constant 21 : i32
    %dma_start3A_373 = arith.constant 0 : i32
    %dma_start3A_374 = tpu.memref_slice %arg12[%dma_start3A_372, %dma_start3A_373] : memref<25x128xi32, #tpu.memory_space<vmem>> -> memref<1x128xi32, #tpu.memory_space<vmem>>
    %dma_start3A_375 = tpu.memref_squeeze %dma_start3A_374 : memref<1x128xi32, #tpu.memory_space<vmem>> -> memref<128xi32, #tpu.memory_space<vmem>>
    %dma_start3A_376 = tpu.memref_slice %arg3[%multiple_of3A_371] : memref<100000xi32, #tpu.memory_space<hbm>> -> memref<128xi32, #tpu.memory_space<hbm>>
    %dma_start3A_377 = arith.constant 0 : i32
    %dma_start3A_378 = tpu.memref_slice %arg12[%dma_start3A_372, %dma_start3A_377] : memref<25x128xi32, #tpu.memory_space<vmem>> -> memref<1x128xi32, #tpu.memory_space<vmem>>
    %dma_start3A_379 = tpu.memref_squeeze %dma_start3A_378 : memref<1x128xi32, #tpu.memory_space<vmem>> -> memref<128xi32, #tpu.memory_space<vmem>>
    %dma_start3A_380 = tpu.memref_slice %arg3[%multiple_of3A_371] : memref<100000xi32, #tpu.memory_space<hbm>> -> memref<128xi32, #tpu.memory_space<hbm>>
    tpu.enqueue_dma source(%dma_start3A_380 : memref<128xi32, #tpu.memory_space<hbm>>) target(%dma_start3A_379 : memref<128xi32, #tpu.memory_space<vmem>>) target_semaphore(%arg27 : memref<!tpu.dma_semaphore, #tpu.memory_space<semaphore_mem>>)
    %add3A_381 = arith.constant 704 : i32
    %add3A_382 = arith.addi %add3A_381, %add3A : i32
    %mul3A_383 = arith.constant 128 : i32
    %mul3A_384 = arith.muli %add3A_382, %mul3A_383 : i32
    %multiple_of3A_385 = tpu.assume_multiple %mul3A_384, 128 : i32
    %dma_start3A_386 = arith.constant 22 : i32
    %dma_start3A_387 = arith.constant 0 : i32
    %dma_start3A_388 = tpu.memref_slice %arg12[%dma_start3A_386, %dma_start3A_387] : memref<25x128xi32, #tpu.memory_space<vmem>> -> memref<1x128xi32, #tpu.memory_space<vmem>>
    %dma_start3A_389 = tpu.memref_squeeze %dma_start3A_388 : memref<1x128xi32, #tpu.memory_space<vmem>> -> memref<128xi32, #tpu.memory_space<vmem>>
    %dma_start3A_390 = tpu.memref_slice %arg3[%multiple_of3A_385] : memref<100000xi32, #tpu.memory_space<hbm>> -> memref<128xi32, #tpu.memory_space<hbm>>
    %dma_start3A_391 = arith.constant 0 : i32
    %dma_start3A_392 = tpu.memref_slice %arg12[%dma_start3A_386, %dma_start3A_391] : memref<25x128xi32, #tpu.memory_space<vmem>> -> memref<1x128xi32, #tpu.memory_space<vmem>>
    %dma_start3A_393 = tpu.memref_squeeze %dma_start3A_392 : memref<1x128xi32, #tpu.memory_space<vmem>> -> memref<128xi32, #tpu.memory_space<vmem>>
    %dma_start3A_394 = tpu.memref_slice %arg3[%multiple_of3A_385] : memref<100000xi32, #tpu.memory_space<hbm>> -> memref<128xi32, #tpu.memory_space<hbm>>
    tpu.enqueue_dma source(%dma_start3A_394 : memref<128xi32, #tpu.memory_space<hbm>>) target(%dma_start3A_393 : memref<128xi32, #tpu.memory_space<vmem>>) target_semaphore(%arg27 : memref<!tpu.dma_semaphore, #tpu.memory_space<semaphore_mem>>)
    %add3A_395 = arith.constant 736 : i32
    %add3A_396 = arith.addi %add3A_395, %add3A : i32
    %mul3A_397 = arith.constant 128 : i32
    %mul3A_398 = arith.muli %add3A_396, %mul3A_397 : i32
    %multiple_of3A_399 = tpu.assume_multiple %mul3A_398, 128 : i32
    %dma_start3A_400 = arith.constant 23 : i32
    %dma_start3A_401 = arith.constant 0 : i32
    %dma_start3A_402 = tpu.memref_slice %arg12[%dma_start3A_400, %dma_start3A_401] : memref<25x128xi32, #tpu.memory_space<vmem>> -> memref<1x128xi32, #tpu.memory_space<vmem>>
    %dma_start3A_403 = tpu.memref_squeeze %dma_start3A_402 : memref<1x128xi32, #tpu.memory_space<vmem>> -> memref<128xi32, #tpu.memory_space<vmem>>
    %dma_start3A_404 = tpu.memref_slice %arg3[%multiple_of3A_399] : memref<100000xi32, #tpu.memory_space<hbm>> -> memref<128xi32, #tpu.memory_space<hbm>>
    %dma_start3A_405 = arith.constant 0 : i32
    %dma_start3A_406 = tpu.memref_slice %arg12[%dma_start3A_400, %dma_start3A_405] : memref<25x128xi32, #tpu.memory_space<vmem>> -> memref<1x128xi32, #tpu.memory_space<vmem>>
    %dma_start3A_407 = tpu.memref_squeeze %dma_start3A_406 : memref<1x128xi32, #tpu.memory_space<vmem>> -> memref<128xi32, #tpu.memory_space<vmem>>
    %dma_start3A_408 = tpu.memref_slice %arg3[%multiple_of3A_399] : memref<100000xi32, #tpu.memory_space<hbm>> -> memref<128xi32, #tpu.memory_space<hbm>>
    tpu.enqueue_dma source(%dma_start3A_408 : memref<128xi32, #tpu.memory_space<hbm>>) target(%dma_start3A_407 : memref<128xi32, #tpu.memory_space<vmem>>) target_semaphore(%arg27 : memref<!tpu.dma_semaphore, #tpu.memory_space<semaphore_mem>>)
    %add3A_409 = arith.constant 768 : i32
    %add3A_410 = arith.addi %add3A_409, %add3A_74 : i32
    %mul3A_411 = arith.constant 128 : i32
    %mul3A_412 = arith.muli %add3A_410, %mul3A_411 : i32
    %multiple_of3A_413 = tpu.assume_multiple %mul3A_412, 128 : i32
    %dma_start3A_414 = arith.constant 24 : i32
    %dma_start3A_415 = arith.constant 0 : i32
    %dma_start3A_416 = tpu.memref_slice %arg12[%dma_start3A_414, %dma_start3A_415] : memref<25x128xi32, #tpu.memory_space<vmem>> -> memref<1x128xi32, #tpu.memory_space<vmem>>
    %dma_start3A_417 = tpu.memref_squeeze %dma_start3A_416 : memref<1x128xi32, #tpu.memory_space<vmem>> -> memref<128xi32, #tpu.memory_space<vmem>>
    %dma_start3A_418 = tpu.memref_slice %arg3[%multiple_of3A_413] : memref<100000xi32, #tpu.memory_space<hbm>> -> memref<128xi32, #tpu.memory_space<hbm>>
    %dma_start3A_419 = arith.constant 0 : i32
    %dma_start3A_420 = tpu.memref_slice %arg12[%dma_start3A_414, %dma_start3A_419] : memref<25x128xi32, #tpu.memory_space<vmem>> -> memref<1x128xi32, #tpu.memory_space<vmem>>
    %dma_start3A_421 = tpu.memref_squeeze %dma_start3A_420 : memref<1x128xi32, #tpu.memory_space<vmem>> -> memref<128xi32, #tpu.memory_space<vmem>>
    %dma_start3A_422 = tpu.memref_slice %arg3[%multiple_of3A_413] : memref<100000xi32, #tpu.memory_space<hbm>> -> memref<128xi32, #tpu.memory_space<hbm>>
    tpu.enqueue_dma source(%dma_start3A_422 : memref<128xi32, #tpu.memory_space<hbm>>) target(%dma_start3A_421 : memref<128xi32, #tpu.memory_space<vmem>>) target_semaphore(%arg27 : memref<!tpu.dma_semaphore, #tpu.memory_space<semaphore_mem>>)
    %broadcast_in_dim3A = arith.constant 0.000000e+00 : f32
    %broadcast_in_dim3A_423 = vector.broadcast %broadcast_in_dim3A : f32 to vector<16xf32>
    %swap3A = arith.constant 0 : i32
    %swap3A_424 = arith.index_cast %swap3A : i32 to index
    %swap3A_425 = arith.constant 0 : index
    %swap3A_426 = tpu.vector_load %arg6[%swap3A_424, %swap3A_425] {strides = array<i32>} : memref<128x128xf32, #tpu.memory_space<vmem>>, vector<1x16xf32>,
    %swap3A_427 = vector.shape_cast %swap3A_426 : vector<1x16xf32> to vector<16xf32>
    %swap3A_428 = vector.shape_cast %broadcast_in_dim3A_423 : vector<16xf32> to vector<1x16xf32>
    tpu.vector_store %arg6[%swap3A_424, %swap3A_425], %swap3A_428 {strides = array<i32>} : memref<128x128xf32, #tpu.memory_space<vmem>>, vector<1x16xf32>,
    %swap3A_429 = arith.constant 0 : i32
    %swap3A_430 = arith.index_cast %swap3A_429 : i32 to index
    %swap3A_431 = arith.constant 16 : index
    %swap3A_432 = tpu.vector_load %arg6[%swap3A_430, %swap3A_431] {strides = array<i32>} : memref<128x128xf32, #tpu.memory_space<vmem>>, vector<1x16xf32>,
    %swap3A_433 = vector.shape_cast %swap3A_432 : vector<1x16xf32> to vector<16xf32>
    %swap3A_434 = vector.shape_cast %broadcast_in_dim3A_423 : vector<16xf32> to vector<1x16xf32>
    tpu.vector_store %arg6[%swap3A_430, %swap3A_431], %swap3A_434 {strides = array<i32>} : memref<128x128xf32, #tpu.memory_space<vmem>>, vector<1x16xf32>,
    %swap3A_435 = arith.constant 0 : i32
    %swap3A_436 = arith.index_cast %swap3A_435 : i32 to index
    %swap3A_437 = arith.constant 32 : index
    %swap3A_438 = tpu.vector_load %arg6[%swap3A_436, %swap3A_437] {strides = array<i32>} : memref<128x128xf32, #tpu.memory_space<vmem>>, vector<1x16xf32>,
    %swap3A_439 = vector.shape_cast %swap3A_438 : vector<1x16xf32> to vector<16xf32>
    %swap3A_440 = vector.shape_cast %broadcast_in_dim3A_423 : vector<16xf32> to vector<1x16xf32>
    tpu.vector_store %arg6[%swap3A_436, %swap3A_437], %swap3A_440 {strides = array<i32>} : memref<128x128xf32, #tpu.memory_space<vmem>>, vector<1x16xf32>,
    %swap3A_441 = arith.constant 0 : i32
    %swap3A_442 = arith.index_cast %swap3A_441 : i32 to index
    %swap3A_443 = arith.constant 48 : index
    %swap3A_444 = tpu.vector_load %arg6[%swap3A_442, %swap3A_443] {strides = array<i32>} : memref<128x128xf32, #tpu.memory_space<vmem>>, vector<1x16xf32>,
    %swap3A_445 = vector.shape_cast %swap3A_444 : vector<1x16xf32> to vector<16xf32>
    %swap3A_446 = vector.shape_cast %broadcast_in_dim3A_423 : vector<16xf32> to vector<1x16xf32>
    tpu.vector_store %arg6[%swap3A_442, %swap3A_443], %swap3A_446 {strides = array<i32>} : memref<128x128xf32, #tpu.memory_space<vmem>>, vector<1x16xf32>,
    %swap3A_447 = arith.constant 0 : i32
    %swap3A_448 = arith.index_cast %swap3A_447 : i32 to index
    %swap3A_449 = arith.constant 64 : index
    %swap3A_450 = tpu.vector_load %arg6[%swap3A_448, %swap3A_449] {strides = array<i32>} : memref<128x128xf32, #tpu.memory_space<vmem>>, vector<1x16xf32>,
    %swap3A_451 = vector.shape_cast %swap3A_450 : vector<1x16xf32> to vector<16xf32>
    %swap3A_452 = vector.shape_cast %broadcast_in_dim3A_423 : vector<16xf32> to vector<1x16xf32>
    tpu.vector_store %arg6[%swap3A_448, %swap3A_449], %swap3A_452 {strides = array<i32>} : memref<128x128xf32, #tpu.memory_space<vmem>>, vector<1x16xf32>,
    %swap3A_453 = arith.constant 0 : i32
    %swap3A_454 = arith.index_cast %swap3A_453 : i32 to index
    %swap3A_455 = arith.constant 80 : index
    %swap3A_456 = tpu.vector_load %arg6[%swap3A_454, %swap3A_455] {strides = array<i32>} : memref<128x128xf32, #tpu.memory_space<vmem>>, vector<1x16xf32>,
    %swap3A_457 = vector.shape_cast %swap3A_456 : vector<1x16xf32> to vector<16xf32>
    %swap3A_458 = vector.shape_cast %broadcast_in_dim3A_423 : vector<16xf32> to vector<1x16xf32>
    tpu.vector_store %arg6[%swap3A_454, %swap3A_455], %swap3A_458 {strides = array<i32>} : memref<128x128xf32, #tpu.memory_space<vmem>>, vector<1x16xf32>,
    %swap3A_459 = arith.constant 0 : i32
    %swap3A_460 = arith.index_cast %swap3A_459 : i32 to index
    %swap3A_461 = arith.constant 96 : index
    %swap3A_462 = tpu.vector_load %arg6[%swap3A_460, %swap3A_461] {strides = array<i32>} : memref<128x128xf32, #tpu.memory_space<vmem>>, vector<1x16xf32>,
    %swap3A_463 = vector.shape_cast %swap3A_462 : vector<1x16xf32> to vector<16xf32>
    %swap3A_464 = vector.shape_cast %broadcast_in_dim3A_423 : vector<16xf32> to vector<1x16xf32>
    tpu.vector_store %arg6[%swap3A_460, %swap3A_461], %swap3A_464 {strides = array<i32>} : memref<128x128xf32, #tpu.memory_space<vmem>>, vector<1x16xf32>,
    %swap3A_465 = arith.constant 0 : i32
    %swap3A_466 = arith.index_cast %swap3A_465 : i32 to index
    %swap3A_467 = arith.constant 112 : index
    %swap3A_468 = tpu.vector_load %arg6[%swap3A_466, %swap3A_467] {strides = array<i32>} : memref<128x128xf32, #tpu.memory_space<vmem>>, vector<1x16xf32>,
    %swap3A_469 = vector.shape_cast %swap3A_468 : vector<1x16xf32> to vector<16xf32>
    %swap3A_470 = vector.shape_cast %broadcast_in_dim3A_423 : vector<16xf32> to vector<1x16xf32>
    tpu.vector_store %arg6[%swap3A_466, %swap3A_467], %swap3A_470 {strides = array<i32>} : memref<128x128xf32, #tpu.memory_space<vmem>>, vector<1x16xf32>,
    %swap3A_471 = arith.constant 1 : i32
    %swap3A_472 = arith.index_cast %swap3A_471 : i32 to index
    %swap3A_473 = arith.constant 0 : index
    %swap3A_474 = tpu.vector_load %arg6[%swap3A_472, %swap3A_473] {strides = array<i32>} : memref<128x128xf32, #tpu.memory_space<vmem>>, vector<1x16xf32>,
    %swap3A_475 = vector.shape_cast %swap3A_474 : vector<1x16xf32> to vector<16xf32>
    %swap3A_476 = vector.shape_cast %broadcast_in_dim3A_423 : vector<16xf32> to vector<1x16xf32>
    tpu.vector_store %arg6[%swap3A_472, %swap3A_473], %swap3A_476 {strides = array<i32>} : memref<128x128xf32, #tpu.memory_space<vmem>>, vector<1x16xf32>,
    %swap3A_477 = arith.constant 1 : i32
    %swap3A_478 = arith.index_cast %swap3A_477 : i32 to index
    %swap3A_479 = arith.constant 16 : index
    %swap3A_480 = tpu.vector_load %arg6[%swap3A_478, %swap3A_479] {strides = array<i32>} : memref<128x128xf32, #tpu.memory_space<vmem>>, vector<1x16xf32>,
    %swap3A_481 = vector.shape_cast %swap3A_480 : vector<1x16xf32> to vector<16xf32>
    %swap3A_482 = vector.shape_cast %broadcast_in_dim3A_423 : vector<16xf32> to vector<1x16xf32>
    tpu.vector_store %arg6[%swap3A_478, %swap3A_479], %swap3A_482 {strides = array<i32>} : memref<128x128xf32, #tpu.memory_space<vmem>>, vector<1x16xf32>,
    %swap3A_483 = arith.constant 1 : i32
    %swap3A_484 = arith.index_cast %swap3A_483 : i32 to index
    %swap3A_485 = arith.constant 32 : index
    %swap3A_486 = tpu.vector_load %arg6[%swap3A_484, %swap3A_485] {strides = array<i32>} : memref<128x128xf32, #tpu.memory_space<vmem>>, vector<1x16xf32>,
    %swap3A_487 = vector.shape_cast %swap3A_486 : vector<1x16xf32> to vector<16xf32>
    %swap3A_488 = vector.shape_cast %broadcast_in_dim3A_423 : vector<16xf32> to vector<1x16xf32>
    tpu.vector_store %arg6[%swap3A_484, %swap3A_485], %swap3A_488 {strides = array<i32>} : memref<128x128xf32, #tpu.memory_space<vmem>>, vector<1x16xf32>,
    %swap3A_489 = arith.constant 1 : i32
    %swap3A_490 = arith.index_cast %swap3A_489 : i32 to index
    %swap3A_491 = arith.constant 48 : index
    %swap3A_492 = tpu.vector_load %arg6[%swap3A_490, %swap3A_491] {strides = array<i32>} : memref<128x128xf32, #tpu.memory_space<vmem>>, vector<1x16xf32>,
    %swap3A_493 = vector.shape_cast %swap3A_492 : vector<1x16xf32> to vector<16xf32>
    %swap3A_494 = vector.shape_cast %broadcast_in_dim3A_423 : vector<16xf32> to vector<1x16xf32>
    tpu.vector_store %arg6[%swap3A_490, %swap3A_491], %swap3A_494 {strides = array<i32>} : memref<128x128xf32, #tpu.memory_space<vmem>>, vector<1x16xf32>,
    %swap3A_495 = arith.constant 1 : i32
    %swap3A_496 = arith.index_cast %swap3A_495 : i32 to index
    %swap3A_497 = arith.constant 64 : index
    %swap3A_498 = tpu.vector_load %arg6[%swap3A_496, %swap3A_497] {strides = array<i32>} : memref<128x128xf32, #tpu.memory_space<vmem>>, vector<1x16xf32>,
    %swap3A_499 = vector.shape_cast %swap3A_498 : vector<1x16xf32> to vector<16xf32>
    %swap3A_500 = vector.shape_cast %broadcast_in_dim3A_423 : vector<16xf32> to vector<1x16xf32>
    tpu.vector_store %arg6[%swap3A_496, %swap3A_497], %swap3A_500 {strides = array<i32>} : memref<128x128xf32, #tpu.memory_space<vmem>>, vector<1x16xf32>,
    %swap3A_501 = arith.constant 1 : i32
    %swap3A_502 = arith.index_cast %swap3A_501 : i32 to index
    %swap3A_503 = arith.constant 80 : index
    %swap3A_504 = tpu.vector_load %arg6[%swap3A_502, %swap3A_503] {strides = array<i32>} : memref<128x128xf32, #tpu.memory_space<vmem>>, vector<1x16xf32>,
    %swap3A_505 = vector.shape_cast %swap3A_504 : vector<1x16xf32> to vector<16xf32>
    %swap3A_506 = vector.shape_cast %broadcast_in_dim3A_423 : vector<16xf32> to vector<1x16xf32>
    tpu.vector_store %arg6[%swap3A_502, %swap3A_503], %swap3A_506 {strides = array<i32>} : memref<128x128xf32, #tpu.memory_space<vmem>>, vector<1x16xf32>,
    %swap3A_507 = arith.constant 1 : i32
    %swap3A_508 = arith.index_cast %swap3A_507 : i32 to index
    %swap3A_509 = arith.constant 96 : index
    %swap3A_510 = tpu.vector_load %arg6[%swap3A_508, %swap3A_509] {strides = array<i32>} : memref<128x128xf32, #tpu.memory_space<vmem>>, vector<1x16xf32>,
    %swap3A_511 = vector.shape_cast %swap3A_510 : vector<1x16xf32> to vector<16xf32>
    %swap3A_512 = vector.shape_cast %broadcast_in_dim3A_423 : vector<16xf32> to vector<1x16xf32>
    tpu.vector_store %arg6[%swap3A_508, %swap3A_509], %swap3A_512 {strides = array<i32>} : memref<128x128xf32, #tpu.memory_space<vmem>>, vector<1x16xf32>,
    %swap3A_513 = arith.constant 1 : i32
    %swap3A_514 = arith.index_cast %swap3A_513 : i32 to index
    %swap3A_515 = arith.constant 112 : index
    %swap3A_516 = tpu.vector_load %arg6[%swap3A_514, %swap3A_515] {strides = array<i32>} : memref<128x128xf32, #tpu.memory_space<vmem>>, vector<1x16xf32>,
    %swap3A_517 = vector.shape_cast %swap3A_516 : vector<1x16xf32> to vector<16xf32>
    %swap3A_518 = vector.shape_cast %broadcast_in_dim3A_423 : vector<16xf32> to vector<1x16xf32>
    tpu.vector_store %arg6[%swap3A_514, %swap3A_515], %swap3A_518 {strides = array<i32>} : memref<128x128xf32, #tpu.memory_space<vmem>>, vector<1x16xf32>,
    %swap3A_519 = arith.constant 2 : i32
    %swap3A_520 = arith.index_cast %swap3A_519 : i32 to index
    %swap3A_521 = arith.constant 0 : index
    %swap3A_522 = tpu.vector_load %arg6[%swap3A_520, %swap3A_521] {strides = array<i32>} : memref<128x128xf32, #tpu.memory_space<vmem>>, vector<1x16xf32>,
    %swap3A_523 = vector.shape_cast %swap3A_522 : vector<1x16xf32> to vector<16xf32>
    %swap3A_524 = vector.shape_cast %broadcast_in_dim3A_423 : vector<16xf32> to vector<1x16xf32>
    tpu.vector_store %arg6[%swap3A_520, %swap3A_521], %swap3A_524 {strides = array<i32>} : memref<128x128xf32, #tpu.memory_space<vmem>>, vector<1x16xf32>,
    %swap3A_525 = arith.constant 2 : i32
    %swap3A_526 = arith.index_cast %swap3A_525 : i32 to index
    %swap3A_527 = arith.constant 16 : index
    %swap3A_528 = tpu.vector_load %arg6[%swap3A_526, %swap3A_527] {strides = array<i32>} : memref<128x128xf32, #tpu.memory_space<vmem>>, vector<1x16xf32>,
    %swap3A_529 = vector.shape_cast %swap3A_528 : vector<1x16xf32> to vector<16xf32>
    %swap3A_530 = vector.shape_cast %broadcast_in_dim3A_423 : vector<16xf32> to vector<1x16xf32>
    tpu.vector_store %arg6[%swap3A_526, %swap3A_527], %swap3A_530 {strides = array<i32>} : memref<128x128xf32, #tpu.memory_space<vmem>>, vector<1x16xf32>,
    %swap3A_531 = arith.constant 2 : i32
    %swap3A_532 = arith.index_cast %swap3A_531 : i32 to index
    %swap3A_533 = arith.constant 32 : index
    %swap3A_534 = tpu.vector_load %arg6[%swap3A_532, %swap3A_533] {strides = array<i32>} : memref<128x128xf32, #tpu.memory_space<vmem>>, vector<1x16xf32>,
    %swap3A_535 = vector.shape_cast %swap3A_534 : vector<1x16xf32> to vector<16xf32>
    %swap3A_536 = vector.shape_cast %broadcast_in_dim3A_423 : vector<16xf32> to vector<1x16xf32>
    tpu.vector_store %arg6[%swap3A_532, %swap3A_533], %swap3A_536 {strides = array<i32>} : memref<128x128xf32, #tpu.memory_space<vmem>>, vector<1x16xf32>,
    %swap3A_537 = arith.constant 2 : i32
    %swap3A_538 = arith.index_cast %swap3A_537 : i32 to index
    %swap3A_539 = arith.constant 48 : index
    %swap3A_540 = tpu.vector_load %arg6[%swap3A_538, %swap3A_539] {strides = array<i32>} : memref<128x128xf32, #tpu.memory_space<vmem>>, vector<1x16xf32>,
    %swap3A_541 = vector.shape_cast %swap3A_540 : vector<1x16xf32> to vector<16xf32>
    %swap3A_542 = vector.shape_cast %broadcast_in_dim3A_423 : vector<16xf32> to vector<1x16xf32>
    tpu.vector_store %arg6[%swap3A_538, %swap3A_539], %swap3A_542 {strides = array<i32>} : memref<128x128xf32, #tpu.memory_space<vmem>>, vector<1x16xf32>,
    %swap3A_543 = arith.constant 2 : i32
    %swap3A_544 = arith.index_cast %swap3A_543 : i32 to index
    %swap3A_545 = arith.constant 64 : index
    %swap3A_546 = tpu.vector_load %arg6[%swap3A_544, %swap3A_545] {strides = array<i32>} : memref<128x128xf32, #tpu.memory_space<vmem>>, vector<1x16xf32>,
    %swap3A_547 = vector.shape_cast %swap3A_546 : vector<1x16xf32> to vector<16xf32>
    %swap3A_548 = vector.shape_cast %broadcast_in_dim3A_423 : vector<16xf32> to vector<1x16xf32>
    tpu.vector_store %arg6[%swap3A_544, %swap3A_545], %swap3A_548 {strides = array<i32>} : memref<128x128xf32, #tpu.memory_space<vmem>>, vector<1x16xf32>,
    %swap3A_549 = arith.constant 2 : i32
    %swap3A_550 = arith.index_cast %swap3A_549 : i32 to index
    %swap3A_551 = arith.constant 80 : index
    %swap3A_552 = tpu.vector_load %arg6[%swap3A_550, %swap3A_551] {strides = array<i32>} : memref<128x128xf32, #tpu.memory_space<vmem>>, vector<1x16xf32>,
    %swap3A_553 = vector.shape_cast %swap3A_552 : vector<1x16xf32> to vector<16xf32>
    %swap3A_554 = vector.shape_cast %broadcast_in_dim3A_423 : vector<16xf32> to vector<1x16xf32>
    tpu.vector_store %arg6[%swap3A_550, %swap3A_551], %swap3A_554 {strides = array<i32>} : memref<128x128xf32, #tpu.memory_space<vmem>>, vector<1x16xf32>,
    %swap3A_555 = arith.constant 2 : i32
    %swap3A_556 = arith.index_cast %swap3A_555 : i32 to index
    %swap3A_557 = arith.constant 96 : index
    %swap3A_558 = tpu.vector_load %arg6[%swap3A_556, %swap3A_557] {strides = array<i32>} : memref<128x128xf32, #tpu.memory_space<vmem>>, vector<1x16xf32>,
    %swap3A_559 = vector.shape_cast %swap3A_558 : vector<1x16xf32> to vector<16xf32>
    %swap3A_560 = vector.shape_cast %broadcast_in_dim3A_423 : vector<16xf32> to vector<1x16xf32>
    tpu.vector_store %arg6[%swap3A_556, %swap3A_557], %swap3A_560 {strides = array<i32>} : memref<128x128xf32, #tpu.memory_space<vmem>>, vector<1x16xf32>,
    %swap3A_561 = arith.constant 2 : i32
    %swap3A_562 = arith.index_cast %swap3A_561 : i32 to index
    %swap3A_563 = arith.constant 112 : index
    %swap3A_564 = tpu.vector_load %arg6[%swap3A_562, %swap3A_563] {strides = array<i32>} : memref<128x128xf32, #tpu.memory_space<vmem>>, vector<1x16xf32>,
    %swap3A_565 = vector.shape_cast %swap3A_564 : vector<1x16xf32> to vector<16xf32>
    %swap3A_566 = vector.shape_cast %broadcast_in_dim3A_423 : vector<16xf32> to vector<1x16xf32>
    tpu.vector_store %arg6[%swap3A_562, %swap3A_563], %swap3A_566 {strides = array<i32>} : memref<128x128xf32, #tpu.memory_space<vmem>>, vector<1x16xf32>,
    %swap3A_567 = arith.constant 3 : i32
    %swap3A_568 = arith.index_cast %swap3A_567 : i32 to index
    %swap3A_569 = arith.constant 0 : index
    %swap3A_570 = tpu.vector_load %arg6[%swap3A_568, %swap3A_569] {strides = array<i32>} : memref<128x128xf32, #tpu.memory_space<vmem>>, vector<1x16xf32>,
    %swap3A_571 = vector.shape_cast %swap3A_570 : vector<1x16xf32> to vector<16xf32>
    %swap3A_572 = vector.shape_cast %broadcast_in_dim3A_423 : vector<16xf32> to vector<1x16xf32>
    tpu.vector_store %arg6[%swap3A_568, %swap3A_569], %swap3A_572 {strides = array<i32>} : memref<128x128xf32, #tpu.memory_space<vmem>>, vector<1x16xf32>,
    %swap3A_573 = arith.constant 3 : i32
    %swap3A_574 = arith.index_cast %swap3A_573 : i32 to index
    %swap3A_575 = arith.constant 16 : index
    %swap3A_576 = tpu.vector_load %arg6[%swap3A_574, %swap3A_575] {strides = array<i32>} : memref<128x128xf32, #tpu.memory_space<vmem>>, vector<1x16xf32>,
    %swap3A_577 = vector.shape_cast %swap3A_576 : vector<1x16xf32> to vector<16xf32>
    %swap3A_578 = vector.shape_cast %broadcast_in_dim3A_423 : vector<16xf32> to vector<1x16xf32>
    tpu.vector_store %arg6[%swap3A_574, %swap3A_575], %swap3A_578 {strides = array<i32>} : memref<128x128xf32, #tpu.memory_space<vmem>>, vector<1x16xf32>,
    %swap3A_579 = arith.constant 3 : i32
    %swap3A_580 = arith.index_cast %swap3A_579 : i32 to index
    %swap3A_581 = arith.constant 32 : index
    %swap3A_582 = tpu.vector_load %arg6[%swap3A_580, %swap3A_581] {strides = array<i32>} : memref<128x128xf32, #tpu.memory_space<vmem>>, vector<1x16xf32>,
    %swap3A_583 = vector.shape_cast %swap3A_582 : vector<1x16xf32> to vector<16xf32>
    %swap3A_584 = vector.shape_cast %broadcast_in_dim3A_423 : vector<16xf32> to vector<1x16xf32>
    tpu.vector_store %arg6[%swap3A_580, %swap3A_581], %swap3A_584 {strides = array<i32>} : memref<128x128xf32, #tpu.memory_space<vmem>>, vector<1x16xf32>,
    %swap3A_585 = arith.constant 3 : i32
    %swap3A_586 = arith.index_cast %swap3A_585 : i32 to index
    %swap3A_587 = arith.constant 48 : index
    %swap3A_588 = tpu.vector_load %arg6[%swap3A_586, %swap3A_587] {strides = array<i32>} : memref<128x128xf32, #tpu.memory_space<vmem>>, vector<1x16xf32>,
    %swap3A_589 = vector.shape_cast %swap3A_588 : vector<1x16xf32> to vector<16xf32>
    %swap3A_590 = vector.shape_cast %broadcast_in_dim3A_423 : vector<16xf32> to vector<1x16xf32>
    tpu.vector_store %arg6[%swap3A_586, %swap3A_587], %swap3A_590 {strides = array<i32>} : memref<128x128xf32, #tpu.memory_space<vmem>>, vector<1x16xf32>,
    %swap3A_591 = arith.constant 3 : i32
    %swap3A_592 = arith.index_cast %swap3A_591 : i32 to index
    %swap3A_593 = arith.constant 64 : index
    %swap3A_594 = tpu.vector_load %arg6[%swap3A_592, %swap3A_593] {strides = array<i32>} : memref<128x128xf32, #tpu.memory_space<vmem>>, vector<1x16xf32>,
    %swap3A_595 = vector.shape_cast %swap3A_594 : vector<1x16xf32> to vector<16xf32>
    %swap3A_596 = vector.shape_cast %broadcast_in_dim3A_423 : vector<16xf32> to vector<1x16xf32>
    tpu.vector_store %arg6[%swap3A_592, %swap3A_593], %swap3A_596 {strides = array<i32>} : memref<128x128xf32, #tpu.memory_space<vmem>>, vector<1x16xf32>,
    %swap3A_597 = arith.constant 3 : i32
    %swap3A_598 = arith.index_cast %swap3A_597 : i32 to index
    %swap3A_599 = arith.constant 80 : index
    %swap3A_600 = tpu.vector_load %arg6[%swap3A_598, %swap3A_599] {strides = array<i32>} : memref<128x128xf32, #tpu.memory_space<vmem>>, vector<1x16xf32>,
    %swap3A_601 = vector.shape_cast %swap3A_600 : vector<1x16xf32> to vector<16xf32>
    %swap3A_602 = vector.shape_cast %broadcast_in_dim3A_423 : vector<16xf32> to vector<1x16xf32>
    tpu.vector_store %arg6[%swap3A_598, %swap3A_599], %swap3A_602 {strides = array<i32>} : memref<128x128xf32, #tpu.memory_space<vmem>>, vector<1x16xf32>,
    %swap3A_603 = arith.constant 3 : i32
    %swap3A_604 = arith.index_cast %swap3A_603 : i32 to index
    %swap3A_605 = arith.constant 96 : index
    %swap3A_606 = tpu.vector_load %arg6[%swap3A_604, %swap3A_605] {strides = array<i32>} : memref<128x128xf32, #tpu.memory_space<vmem>>, vector<1x16xf32>,
    %swap3A_607 = vector.shape_cast %swap3A_606 : vector<1x16xf32> to vector<16xf32>
    %swap3A_608 = vector.shape_cast %broadcast_in_dim3A_423 : vector<16xf32> to vector<1x16xf32>
    tpu.vector_store %arg6[%swap3A_604, %swap3A_605], %swap3A_608 {strides = array<i32>} : memref<128x128xf32, #tpu.memory_space<vmem>>, vector<1x16xf32>,
    %swap3A_609 = arith.constant 3 : i32
    %swap3A_610 = arith.index_cast %swap3A_609 : i32 to index
    %swap3A_611 = arith.constant 112 : index
    %swap3A_612 = tpu.vector_load %arg6[%swap3A_610, %swap3A_611] {strides = array<i32>} : memref<128x128xf32, #tpu.memory_space<vmem>>, vector<1x16xf32>,
    %swap3A_613 = vector.shape_cast %swap3A_612 : vector<1x16xf32> to vector<16xf32>
    %swap3A_614 = vector.shape_cast %broadcast_in_dim3A_423 : vector<16xf32> to vector<1x16xf32>
    tpu.vector_store %arg6[%swap3A_610, %swap3A_611], %swap3A_614 {strides = array<i32>} : memref<128x128xf32, #tpu.memory_space<vmem>>, vector<1x16xf32>,
    %swap3A_615 = arith.constant 4 : i32
    %swap3A_616 = arith.index_cast %swap3A_615 : i32 to index
    %swap3A_617 = arith.constant 0 : index
    %swap3A_618 = tpu.vector_load %arg6[%swap3A_616, %swap3A_617] {strides = array<i32>} : memref<128x128xf32, #tpu.memory_space<vmem>>, vector<1x16xf32>,
    %swap3A_619 = vector.shape_cast %swap3A_618 : vector<1x16xf32> to vector<16xf32>
    %swap3A_620 = vector.shape_cast %broadcast_in_dim3A_423 : vector<16xf32> to vector<1x16xf32>
    tpu.vector_store %arg6[%swap3A_616, %swap3A_617], %swap3A_620 {strides = array<i32>} : memref<128x128xf32, #tpu.memory_space<vmem>>, vector<1x16xf32>,
    %swap3A_621 = arith.constant 4 : i32
    %swap3A_622 = arith.index_cast %swap3A_621 : i32 to index
    %swap3A_623 = arith.constant 16 : index
    %swap3A_624 = tpu.vector_load %arg6[%swap3A_622, %swap3A_623] {strides = array<i32>} : memref<128x128xf32, #tpu.memory_space<vmem>>, vector<1x16xf32>,
    %swap3A_625 = vector.shape_cast %swap3A_624 : vector<1x16xf32> to vector<16xf32>
    %swap3A_626 = vector.shape_cast %broadcast_in_dim3A_423 : vector<16xf32> to vector<1x16xf32>
    tpu.vector_store %arg6[%swap3A_622, %swap3A_623], %swap3A_626 {strides = array<i32>} : memref<128x128xf32, #tpu.memory_space<vmem>>, vector<1x16xf32>,
    %swap3A_627 = arith.constant 4 : i32
    %swap3A_628 = arith.index_cast %swap3A_627 : i32 to index
    %swap3A_629 = arith.constant 32 : index
    %swap3A_630 = tpu.vector_load %arg6[%swap3A_628, %swap3A_629] {strides = array<i32>} : memref<128x128xf32, #tpu.memory_space<vmem>>, vector<1x16xf32>,
    %swap3A_631 = vector.shape_cast %swap3A_630 : vector<1x16xf32> to vector<16xf32>
    %swap3A_632 = vector.shape_cast %broadcast_in_dim3A_423 : vector<16xf32> to vector<1x16xf32>
    tpu.vector_store %arg6[%swap3A_628, %swap3A_629], %swap3A_632 {strides = array<i32>} : memref<128x128xf32, #tpu.memory_space<vmem>>, vector<1x16xf32>,
    %swap3A_633 = arith.constant 4 : i32
    %swap3A_634 = arith.index_cast %swap3A_633 : i32 to index
    %swap3A_635 = arith.constant 48 : index
    %swap3A_636 = tpu.vector_load %arg6[%swap3A_634, %swap3A_635] {strides = array<i32>} : memref<128x128xf32, #tpu.memory_space<vmem>>, vector<1x16xf32>,
    %swap3A_637 = vector.shape_cast %swap3A_636 : vector<1x16xf32> to vector<16xf32>
    %swap3A_638 = vector.shape_cast %broadcast_in_dim3A_423 : vector<16xf32> to vector<1x16xf32>
    tpu.vector_store %arg6[%swap3A_634, %swap3A_635], %swap3A_638 {strides = array<i32>} : memref<128x128xf32, #tpu.memory_space<vmem>>, vector<1x16xf32>,
    %swap3A_639 = arith.constant 4 : i32
    %swap3A_640 = arith.index_cast %swap3A_639 : i32 to index
    %swap3A_641 = arith.constant 64 : index
    %swap3A_642 = tpu.vector_load %arg6[%swap3A_640, %swap3A_641] {strides = array<i32>} : memref<128x128xf32, #tpu.memory_space<vmem>>, vector<1x16xf32>,
    %swap3A_643 = vector.shape_cast %swap3A_642 : vector<1x16xf32> to vector<16xf32>
    %swap3A_644 = vector.shape_cast %broadcast_in_dim3A_423 : vector<16xf32> to vector<1x16xf32>
    tpu.vector_store %arg6[%swap3A_640, %swap3A_641], %swap3A_644 {strides = array<i32>} : memref<128x128xf32, #tpu.memory_space<vmem>>, vector<1x16xf32>,
    %swap3A_645 = arith.constant 4 : i32
    %swap3A_646 = arith.index_cast %swap3A_645 : i32 to index
    %swap3A_647 = arith.constant 80 : index
    %swap3A_648 = tpu.vector_load %arg6[%swap3A_646, %swap3A_647] {strides = array<i32>} : memref<128x128xf32, #tpu.memory_space<vmem>>, vector<1x16xf32>,
    %swap3A_649 = vector.shape_cast %swap3A_648 : vector<1x16xf32> to vector<16xf32>
    %swap3A_650 = vector.shape_cast %broadcast_in_dim3A_423 : vector<16xf32> to vector<1x16xf32>
    tpu.vector_store %arg6[%swap3A_646, %swap3A_647], %swap3A_650 {strides = array<i32>} : memref<128x128xf32, #tpu.memory_space<vmem>>, vector<1x16xf32>,
    %swap3A_651 = arith.constant 4 : i32
    %swap3A_652 = arith.index_cast %swap3A_651 : i32 to index
    %swap3A_653 = arith.constant 96 : index
    %swap3A_654 = tpu.vector_load %arg6[%swap3A_652, %swap3A_653] {strides = array<i32>} : memref<128x128xf32, #tpu.memory_space<vmem>>, vector<1x16xf32>,
    %swap3A_655 = vector.shape_cast %swap3A_654 : vector<1x16xf32> to vector<16xf32>
    %swap3A_656 = vector.shape_cast %broadcast_in_dim3A_423 : vector<16xf32> to vector<1x16xf32>
    tpu.vector_store %arg6[%swap3A_652, %swap3A_653], %swap3A_656 {strides = array<i32>} : memref<128x128xf32, #tpu.memory_space<vmem>>, vector<1x16xf32>,
    %swap3A_657 = arith.constant 4 : i32
    %swap3A_658 = arith.index_cast %swap3A_657 : i32 to index
    %swap3A_659 = arith.constant 112 : index
    %swap3A_660 = tpu.vector_load %arg6[%swap3A_658, %swap3A_659] {strides = array<i32>} : memref<128x128xf32, #tpu.memory_space<vmem>>, vector<1x16xf32>,
    %swap3A_661 = vector.shape_cast %swap3A_660 : vector<1x16xf32> to vector<16xf32>
    %swap3A_662 = vector.shape_cast %broadcast_in_dim3A_423 : vector<16xf32> to vector<1x16xf32>
    tpu.vector_store %arg6[%swap3A_658, %swap3A_659], %swap3A_662 {strides = array<i32>} : memref<128x128xf32, #tpu.memory_space<vmem>>, vector<1x16xf32>,
    %swap3A_663 = arith.constant 5 : i32
    %swap3A_664 = arith.index_cast %swap3A_663 : i32 to index
    %swap3A_665 = arith.constant 0 : index
    %swap3A_666 = tpu.vector_load %arg6[%swap3A_664, %swap3A_665] {strides = array<i32>} : memref<128x128xf32, #tpu.memory_space<vmem>>, vector<1x16xf32>,
    %swap3A_667 = vector.shape_cast %swap3A_666 : vector<1x16xf32> to vector<16xf32>
    %swap3A_668 = vector.shape_cast %broadcast_in_dim3A_423 : vector<16xf32> to vector<1x16xf32>
    tpu.vector_store %arg6[%swap3A_664, %swap3A_665], %swap3A_668 {strides = array<i32>} : memref<128x128xf32, #tpu.memory_space<vmem>>, vector<1x16xf32>,
    %swap3A_669 = arith.constant 5 : i32
    %swap3A_670 = arith.index_cast %swap3A_669 : i32 to index
    %swap3A_671 = arith.constant 16 : index
    %swap3A_672 = tpu.vector_load %arg6[%swap3A_670, %swap3A_671] {strides = array<i32>} : memref<128x128xf32, #tpu.memory_space<vmem>>, vector<1x16xf32>,
    %swap3A_673 = vector.shape_cast %swap3A_672 : vector<1x16xf32> to vector<16xf32>
    %swap3A_674 = vector.shape_cast %broadcast_in_dim3A_423 : vector<16xf32> to vector<1x16xf32>
    tpu.vector_store %arg6[%swap3A_670, %swap3A_671], %swap3A_674 {strides = array<i32>} : memref<128x128xf32, #tpu.memory_space<vmem>>, vector<1x16xf32>,
    %swap3A_675 = arith.constant 5 : i32
    %swap3A_676 = arith.index_cast %swap3A_675 : i32 to index
    %swap3A_677 = arith.constant 32 : index
    %swap3A_678 = tpu.vector_load %arg6[%swap3A_676, %swap3A_677] {strides = array<i32>} : memref<128x128xf32, #tpu.memory_space<vmem>>, vector<1x16xf32>,
    %swap3A_679 = vector.shape_cast %swap3A_678 : vector<1x16xf32> to vector<16xf32>
    %swap3A_680 = vector.shape_cast %broadcast_in_dim3A_423 : vector<16xf32> to vector<1x16xf32>
    tpu.vector_store %arg6[%swap3A_676, %swap3A_677], %swap3A_680 {strides = array<i32>} : memref<128x128xf32, #tpu.memory_space<vmem>>, vector<1x16xf32>,
    %swap3A_681 = arith.constant 5 : i32
    %swap3A_682 = arith.index_cast %swap3A_681 : i32 to index
    %swap3A_683 = arith.constant 48 : index
    %swap3A_684 = tpu.vector_load %arg6[%swap3A_682, %swap3A_683] {strides = array<i32>} : memref<128x128xf32, #tpu.memory_space<vmem>>, vector<1x16xf32>,
    %swap3A_685 = vector.shape_cast %swap3A_684 : vector<1x16xf32> to vector<16xf32>
    %swap3A_686 = vector.shape_cast %broadcast_in_dim3A_423 : vector<16xf32> to vector<1x16xf32>
    tpu.vector_store %arg6[%swap3A_682, %swap3A_683], %swap3A_686 {strides = array<i32>} : memref<128x128xf32, #tpu.memory_space<vmem>>, vector<1x16xf32>,
    %swap3A_687 = arith.constant 5 : i32
    %swap3A_688 = arith.index_cast %swap3A_687 : i32 to index
    %swap3A_689 = arith.constant 64 : index
    %swap3A_690 = tpu.vector_load %arg6[%swap3A_688, %swap3A_689] {strides = array<i32>} : memref<128x128xf32, #tpu.memory_space<vmem>>, vector<1x16xf32>,
    %swap3A_691 = vector.shape_cast %swap3A_690 : vector<1x16xf32> to vector<16xf32>
    %swap3A_692 = vector.shape_cast %broadcast_in_dim3A_423 : vector<16xf32> to vector<1x16xf32>
    tpu.vector_store %arg6[%swap3A_688, %swap3A_689], %swap3A_692 {strides = array<i32>} : memref<128x128xf32, #tpu.memory_space<vmem>>, vector<1x16xf32>,
    %swap3A_693 = arith.constant 5 : i32
    %swap3A_694 = arith.index_cast %swap3A_693 : i32 to index
    %swap3A_695 = arith.constant 80 : index
    %swap3A_696 = tpu.vector_load %arg6[%swap3A_694, %swap3A_695] {strides = array<i32>} : memref<128x128xf32, #tpu.memory_space<vmem>>, vector<1x16xf32>,
    %swap3A_697 = vector.shape_cast %swap3A_696 : vector<1x16xf32> to vector<16xf32>
    %swap3A_698 = vector.shape_cast %broadcast_in_dim3A_423 : vector<16xf32> to vector<1x16xf32>
    tpu.vector_store %arg6[%swap3A_694, %swap3A_695], %swap3A_698 {strides = array<i32>} : memref<128x128xf32, #tpu.memory_space<vmem>>, vector<1x16xf32>,
    %swap3A_699 = arith.constant 5 : i32
    %swap3A_700 = arith.index_cast %swap3A_699 : i32 to index
    %swap3A_701 = arith.constant 96 : index
    %swap3A_702 = tpu.vector_load %arg6[%swap3A_700, %swap3A_701] {strides = array<i32>} : memref<128x128xf32, #tpu.memory_space<vmem>>, vector<1x16xf32>,
    %swap3A_703 = vector.shape_cast %swap3A_702 : vector<1x16xf32> to vector<16xf32>
    %swap3A_704 = vector.shape_cast %broadcast_in_dim3A_423 : vector<16xf32> to vector<1x16xf32>
    tpu.vector_store %arg6[%swap3A_700, %swap3A_701], %swap3A_704 {strides = array<i32>} : memref<128x128xf32, #tpu.memory_space<vmem>>, vector<1x16xf32>,
    %swap3A_705 = arith.constant 5 : i32
    %swap3A_706 = arith.index_cast %swap3A_705 : i32 to index
    %swap3A_707 = arith.constant 112 : index
    %swap3A_708 = tpu.vector_load %arg6[%swap3A_706, %swap3A_707] {strides = array<i32>} : memref<128x128xf32, #tpu.memory_space<vmem>>, vector<1x16xf32>,
    %swap3A_709 = vector.shape_cast %swap3A_708 : vector<1x16xf32> to vector<16xf32>
    %swap3A_710 = vector.shape_cast %broadcast_in_dim3A_423 : vector<16xf32> to vector<1x16xf32>
    tpu.vector_store %arg6[%swap3A_706, %swap3A_707], %swap3A_710 {strides = array<i32>} : memref<128x128xf32, #tpu.memory_space<vmem>>, vector<1x16xf32>,
    %swap3A_711 = arith.constant 6 : i32
    %swap3A_712 = arith.index_cast %swap3A_711 : i32 to index
    %swap3A_713 = arith.constant 0 : index
    %swap3A_714 = tpu.vector_load %arg6[%swap3A_712, %swap3A_713] {strides = array<i32>} : memref<128x128xf32, #tpu.memory_space<vmem>>, vector<1x16xf32>,
    %swap3A_715 = vector.shape_cast %swap3A_714 : vector<1x16xf32> to vector<16xf32>
    %swap3A_716 = vector.shape_cast %broadcast_in_dim3A_423 : vector<16xf32> to vector<1x16xf32>
    tpu.vector_store %arg6[%swap3A_712, %swap3A_713], %swap3A_716 {strides = array<i32>} : memref<128x128xf32, #tpu.memory_space<vmem>>, vector<1x16xf32>,
    %swap3A_717 = arith.constant 6 : i32
    %swap3A_718 = arith.index_cast %swap3A_717 : i32 to index
    %swap3A_719 = arith.constant 16 : index
    %swap3A_720 = tpu.vector_load %arg6[%swap3A_718, %swap3A_719] {strides = array<i32>} : memref<128x128xf32, #tpu.memory_space<vmem>>, vector<1x16xf32>,
    %swap3A_721 = vector.shape_cast %swap3A_720 : vector<1x16xf32> to vector<16xf32>
    %swap3A_722 = vector.shape_cast %broadcast_in_dim3A_423 : vector<16xf32> to vector<1x16xf32>
    tpu.vector_store %arg6[%swap3A_718, %swap3A_719], %swap3A_722 {strides = array<i32>} : memref<128x128xf32, #tpu.memory_space<vmem>>, vector<1x16xf32>,
    %swap3A_723 = arith.constant 6 : i32
    %swap3A_724 = arith.index_cast %swap3A_723 : i32 to index
    %swap3A_725 = arith.constant 32 : index
    %swap3A_726 = tpu.vector_load %arg6[%swap3A_724, %swap3A_725] {strides = array<i32>} : memref<128x128xf32, #tpu.memory_space<vmem>>, vector<1x16xf32>,
    %swap3A_727 = vector.shape_cast %swap3A_726 : vector<1x16xf32> to vector<16xf32>
    %swap3A_728 = vector.shape_cast %broadcast_in_dim3A_423 : vector<16xf32> to vector<1x16xf32>
    tpu.vector_store %arg6[%swap3A_724, %swap3A_725], %swap3A_728 {strides = array<i32>} : memref<128x128xf32, #tpu.memory_space<vmem>>, vector<1x16xf32>,
    %swap3A_729 = arith.constant 6 : i32
    %swap3A_730 = arith.index_cast %swap3A_729 : i32 to index
    %swap3A_731 = arith.constant 48 : index
    %swap3A_732 = tpu.vector_load %arg6[%swap3A_730, %swap3A_731] {strides = array<i32>} : memref<128x128xf32, #tpu.memory_space<vmem>>, vector<1x16xf32>,
    %swap3A_733 = vector.shape_cast %swap3A_732 : vector<1x16xf32> to vector<16xf32>
    %swap3A_734 = vector.shape_cast %broadcast_in_dim3A_423 : vector<16xf32> to vector<1x16xf32>
    tpu.vector_store %arg6[%swap3A_730, %swap3A_731], %swap3A_734 {strides = array<i32>} : memref<128x128xf32, #tpu.memory_space<vmem>>, vector<1x16xf32>,
    %swap3A_735 = arith.constant 6 : i32
    %swap3A_736 = arith.index_cast %swap3A_735 : i32 to index
    %swap3A_737 = arith.constant 64 : index
    %swap3A_738 = tpu.vector_load %arg6[%swap3A_736, %swap3A_737] {strides = array<i32>} : memref<128x128xf32, #tpu.memory_space<vmem>>, vector<1x16xf32>,
    %swap3A_739 = vector.shape_cast %swap3A_738 : vector<1x16xf32> to vector<16xf32>
    %swap3A_740 = vector.shape_cast %broadcast_in_dim3A_423 : vector<16xf32> to vector<1x16xf32>
    tpu.vector_store %arg6[%swap3A_736, %swap3A_737], %swap3A_740 {strides = array<i32>} : memref<128x128xf32, #tpu.memory_space<vmem>>, vector<1x16xf32>,
    %swap3A_741 = arith.constant 6 : i32
    %swap3A_742 = arith.index_cast %swap3A_741 : i32 to index
    %swap3A_743 = arith.constant 80 : index
    %swap3A_744 = tpu.vector_load %arg6[%swap3A_742, %swap3A_743] {strides = array<i32>} : memref<128x128xf32, #tpu.memory_space<vmem>>, vector<1x16xf32>,
    %swap3A_745 = vector.shape_cast %swap3A_744 : vector<1x16xf32> to vector<16xf32>
    %swap3A_746 = vector.shape_cast %broadcast_in_dim3A_423 : vector<16xf32> to vector<1x16xf32>
    tpu.vector_store %arg6[%swap3A_742, %swap3A_743], %swap3A_746 {strides = array<i32>} : memref<128x128xf32, #tpu.memory_space<vmem>>, vector<1x16xf32>,
    %swap3A_747 = arith.constant 6 : i32
    %swap3A_748 = arith.index_cast %swap3A_747 : i32 to index
    %swap3A_749 = arith.constant 96 : index
    %swap3A_750 = tpu.vector_load %arg6[%swap3A_748, %swap3A_749] {strides = array<i32>} : memref<128x128xf32, #tpu.memory_space<vmem>>, vector<1x16xf32>,
    %swap3A_751 = vector.shape_cast %swap3A_750 : vector<1x16xf32> to vector<16xf32>
    %swap3A_752 = vector.shape_cast %broadcast_in_dim3A_423 : vector<16xf32> to vector<1x16xf32>
    tpu.vector_store %arg6[%swap3A_748, %swap3A_749], %swap3A_752 {strides = array<i32>} : memref<128x128xf32, #tpu.memory_space<vmem>>, vector<1x16xf32>,
    %swap3A_753 = arith.constant 6 : i32
    %swap3A_754 = arith.index_cast %swap3A_753 : i32 to index
    %swap3A_755 = arith.constant 112 : index
    %swap3A_756 = tpu.vector_load %arg6[%swap3A_754, %swap3A_755] {strides = array<i32>} : memref<128x128xf32, #tpu.memory_space<vmem>>, vector<1x16xf32>,
    %swap3A_757 = vector.shape_cast %swap3A_756 : vector<1x16xf32> to vector<16xf32>
    %swap3A_758 = vector.shape_cast %broadcast_in_dim3A_423 : vector<16xf32> to vector<1x16xf32>
    tpu.vector_store %arg6[%swap3A_754, %swap3A_755], %swap3A_758 {strides = array<i32>} : memref<128x128xf32, #tpu.memory_space<vmem>>, vector<1x16xf32>,
    %swap3A_759 = arith.constant 7 : i32
    %swap3A_760 = arith.index_cast %swap3A_759 : i32 to index
    %swap3A_761 = arith.constant 0 : index
    %swap3A_762 = tpu.vector_load %arg6[%swap3A_760, %swap3A_761] {strides = array<i32>} : memref<128x128xf32, #tpu.memory_space<vmem>>, vector<1x16xf32>,
    %swap3A_763 = vector.shape_cast %swap3A_762 : vector<1x16xf32> to vector<16xf32>
    %swap3A_764 = vector.shape_cast %broadcast_in_dim3A_423 : vector<16xf32> to vector<1x16xf32>
    tpu.vector_store %arg6[%swap3A_760, %swap3A_761], %swap3A_764 {strides = array<i32>} : memref<128x128xf32, #tpu.memory_space<vmem>>, vector<1x16xf32>,
    %swap3A_765 = arith.constant 7 : i32
    %swap3A_766 = arith.index_cast %swap3A_765 : i32 to index
    %swap3A_767 = arith.constant 16 : index
    %swap3A_768 = tpu.vector_load %arg6[%swap3A_766, %swap3A_767] {strides = array<i32>} : memref<128x128xf32, #tpu.memory_space<vmem>>, vector<1x16xf32>,
    %swap3A_769 = vector.shape_cast %swap3A_768 : vector<1x16xf32> to vector<16xf32>
    %swap3A_770 = vector.shape_cast %broadcast_in_dim3A_423 : vector<16xf32> to vector<1x16xf32>
    tpu.vector_store %arg6[%swap3A_766, %swap3A_767], %swap3A_770 {strides = array<i32>} : memref<128x128xf32, #tpu.memory_space<vmem>>, vector<1x16xf32>,
    %swap3A_771 = arith.constant 7 : i32
    %swap3A_772 = arith.index_cast %swap3A_771 : i32 to index
    %swap3A_773 = arith.constant 32 : index
    %swap3A_774 = tpu.vector_load %arg6[%swap3A_772, %swap3A_773] {strides = array<i32>} : memref<128x128xf32, #tpu.memory_space<vmem>>, vector<1x16xf32>,
    %swap3A_775 = vector.shape_cast %swap3A_774 : vector<1x16xf32> to vector<16xf32>
    %swap3A_776 = vector.shape_cast %broadcast_in_dim3A_423 : vector<16xf32> to vector<1x16xf32>
    tpu.vector_store %arg6[%swap3A_772, %swap3A_773], %swap3A_776 {strides = array<i32>} : memref<128x128xf32, #tpu.memory_space<vmem>>, vector<1x16xf32>,
    %swap3A_777 = arith.constant 7 : i32
    %swap3A_778 = arith.index_cast %swap3A_777 : i32 to index
    %swap3A_779 = arith.constant 48 : index
    %swap3A_780 = tpu.vector_load %arg6[%swap3A_778, %swap3A_779] {strides = array<i32>} : memref<128x128xf32, #tpu.memory_space<vmem>>, vector<1x16xf32>,
    %swap3A_781 = vector.shape_cast %swap3A_780 : vector<1x16xf32> to vector<16xf32>
    %swap3A_782 = vector.shape_cast %broadcast_in_dim3A_423 : vector<16xf32> to vector<1x16xf32>
    tpu.vector_store %arg6[%swap3A_778, %swap3A_779], %swap3A_782 {strides = array<i32>} : memref<128x128xf32, #tpu.memory_space<vmem>>, vector<1x16xf32>,
    %swap3A_783 = arith.constant 7 : i32
    %swap3A_784 = arith.index_cast %swap3A_783 : i32 to index
    %swap3A_785 = arith.constant 64 : index
    %swap3A_786 = tpu.vector_load %arg6[%swap3A_784, %swap3A_785] {strides = array<i32>} : memref<128x128xf32, #tpu.memory_space<vmem>>, vector<1x16xf32>,
    %swap3A_787 = vector.shape_cast %swap3A_786 : vector<1x16xf32> to vector<16xf32>
    %swap3A_788 = vector.shape_cast %broadcast_in_dim3A_423 : vector<16xf32> to vector<1x16xf32>
    tpu.vector_store %arg6[%swap3A_784, %swap3A_785], %swap3A_788 {strides = array<i32>} : memref<128x128xf32, #tpu.memory_space<vmem>>, vector<1x16xf32>,
    %swap3A_789 = arith.constant 7 : i32
    %swap3A_790 = arith.index_cast %swap3A_789 : i32 to index
    %swap3A_791 = arith.constant 80 : index
    %swap3A_792 = tpu.vector_load %arg6[%swap3A_790, %swap3A_791] {strides = array<i32>} : memref<128x128xf32, #tpu.memory_space<vmem>>, vector<1x16xf32>,
    %swap3A_793 = vector.shape_cast %swap3A_792 : vector<1x16xf32> to vector<16xf32>
    %swap3A_794 = vector.shape_cast %broadcast_in_dim3A_423 : vector<16xf32> to vector<1x16xf32>
    tpu.vector_store %arg6[%swap3A_790, %swap3A_791], %swap3A_794 {strides = array<i32>} : memref<128x128xf32, #tpu.memory_space<vmem>>, vector<1x16xf32>,
    %swap3A_795 = arith.constant 7 : i32
    %swap3A_796 = arith.index_cast %swap3A_795 : i32 to index
    %swap3A_797 = arith.constant 96 : index
    %swap3A_798 = tpu.vector_load %arg6[%swap3A_796, %swap3A_797] {strides = array<i32>} : memref<128x128xf32, #tpu.memory_space<vmem>>, vector<1x16xf32>,
    %swap3A_799 = vector.shape_cast %swap3A_798 : vector<1x16xf32> to vector<16xf32>
    %swap3A_800 = vector.shape_cast %broadcast_in_dim3A_423 : vector<16xf32> to vector<1x16xf32>
    tpu.vector_store %arg6[%swap3A_796, %swap3A_797], %swap3A_800 {strides = array<i32>} : memref<128x128xf32, #tpu.memory_space<vmem>>, vector<1x16xf32>,
    %swap3A_801 = arith.constant 7 : i32
    %swap3A_802 = arith.index_cast %swap3A_801 : i32 to index
    %swap3A_803 = arith.constant 112 : index
    %swap3A_804 = tpu.vector_load %arg6[%swap3A_802, %swap3A_803] {strides = array<i32>} : memref<128x128xf32, #tpu.memory_space<vmem>>, vector<1x16xf32>,
    %swap3A_805 = vector.shape_cast %swap3A_804 : vector<1x16xf32> to vector<16xf32>
    %swap3A_806 = vector.shape_cast %broadcast_in_dim3A_423 : vector<16xf32> to vector<1x16xf32>
    tpu.vector_store %arg6[%swap3A_802, %swap3A_803], %swap3A_806 {strides = array<i32>} : memref<128x128xf32, #tpu.memory_space<vmem>>, vector<1x16xf32>,
    %swap3A_807 = arith.constant 8 : i32
    %swap3A_808 = arith.index_cast %swap3A_807 : i32 to index
    %swap3A_809 = arith.constant 0 : index
    %swap3A_810 = tpu.vector_load %arg6[%swap3A_808, %swap3A_809] {strides = array<i32>} : memref<128x128xf32, #tpu.memory_space<vmem>>, vector<1x16xf32>,
    %swap3A_811 = vector.shape_cast %swap3A_810 : vector<1x16xf32> to vector<16xf32>
    %swap3A_812 = vector.shape_cast %broadcast_in_dim3A_423 : vector<16xf32> to vector<1x16xf32>
    tpu.vector_store %arg6[%swap3A_808, %swap3A_809], %swap3A_812 {strides = array<i32>} : memref<128x128xf32, #tpu.memory_space<vmem>>, vector<1x16xf32>,
    %swap3A_813 = arith.constant 8 : i32
    %swap3A_814 = arith.index_cast %swap3A_813 : i32 to index
    %swap3A_815 = arith.constant 16 : index
    %swap3A_816 = tpu.vector_load %arg6[%swap3A_814, %swap3A_815] {strides = array<i32>} : memref<128x128xf32, #tpu.memory_space<vmem>>, vector<1x16xf32>,
    %swap3A_817 = vector.shape_cast %swap3A_816 : vector<1x16xf32> to vector<16xf32>
    %swap3A_818 = vector.shape_cast %broadcast_in_dim3A_423 : vector<16xf32> to vector<1x16xf32>
    tpu.vector_store %arg6[%swap3A_814, %swap3A_815], %swap3A_818 {strides = array<i32>} : memref<128x128xf32, #tpu.memory_space<vmem>>, vector<1x16xf32>,
    %swap3A_819 = arith.constant 8 : i32
    %swap3A_820 = arith.index_cast %swap3A_819 : i32 to index
    %swap3A_821 = arith.constant 32 : index
    %swap3A_822 = tpu.vector_load %arg6[%swap3A_820, %swap3A_821] {strides = array<i32>} : memref<128x128xf32, #tpu.memory_space<vmem>>, vector<1x16xf32>,
    %swap3A_823 = vector.shape_cast %swap3A_822 : vector<1x16xf32> to vector<16xf32>
    %swap3A_824 = vector.shape_cast %broadcast_in_dim3A_423 : vector<16xf32> to vector<1x16xf32>
    tpu.vector_store %arg6[%swap3A_820, %swap3A_821], %swap3A_824 {strides = array<i32>} : memref<128x128xf32, #tpu.memory_space<vmem>>, vector<1x16xf32>,
    %swap3A_825 = arith.constant 8 : i32
    %swap3A_826 = arith.index_cast %swap3A_825 : i32 to index
    %swap3A_827 = arith.constant 48 : index
    %swap3A_828 = tpu.vector_load %arg6[%swap3A_826, %swap3A_827] {strides = array<i32>} : memref<128x128xf32, #tpu.memory_space<vmem>>, vector<1x16xf32>,
    %swap3A_829 = vector.shape_cast %swap3A_828 : vector<1x16xf32> to vector<16xf32>
    %swap3A_830 = vector.shape_cast %broadcast_in_dim3A_423 : vector<16xf32> to vector<1x16xf32>
    tpu.vector_store %arg6[%swap3A_826, %swap3A_827], %swap3A_830 {strides = array<i32>} : memref<128x128xf32, #tpu.memory_space<vmem>>, vector<1x16xf32>,
    %swap3A_831 = arith.constant 8 : i32
    %swap3A_832 = arith.index_cast %swap3A_831 : i32 to index
    %swap3A_833 = arith.constant 64 : index
    %swap3A_834 = tpu.vector_load %arg6[%swap3A_832, %swap3A_833] {strides = array<i32>} : memref<128x128xf32, #tpu.memory_space<vmem>>, vector<1x16xf32>,
    %swap3A_835 = vector.shape_cast %swap3A_834 : vector<1x16xf32> to vector<16xf32>
    %swap3A_836 = vector.shape_cast %broadcast_in_dim3A_423 : vector<16xf32> to vector<1x16xf32>
    tpu.vector_store %arg6[%swap3A_832, %swap3A_833], %swap3A_836 {strides = array<i32>} : memref<128x128xf32, #tpu.memory_space<vmem>>, vector<1x16xf32>,
    %swap3A_837 = arith.constant 8 : i32
    %swap3A_838 = arith.index_cast %swap3A_837 : i32 to index
    %swap3A_839 = arith.constant 80 : index
    %swap3A_840 = tpu.vector_load %arg6[%swap3A_838, %swap3A_839] {strides = array<i32>} : memref<128x128xf32, #tpu.memory_space<vmem>>, vector<1x16xf32>,
    %swap3A_841 = vector.shape_cast %swap3A_840 : vector<1x16xf32> to vector<16xf32>
    %swap3A_842 = vector.shape_cast %broadcast_in_dim3A_423 : vector<16xf32> to vector<1x16xf32>
    tpu.vector_store %arg6[%swap3A_838, %swap3A_839], %swap3A_842 {strides = array<i32>} : memref<128x128xf32, #tpu.memory_space<vmem>>, vector<1x16xf32>,
    %swap3A_843 = arith.constant 8 : i32
    %swap3A_844 = arith.index_cast %swap3A_843 : i32 to index
    %swap3A_845 = arith.constant 96 : index
    %swap3A_846 = tpu.vector_load %arg6[%swap3A_844, %swap3A_845] {strides = array<i32>} : memref<128x128xf32, #tpu.memory_space<vmem>>, vector<1x16xf32>,
    %swap3A_847 = vector.shape_cast %swap3A_846 : vector<1x16xf32> to vector<16xf32>
    %swap3A_848 = vector.shape_cast %broadcast_in_dim3A_423 : vector<16xf32> to vector<1x16xf32>
    tpu.vector_store %arg6[%swap3A_844, %swap3A_845], %swap3A_848 {strides = array<i32>} : memref<128x128xf32, #tpu.memory_space<vmem>>, vector<1x16xf32>,
    %swap3A_849 = arith.constant 8 : i32
    %swap3A_850 = arith.index_cast %swap3A_849 : i32 to index
    %swap3A_851 = arith.constant 112 : index
    %swap3A_852 = tpu.vector_load %arg6[%swap3A_850, %swap3A_851] {strides = array<i32>} : memref<128x128xf32, #tpu.memory_space<vmem>>, vector<1x16xf32>,
    %swap3A_853 = vector.shape_cast %swap3A_852 : vector<1x16xf32> to vector<16xf32>
    %swap3A_854 = vector.shape_cast %broadcast_in_dim3A_423 : vector<16xf32> to vector<1x16xf32>
    tpu.vector_store %arg6[%swap3A_850, %swap3A_851], %swap3A_854 {strides = array<i32>} : memref<128x128xf32, #tpu.memory_space<vmem>>, vector<1x16xf32>,
    %swap3A_855 = arith.constant 9 : i32
    %swap3A_856 = arith.index_cast %swap3A_855 : i32 to index
    %swap3A_857 = arith.constant 0 : index
    %swap3A_858 = tpu.vector_load %arg6[%swap3A_856, %swap3A_857] {strides = array<i32>} : memref<128x128xf32, #tpu.memory_space<vmem>>, vector<1x16xf32>,
    %swap3A_859 = vector.shape_cast %swap3A_858 : vector<1x16xf32> to vector<16xf32>
    %swap3A_860 = vector.shape_cast %broadcast_in_dim3A_423 : vector<16xf32> to vector<1x16xf32>
    tpu.vector_store %arg6[%swap3A_856, %swap3A_857], %swap3A_860 {strides = array<i32>} : memref<128x128xf32, #tpu.memory_space<vmem>>, vector<1x16xf32>,
    %swap3A_861 = arith.constant 9 : i32
    %swap3A_862 = arith.index_cast %swap3A_861 : i32 to index
    %swap3A_863 = arith.constant 16 : index
    %swap3A_864 = tpu.vector_load %arg6[%swap3A_862, %swap3A_863] {strides = array<i32>} : memref<128x128xf32, #tpu.memory_space<vmem>>, vector<1x16xf32>,
    %swap3A_865 = vector.shape_cast %swap3A_864 : vector<1x16xf32> to vector<16xf32>
    %swap3A_866 = vector.shape_cast %broadcast_in_dim3A_423 : vector<16xf32> to vector<1x16xf32>
    tpu.vector_store %arg6[%swap3A_862, %swap3A_863], %swap3A_866 {strides = array<i32>} : memref<128x128xf32, #tpu.memory_space<vmem>>, vector<1x16xf32>,
    %swap3A_867 = arith.constant 9 : i32
    %swap3A_868 = arith.index_cast %swap3A_867 : i32 to index
    %swap3A_869 = arith.constant 32 : index
    %swap3A_870 = tpu.vector_load %arg6[%swap3A_868, %swap3A_869] {strides = array<i32>} : memref<128x128xf32, #tpu.memory_space<vmem>>, vector<1x16xf32>,
    %swap3A_871 = vector.shape_cast %swap3A_870 : vector<1x16xf32> to vector<16xf32>
    %swap3A_872 = vector.shape_cast %broadcast_in_dim3A_423 : vector<16xf32> to vector<1x16xf32>
    tpu.vector_store %arg6[%swap3A_868, %swap3A_869], %swap3A_872 {strides = array<i32>} : memref<128x128xf32, #tpu.memory_space<vmem>>, vector<1x16xf32>,
    %swap3A_873 = arith.constant 9 : i32
    %swap3A_874 = arith.index_cast %swap3A_873 : i32 to index
    %swap3A_875 = arith.constant 48 : index
    %swap3A_876 = tpu.vector_load %arg6[%swap3A_874, %swap3A_875] {strides = array<i32>} : memref<128x128xf32, #tpu.memory_space<vmem>>, vector<1x16xf32>,
    %swap3A_877 = vector.shape_cast %swap3A_876 : vector<1x16xf32> to vector<16xf32>
    %swap3A_878 = vector.shape_cast %broadcast_in_dim3A_423 : vector<16xf32> to vector<1x16xf32>
    tpu.vector_store %arg6[%swap3A_874, %swap3A_875], %swap3A_878 {strides = array<i32>} : memref<128x128xf32, #tpu.memory_space<vmem>>, vector<1x16xf32>,
    %swap3A_879 = arith.constant 9 : i32
    %swap3A_880 = arith.index_cast %swap3A_879 : i32 to index
    %swap3A_881 = arith.constant 64 : index
    %swap3A_882 = tpu.vector_load %arg6[%swap3A_880, %swap3A_881] {strides = array<i32>} : memref<128x128xf32, #tpu.memory_space<vmem>>, vector<1x16xf32>,
    %swap3A_883 = vector.shape_cast %swap3A_882 : vector<1x16xf32> to vector<16xf32>
    %swap3A_884 = vector.shape_cast %broadcast_in_dim3A_423 : vector<16xf32> to vector<1x16xf32>
    tpu.vector_store %arg6[%swap3A_880, %swap3A_881], %swap3A_884 {strides = array<i32>} : memref<128x128xf32, #tpu.memory_space<vmem>>, vector<1x16xf32>,
    %swap3A_885 = arith.constant 9 : i32
    %swap3A_886 = arith.index_cast %swap3A_885 : i32 to index
    %swap3A_887 = arith.constant 80 : index
    %swap3A_888 = tpu.vector_load %arg6[%swap3A_886, %swap3A_887] {strides = array<i32>} : memref<128x128xf32, #tpu.memory_space<vmem>>, vector<1x16xf32>,
    %swap3A_889 = vector.shape_cast %swap3A_888 : vector<1x16xf32> to vector<16xf32>
    %swap3A_890 = vector.shape_cast %broadcast_in_dim3A_423 : vector<16xf32> to vector<1x16xf32>
    tpu.vector_store %arg6[%swap3A_886, %swap3A_887], %swap3A_890 {strides = array<i32>} : memref<128x128xf32, #tpu.memory_space<vmem>>, vector<1x16xf32>,
    %swap3A_891 = arith.constant 9 : i32
    %swap3A_892 = arith.index_cast %swap3A_891 : i32 to index
    %swap3A_893 = arith.constant 96 : index
    %swap3A_894 = tpu.vector_load %arg6[%swap3A_892, %swap3A_893] {strides = array<i32>} : memref<128x128xf32, #tpu.memory_space<vmem>>, vector<1x16xf32>,
    %swap3A_895 = vector.shape_cast %swap3A_894 : vector<1x16xf32> to vector<16xf32>
    %swap3A_896 = vector.shape_cast %broadcast_in_dim3A_423 : vector<16xf32> to vector<1x16xf32>
    tpu.vector_store %arg6[%swap3A_892, %swap3A_893], %swap3A_896 {strides = array<i32>} : memref<128x128xf32, #tpu.memory_space<vmem>>, vector<1x16xf32>,
    %swap3A_897 = arith.constant 9 : i32
    %swap3A_898 = arith.index_cast %swap3A_897 : i32 to index
    %swap3A_899 = arith.constant 112 : index
    %swap3A_900 = tpu.vector_load %arg6[%swap3A_898, %swap3A_899] {strides = array<i32>} : memref<128x128xf32, #tpu.memory_space<vmem>>, vector<1x16xf32>,
    %swap3A_901 = vector.shape_cast %swap3A_900 : vector<1x16xf32> to vector<16xf32>
    %swap3A_902 = vector.shape_cast %broadcast_in_dim3A_423 : vector<16xf32> to vector<1x16xf32>
    tpu.vector_store %arg6[%swap3A_898, %swap3A_899], %swap3A_902 {strides = array<i32>} : memref<128x128xf32, #tpu.memory_space<vmem>>, vector<1x16xf32>,
    %swap3A_903 = arith.constant 10 : i32
    %swap3A_904 = arith.index_cast %swap3A_903 : i32 to index
    %swap3A_905 = arith.constant 0 : index
    %swap3A_906 = tpu.vector_load %arg6[%swap3A_904, %swap3A_905] {strides = array<i32>} : memref<128x128xf32, #tpu.memory_space<vmem>>, vector<1x16xf32>,
    %swap3A_907 = vector.shape_cast %swap3A_906 : vector<1x16xf32> to vector<16xf32>
    %swap3A_908 = vector.shape_cast %broadcast_in_dim3A_423 : vector<16xf32> to vector<1x16xf32>
    tpu.vector_store %arg6[%swap3A_904, %swap3A_905], %swap3A_908 {strides = array<i32>} : memref<128x128xf32, #tpu.memory_space<vmem>>, vector<1x16xf32>,
    %swap3A_909 = arith.constant 10 : i32
    %swap3A_910 = arith.index_cast %swap3A_909 : i32 to index
    %swap3A_911 = arith.constant 16 : index
    %swap3A_912 = tpu.vector_load %arg6[%swap3A_910, %swap3A_911] {strides = array<i32>} : memref<128x128xf32, #tpu.memory_space<vmem>>, vector<1x16xf32>,
    %swap3A_913 = vector.shape_cast %swap3A_912 : vector<1x16xf32> to vector<16xf32>
    %swap3A_914 = vector.shape_cast %broadcast_in_dim3A_423 : vector<16xf32> to vector<1x16xf32>
    tpu.vector_store %arg6[%swap3A_910, %swap3A_911], %swap3A_914 {strides = array<i32>} : memref<128x128xf32, #tpu.memory_space<vmem>>, vector<1x16xf32>,
    %swap3A_915 = arith.constant 10 : i32
    %swap3A_916 = arith.index_cast %swap3A_915 : i32 to index
    %swap3A_917 = arith.constant 32 : index
    %swap3A_918 = tpu.vector_load %arg6[%swap3A_916, %swap3A_917] {strides = array<i32>} : memref<128x128xf32, #tpu.memory_space<vmem>>, vector<1x16xf32>,
    %swap3A_919 = vector.shape_cast %swap3A_918 : vector<1x16xf32> to vector<16xf32>
    %swap3A_920 = vector.shape_cast %broadcast_in_dim3A_423 : vector<16xf32> to vector<1x16xf32>
    tpu.vector_store %arg6[%swap3A_916, %swap3A_917], %swap3A_920 {strides = array<i32>} : memref<128x128xf32, #tpu.memory_space<vmem>>, vector<1x16xf32>,
    %swap3A_921 = arith.constant 10 : i32
    %swap3A_922 = arith.index_cast %swap3A_921 : i32 to index
    %swap3A_923 = arith.constant 48 : index
    %swap3A_924 = tpu.vector_load %arg6[%swap3A_922, %swap3A_923] {strides = array<i32>} : memref<128x128xf32, #tpu.memory_space<vmem>>, vector<1x16xf32>,
    %swap3A_925 = vector.shape_cast %swap3A_924 : vector<1x16xf32> to vector<16xf32>
    %swap3A_926 = vector.shape_cast %broadcast_in_dim3A_423 : vector<16xf32> to vector<1x16xf32>
    tpu.vector_store %arg6[%swap3A_922, %swap3A_923], %swap3A_926 {strides = array<i32>} : memref<128x128xf32, #tpu.memory_space<vmem>>, vector<1x16xf32>,
    %swap3A_927 = arith.constant 10 : i32
    %swap3A_928 = arith.index_cast %swap3A_927 : i32 to index
    %swap3A_929 = arith.constant 64 : index
    %swap3A_930 = tpu.vector_load %arg6[%swap3A_928, %swap3A_929] {strides = array<i32>} : memref<128x128xf32, #tpu.memory_space<vmem>>, vector<1x16xf32>,
    %swap3A_931 = vector.shape_cast %swap3A_930 : vector<1x16xf32> to vector<16xf32>
    %swap3A_932 = vector.shape_cast %broadcast_in_dim3A_423 : vector<16xf32> to vector<1x16xf32>
    tpu.vector_store %arg6[%swap3A_928, %swap3A_929], %swap3A_932 {strides = array<i32>} : memref<128x128xf32, #tpu.memory_space<vmem>>, vector<1x16xf32>,
    %swap3A_933 = arith.constant 10 : i32
    %swap3A_934 = arith.index_cast %swap3A_933 : i32 to index
    %swap3A_935 = arith.constant 80 : index
    %swap3A_936 = tpu.vector_load %arg6[%swap3A_934, %swap3A_935] {strides = array<i32>} : memref<128x128xf32, #tpu.memory_space<vmem>>, vector<1x16xf32>,
    %swap3A_937 = vector.shape_cast %swap3A_936 : vector<1x16xf32> to vector<16xf32>
    %swap3A_938 = vector.shape_cast %broadcast_in_dim3A_423 : vector<16xf32> to vector<1x16xf32>
    tpu.vector_store %arg6[%swap3A_934, %swap3A_935], %swap3A_938 {strides = array<i32>} : memref<128x128xf32, #tpu.memory_space<vmem>>, vector<1x16xf32>,
    %swap3A_939 = arith.constant 10 : i32
    %swap3A_940 = arith.index_cast %swap3A_939 : i32 to index
    %swap3A_941 = arith.constant 96 : index
    %swap3A_942 = tpu.vector_load %arg6[%swap3A_940, %swap3A_941] {strides = array<i32>} : memref<128x128xf32, #tpu.memory_space<vmem>>, vector<1x16xf32>,
    %swap3A_943 = vector.shape_cast %swap3A_942 : vector<1x16xf32> to vector<16xf32>
    %swap3A_944 = vector.shape_cast %broadcast_in_dim3A_423 : vector<16xf32> to vector<1x16xf32>
    tpu.vector_store %arg6[%swap3A_940, %swap3A_941], %swap3A_944 {strides = array<i32>} : memref<128x128xf32, #tpu.memory_space<vmem>>, vector<1x16xf32>,
    %swap3A_945 = arith.constant 10 : i32
    %swap3A_946 = arith.index_cast %swap3A_945 : i32 to index
    %swap3A_947 = arith.constant 112 : index
    %swap3A_948 = tpu.vector_load %arg6[%swap3A_946, %swap3A_947] {strides = array<i32>} : memref<128x128xf32, #tpu.memory_space<vmem>>, vector<1x16xf32>,
    %swap3A_949 = vector.shape_cast %swap3A_948 : vector<1x16xf32> to vector<16xf32>
    %swap3A_950 = vector.shape_cast %broadcast_in_dim3A_423 : vector<16xf32> to vector<1x16xf32>
    tpu.vector_store %arg6[%swap3A_946, %swap3A_947], %swap3A_950 {strides = array<i32>} : memref<128x128xf32, #tpu.memory_space<vmem>>, vector<1x16xf32>,
    %swap3A_951 = arith.constant 11 : i32
    %swap3A_952 = arith.index_cast %swap3A_951 : i32 to index
    %swap3A_953 = arith.constant 0 : index
    %swap3A_954 = tpu.vector_load %arg6[%swap3A_952, %swap3A_953] {strides = array<i32>} : memref<128x128xf32, #tpu.memory_space<vmem>>, vector<1x16xf32>,
    %swap3A_955 = vector.shape_cast %swap3A_954 : vector<1x16xf32> to vector<16xf32>
    %swap3A_956 = vector.shape_cast %broadcast_in_dim3A_423 : vector<16xf32> to vector<1x16xf32>
    tpu.vector_store %arg6[%swap3A_952, %swap3A_953], %swap3A_956 {strides = array<i32>} : memref<128x128xf32, #tpu.memory_space<vmem>>, vector<1x16xf32>,
    %swap3A_957 = arith.constant 11 : i32
    %swap3A_958 = arith.index_cast %swap3A_957 : i32 to index
    %swap3A_959 = arith.constant 16 : index
    %swap3A_960 = tpu.vector_load %arg6[%swap3A_958, %swap3A_959] {strides = array<i32>} : memref<128x128xf32, #tpu.memory_space<vmem>>, vector<1x16xf32>,
    %swap3A_961 = vector.shape_cast %swap3A_960 : vector<1x16xf32> to vector<16xf32>
    %swap3A_962 = vector.shape_cast %broadcast_in_dim3A_423 : vector<16xf32> to vector<1x16xf32>
    tpu.vector_store %arg6[%swap3A_958, %swap3A_959], %swap3A_962 {strides = array<i32>} : memref<128x128xf32, #tpu.memory_space<vmem>>, vector<1x16xf32>,
    %swap3A_963 = arith.constant 11 : i32
    %swap3A_964 = arith.index_cast %swap3A_963 : i32 to index
    %swap3A_965 = arith.constant 32 : index
    %swap3A_966 = tpu.vector_load %arg6[%swap3A_964, %swap3A_965] {strides = array<i32>} : memref<128x128xf32, #tpu.memory_space<vmem>>, vector<1x16xf32>,
    %swap3A_967 = vector.shape_cast %swap3A_966 : vector<1x16xf32> to vector<16xf32>
    %swap3A_968 = vector.shape_cast %broadcast_in_dim3A_423 : vector<16xf32> to vector<1x16xf32>
    tpu.vector_store %arg6[%swap3A_964, %swap3A_965], %swap3A_968 {strides = array<i32>} : memref<128x128xf32, #tpu.memory_space<vmem>>, vector<1x16xf32>,
    %swap3A_969 = arith.constant 11 : i32
    %swap3A_970 = arith.index_cast %swap3A_969 : i32 to index
    %swap3A_971 = arith.constant 48 : index
    %swap3A_972 = tpu.vector_load %arg6[%swap3A_970, %swap3A_971] {strides = array<i32>} : memref<128x128xf32, #tpu.memory_space<vmem>>, vector<1x16xf32>,
    %swap3A_973 = vector.shape_cast %swap3A_972 : vector<1x16xf32> to vector<16xf32>
    %swap3A_974 = vector.shape_cast %broadcast_in_dim3A_423 : vector<16xf32> to vector<1x16xf32>
    tpu.vector_store %arg6[%swap3A_970, %swap3A_971], %swap3A_974 {strides = array<i32>} : memref<128x128xf32, #tpu.memory_space<vmem>>, vector<1x16xf32>,
    %swap3A_975 = arith.constant 11 : i32
    %swap3A_976 = arith.index_cast %swap3A_975 : i32 to index
    %swap3A_977 = arith.constant 64 : index
    %swap3A_978 = tpu.vector_load %arg6[%swap3A_976, %swap3A_977] {strides = array<i32>} : memref<128x128xf32, #tpu.memory_space<vmem>>, vector<1x16xf32>,
    %swap3A_979 = vector.shape_cast %swap3A_978 : vector<1x16xf32> to vector<16xf32>
    %swap3A_980 = vector.shape_cast %broadcast_in_dim3A_423 : vector<16xf32> to vector<1x16xf32>
    tpu.vector_store %arg6[%swap3A_976, %swap3A_977], %swap3A_980 {strides = array<i32>} : memref<128x128xf32, #tpu.memory_space<vmem>>, vector<1x16xf32>,
    %swap3A_981 = arith.constant 11 : i32
    %swap3A_982 = arith.index_cast %swap3A_981 : i32 to index
    %swap3A_983 = arith.constant 80 : index
    %swap3A_984 = tpu.vector_load %arg6[%swap3A_982, %swap3A_983] {strides = array<i32>} : memref<128x128xf32, #tpu.memory_space<vmem>>, vector<1x16xf32>,
    %swap3A_985 = vector.shape_cast %swap3A_984 : vector<1x16xf32> to vector<16xf32>
    %swap3A_986 = vector.shape_cast %broadcast_in_dim3A_423 : vector<16xf32> to vector<1x16xf32>
    tpu.vector_store %arg6[%swap3A_982, %swap3A_983], %swap3A_986 {strides = array<i32>} : memref<128x128xf32, #tpu.memory_space<vmem>>, vector<1x16xf32>,
    %swap3A_987 = arith.constant 11 : i32
    %swap3A_988 = arith.index_cast %swap3A_987 : i32 to index
    %swap3A_989 = arith.constant 96 : index
    %swap3A_990 = tpu.vector_load %arg6[%swap3A_988, %swap3A_989] {strides = array<i32>} : memref<128x128xf32, #tpu.memory_space<vmem>>, vector<1x16xf32>,
    %swap3A_991 = vector.shape_cast %swap3A_990 : vector<1x16xf32> to vector<16xf32>
    %swap3A_992 = vector.shape_cast %broadcast_in_dim3A_423 : vector<16xf32> to vector<1x16xf32>
    tpu.vector_store %arg6[%swap3A_988, %swap3A_989], %swap3A_992 {strides = array<i32>} : memref<128x128xf32, #tpu.memory_space<vmem>>, vector<1x16xf32>,
    %swap3A_993 = arith.constant 11 : i32
    %swap3A_994 = arith.index_cast %swap3A_993 : i32 to index
    %swap3A_995 = arith.constant 112 : index
    %swap3A_996 = tpu.vector_load %arg6[%swap3A_994, %swap3A_995] {strides = array<i32>} : memref<128x128xf32, #tpu.memory_space<vmem>>, vector<1x16xf32>,
    %swap3A_997 = vector.shape_cast %swap3A_996 : vector<1x16xf32> to vector<16xf32>
    %swap3A_998 = vector.shape_cast %broadcast_in_dim3A_423 : vector<16xf32> to vector<1x16xf32>
    tpu.vector_store %arg6[%swap3A_994, %swap3A_995], %swap3A_998 {strides = array<i32>} : memref<128x128xf32, #tpu.memory_space<vmem>>, vector<1x16xf32>,
    %swap3A_999 = arith.constant 12 : i32
    %swap3A_1000 = arith.index_cast %swap3A_999 : i32 to index
    %swap3A_1001 = arith.constant 0 : index
    %swap3A_1002 = tpu.vector_load %arg6[%swap3A_1000, %swap3A_1001] {strides = array<i32>} : memref<128x128xf32, #tpu.memory_space<vmem>>, vector<1x16xf32>,
    %swap3A_1003 = vector.shape_cast %swap3A_1002 : vector<1x16xf32> to vector<16xf32>
    %swap3A_1004 = vector.shape_cast %broadcast_in_dim3A_423 : vector<16xf32> to vector<1x16xf32>
    tpu.vector_store %arg6[%swap3A_1000, %swap3A_1001], %swap3A_1004 {strides = array<i32>} : memref<128x128xf32, #tpu.memory_space<vmem>>, vector<1x16xf32>,
    %swap3A_1005 = arith.constant 12 : i32
    %swap3A_1006 = arith.index_cast %swap3A_1005 : i32 to index
    %swap3A_1007 = arith.constant 16 : index
    %swap3A_1008 = tpu.vector_load %arg6[%swap3A_1006, %swap3A_1007] {strides = array<i32>} : memref<128x128xf32, #tpu.memory_space<vmem>>, vector<1x16xf32>,
    %swap3A_1009 = vector.shape_cast %swap3A_1008 : vector<1x16xf32> to vector<16xf32>
    %swap3A_1010 = vector.shape_cast %broadcast_in_dim3A_423 : vector<16xf32> to vector<1x16xf32>
    tpu.vector_store %arg6[%swap3A_1006, %swap3A_1007], %swap3A_1010 {strides = array<i32>} : memref<128x128xf32, #tpu.memory_space<vmem>>, vector<1x16xf32>,
    %swap3A_1011 = arith.constant 12 : i32
    %swap3A_1012 = arith.index_cast %swap3A_1011 : i32 to index
    %swap3A_1013 = arith.constant 32 : index
    %swap3A_1014 = tpu.vector_load %arg6[%swap3A_1012, %swap3A_1013] {strides = array<i32>} : memref<128x128xf32, #tpu.memory_space<vmem>>, vector<1x16xf32>,
    %swap3A_1015 = vector.shape_cast %swap3A_1014 : vector<1x16xf32> to vector<16xf32>
    %swap3A_1016 = vector.shape_cast %broadcast_in_dim3A_423 : vector<16xf32> to vector<1x16xf32>
    tpu.vector_store %arg6[%swap3A_1012, %swap3A_1013], %swap3A_1016 {strides = array<i32>} : memref<128x128xf32, #tpu.memory_space<vmem>>, vector<1x16xf32>,
    %swap3A_1017 = arith.constant 12 : i32
    %swap3A_1018 = arith.index_cast %swap3A_1017 : i32 to index
    %swap3A_1019 = arith.constant 48 : index
    %swap3A_1020 = tpu.vector_load %arg6[%swap3A_1018, %swap3A_1019] {strides = array<i32>} : memref<128x128xf32, #tpu.memory_space<vmem>>, vector<1x16xf32>,
    %swap3A_1021 = vector.shape_cast %swap3A_1020 : vector<1x16xf32> to vector<16xf32>
    %swap3A_1022 = vector.shape_cast %broadcast_in_dim3A_423 : vector<16xf32> to vector<1x16xf32>
    tpu.vector_store %arg6[%swap3A_1018, %swap3A_1019], %swap3A_1022 {strides = array<i32>} : memref<128x128xf32, #tpu.memory_space<vmem>>, vector<1x16xf32>,
    %swap3A_1023 = arith.constant 12 : i32
    %swap3A_1024 = arith.index_cast %swap3A_1023 : i32 to index
    %swap3A_1025 = arith.constant 64 : index
    %swap3A_1026 = tpu.vector_load %arg6[%swap3A_1024, %swap3A_1025] {strides = array<i32>} : memref<128x128xf32, #tpu.memory_space<vmem>>, vector<1x16xf32>,
    %swap3A_1027 = vector.shape_cast %swap3A_1026 : vector<1x16xf32> to vector<16xf32>
    %swap3A_1028 = vector.shape_cast %broadcast_in_dim3A_423 : vector<16xf32> to vector<1x16xf32>
    tpu.vector_store %arg6[%swap3A_1024, %swap3A_1025], %swap3A_1028 {strides = array<i32>} : memref<128x128xf32, #tpu.memory_space<vmem>>, vector<1x16xf32>,
    %swap3A_1029 = arith.constant 12 : i32
    %swap3A_1030 = arith.index_cast %swap3A_1029 : i32 to index
    %swap3A_1031 = arith.constant 80 : index
    %swap3A_1032 = tpu.vector_load %arg6[%swap3A_1030, %swap3A_1031] {strides = array<i32>} : memref<128x128xf32, #tpu.memory_space<vmem>>, vector<1x16xf32>,
    %swap3A_1033 = vector.shape_cast %swap3A_1032 : vector<1x16xf32> to vector<16xf32>
    %swap3A_1034 = vector.shape_cast %broadcast_in_dim3A_423 : vector<16xf32> to vector<1x16xf32>
    tpu.vector_store %arg6[%swap3A_1030, %swap3A_1031], %swap3A_1034 {strides = array<i32>} : memref<128x128xf32, #tpu.memory_space<vmem>>, vector<1x16xf32>,
    %swap3A_1035 = arith.constant 12 : i32
    %swap3A_1036 = arith.index_cast %swap3A_1035 : i32 to index
    %swap3A_1037 = arith.constant 96 : index
    %swap3A_1038 = tpu.vector_load %arg6[%swap3A_1036, %swap3A_1037] {strides = array<i32>} : memref<128x128xf32, #tpu.memory_space<vmem>>, vector<1x16xf32>,
    %swap3A_1039 = vector.shape_cast %swap3A_1038 : vector<1x16xf32> to vector<16xf32>
    %swap3A_1040 = vector.shape_cast %broadcast_in_dim3A_423 : vector<16xf32> to vector<1x16xf32>
    tpu.vector_store %arg6[%swap3A_1036, %swap3A_1037], %swap3A_1040 {strides = array<i32>} : memref<128x128xf32, #tpu.memory_space<vmem>>, vector<1x16xf32>,
    %swap3A_1041 = arith.constant 12 : i32
    %swap3A_1042 = arith.index_cast %swap3A_1041 : i32 to index
    %swap3A_1043 = arith.constant 112 : index
    %swap3A_1044 = tpu.vector_load %arg6[%swap3A_1042, %swap3A_1043] {strides = array<i32>} : memref<128x128xf32, #tpu.memory_space<vmem>>, vector<1x16xf32>,
    %swap3A_1045 = vector.shape_cast %swap3A_1044 : vector<1x16xf32> to vector<16xf32>
    %swap3A_1046 = vector.shape_cast %broadcast_in_dim3A_423 : vector<16xf32> to vector<1x16xf32>
    tpu.vector_store %arg6[%swap3A_1042, %swap3A_1043], %swap3A_1046 {strides = array<i32>} : memref<128x128xf32, #tpu.memory_space<vmem>>, vector<1x16xf32>,
    %swap3A_1047 = arith.constant 13 : i32
    %swap3A_1048 = arith.index_cast %swap3A_1047 : i32 to index
    %swap3A_1049 = arith.constant 0 : index
    %swap3A_1050 = tpu.vector_load %arg6[%swap3A_1048, %swap3A_1049] {strides = array<i32>} : memref<128x128xf32, #tpu.memory_space<vmem>>, vector<1x16xf32>,
    %swap3A_1051 = vector.shape_cast %swap3A_1050 : vector<1x16xf32> to vector<16xf32>
    %swap3A_1052 = vector.shape_cast %broadcast_in_dim3A_423 : vector<16xf32> to vector<1x16xf32>
    tpu.vector_store %arg6[%swap3A_1048, %swap3A_1049], %swap3A_1052 {strides = array<i32>} : memref<128x128xf32, #tpu.memory_space<vmem>>, vector<1x16xf32>,
    %swap3A_1053 = arith.constant 13 : i32
    %swap3A_1054 = arith.index_cast %swap3A_1053 : i32 to index
    %swap3A_1055 = arith.constant 16 : index
    %swap3A_1056 = tpu.vector_load %arg6[%swap3A_1054, %swap3A_1055] {strides = array<i32>} : memref<128x128xf32, #tpu.memory_space<vmem>>, vector<1x16xf32>,
    %swap3A_1057 = vector.shape_cast %swap3A_1056 : vector<1x16xf32> to vector<16xf32>
    %swap3A_1058 = vector.shape_cast %broadcast_in_dim3A_423 : vector<16xf32> to vector<1x16xf32>
    tpu.vector_store %arg6[%swap3A_1054, %swap3A_1055], %swap3A_1058 {strides = array<i32>} : memref<128x128xf32, #tpu.memory_space<vmem>>, vector<1x16xf32>,
    %swap3A_1059 = arith.constant 13 : i32
    %swap3A_1060 = arith.index_cast %swap3A_1059 : i32 to index
    %swap3A_1061 = arith.constant 32 : index
    %swap3A_1062 = tpu.vector_load %arg6[%swap3A_1060, %swap3A_1061] {strides = array<i32>} : memref<128x128xf32, #tpu.memory_space<vmem>>, vector<1x16xf32>,
    %swap3A_1063 = vector.shape_cast %swap3A_1062 : vector<1x16xf32> to vector<16xf32>
    %swap3A_1064 = vector.shape_cast %broadcast_in_dim3A_423 : vector<16xf32> to vector<1x16xf32>
    tpu.vector_store %arg6[%swap3A_1060, %swap3A_1061], %swap3A_1064 {strides = array<i32>} : memref<128x128xf32, #tpu.memory_space<vmem>>, vector<1x16xf32>,
    %swap3A_1065 = arith.constant 13 : i32
    %swap3A_1066 = arith.index_cast %swap3A_1065 : i32 to index
    %swap3A_1067 = arith.constant 48 : index
    %swap3A_1068 = tpu.vector_load %arg6[%swap3A_1066, %swap3A_1067] {strides = array<i32>} : memref<128x128xf32, #tpu.memory_space<vmem>>, vector<1x16xf32>,
    %swap3A_1069 = vector.shape_cast %swap3A_1068 : vector<1x16xf32> to vector<16xf32>
    %swap3A_1070 = vector.shape_cast %broadcast_in_dim3A_423 : vector<16xf32> to vector<1x16xf32>
    tpu.vector_store %arg6[%swap3A_1066, %swap3A_1067], %swap3A_1070 {strides = array<i32>} : memref<128x128xf32, #tpu.memory_space<vmem>>, vector<1x16xf32>,
    %swap3A_1071 = arith.constant 13 : i32
    %swap3A_1072 = arith.index_cast %swap3A_1071 : i32 to index
    %swap3A_1073 = arith.constant 64 : index
    %swap3A_1074 = tpu.vector_load %arg6[%swap3A_1072, %swap3A_1073] {strides = array<i32>} : memref<128x128xf32, #tpu.memory_space<vmem>>, vector<1x16xf32>,
    %swap3A_1075 = vector.shape_cast %swap3A_1074 : vector<1x16xf32> to vector<16xf32>
    %swap3A_1076 = vector.shape_cast %broadcast_in_dim3A_423 : vector<16xf32> to vector<1x16xf32>
    tpu.vector_store %arg6[%swap3A_1072, %swap3A_1073], %swap3A_1076 {strides = array<i32>} : memref<128x128xf32, #tpu.memory_space<vmem>>, vector<1x16xf32>,
    %swap3A_1077 = arith.constant 13 : i32
    %swap3A_1078 = arith.index_cast %swap3A_1077 : i32 to index
    %swap3A_1079 = arith.constant 80 : index
    %swap3A_1080 = tpu.vector_load %arg6[%swap3A_1078, %swap3A_1079] {strides = array<i32>} : memref<128x128xf32, #tpu.memory_space<vmem>>, vector<1x16xf32>,
    %swap3A_1081 = vector.shape_cast %swap3A_1080 : vector<1x16xf32> to vector<16xf32>
    %swap3A_1082 = vector.shape_cast %broadcast_in_dim3A_423 : vector<16xf32> to vector<1x16xf32>
    tpu.vector_store %arg6[%swap3A_1078, %swap3A_1079], %swap3A_1082 {strides = array<i32>} : memref<128x128xf32, #tpu.memory_space<vmem>>, vector<1x16xf32>,
    %swap3A_1083 = arith.constant 13 : i32
    %swap3A_1084 = arith.index_cast %swap3A_1083 : i32 to index
    %swap3A_1085 = arith.constant 96 : index
    %swap3A_1086 = tpu.vector_load %arg6[%swap3A_1084, %swap3A_1085] {strides = array<i32>} : memref<128x128xf32, #tpu.memory_space<vmem>>, vector<1x16xf32>,
    %swap3A_1087 = vector.shape_cast %swap3A_1086 : vector<1x16xf32> to vector<16xf32>
    %swap3A_1088 = vector.shape_cast %broadcast_in_dim3A_423 : vector<16xf32> to vector<1x16xf32>
    tpu.vector_store %arg6[%swap3A_1084, %swap3A_1085], %swap3A_1088 {strides = array<i32>} : memref<128x128xf32, #tpu.memory_space<vmem>>, vector<1x16xf32>,
    %swap3A_1089 = arith.constant 13 : i32
    %swap3A_1090 = arith.index_cast %swap3A_1089 : i32 to index
    %swap3A_1091 = arith.constant 112 : index
    %swap3A_1092 = tpu.vector_load %arg6[%swap3A_1090, %swap3A_1091] {strides = array<i32>} : memref<128x128xf32, #tpu.memory_space<vmem>>, vector<1x16xf32>,
    %swap3A_1093 = vector.shape_cast %swap3A_1092 : vector<1x16xf32> to vector<16xf32>
    %swap3A_1094 = vector.shape_cast %broadcast_in_dim3A_423 : vector<16xf32> to vector<1x16xf32>
    tpu.vector_store %arg6[%swap3A_1090, %swap3A_1091], %swap3A_1094 {strides = array<i32>} : memref<128x128xf32, #tpu.memory_space<vmem>>, vector<1x16xf32>,
    %swap3A_1095 = arith.constant 14 : i32
    %swap3A_1096 = arith.index_cast %swap3A_1095 : i32 to index
    %swap3A_1097 = arith.constant 0 : index
    %swap3A_1098 = tpu.vector_load %arg6[%swap3A_1096, %swap3A_1097] {strides = array<i32>} : memref<128x128xf32, #tpu.memory_space<vmem>>, vector<1x16xf32>,
    %swap3A_1099 = vector.shape_cast %swap3A_1098 : vector<1x16xf32> to vector<16xf32>
    %swap3A_1100 = vector.shape_cast %broadcast_in_dim3A_423 : vector<16xf32> to vector<1x16xf32>
    tpu.vector_store %arg6[%swap3A_1096, %swap3A_1097], %swap3A_1100 {strides = array<i32>} : memref<128x128xf32, #tpu.memory_space<vmem>>, vector<1x16xf32>,
    %swap3A_1101 = arith.constant 14 : i32
    %swap3A_1102 = arith.index_cast %swap3A_1101 : i32 to index
    %swap3A_1103 = arith.constant 16 : index
    %swap3A_1104 = tpu.vector_load %arg6[%swap3A_1102, %swap3A_1103] {strides = array<i32>} : memref<128x128xf32, #tpu.memory_space<vmem>>, vector<1x16xf32>,
    %swap3A_1105 = vector.shape_cast %swap3A_1104 : vector<1x16xf32> to vector<16xf32>
    %swap3A_1106 = vector.shape_cast %broadcast_in_dim3A_423 : vector<16xf32> to vector<1x16xf32>
    tpu.vector_store %arg6[%swap3A_1102, %swap3A_1103], %swap3A_1106 {strides = array<i32>} : memref<128x128xf32, #tpu.memory_space<vmem>>, vector<1x16xf32>,
    %swap3A_1107 = arith.constant 14 : i32
    %swap3A_1108 = arith.index_cast %swap3A_1107 : i32 to index
    %swap3A_1109 = arith.constant 32 : index
    %swap3A_1110 = tpu.vector_load %arg6[%swap3A_1108, %swap3A_1109] {strides = array<i32>} : memref<128x128xf32, #tpu.memory_space<vmem>>, vector<1x16xf32>,
    %swap3A_1111 = vector.shape_cast %swap3A_1110 : vector<1x16xf32> to vector<16xf32>
    %swap3A_1112 = vector.shape_cast %broadcast_in_dim3A_423 : vector<16xf32> to vector<1x16xf32>
    tpu.vector_store %arg6[%swap3A_1108, %swap3A_1109], %swap3A_1112 {strides = array<i32>} : memref<128x128xf32, #tpu.memory_space<vmem>>, vector<1x16xf32>,
    %swap3A_1113 = arith.constant 14 : i32
    %swap3A_1114 = arith.index_cast %swap3A_1113 : i32 to index
    %swap3A_1115 = arith.constant 48 : index
    %swap3A_1116 = tpu.vector_load %arg6[%swap3A_1114, %swap3A_1115] {strides = array<i32>} : memref<128x128xf32, #tpu.memory_space<vmem>>, vector<1x16xf32>,
    %swap3A_1117 = vector.shape_cast %swap3A_1116 : vector<1x16xf32> to vector<16xf32>
    %swap3A_1118 = vector.shape_cast %broadcast_in_dim3A_423 : vector<16xf32> to vector<1x16xf32>
    tpu.vector_store %arg6[%swap3A_1114, %swap3A_1115], %swap3A_1118 {strides = array<i32>} : memref<128x128xf32, #tpu.memory_space<vmem>>, vector<1x16xf32>,
    %swap3A_1119 = arith.constant 14 : i32
    %swap3A_1120 = arith.index_cast %swap3A_1119 : i32 to index
    %swap3A_1121 = arith.constant 64 : index
    %swap3A_1122 = tpu.vector_load %arg6[%swap3A_1120, %swap3A_1121] {strides = array<i32>} : memref<128x128xf32, #tpu.memory_space<vmem>>, vector<1x16xf32>,
    %swap3A_1123 = vector.shape_cast %swap3A_1122 : vector<1x16xf32> to vector<16xf32>
    %swap3A_1124 = vector.shape_cast %broadcast_in_dim3A_423 : vector<16xf32> to vector<1x16xf32>
    tpu.vector_store %arg6[%swap3A_1120, %swap3A_1121], %swap3A_1124 {strides = array<i32>} : memref<128x128xf32, #tpu.memory_space<vmem>>, vector<1x16xf32>,
    %swap3A_1125 = arith.constant 14 : i32
    %swap3A_1126 = arith.index_cast %swap3A_1125 : i32 to index
    %swap3A_1127 = arith.constant 80 : index
    %swap3A_1128 = tpu.vector_load %arg6[%swap3A_1126, %swap3A_1127] {strides = array<i32>} : memref<128x128xf32, #tpu.memory_space<vmem>>, vector<1x16xf32>,
    %swap3A_1129 = vector.shape_cast %swap3A_1128 : vector<1x16xf32> to vector<16xf32>
    %swap3A_1130 = vector.shape_cast %broadcast_in_dim3A_423 : vector<16xf32> to vector<1x16xf32>
    tpu.vector_store %arg6[%swap3A_1126, %swap3A_1127], %swap3A_1130 {strides = array<i32>} : memref<128x128xf32, #tpu.memory_space<vmem>>, vector<1x16xf32>,
    %swap3A_1131 = arith.constant 14 : i32
    %swap3A_1132 = arith.index_cast %swap3A_1131 : i32 to index
    %swap3A_1133 = arith.constant 96 : index
    %swap3A_1134 = tpu.vector_load %arg6[%swap3A_1132, %swap3A_1133] {strides = array<i32>} : memref<128x128xf32, #tpu.memory_space<vmem>>, vector<1x16xf32>,
    %swap3A_1135 = vector.shape_cast %swap3A_1134 : vector<1x16xf32> to vector<16xf32>
    %swap3A_1136 = vector.shape_cast %broadcast_in_dim3A_423 : vector<16xf32> to vector<1x16xf32>
    tpu.vector_store %arg6[%swap3A_1132, %swap3A_1133], %swap3A_1136 {strides = array<i32>} : memref<128x128xf32, #tpu.memory_space<vmem>>, vector<1x16xf32>,
    %swap3A_1137 = arith.constant 14 : i32
    %swap3A_1138 = arith.index_cast %swap3A_1137 : i32 to index
    %swap3A_1139 = arith.constant 112 : index
    %swap3A_1140 = tpu.vector_load %arg6[%swap3A_1138, %swap3A_1139] {strides = array<i32>} : memref<128x128xf32, #tpu.memory_space<vmem>>, vector<1x16xf32>,
    %swap3A_1141 = vector.shape_cast %swap3A_1140 : vector<1x16xf32> to vector<16xf32>
    %swap3A_1142 = vector.shape_cast %broadcast_in_dim3A_423 : vector<16xf32> to vector<1x16xf32>
    tpu.vector_store %arg6[%swap3A_1138, %swap3A_1139], %swap3A_1142 {strides = array<i32>} : memref<128x128xf32, #tpu.memory_space<vmem>>, vector<1x16xf32>,
    %swap3A_1143 = arith.constant 15 : i32
    %swap3A_1144 = arith.index_cast %swap3A_1143 : i32 to index
    %swap3A_1145 = arith.constant 0 : index
    %swap3A_1146 = tpu.vector_load %arg6[%swap3A_1144, %swap3A_1145] {strides = array<i32>} : memref<128x128xf32, #tpu.memory_space<vmem>>, vector<1x16xf32>,
    %swap3A_1147 = vector.shape_cast %swap3A_1146 : vector<1x16xf32> to vector<16xf32>
    %swap3A_1148 = vector.shape_cast %broadcast_in_dim3A_423 : vector<16xf32> to vector<1x16xf32>
    tpu.vector_store %arg6[%swap3A_1144, %swap3A_1145], %swap3A_1148 {strides = array<i32>} : memref<128x128xf32, #tpu.memory_space<vmem>>, vector<1x16xf32>,
    %swap3A_1149 = arith.constant 15 : i32
    %swap3A_1150 = arith.index_cast %swap3A_1149 : i32 to index
    %swap3A_1151 = arith.constant 16 : index
    %swap3A_1152 = tpu.vector_load %arg6[%swap3A_1150, %swap3A_1151] {strides = array<i32>} : memref<128x128xf32, #tpu.memory_space<vmem>>, vector<1x16xf32>,
    %swap3A_1153 = vector.shape_cast %swap3A_1152 : vector<1x16xf32> to vector<16xf32>
    %swap3A_1154 = vector.shape_cast %broadcast_in_dim3A_423 : vector<16xf32> to vector<1x16xf32>
    tpu.vector_store %arg6[%swap3A_1150, %swap3A_1151], %swap3A_1154 {strides = array<i32>} : memref<128x128xf32, #tpu.memory_space<vmem>>, vector<1x16xf32>,
    %swap3A_1155 = arith.constant 15 : i32
    %swap3A_1156 = arith.index_cast %swap3A_1155 : i32 to index
    %swap3A_1157 = arith.constant 32 : index
    %swap3A_1158 = tpu.vector_load %arg6[%swap3A_1156, %swap3A_1157] {strides = array<i32>} : memref<128x128xf32, #tpu.memory_space<vmem>>, vector<1x16xf32>,
    %swap3A_1159 = vector.shape_cast %swap3A_1158 : vector<1x16xf32> to vector<16xf32>
    %swap3A_1160 = vector.shape_cast %broadcast_in_dim3A_423 : vector<16xf32> to vector<1x16xf32>
    tpu.vector_store %arg6[%swap3A_1156, %swap3A_1157], %swap3A_1160 {strides = array<i32>} : memref<128x128xf32, #tpu.memory_space<vmem>>, vector<1x16xf32>,
    %swap3A_1161 = arith.constant 15 : i32
    %swap3A_1162 = arith.index_cast %swap3A_1161 : i32 to index
    %swap3A_1163 = arith.constant 48 : index
    %swap3A_1164 = tpu.vector_load %arg6[%swap3A_1162, %swap3A_1163] {strides = array<i32>} : memref<128x128xf32, #tpu.memory_space<vmem>>, vector<1x16xf32>,
    %swap3A_1165 = vector.shape_cast %swap3A_1164 : vector<1x16xf32> to vector<16xf32>
    %swap3A_1166 = vector.shape_cast %broadcast_in_dim3A_423 : vector<16xf32> to vector<1x16xf32>
    tpu.vector_store %arg6[%swap3A_1162, %swap3A_1163], %swap3A_1166 {strides = array<i32>} : memref<128x128xf32, #tpu.memory_space<vmem>>, vector<1x16xf32>,
    %swap3A_1167 = arith.constant 15 : i32
    %swap3A_1168 = arith.index_cast %swap3A_1167 : i32 to index
    %swap3A_1169 = arith.constant 64 : index
    %swap3A_1170 = tpu.vector_load %arg6[%swap3A_1168, %swap3A_1169] {strides = array<i32>} : memref<128x128xf32, #tpu.memory_space<vmem>>, vector<1x16xf32>,
    %swap3A_1171 = vector.shape_cast %swap3A_1170 : vector<1x16xf32> to vector<16xf32>
    %swap3A_1172 = vector.shape_cast %broadcast_in_dim3A_423 : vector<16xf32> to vector<1x16xf32>
    tpu.vector_store %arg6[%swap3A_1168, %swap3A_1169], %swap3A_1172 {strides = array<i32>} : memref<128x128xf32, #tpu.memory_space<vmem>>, vector<1x16xf32>,
    %swap3A_1173 = arith.constant 15 : i32
    %swap3A_1174 = arith.index_cast %swap3A_1173 : i32 to index
    %swap3A_1175 = arith.constant 80 : index
    %swap3A_1176 = tpu.vector_load %arg6[%swap3A_1174, %swap3A_1175] {strides = array<i32>} : memref<128x128xf32, #tpu.memory_space<vmem>>, vector<1x16xf32>,
    %swap3A_1177 = vector.shape_cast %swap3A_1176 : vector<1x16xf32> to vector<16xf32>
    %swap3A_1178 = vector.shape_cast %broadcast_in_dim3A_423 : vector<16xf32> to vector<1x16xf32>
    tpu.vector_store %arg6[%swap3A_1174, %swap3A_1175], %swap3A_1178 {strides = array<i32>} : memref<128x128xf32, #tpu.memory_space<vmem>>, vector<1x16xf32>,
    %swap3A_1179 = arith.constant 15 : i32
    %swap3A_1180 = arith.index_cast %swap3A_1179 : i32 to index
    %swap3A_1181 = arith.constant 96 : index
    %swap3A_1182 = tpu.vector_load %arg6[%swap3A_1180, %swap3A_1181] {strides = array<i32>} : memref<128x128xf32, #tpu.memory_space<vmem>>, vector<1x16xf32>,
    %swap3A_1183 = vector.shape_cast %swap3A_1182 : vector<1x16xf32> to vector<16xf32>
    %swap3A_1184 = vector.shape_cast %broadcast_in_dim3A_423 : vector<16xf32> to vector<1x16xf32>
    tpu.vector_store %arg6[%swap3A_1180, %swap3A_1181], %swap3A_1184 {strides = array<i32>} : memref<128x128xf32, #tpu.memory_space<vmem>>, vector<1x16xf32>,
    %swap3A_1185 = arith.constant 15 : i32
    %swap3A_1186 = arith.index_cast %swap3A_1185 : i32 to index
    %swap3A_1187 = arith.constant 112 : index
    %swap3A_1188 = tpu.vector_load %arg6[%swap3A_1186, %swap3A_1187] {strides = array<i32>} : memref<128x128xf32, #tpu.memory_space<vmem>>, vector<1x16xf32>,
    %swap3A_1189 = vector.shape_cast %swap3A_1188 : vector<1x16xf32> to vector<16xf32>
    %swap3A_1190 = vector.shape_cast %broadcast_in_dim3A_423 : vector<16xf32> to vector<1x16xf32>
    tpu.vector_store %arg6[%swap3A_1186, %swap3A_1187], %swap3A_1190 {strides = array<i32>} : memref<128x128xf32, #tpu.memory_space<vmem>>, vector<1x16xf32>,
    %swap3A_1191 = arith.constant 16 : i32
    %swap3A_1192 = arith.index_cast %swap3A_1191 : i32 to index
    %swap3A_1193 = arith.constant 0 : index
    %swap3A_1194 = tpu.vector_load %arg6[%swap3A_1192, %swap3A_1193] {strides = array<i32>} : memref<128x128xf32, #tpu.memory_space<vmem>>, vector<1x16xf32>,
    %swap3A_1195 = vector.shape_cast %swap3A_1194 : vector<1x16xf32> to vector<16xf32>
    %swap3A_1196 = vector.shape_cast %broadcast_in_dim3A_423 : vector<16xf32> to vector<1x16xf32>
    tpu.vector_store %arg6[%swap3A_1192, %swap3A_1193], %swap3A_1196 {strides = array<i32>} : memref<128x128xf32, #tpu.memory_space<vmem>>, vector<1x16xf32>,
    %swap3A_1197 = arith.constant 16 : i32
    %swap3A_1198 = arith.index_cast %swap3A_1197 : i32 to index
    %swap3A_1199 = arith.constant 16 : index
    %swap3A_1200 = tpu.vector_load %arg6[%swap3A_1198, %swap3A_1199] {strides = array<i32>} : memref<128x128xf32, #tpu.memory_space<vmem>>, vector<1x16xf32>,
    %swap3A_1201 = vector.shape_cast %swap3A_1200 : vector<1x16xf32> to vector<16xf32>
    %swap3A_1202 = vector.shape_cast %broadcast_in_dim3A_423 : vector<16xf32> to vector<1x16xf32>
    tpu.vector_store %arg6[%swap3A_1198, %swap3A_1199], %swap3A_1202 {strides = array<i32>} : memref<128x128xf32, #tpu.memory_space<vmem>>, vector<1x16xf32>,
    %swap3A_1203 = arith.constant 16 : i32
    %swap3A_1204 = arith.index_cast %swap3A_1203 : i32 to index
    %swap3A_1205 = arith.constant 32 : index
    %swap3A_1206 = tpu.vector_load %arg6[%swap3A_1204, %swap3A_1205] {strides = array<i32>} : memref<128x128xf32, #tpu.memory_space<vmem>>, vector<1x16xf32>,
    %swap3A_1207 = vector.shape_cast %swap3A_1206 : vector<1x16xf32> to vector<16xf32>
    %swap3A_1208 = vector.shape_cast %broadcast_in_dim3A_423 : vector<16xf32> to vector<1x16xf32>
    tpu.vector_store %arg6[%swap3A_1204, %swap3A_1205], %swap3A_1208 {strides = array<i32>} : memref<128x128xf32, #tpu.memory_space<vmem>>, vector<1x16xf32>,
    %swap3A_1209 = arith.constant 16 : i32
    %swap3A_1210 = arith.index_cast %swap3A_1209 : i32 to index
    %swap3A_1211 = arith.constant 48 : index
    %swap3A_1212 = tpu.vector_load %arg6[%swap3A_1210, %swap3A_1211] {strides = array<i32>} : memref<128x128xf32, #tpu.memory_space<vmem>>, vector<1x16xf32>,
    %swap3A_1213 = vector.shape_cast %swap3A_1212 : vector<1x16xf32> to vector<16xf32>
    %swap3A_1214 = vector.shape_cast %broadcast_in_dim3A_423 : vector<16xf32> to vector<1x16xf32>
    tpu.vector_store %arg6[%swap3A_1210, %swap3A_1211], %swap3A_1214 {strides = array<i32>} : memref<128x128xf32, #tpu.memory_space<vmem>>, vector<1x16xf32>,
    %swap3A_1215 = arith.constant 16 : i32
    %swap3A_1216 = arith.index_cast %swap3A_1215 : i32 to index
    %swap3A_1217 = arith.constant 64 : index
    %swap3A_1218 = tpu.vector_load %arg6[%swap3A_1216, %swap3A_1217] {strides = array<i32>} : memref<128x128xf32, #tpu.memory_space<vmem>>, vector<1x16xf32>,
    %swap3A_1219 = vector.shape_cast %swap3A_1218 : vector<1x16xf32> to vector<16xf32>
    %swap3A_1220 = vector.shape_cast %broadcast_in_dim3A_423 : vector<16xf32> to vector<1x16xf32>
    tpu.vector_store %arg6[%swap3A_1216, %swap3A_1217], %swap3A_1220 {strides = array<i32>} : memref<128x128xf32, #tpu.memory_space<vmem>>, vector<1x16xf32>,
    %swap3A_1221 = arith.constant 16 : i32
    %swap3A_1222 = arith.index_cast %swap3A_1221 : i32 to index
    %swap3A_1223 = arith.constant 80 : index
    %swap3A_1224 = tpu.vector_load %arg6[%swap3A_1222, %swap3A_1223] {strides = array<i32>} : memref<128x128xf32, #tpu.memory_space<vmem>>, vector<1x16xf32>,
    %swap3A_1225 = vector.shape_cast %swap3A_1224 : vector<1x16xf32> to vector<16xf32>
    %swap3A_1226 = vector.shape_cast %broadcast_in_dim3A_423 : vector<16xf32> to vector<1x16xf32>
    tpu.vector_store %arg6[%swap3A_1222, %swap3A_1223], %swap3A_1226 {strides = array<i32>} : memref<128x128xf32, #tpu.memory_space<vmem>>, vector<1x16xf32>,
    %swap3A_1227 = arith.constant 16 : i32
    %swap3A_1228 = arith.index_cast %swap3A_1227 : i32 to index
    %swap3A_1229 = arith.constant 96 : index
    %swap3A_1230 = tpu.vector_load %arg6[%swap3A_1228, %swap3A_1229] {strides = array<i32>} : memref<128x128xf32, #tpu.memory_space<vmem>>, vector<1x16xf32>,
    %swap3A_1231 = vector.shape_cast %swap3A_1230 : vector<1x16xf32> to vector<16xf32>
    %swap3A_1232 = vector.shape_cast %broadcast_in_dim3A_423 : vector<16xf32> to vector<1x16xf32>
    tpu.vector_store %arg6[%swap3A_1228, %swap3A_1229], %swap3A_1232 {strides = array<i32>} : memref<128x128xf32, #tpu.memory_space<vmem>>, vector<1x16xf32>,
    %swap3A_1233 = arith.constant 16 : i32
    %swap3A_1234 = arith.index_cast %swap3A_1233 : i32 to index
    %swap3A_1235 = arith.constant 112 : index
    %swap3A_1236 = tpu.vector_load %arg6[%swap3A_1234, %swap3A_1235] {strides = array<i32>} : memref<128x128xf32, #tpu.memory_space<vmem>>, vector<1x16xf32>,
    %swap3A_1237 = vector.shape_cast %swap3A_1236 : vector<1x16xf32> to vector<16xf32>
    %swap3A_1238 = vector.shape_cast %broadcast_in_dim3A_423 : vector<16xf32> to vector<1x16xf32>
    tpu.vector_store %arg6[%swap3A_1234, %swap3A_1235], %swap3A_1238 {strides = array<i32>} : memref<128x128xf32, #tpu.memory_space<vmem>>, vector<1x16xf32>,
    %swap3A_1239 = arith.constant 17 : i32
    %swap3A_1240 = arith.index_cast %swap3A_1239 : i32 to index
    %swap3A_1241 = arith.constant 0 : index
    %swap3A_1242 = tpu.vector_load %arg6[%swap3A_1240, %swap3A_1241] {strides = array<i32>} : memref<128x128xf32, #tpu.memory_space<vmem>>, vector<1x16xf32>,
    %swap3A_1243 = vector.shape_cast %swap3A_1242 : vector<1x16xf32> to vector<16xf32>
    %swap3A_1244 = vector.shape_cast %broadcast_in_dim3A_423 : vector<16xf32> to vector<1x16xf32>
    tpu.vector_store %arg6[%swap3A_1240, %swap3A_1241], %swap3A_1244 {strides = array<i32>} : memref<128x128xf32, #tpu.memory_space<vmem>>, vector<1x16xf32>,
    %swap3A_1245 = arith.constant 17 : i32
    %swap3A_1246 = arith.index_cast %swap3A_1245 : i32 to index
    %swap3A_1247 = arith.constant 16 : index
    %swap3A_1248 = tpu.vector_load %arg6[%swap3A_1246, %swap3A_1247] {strides = array<i32>} : memref<128x128xf32, #tpu.memory_space<vmem>>, vector<1x16xf32>,
    %swap3A_1249 = vector.shape_cast %swap3A_1248 : vector<1x16xf32> to vector<16xf32>
    %swap3A_1250 = vector.shape_cast %broadcast_in_dim3A_423 : vector<16xf32> to vector<1x16xf32>
    tpu.vector_store %arg6[%swap3A_1246, %swap3A_1247], %swap3A_1250 {strides = array<i32>} : memref<128x128xf32, #tpu.memory_space<vmem>>, vector<1x16xf32>,
    %swap3A_1251 = arith.constant 17 : i32
    %swap3A_1252 = arith.index_cast %swap3A_1251 : i32 to index
    %swap3A_1253 = arith.constant 32 : index
    %swap3A_1254 = tpu.vector_load %arg6[%swap3A_1252, %swap3A_1253] {strides = array<i32>} : memref<128x128xf32, #tpu.memory_space<vmem>>, vector<1x16xf32>,
    %swap3A_1255 = vector.shape_cast %swap3A_1254 : vector<1x16xf32> to vector<16xf32>
    %swap3A_1256 = vector.shape_cast %broadcast_in_dim3A_423 : vector<16xf32> to vector<1x16xf32>
    tpu.vector_store %arg6[%swap3A_1252, %swap3A_1253], %swap3A_1256 {strides = array<i32>} : memref<128x128xf32, #tpu.memory_space<vmem>>, vector<1x16xf32>,
    %swap3A_1257 = arith.constant 17 : i32
    %swap3A_1258 = arith.index_cast %swap3A_1257 : i32 to index
    %swap3A_1259 = arith.constant 48 : index
    %swap3A_1260 = tpu.vector_load %arg6[%swap3A_1258, %swap3A_1259] {strides = array<i32>} : memref<128x128xf32, #tpu.memory_space<vmem>>, vector<1x16xf32>,
    %swap3A_1261 = vector.shape_cast %swap3A_1260 : vector<1x16xf32> to vector<16xf32>
    %swap3A_1262 = vector.shape_cast %broadcast_in_dim3A_423 : vector<16xf32> to vector<1x16xf32>
    tpu.vector_store %arg6[%swap3A_1258, %swap3A_1259], %swap3A_1262 {strides = array<i32>} : memref<128x128xf32, #tpu.memory_space<vmem>>, vector<1x16xf32>,
    %swap3A_1263 = arith.constant 17 : i32
    %swap3A_1264 = arith.index_cast %swap3A_1263 : i32 to index
    %swap3A_1265 = arith.constant 64 : index
    %swap3A_1266 = tpu.vector_load %arg6[%swap3A_1264, %swap3A_1265] {strides = array<i32>} : memref<128x128xf32, #tpu.memory_space<vmem>>, vector<1x16xf32>,
    %swap3A_1267 = vector.shape_cast %swap3A_1266 : vector<1x16xf32> to vector<16xf32>
    %swap3A_1268 = vector.shape_cast %broadcast_in_dim3A_423 : vector<16xf32> to vector<1x16xf32>
    tpu.vector_store %arg6[%swap3A_1264, %swap3A_1265], %swap3A_1268 {strides = array<i32>} : memref<128x128xf32, #tpu.memory_space<vmem>>, vector<1x16xf32>,
    %swap3A_1269 = arith.constant 17 : i32
    %swap3A_1270 = arith.index_cast %swap3A_1269 : i32 to index
    %swap3A_1271 = arith.constant 80 : index
    %swap3A_1272 = tpu.vector_load %arg6[%swap3A_1270, %swap3A_1271] {strides = array<i32>} : memref<128x128xf32, #tpu.memory_space<vmem>>, vector<1x16xf32>,
    %swap3A_1273 = vector.shape_cast %swap3A_1272 : vector<1x16xf32> to vector<16xf32>
    %swap3A_1274 = vector.shape_cast %broadcast_in_dim3A_423 : vector<16xf32> to vector<1x16xf32>
    tpu.vector_store %arg6[%swap3A_1270, %swap3A_1271], %swap3A_1274 {strides = array<i32>} : memref<128x128xf32, #tpu.memory_space<vmem>>, vector<1x16xf32>,
    %swap3A_1275 = arith.constant 17 : i32
    %swap3A_1276 = arith.index_cast %swap3A_1275 : i32 to index
    %swap3A_1277 = arith.constant 96 : index
    %swap3A_1278 = tpu.vector_load %arg6[%swap3A_1276, %swap3A_1277] {strides = array<i32>} : memref<128x128xf32, #tpu.memory_space<vmem>>, vector<1x16xf32>,
    %swap3A_1279 = vector.shape_cast %swap3A_1278 : vector<1x16xf32> to vector<16xf32>
    %swap3A_1280 = vector.shape_cast %broadcast_in_dim3A_423 : vector<16xf32> to vector<1x16xf32>
    tpu.vector_store %arg6[%swap3A_1276, %swap3A_1277], %swap3A_1280 {strides = array<i32>} : memref<128x128xf32, #tpu.memory_space<vmem>>, vector<1x16xf32>,
    %swap3A_1281 = arith.constant 17 : i32
    %swap3A_1282 = arith.index_cast %swap3A_1281 : i32 to index
    %swap3A_1283 = arith.constant 112 : index
    %swap3A_1284 = tpu.vector_load %arg6[%swap3A_1282, %swap3A_1283] {strides = array<i32>} : memref<128x128xf32, #tpu.memory_space<vmem>>, vector<1x16xf32>,
    %swap3A_1285 = vector.shape_cast %swap3A_1284 : vector<1x16xf32> to vector<16xf32>
    %swap3A_1286 = vector.shape_cast %broadcast_in_dim3A_423 : vector<16xf32> to vector<1x16xf32>
    tpu.vector_store %arg6[%swap3A_1282, %swap3A_1283], %swap3A_1286 {strides = array<i32>} : memref<128x128xf32, #tpu.memory_space<vmem>>, vector<1x16xf32>,
    %swap3A_1287 = arith.constant 18 : i32
    %swap3A_1288 = arith.index_cast %swap3A_1287 : i32 to index
    %swap3A_1289 = arith.constant 0 : index
    %swap3A_1290 = tpu.vector_load %arg6[%swap3A_1288, %swap3A_1289] {strides = array<i32>} : memref<128x128xf32, #tpu.memory_space<vmem>>, vector<1x16xf32>,
    %swap3A_1291 = vector.shape_cast %swap3A_1290 : vector<1x16xf32> to vector<16xf32>
    %swap3A_1292 = vector.shape_cast %broadcast_in_dim3A_423 : vector<16xf32> to vector<1x16xf32>
    tpu.vector_store %arg6[%swap3A_1288, %swap3A_1289], %swap3A_1292 {strides = array<i32>} : memref<128x128xf32, #tpu.memory_space<vmem>>, vector<1x16xf32>,
    %swap3A_1293 = arith.constant 18 : i32
    %swap3A_1294 = arith.index_cast %swap3A_1293 : i32 to index
    %swap3A_1295 = arith.constant 16 : index
    %swap3A_1296 = tpu.vector_load %arg6[%swap3A_1294, %swap3A_1295] {strides = array<i32>} : memref<128x128xf32, #tpu.memory_space<vmem>>, vector<1x16xf32>,
    %swap3A_1297 = vector.shape_cast %swap3A_1296 : vector<1x16xf32> to vector<16xf32>
    %swap3A_1298 = vector.shape_cast %broadcast_in_dim3A_423 : vector<16xf32> to vector<1x16xf32>
    tpu.vector_store %arg6[%swap3A_1294, %swap3A_1295], %swap3A_1298 {strides = array<i32>} : memref<128x128xf32, #tpu.memory_space<vmem>>, vector<1x16xf32>,
    %swap3A_1299 = arith.constant 18 : i32
    %swap3A_1300 = arith.index_cast %swap3A_1299 : i32 to index
    %swap3A_1301 = arith.constant 32 : index
    %swap3A_1302 = tpu.vector_load %arg6[%swap3A_1300, %swap3A_1301] {strides = array<i32>} : memref<128x128xf32, #tpu.memory_space<vmem>>, vector<1x16xf32>,
    %swap3A_1303 = vector.shape_cast %swap3A_1302 : vector<1x16xf32> to vector<16xf32>
    %swap3A_1304 = vector.shape_cast %broadcast_in_dim3A_423 : vector<16xf32> to vector<1x16xf32>
    tpu.vector_store %arg6[%swap3A_1300, %swap3A_1301], %swap3A_1304 {strides = array<i32>} : memref<128x128xf32, #tpu.memory_space<vmem>>, vector<1x16xf32>,
    %swap3A_1305 = arith.constant 18 : i32
    %swap3A_1306 = arith.index_cast %swap3A_1305 : i32 to index
    %swap3A_1307 = arith.constant 48 : index
    %swap3A_1308 = tpu.vector_load %arg6[%swap3A_1306, %swap3A_1307] {strides = array<i32>} : memref<128x128xf32, #tpu.memory_space<vmem>>, vector<1x16xf32>,
    %swap3A_1309 = vector.shape_cast %swap3A_1308 : vector<1x16xf32> to vector<16xf32>
    %swap3A_1310 = vector.shape_cast %broadcast_in_dim3A_423 : vector<16xf32> to vector<1x16xf32>
    tpu.vector_store %arg6[%swap3A_1306, %swap3A_1307], %swap3A_1310 {strides = array<i32>} : memref<128x128xf32, #tpu.memory_space<vmem>>, vector<1x16xf32>,
    %swap3A_1311 = arith.constant 18 : i32
    %swap3A_1312 = arith.index_cast %swap3A_1311 : i32 to index
    %swap3A_1313 = arith.constant 64 : index
    %swap3A_1314 = tpu.vector_load %arg6[%swap3A_1312, %swap3A_1313] {strides = array<i32>} : memref<128x128xf32, #tpu.memory_space<vmem>>, vector<1x16xf32>,
    %swap3A_1315 = vector.shape_cast %swap3A_1314 : vector<1x16xf32> to vector<16xf32>
    %swap3A_1316 = vector.shape_cast %broadcast_in_dim3A_423 : vector<16xf32> to vector<1x16xf32>
    tpu.vector_store %arg6[%swap3A_1312, %swap3A_1313], %swap3A_1316 {strides = array<i32>} : memref<128x128xf32, #tpu.memory_space<vmem>>, vector<1x16xf32>,
    %swap3A_1317 = arith.constant 18 : i32
    %swap3A_1318 = arith.index_cast %swap3A_1317 : i32 to index
    %swap3A_1319 = arith.constant 80 : index
    %swap3A_1320 = tpu.vector_load %arg6[%swap3A_1318, %swap3A_1319] {strides = array<i32>} : memref<128x128xf32, #tpu.memory_space<vmem>>, vector<1x16xf32>,
    %swap3A_1321 = vector.shape_cast %swap3A_1320 : vector<1x16xf32> to vector<16xf32>
    %swap3A_1322 = vector.shape_cast %broadcast_in_dim3A_423 : vector<16xf32> to vector<1x16xf32>
    tpu.vector_store %arg6[%swap3A_1318, %swap3A_1319], %swap3A_1322 {strides = array<i32>} : memref<128x128xf32, #tpu.memory_space<vmem>>, vector<1x16xf32>,
    %swap3A_1323 = arith.constant 18 : i32
    %swap3A_1324 = arith.index_cast %swap3A_1323 : i32 to index
    %swap3A_1325 = arith.constant 96 : index
    %swap3A_1326 = tpu.vector_load %arg6[%swap3A_1324, %swap3A_1325] {strides = array<i32>} : memref<128x128xf32, #tpu.memory_space<vmem>>, vector<1x16xf32>,
    %swap3A_1327 = vector.shape_cast %swap3A_1326 : vector<1x16xf32> to vector<16xf32>
    %swap3A_1328 = vector.shape_cast %broadcast_in_dim3A_423 : vector<16xf32> to vector<1x16xf32>
    tpu.vector_store %arg6[%swap3A_1324, %swap3A_1325], %swap3A_1328 {strides = array<i32>} : memref<128x128xf32, #tpu.memory_space<vmem>>, vector<1x16xf32>,
    %swap3A_1329 = arith.constant 18 : i32
    %swap3A_1330 = arith.index_cast %swap3A_1329 : i32 to index
    %swap3A_1331 = arith.constant 112 : index
    %swap3A_1332 = tpu.vector_load %arg6[%swap3A_1330, %swap3A_1331] {strides = array<i32>} : memref<128x128xf32, #tpu.memory_space<vmem>>, vector<1x16xf32>,
    %swap3A_1333 = vector.shape_cast %swap3A_1332 : vector<1x16xf32> to vector<16xf32>
    %swap3A_1334 = vector.shape_cast %broadcast_in_dim3A_423 : vector<16xf32> to vector<1x16xf32>
    tpu.vector_store %arg6[%swap3A_1330, %swap3A_1331], %swap3A_1334 {strides = array<i32>} : memref<128x128xf32, #tpu.memory_space<vmem>>, vector<1x16xf32>,
    %swap3A_1335 = arith.constant 19 : i32
    %swap3A_1336 = arith.index_cast %swap3A_1335 : i32 to index
    %swap3A_1337 = arith.constant 0 : index
    %swap3A_1338 = tpu.vector_load %arg6[%swap3A_1336, %swap3A_1337] {strides = array<i32>} : memref<128x128xf32, #tpu.memory_space<vmem>>, vector<1x16xf32>,
    %swap3A_1339 = vector.shape_cast %swap3A_1338 : vector<1x16xf32> to vector<16xf32>
    %swap3A_1340 = vector.shape_cast %broadcast_in_dim3A_423 : vector<16xf32> to vector<1x16xf32>
    tpu.vector_store %arg6[%swap3A_1336, %swap3A_1337], %swap3A_1340 {strides = array<i32>} : memref<128x128xf32, #tpu.memory_space<vmem>>, vector<1x16xf32>,
    %swap3A_1341 = arith.constant 19 : i32
    %swap3A_1342 = arith.index_cast %swap3A_1341 : i32 to index
    %swap3A_1343 = arith.constant 16 : index
    %swap3A_1344 = tpu.vector_load %arg6[%swap3A_1342, %swap3A_1343] {strides = array<i32>} : memref<128x128xf32, #tpu.memory_space<vmem>>, vector<1x16xf32>,
    %swap3A_1345 = vector.shape_cast %swap3A_1344 : vector<1x16xf32> to vector<16xf32>
    %swap3A_1346 = vector.shape_cast %broadcast_in_dim3A_423 : vector<16xf32> to vector<1x16xf32>
    tpu.vector_store %arg6[%swap3A_1342, %swap3A_1343], %swap3A_1346 {strides = array<i32>} : memref<128x128xf32, #tpu.memory_space<vmem>>, vector<1x16xf32>,
    %swap3A_1347 = arith.constant 19 : i32
    %swap3A_1348 = arith.index_cast %swap3A_1347 : i32 to index
    %swap3A_1349 = arith.constant 32 : index
    %swap3A_1350 = tpu.vector_load %arg6[%swap3A_1348, %swap3A_1349] {strides = array<i32>} : memref<128x128xf32, #tpu.memory_space<vmem>>, vector<1x16xf32>,
    %swap3A_1351 = vector.shape_cast %swap3A_1350 : vector<1x16xf32> to vector<16xf32>
    %swap3A_1352 = vector.shape_cast %broadcast_in_dim3A_423 : vector<16xf32> to vector<1x16xf32>
    tpu.vector_store %arg6[%swap3A_1348, %swap3A_1349], %swap3A_1352 {strides = array<i32>} : memref<128x128xf32, #tpu.memory_space<vmem>>, vector<1x16xf32>,
    %swap3A_1353 = arith.constant 19 : i32
    %swap3A_1354 = arith.index_cast %swap3A_1353 : i32 to index
    %swap3A_1355 = arith.constant 48 : index
    %swap3A_1356 = tpu.vector_load %arg6[%swap3A_1354, %swap3A_1355] {strides = array<i32>} : memref<128x128xf32, #tpu.memory_space<vmem>>, vector<1x16xf32>,
    %swap3A_1357 = vector.shape_cast %swap3A_1356 : vector<1x16xf32> to vector<16xf32>
    %swap3A_1358 = vector.shape_cast %broadcast_in_dim3A_423 : vector<16xf32> to vector<1x16xf32>
    tpu.vector_store %arg6[%swap3A_1354, %swap3A_1355], %swap3A_1358 {strides = array<i32>} : memref<128x128xf32, #tpu.memory_space<vmem>>, vector<1x16xf32>,
    %swap3A_1359 = arith.constant 19 : i32
    %swap3A_1360 = arith.index_cast %swap3A_1359 : i32 to index
    %swap3A_1361 = arith.constant 64 : index
    %swap3A_1362 = tpu.vector_load %arg6[%swap3A_1360, %swap3A_1361] {strides = array<i32>} : memref<128x128xf32, #tpu.memory_space<vmem>>, vector<1x16xf32>,
    %swap3A_1363 = vector.shape_cast %swap3A_1362 : vector<1x16xf32> to vector<16xf32>
    %swap3A_1364 = vector.shape_cast %broadcast_in_dim3A_423 : vector<16xf32> to vector<1x16xf32>
    tpu.vector_store %arg6[%swap3A_1360, %swap3A_1361], %swap3A_1364 {strides = array<i32>} : memref<128x128xf32, #tpu.memory_space<vmem>>, vector<1x16xf32>,
    %swap3A_1365 = arith.constant 19 : i32
    %swap3A_1366 = arith.index_cast %swap3A_1365 : i32 to index
    %swap3A_1367 = arith.constant 80 : index
    %swap3A_1368 = tpu.vector_load %arg6[%swap3A_1366, %swap3A_1367] {strides = array<i32>} : memref<128x128xf32, #tpu.memory_space<vmem>>, vector<1x16xf32>,
    %swap3A_1369 = vector.shape_cast %swap3A_1368 : vector<1x16xf32> to vector<16xf32>
    %swap3A_1370 = vector.shape_cast %broadcast_in_dim3A_423 : vector<16xf32> to vector<1x16xf32>
    tpu.vector_store %arg6[%swap3A_1366, %swap3A_1367], %swap3A_1370 {strides = array<i32>} : memref<128x128xf32, #tpu.memory_space<vmem>>, vector<1x16xf32>,
    %swap3A_1371 = arith.constant 19 : i32
    %swap3A_1372 = arith.index_cast %swap3A_1371 : i32 to index
    %swap3A_1373 = arith.constant 96 : index
    %swap3A_1374 = tpu.vector_load %arg6[%swap3A_1372, %swap3A_1373] {strides = array<i32>} : memref<128x128xf32, #tpu.memory_space<vmem>>, vector<1x16xf32>,
    %swap3A_1375 = vector.shape_cast %swap3A_1374 : vector<1x16xf32> to vector<16xf32>
    %swap3A_1376 = vector.shape_cast %broadcast_in_dim3A_423 : vector<16xf32> to vector<1x16xf32>
    tpu.vector_store %arg6[%swap3A_1372, %swap3A_1373], %swap3A_1376 {strides = array<i32>} : memref<128x128xf32, #tpu.memory_space<vmem>>, vector<1x16xf32>,
    %swap3A_1377 = arith.constant 19 : i32
    %swap3A_1378 = arith.index_cast %swap3A_1377 : i32 to index
    %swap3A_1379 = arith.constant 112 : index
    %swap3A_1380 = tpu.vector_load %arg6[%swap3A_1378, %swap3A_1379] {strides = array<i32>} : memref<128x128xf32, #tpu.memory_space<vmem>>, vector<1x16xf32>,
    %swap3A_1381 = vector.shape_cast %swap3A_1380 : vector<1x16xf32> to vector<16xf32>
    %swap3A_1382 = vector.shape_cast %broadcast_in_dim3A_423 : vector<16xf32> to vector<1x16xf32>
    tpu.vector_store %arg6[%swap3A_1378, %swap3A_1379], %swap3A_1382 {strides = array<i32>} : memref<128x128xf32, #tpu.memory_space<vmem>>, vector<1x16xf32>,
    %swap3A_1383 = arith.constant 20 : i32
    %swap3A_1384 = arith.index_cast %swap3A_1383 : i32 to index
    %swap3A_1385 = arith.constant 0 : index
    %swap3A_1386 = tpu.vector_load %arg6[%swap3A_1384, %swap3A_1385] {strides = array<i32>} : memref<128x128xf32, #tpu.memory_space<vmem>>, vector<1x16xf32>,
    %swap3A_1387 = vector.shape_cast %swap3A_1386 : vector<1x16xf32> to vector<16xf32>
    %swap3A_1388 = vector.shape_cast %broadcast_in_dim3A_423 : vector<16xf32> to vector<1x16xf32>
    tpu.vector_store %arg6[%swap3A_1384, %swap3A_1385], %swap3A_1388 {strides = array<i32>} : memref<128x128xf32, #tpu.memory_space<vmem>>, vector<1x16xf32>,
    %swap3A_1389 = arith.constant 20 : i32
    %swap3A_1390 = arith.index_cast %swap3A_1389 : i32 to index
    %swap3A_1391 = arith.constant 16 : index
    %swap3A_1392 = tpu.vector_load %arg6[%swap3A_1390, %swap3A_1391] {strides = array<i32>} : memref<128x128xf32, #tpu.memory_space<vmem>>, vector<1x16xf32>,
    %swap3A_1393 = vector.shape_cast %swap3A_1392 : vector<1x16xf32> to vector<16xf32>
    %swap3A_1394 = vector.shape_cast %broadcast_in_dim3A_423 : vector<16xf32> to vector<1x16xf32>
    tpu.vector_store %arg6[%swap3A_1390, %swap3A_1391], %swap3A_1394 {strides = array<i32>} : memref<128x128xf32, #tpu.memory_space<vmem>>, vector<1x16xf32>,
    %swap3A_1395 = arith.constant 20 : i32
    %swap3A_1396 = arith.index_cast %swap3A_1395 : i32 to index
    %swap3A_1397 = arith.constant 32 : index
    %swap3A_1398 = tpu.vector_load %arg6[%swap3A_1396, %swap3A_1397] {strides = array<i32>} : memref<128x128xf32, #tpu.memory_space<vmem>>, vector<1x16xf32>,
    %swap3A_1399 = vector.shape_cast %swap3A_1398 : vector<1x16xf32> to vector<16xf32>
    %swap3A_1400 = vector.shape_cast %broadcast_in_dim3A_423 : vector<16xf32> to vector<1x16xf32>
    tpu.vector_store %arg6[%swap3A_1396, %swap3A_1397], %swap3A_1400 {strides = array<i32>} : memref<128x128xf32, #tpu.memory_space<vmem>>, vector<1x16xf32>,
    %swap3A_1401 = arith.constant 20 : i32
    %swap3A_1402 = arith.index_cast %swap3A_1401 : i32 to index
    %swap3A_1403 = arith.constant 48 : index
    %swap3A_1404 = tpu.vector_load %arg6[%swap3A_1402, %swap3A_1403] {strides = array<i32>} : memref<128x128xf32, #tpu.memory_space<vmem>>, vector<1x16xf32>,
    %swap3A_1405 = vector.shape_cast %swap3A_1404 : vector<1x16xf32> to vector<16xf32>
    %swap3A_1406 = vector.shape_cast %broadcast_in_dim3A_423 : vector<16xf32> to vector<1x16xf32>
    tpu.vector_store %arg6[%swap3A_1402, %swap3A_1403], %swap3A_1406 {strides = array<i32>} : memref<128x128xf32, #tpu.memory_space<vmem>>, vector<1x16xf32>,
    %swap3A_1407 = arith.constant 20 : i32
    %swap3A_1408 = arith.index_cast %swap3A_1407 : i32 to index
    %swap3A_1409 = arith.constant 64 : index
    %swap3A_1410 = tpu.vector_load %arg6[%swap3A_1408, %swap3A_1409] {strides = array<i32>} : memref<128x128xf32, #tpu.memory_space<vmem>>, vector<1x16xf32>,
    %swap3A_1411 = vector.shape_cast %swap3A_1410 : vector<1x16xf32> to vector<16xf32>
    %swap3A_1412 = vector.shape_cast %broadcast_in_dim3A_423 : vector<16xf32> to vector<1x16xf32>
    tpu.vector_store %arg6[%swap3A_1408, %swap3A_1409], %swap3A_1412 {strides = array<i32>} : memref<128x128xf32, #tpu.memory_space<vmem>>, vector<1x16xf32>,
    %swap3A_1413 = arith.constant 20 : i32
    %swap3A_1414 = arith.index_cast %swap3A_1413 : i32 to index
    %swap3A_1415 = arith.constant 80 : index
    %swap3A_1416 = tpu.vector_load %arg6[%swap3A_1414, %swap3A_1415] {strides = array<i32>} : memref<128x128xf32, #tpu.memory_space<vmem>>, vector<1x16xf32>,
    %swap3A_1417 = vector.shape_cast %swap3A_1416 : vector<1x16xf32> to vector<16xf32>
    %swap3A_1418 = vector.shape_cast %broadcast_in_dim3A_423 : vector<16xf32> to vector<1x16xf32>
    tpu.vector_store %arg6[%swap3A_1414, %swap3A_1415], %swap3A_1418 {strides = array<i32>} : memref<128x128xf32, #tpu.memory_space<vmem>>, vector<1x16xf32>,
    %swap3A_1419 = arith.constant 20 : i32
    %swap3A_1420 = arith.index_cast %swap3A_1419 : i32 to index
    %swap3A_1421 = arith.constant 96 : index
    %swap3A_1422 = tpu.vector_load %arg6[%swap3A_1420, %swap3A_1421] {strides = array<i32>} : memref<128x128xf32, #tpu.memory_space<vmem>>, vector<1x16xf32>,
    %swap3A_1423 = vector.shape_cast %swap3A_1422 : vector<1x16xf32> to vector<16xf32>
    %swap3A_1424 = vector.shape_cast %broadcast_in_dim3A_423 : vector<16xf32> to vector<1x16xf32>
    tpu.vector_store %arg6[%swap3A_1420, %swap3A_1421], %swap3A_1424 {strides = array<i32>} : memref<128x128xf32, #tpu.memory_space<vmem>>, vector<1x16xf32>,
    %swap3A_1425 = arith.constant 20 : i32
    %swap3A_1426 = arith.index_cast %swap3A_1425 : i32 to index
    %swap3A_1427 = arith.constant 112 : index
    %swap3A_1428 = tpu.vector_load %arg6[%swap3A_1426, %swap3A_1427] {strides = array<i32>} : memref<128x128xf32, #tpu.memory_space<vmem>>, vector<1x16xf32>,
    %swap3A_1429 = vector.shape_cast %swap3A_1428 : vector<1x16xf32> to vector<16xf32>
    %swap3A_1430 = vector.shape_cast %broadcast_in_dim3A_423 : vector<16xf32> to vector<1x16xf32>
    tpu.vector_store %arg6[%swap3A_1426, %swap3A_1427], %swap3A_1430 {strides = array<i32>} : memref<128x128xf32, #tpu.memory_space<vmem>>, vector<1x16xf32>,
    %swap3A_1431 = arith.constant 21 : i32
    %swap3A_1432 = arith.index_cast %swap3A_1431 : i32 to index
    %swap3A_1433 = arith.constant 0 : index
    %swap3A_1434 = tpu.vector_load %arg6[%swap3A_1432, %swap3A_1433] {strides = array<i32>} : memref<128x128xf32, #tpu.memory_space<vmem>>, vector<1x16xf32>,
    %swap3A_1435 = vector.shape_cast %swap3A_1434 : vector<1x16xf32> to vector<16xf32>
    %swap3A_1436 = vector.shape_cast %broadcast_in_dim3A_423 : vector<16xf32> to vector<1x16xf32>
    tpu.vector_store %arg6[%swap3A_1432, %swap3A_1433], %swap3A_1436 {strides = array<i32>} : memref<128x128xf32, #tpu.memory_space<vmem>>, vector<1x16xf32>,
    %swap3A_1437 = arith.constant 21 : i32
    %swap3A_1438 = arith.index_cast %swap3A_1437 : i32 to index
    %swap3A_1439 = arith.constant 16 : index
    %swap3A_1440 = tpu.vector_load %arg6[%swap3A_1438, %swap3A_1439] {strides = array<i32>} : memref<128x128xf32, #tpu.memory_space<vmem>>, vector<1x16xf32>,
    %swap3A_1441 = vector.shape_cast %swap3A_1440 : vector<1x16xf32> to vector<16xf32>
    %swap3A_1442 = vector.shape_cast %broadcast_in_dim3A_423 : vector<16xf32> to vector<1x16xf32>
    tpu.vector_store %arg6[%swap3A_1438, %swap3A_1439], %swap3A_1442 {strides = array<i32>} : memref<128x128xf32, #tpu.memory_space<vmem>>, vector<1x16xf32>,
    %swap3A_1443 = arith.constant 21 : i32
    %swap3A_1444 = arith.index_cast %swap3A_1443 : i32 to index
    %swap3A_1445 = arith.constant 32 : index
    %swap3A_1446 = tpu.vector_load %arg6[%swap3A_1444, %swap3A_1445] {strides = array<i32>} : memref<128x128xf32, #tpu.memory_space<vmem>>, vector<1x16xf32>,
    %swap3A_1447 = vector.shape_cast %swap3A_1446 : vector<1x16xf32> to vector<16xf32>
    %swap3A_1448 = vector.shape_cast %broadcast_in_dim3A_423 : vector<16xf32> to vector<1x16xf32>
    tpu.vector_store %arg6[%swap3A_1444, %swap3A_1445], %swap3A_1448 {strides = array<i32>} : memref<128x128xf32, #tpu.memory_space<vmem>>, vector<1x16xf32>,
    %swap3A_1449 = arith.constant 21 : i32
    %swap3A_1450 = arith.index_cast %swap3A_1449 : i32 to index
    %swap3A_1451 = arith.constant 48 : index
    %swap3A_1452 = tpu.vector_load %arg6[%swap3A_1450, %swap3A_1451] {strides = array<i32>} : memref<128x128xf32, #tpu.memory_space<vmem>>, vector<1x16xf32>,
    %swap3A_1453 = vector.shape_cast %swap3A_1452 : vector<1x16xf32> to vector<16xf32>
    %swap3A_1454 = vector.shape_cast %broadcast_in_dim3A_423 : vector<16xf32> to vector<1x16xf32>
    tpu.vector_store %arg6[%swap3A_1450, %swap3A_1451], %swap3A_1454 {strides = array<i32>} : memref<128x128xf32, #tpu.memory_space<vmem>>, vector<1x16xf32>,
    %swap3A_1455 = arith.constant 21 : i32
    %swap3A_1456 = arith.index_cast %swap3A_1455 : i32 to index
    %swap3A_1457 = arith.constant 64 : index
    %swap3A_1458 = tpu.vector_load %arg6[%swap3A_1456, %swap3A_1457] {strides = array<i32>} : memref<128x128xf32, #tpu.memory_space<vmem>>, vector<1x16xf32>,
    %swap3A_1459 = vector.shape_cast %swap3A_1458 : vector<1x16xf32> to vector<16xf32>
    %swap3A_1460 = vector.shape_cast %broadcast_in_dim3A_423 : vector<16xf32> to vector<1x16xf32>
    tpu.vector_store %arg6[%swap3A_1456, %swap3A_1457], %swap3A_1460 {strides = array<i32>} : memref<128x128xf32, #tpu.memory_space<vmem>>, vector<1x16xf32>,
    %swap3A_1461 = arith.constant 21 : i32
    %swap3A_1462 = arith.index_cast %swap3A_1461 : i32 to index
    %swap3A_1463 = arith.constant 80 : index
    %swap3A_1464 = tpu.vector_load %arg6[%swap3A_1462, %swap3A_1463] {strides = array<i32>} : memref<128x128xf32, #tpu.memory_space<vmem>>, vector<1x16xf32>,
    %swap3A_1465 = vector.shape_cast %swap3A_1464 : vector<1x16xf32> to vector<16xf32>
    %swap3A_1466 = vector.shape_cast %broadcast_in_dim3A_423 : vector<16xf32> to vector<1x16xf32>
    tpu.vector_store %arg6[%swap3A_1462, %swap3A_1463], %swap3A_1466 {strides = array<i32>} : memref<128x128xf32, #tpu.memory_space<vmem>>, vector<1x16xf32>,
    %swap3A_1467 = arith.constant 21 : i32
    %swap3A_1468 = arith.index_cast %swap3A_1467 : i32 to index
    %swap3A_1469 = arith.constant 96 : index
    %swap3A_1470 = tpu.vector_load %arg6[%swap3A_1468, %swap3A_1469] {strides = array<i32>} : memref<128x128xf32, #tpu.memory_space<vmem>>, vector<1x16xf32>,
    %swap3A_1471 = vector.shape_cast %swap3A_1470 : vector<1x16xf32> to vector<16xf32>
    %swap3A_1472 = vector.shape_cast %broadcast_in_dim3A_423 : vector<16xf32> to vector<1x16xf32>
    tpu.vector_store %arg6[%swap3A_1468, %swap3A_1469], %swap3A_1472 {strides = array<i32>} : memref<128x128xf32, #tpu.memory_space<vmem>>, vector<1x16xf32>,
    %swap3A_1473 = arith.constant 21 : i32
    %swap3A_1474 = arith.index_cast %swap3A_1473 : i32 to index
    %swap3A_1475 = arith.constant 112 : index
    %swap3A_1476 = tpu.vector_load %arg6[%swap3A_1474, %swap3A_1475] {strides = array<i32>} : memref<128x128xf32, #tpu.memory_space<vmem>>, vector<1x16xf32>,
    %swap3A_1477 = vector.shape_cast %swap3A_1476 : vector<1x16xf32> to vector<16xf32>
    %swap3A_1478 = vector.shape_cast %broadcast_in_dim3A_423 : vector<16xf32> to vector<1x16xf32>
    tpu.vector_store %arg6[%swap3A_1474, %swap3A_1475], %swap3A_1478 {strides = array<i32>} : memref<128x128xf32, #tpu.memory_space<vmem>>, vector<1x16xf32>,
    %swap3A_1479 = arith.constant 22 : i32
    %swap3A_1480 = arith.index_cast %swap3A_1479 : i32 to index
    %swap3A_1481 = arith.constant 0 : index
    %swap3A_1482 = tpu.vector_load %arg6[%swap3A_1480, %swap3A_1481] {strides = array<i32>} : memref<128x128xf32, #tpu.memory_space<vmem>>, vector<1x16xf32>,
    %swap3A_1483 = vector.shape_cast %swap3A_1482 : vector<1x16xf32> to vector<16xf32>
    %swap3A_1484 = vector.shape_cast %broadcast_in_dim3A_423 : vector<16xf32> to vector<1x16xf32>
    tpu.vector_store %arg6[%swap3A_1480, %swap3A_1481], %swap3A_1484 {strides = array<i32>} : memref<128x128xf32, #tpu.memory_space<vmem>>, vector<1x16xf32>,
    %swap3A_1485 = arith.constant 22 : i32
    %swap3A_1486 = arith.index_cast %swap3A_1485 : i32 to index
    %swap3A_1487 = arith.constant 16 : index
    %swap3A_1488 = tpu.vector_load %arg6[%swap3A_1486, %swap3A_1487] {strides = array<i32>} : memref<128x128xf32, #tpu.memory_space<vmem>>, vector<1x16xf32>,
    %swap3A_1489 = vector.shape_cast %swap3A_1488 : vector<1x16xf32> to vector<16xf32>
    %swap3A_1490 = vector.shape_cast %broadcast_in_dim3A_423 : vector<16xf32> to vector<1x16xf32>
    tpu.vector_store %arg6[%swap3A_1486, %swap3A_1487], %swap3A_1490 {strides = array<i32>} : memref<128x128xf32, #tpu.memory_space<vmem>>, vector<1x16xf32>,
    %swap3A_1491 = arith.constant 22 : i32
    %swap3A_1492 = arith.index_cast %swap3A_1491 : i32 to index
    %swap3A_1493 = arith.constant 32 : index
    %swap3A_1494 = tpu.vector_load %arg6[%swap3A_1492, %swap3A_1493] {strides = array<i32>} : memref<128x128xf32, #tpu.memory_space<vmem>>, vector<1x16xf32>,
    %swap3A_1495 = vector.shape_cast %swap3A_1494 : vector<1x16xf32> to vector<16xf32>
    %swap3A_1496 = vector.shape_cast %broadcast_in_dim3A_423 : vector<16xf32> to vector<1x16xf32>
    tpu.vector_store %arg6[%swap3A_1492, %swap3A_1493], %swap3A_1496 {strides = array<i32>} : memref<128x128xf32, #tpu.memory_space<vmem>>, vector<1x16xf32>,
    %swap3A_1497 = arith.constant 22 : i32
    %swap3A_1498 = arith.index_cast %swap3A_1497 : i32 to index
    %swap3A_1499 = arith.constant 48 : index
    %swap3A_1500 = tpu.vector_load %arg6[%swap3A_1498, %swap3A_1499] {strides = array<i32>} : memref<128x128xf32, #tpu.memory_space<vmem>>, vector<1x16xf32>,
    %swap3A_1501 = vector.shape_cast %swap3A_1500 : vector<1x16xf32> to vector<16xf32>
    %swap3A_1502 = vector.shape_cast %broadcast_in_dim3A_423 : vector<16xf32> to vector<1x16xf32>
    tpu.vector_store %arg6[%swap3A_1498, %swap3A_1499], %swap3A_1502 {strides = array<i32>} : memref<128x128xf32, #tpu.memory_space<vmem>>, vector<1x16xf32>,
    %swap3A_1503 = arith.constant 22 : i32
    %swap3A_1504 = arith.index_cast %swap3A_1503 : i32 to index
    %swap3A_1505 = arith.constant 64 : index
    %swap3A_1506 = tpu.vector_load %arg6[%swap3A_1504, %swap3A_1505] {strides = array<i32>} : memref<128x128xf32, #tpu.memory_space<vmem>>, vector<1x16xf32>,
    %swap3A_1507 = vector.shape_cast %swap3A_1506 : vector<1x16xf32> to vector<16xf32>
    %swap3A_1508 = vector.shape_cast %broadcast_in_dim3A_423 : vector<16xf32> to vector<1x16xf32>
    tpu.vector_store %arg6[%swap3A_1504, %swap3A_1505], %swap3A_1508 {strides = array<i32>} : memref<128x128xf32, #tpu.memory_space<vmem>>, vector<1x16xf32>,
    %swap3A_1509 = arith.constant 22 : i32
    %swap3A_1510 = arith.index_cast %swap3A_1509 : i32 to index
    %swap3A_1511 = arith.constant 80 : index
    %swap3A_1512 = tpu.vector_load %arg6[%swap3A_1510, %swap3A_1511] {strides = array<i32>} : memref<128x128xf32, #tpu.memory_space<vmem>>, vector<1x16xf32>,
    %swap3A_1513 = vector.shape_cast %swap3A_1512 : vector<1x16xf32> to vector<16xf32>
    %swap3A_1514 = vector.shape_cast %broadcast_in_dim3A_423 : vector<16xf32> to vector<1x16xf32>
    tpu.vector_store %arg6[%swap3A_1510, %swap3A_1511], %swap3A_1514 {strides = array<i32>} : memref<128x128xf32, #tpu.memory_space<vmem>>, vector<1x16xf32>,
    %swap3A_1515 = arith.constant 22 : i32
    %swap3A_1516 = arith.index_cast %swap3A_1515 : i32 to index
    %swap3A_1517 = arith.constant 96 : index
    %swap3A_1518 = tpu.vector_load %arg6[%swap3A_1516, %swap3A_1517] {strides = array<i32>} : memref<128x128xf32, #tpu.memory_space<vmem>>, vector<1x16xf32>,
    %swap3A_1519 = vector.shape_cast %swap3A_1518 : vector<1x16xf32> to vector<16xf32>
    %swap3A_1520 = vector.shape_cast %broadcast_in_dim3A_423 : vector<16xf32> to vector<1x16xf32>
    tpu.vector_store %arg6[%swap3A_1516, %swap3A_1517], %swap3A_1520 {strides = array<i32>} : memref<128x128xf32, #tpu.memory_space<vmem>>, vector<1x16xf32>,
    %swap3A_1521 = arith.constant 22 : i32
    %swap3A_1522 = arith.index_cast %swap3A_1521 : i32 to index
    %swap3A_1523 = arith.constant 112 : index
    %swap3A_1524 = tpu.vector_load %arg6[%swap3A_1522, %swap3A_1523] {strides = array<i32>} : memref<128x128xf32, #tpu.memory_space<vmem>>, vector<1x16xf32>,
    %swap3A_1525 = vector.shape_cast %swap3A_1524 : vector<1x16xf32> to vector<16xf32>
    %swap3A_1526 = vector.shape_cast %broadcast_in_dim3A_423 : vector<16xf32> to vector<1x16xf32>
    tpu.vector_store %arg6[%swap3A_1522, %swap3A_1523], %swap3A_1526 {strides = array<i32>} : memref<128x128xf32, #tpu.memory_space<vmem>>, vector<1x16xf32>,
    %swap3A_1527 = arith.constant 23 : i32
    %swap3A_1528 = arith.index_cast %swap3A_1527 : i32 to index
    %swap3A_1529 = arith.constant 0 : index
    %swap3A_1530 = tpu.vector_load %arg6[%swap3A_1528, %swap3A_1529] {strides = array<i32>} : memref<128x128xf32, #tpu.memory_space<vmem>>, vector<1x16xf32>,
    %swap3A_1531 = vector.shape_cast %swap3A_1530 : vector<1x16xf32> to vector<16xf32>
    %swap3A_1532 = vector.shape_cast %broadcast_in_dim3A_423 : vector<16xf32> to vector<1x16xf32>
    tpu.vector_store %arg6[%swap3A_1528, %swap3A_1529], %swap3A_1532 {strides = array<i32>} : memref<128x128xf32, #tpu.memory_space<vmem>>, vector<1x16xf32>,
    %swap3A_1533 = arith.constant 23 : i32
    %swap3A_1534 = arith.index_cast %swap3A_1533 : i32 to index
    %swap3A_1535 = arith.constant 16 : index
    %swap3A_1536 = tpu.vector_load %arg6[%swap3A_1534, %swap3A_1535] {strides = array<i32>} : memref<128x128xf32, #tpu.memory_space<vmem>>, vector<1x16xf32>,
    %swap3A_1537 = vector.shape_cast %swap3A_1536 : vector<1x16xf32> to vector<16xf32>
    %swap3A_1538 = vector.shape_cast %broadcast_in_dim3A_423 : vector<16xf32> to vector<1x16xf32>
    tpu.vector_store %arg6[%swap3A_1534, %swap3A_1535], %swap3A_1538 {strides = array<i32>} : memref<128x128xf32, #tpu.memory_space<vmem>>, vector<1x16xf32>,
    %swap3A_1539 = arith.constant 23 : i32
    %swap3A_1540 = arith.index_cast %swap3A_1539 : i32 to index
    %swap3A_1541 = arith.constant 32 : index
    %swap3A_1542 = tpu.vector_load %arg6[%swap3A_1540, %swap3A_1541] {strides = array<i32>} : memref<128x128xf32, #tpu.memory_space<vmem>>, vector<1x16xf32>,
    %swap3A_1543 = vector.shape_cast %swap3A_1542 : vector<1x16xf32> to vector<16xf32>
    %swap3A_1544 = vector.shape_cast %broadcast_in_dim3A_423 : vector<16xf32> to vector<1x16xf32>
    tpu.vector_store %arg6[%swap3A_1540, %swap3A_1541], %swap3A_1544 {strides = array<i32>} : memref<128x128xf32, #tpu.memory_space<vmem>>, vector<1x16xf32>,
    %swap3A_1545 = arith.constant 23 : i32
    %swap3A_1546 = arith.index_cast %swap3A_1545 : i32 to index
    %swap3A_1547 = arith.constant 48 : index
    %swap3A_1548 = tpu.vector_load %arg6[%swap3A_1546, %swap3A_1547] {strides = array<i32>} : memref<128x128xf32, #tpu.memory_space<vmem>>, vector<1x16xf32>,
    %swap3A_1549 = vector.shape_cast %swap3A_1548 : vector<1x16xf32> to vector<16xf32>
    %swap3A_1550 = vector.shape_cast %broadcast_in_dim3A_423 : vector<16xf32> to vector<1x16xf32>
    tpu.vector_store %arg6[%swap3A_1546, %swap3A_1547], %swap3A_1550 {strides = array<i32>} : memref<128x128xf32, #tpu.memory_space<vmem>>, vector<1x16xf32>,
    %swap3A_1551 = arith.constant 23 : i32
    %swap3A_1552 = arith.index_cast %swap3A_1551 : i32 to index
    %swap3A_1553 = arith.constant 64 : index
    %swap3A_1554 = tpu.vector_load %arg6[%swap3A_1552, %swap3A_1553] {strides = array<i32>} : memref<128x128xf32, #tpu.memory_space<vmem>>, vector<1x16xf32>,
    %swap3A_1555 = vector.shape_cast %swap3A_1554 : vector<1x16xf32> to vector<16xf32>
    %swap3A_1556 = vector.shape_cast %broadcast_in_dim3A_423 : vector<16xf32> to vector<1x16xf32>
    tpu.vector_store %arg6[%swap3A_1552, %swap3A_1553], %swap3A_1556 {strides = array<i32>} : memref<128x128xf32, #tpu.memory_space<vmem>>, vector<1x16xf32>,
    %swap3A_1557 = arith.constant 23 : i32
    %swap3A_1558 = arith.index_cast %swap3A_1557 : i32 to index
    %swap3A_1559 = arith.constant 80 : index
    %swap3A_1560 = tpu.vector_load %arg6[%swap3A_1558, %swap3A_1559] {strides = array<i32>} : memref<128x128xf32, #tpu.memory_space<vmem>>, vector<1x16xf32>,
    %swap3A_1561 = vector.shape_cast %swap3A_1560 : vector<1x16xf32> to vector<16xf32>
    %swap3A_1562 = vector.shape_cast %broadcast_in_dim3A_423 : vector<16xf32> to vector<1x16xf32>
    tpu.vector_store %arg6[%swap3A_1558, %swap3A_1559], %swap3A_1562 {strides = array<i32>} : memref<128x128xf32, #tpu.memory_space<vmem>>, vector<1x16xf32>,
    %swap3A_1563 = arith.constant 23 : i32
    %swap3A_1564 = arith.index_cast %swap3A_1563 : i32 to index
    %swap3A_1565 = arith.constant 96 : index
    %swap3A_1566 = tpu.vector_load %arg6[%swap3A_1564, %swap3A_1565] {strides = array<i32>} : memref<128x128xf32, #tpu.memory_space<vmem>>, vector<1x16xf32>,
    %swap3A_1567 = vector.shape_cast %swap3A_1566 : vector<1x16xf32> to vector<16xf32>
    %swap3A_1568 = vector.shape_cast %broadcast_in_dim3A_423 : vector<16xf32> to vector<1x16xf32>
    tpu.vector_store %arg6[%swap3A_1564, %swap3A_1565], %swap3A_1568 {strides = array<i32>} : memref<128x128xf32, #tpu.memory_space<vmem>>, vector<1x16xf32>,
    %swap3A_1569 = arith.constant 23 : i32
    %swap3A_1570 = arith.index_cast %swap3A_1569 : i32 to index
    %swap3A_1571 = arith.constant 112 : index
    %swap3A_1572 = tpu.vector_load %arg6[%swap3A_1570, %swap3A_1571] {strides = array<i32>} : memref<128x128xf32, #tpu.memory_space<vmem>>, vector<1x16xf32>,
    %swap3A_1573 = vector.shape_cast %swap3A_1572 : vector<1x16xf32> to vector<16xf32>
    %swap3A_1574 = vector.shape_cast %broadcast_in_dim3A_423 : vector<16xf32> to vector<1x16xf32>
    tpu.vector_store %arg6[%swap3A_1570, %swap3A_1571], %swap3A_1574 {strides = array<i32>} : memref<128x128xf32, #tpu.memory_space<vmem>>, vector<1x16xf32>,
    %swap3A_1575 = arith.constant 24 : i32
    %swap3A_1576 = arith.index_cast %swap3A_1575 : i32 to index
    %swap3A_1577 = arith.constant 0 : index
    %swap3A_1578 = tpu.vector_load %arg6[%swap3A_1576, %swap3A_1577] {strides = array<i32>} : memref<128x128xf32, #tpu.memory_space<vmem>>, vector<1x16xf32>,
    %swap3A_1579 = vector.shape_cast %swap3A_1578 : vector<1x16xf32> to vector<16xf32>
    %swap3A_1580 = vector.shape_cast %broadcast_in_dim3A_423 : vector<16xf32> to vector<1x16xf32>
    tpu.vector_store %arg6[%swap3A_1576, %swap3A_1577], %swap3A_1580 {strides = array<i32>} : memref<128x128xf32, #tpu.memory_space<vmem>>, vector<1x16xf32>,
    %swap3A_1581 = arith.constant 24 : i32
    %swap3A_1582 = arith.index_cast %swap3A_1581 : i32 to index
    %swap3A_1583 = arith.constant 16 : index
    %swap3A_1584 = tpu.vector_load %arg6[%swap3A_1582, %swap3A_1583] {strides = array<i32>} : memref<128x128xf32, #tpu.memory_space<vmem>>, vector<1x16xf32>,
    %swap3A_1585 = vector.shape_cast %swap3A_1584 : vector<1x16xf32> to vector<16xf32>
    %swap3A_1586 = vector.shape_cast %broadcast_in_dim3A_423 : vector<16xf32> to vector<1x16xf32>
    tpu.vector_store %arg6[%swap3A_1582, %swap3A_1583], %swap3A_1586 {strides = array<i32>} : memref<128x128xf32, #tpu.memory_space<vmem>>, vector<1x16xf32>,
    %swap3A_1587 = arith.constant 24 : i32
    %swap3A_1588 = arith.index_cast %swap3A_1587 : i32 to index
    %swap3A_1589 = arith.constant 32 : index
    %swap3A_1590 = tpu.vector_load %arg6[%swap3A_1588, %swap3A_1589] {strides = array<i32>} : memref<128x128xf32, #tpu.memory_space<vmem>>, vector<1x16xf32>,
    %swap3A_1591 = vector.shape_cast %swap3A_1590 : vector<1x16xf32> to vector<16xf32>
    %swap3A_1592 = vector.shape_cast %broadcast_in_dim3A_423 : vector<16xf32> to vector<1x16xf32>
    tpu.vector_store %arg6[%swap3A_1588, %swap3A_1589], %swap3A_1592 {strides = array<i32>} : memref<128x128xf32, #tpu.memory_space<vmem>>, vector<1x16xf32>,
    %swap3A_1593 = arith.constant 24 : i32
    %swap3A_1594 = arith.index_cast %swap3A_1593 : i32 to index
    %swap3A_1595 = arith.constant 48 : index
    %swap3A_1596 = tpu.vector_load %arg6[%swap3A_1594, %swap3A_1595] {strides = array<i32>} : memref<128x128xf32, #tpu.memory_space<vmem>>, vector<1x16xf32>,
    %swap3A_1597 = vector.shape_cast %swap3A_1596 : vector<1x16xf32> to vector<16xf32>
    %swap3A_1598 = vector.shape_cast %broadcast_in_dim3A_423 : vector<16xf32> to vector<1x16xf32>
    tpu.vector_store %arg6[%swap3A_1594, %swap3A_1595], %swap3A_1598 {strides = array<i32>} : memref<128x128xf32, #tpu.memory_space<vmem>>, vector<1x16xf32>,
    %swap3A_1599 = arith.constant 24 : i32
    %swap3A_1600 = arith.index_cast %swap3A_1599 : i32 to index
    %swap3A_1601 = arith.constant 64 : index
    %swap3A_1602 = tpu.vector_load %arg6[%swap3A_1600, %swap3A_1601] {strides = array<i32>} : memref<128x128xf32, #tpu.memory_space<vmem>>, vector<1x16xf32>,
    %swap3A_1603 = vector.shape_cast %swap3A_1602 : vector<1x16xf32> to vector<16xf32>
    %swap3A_1604 = vector.shape_cast %broadcast_in_dim3A_423 : vector<16xf32> to vector<1x16xf32>
    tpu.vector_store %arg6[%swap3A_1600, %swap3A_1601], %swap3A_1604 {strides = array<i32>} : memref<128x128xf32, #tpu.memory_space<vmem>>, vector<1x16xf32>,
    %swap3A_1605 = arith.constant 24 : i32
    %swap3A_1606 = arith.index_cast %swap3A_1605 : i32 to index
    %swap3A_1607 = arith.constant 80 : index
    %swap3A_1608 = tpu.vector_load %arg6[%swap3A_1606, %swap3A_1607] {strides = array<i32>} : memref<128x128xf32, #tpu.memory_space<vmem>>, vector<1x16xf32>,
    %swap3A_1609 = vector.shape_cast %swap3A_1608 : vector<1x16xf32> to vector<16xf32>
    %swap3A_1610 = vector.shape_cast %broadcast_in_dim3A_423 : vector<16xf32> to vector<1x16xf32>
    tpu.vector_store %arg6[%swap3A_1606, %swap3A_1607], %swap3A_1610 {strides = array<i32>} : memref<128x128xf32, #tpu.memory_space<vmem>>, vector<1x16xf32>,
    %swap3A_1611 = arith.constant 24 : i32
    %swap3A_1612 = arith.index_cast %swap3A_1611 : i32 to index
    %swap3A_1613 = arith.constant 96 : index
    %swap3A_1614 = tpu.vector_load %arg6[%swap3A_1612, %swap3A_1613] {strides = array<i32>} : memref<128x128xf32, #tpu.memory_space<vmem>>, vector<1x16xf32>,
    %swap3A_1615 = vector.shape_cast %swap3A_1614 : vector<1x16xf32> to vector<16xf32>
    %swap3A_1616 = vector.shape_cast %broadcast_in_dim3A_423 : vector<16xf32> to vector<1x16xf32>
    tpu.vector_store %arg6[%swap3A_1612, %swap3A_1613], %swap3A_1616 {strides = array<i32>} : memref<128x128xf32, #tpu.memory_space<vmem>>, vector<1x16xf32>,
    %swap3A_1617 = arith.constant 24 : i32
    %swap3A_1618 = arith.index_cast %swap3A_1617 : i32 to index
    %swap3A_1619 = arith.constant 112 : index
    %swap3A_1620 = tpu.vector_load %arg6[%swap3A_1618, %swap3A_1619] {strides = array<i32>} : memref<128x128xf32, #tpu.memory_space<vmem>>, vector<1x16xf32>,
    %swap3A_1621 = vector.shape_cast %swap3A_1620 : vector<1x16xf32> to vector<16xf32>
    %swap3A_1622 = vector.shape_cast %broadcast_in_dim3A_423 : vector<16xf32> to vector<1x16xf32>
    tpu.vector_store %arg6[%swap3A_1618, %swap3A_1619], %swap3A_1622 {strides = array<i32>} : memref<128x128xf32, #tpu.memory_space<vmem>>, vector<1x16xf32>,
    %swap3A_1623 = arith.constant 25 : i32
    %swap3A_1624 = arith.index_cast %swap3A_1623 : i32 to index
    %swap3A_1625 = arith.constant 0 : index
    %swap3A_1626 = tpu.vector_load %arg6[%swap3A_1624, %swap3A_1625] {strides = array<i32>} : memref<128x128xf32, #tpu.memory_space<vmem>>, vector<1x16xf32>,
    %swap3A_1627 = vector.shape_cast %swap3A_1626 : vector<1x16xf32> to vector<16xf32>
    %swap3A_1628 = vector.shape_cast %broadcast_in_dim3A_423 : vector<16xf32> to vector<1x16xf32>
    tpu.vector_store %arg6[%swap3A_1624, %swap3A_1625], %swap3A_1628 {strides = array<i32>} : memref<128x128xf32, #tpu.memory_space<vmem>>, vector<1x16xf32>,
    %swap3A_1629 = arith.constant 25 : i32
    %swap3A_1630 = arith.index_cast %swap3A_1629 : i32 to index
    %swap3A_1631 = arith.constant 16 : index
    %swap3A_1632 = tpu.vector_load %arg6[%swap3A_1630, %swap3A_1631] {strides = array<i32>} : memref<128x128xf32, #tpu.memory_space<vmem>>, vector<1x16xf32>,
    %swap3A_1633 = vector.shape_cast %swap3A_1632 : vector<1x16xf32> to vector<16xf32>
    %swap3A_1634 = vector.shape_cast %broadcast_in_dim3A_423 : vector<16xf32> to vector<1x16xf32>
    tpu.vector_store %arg6[%swap3A_1630, %swap3A_1631], %swap3A_1634 {strides = array<i32>} : memref<128x128xf32, #tpu.memory_space<vmem>>, vector<1x16xf32>,
    %swap3A_1635 = arith.constant 25 : i32
    %swap3A_1636 = arith.index_cast %swap3A_1635 : i32 to index
    %swap3A_1637 = arith.constant 32 : index
    %swap3A_1638 = tpu.vector_load %arg6[%swap3A_1636, %swap3A_1637] {strides = array<i32>} : memref<128x128xf32, #tpu.memory_space<vmem>>, vector<1x16xf32>,
    %swap3A_1639 = vector.shape_cast %swap3A_1638 : vector<1x16xf32> to vector<16xf32>
    %swap3A_1640 = vector.shape_cast %broadcast_in_dim3A_423 : vector<16xf32> to vector<1x16xf32>
    tpu.vector_store %arg6[%swap3A_1636, %swap3A_1637], %swap3A_1640 {strides = array<i32>} : memref<128x128xf32, #tpu.memory_space<vmem>>, vector<1x16xf32>,
    %swap3A_1641 = arith.constant 25 : i32
    %swap3A_1642 = arith.index_cast %swap3A_1641 : i32 to index
    %swap3A_1643 = arith.constant 48 : index
    %swap3A_1644 = tpu.vector_load %arg6[%swap3A_1642, %swap3A_1643] {strides = array<i32>} : memref<128x128xf32, #tpu.memory_space<vmem>>, vector<1x16xf32>,
    %swap3A_1645 = vector.shape_cast %swap3A_1644 : vector<1x16xf32> to vector<16xf32>
    %swap3A_1646 = vector.shape_cast %broadcast_in_dim3A_423 : vector<16xf32> to vector<1x16xf32>
    tpu.vector_store %arg6[%swap3A_1642, %swap3A_1643], %swap3A_1646 {strides = array<i32>} : memref<128x128xf32, #tpu.memory_space<vmem>>, vector<1x16xf32>,
    %swap3A_1647 = arith.constant 25 : i32
    %swap3A_1648 = arith.index_cast %swap3A_1647 : i32 to index
    %swap3A_1649 = arith.constant 64 : index
    %swap3A_1650 = tpu.vector_load %arg6[%swap3A_1648, %swap3A_1649] {strides = array<i32>} : memref<128x128xf32, #tpu.memory_space<vmem>>, vector<1x16xf32>,
    %swap3A_1651 = vector.shape_cast %swap3A_1650 : vector<1x16xf32> to vector<16xf32>
    %swap3A_1652 = vector.shape_cast %broadcast_in_dim3A_423 : vector<16xf32> to vector<1x16xf32>
    tpu.vector_store %arg6[%swap3A_1648, %swap3A_1649], %swap3A_1652 {strides = array<i32>} : memref<128x128xf32, #tpu.memory_space<vmem>>, vector<1x16xf32>,
    %swap3A_1653 = arith.constant 25 : i32
    %swap3A_1654 = arith.index_cast %swap3A_1653 : i32 to index
    %swap3A_1655 = arith.constant 80 : index
    %swap3A_1656 = tpu.vector_load %arg6[%swap3A_1654, %swap3A_1655] {strides = array<i32>} : memref<128x128xf32, #tpu.memory_space<vmem>>, vector<1x16xf32>,
    %swap3A_1657 = vector.shape_cast %swap3A_1656 : vector<1x16xf32> to vector<16xf32>
    %swap3A_1658 = vector.shape_cast %broadcast_in_dim3A_423 : vector<16xf32> to vector<1x16xf32>
    tpu.vector_store %arg6[%swap3A_1654, %swap3A_1655], %swap3A_1658 {strides = array<i32>} : memref<128x128xf32, #tpu.memory_space<vmem>>, vector<1x16xf32>,
    %swap3A_1659 = arith.constant 25 : i32
    %swap3A_1660 = arith.index_cast %swap3A_1659 : i32 to index
    %swap3A_1661 = arith.constant 96 : index
    %swap3A_1662 = tpu.vector_load %arg6[%swap3A_1660, %swap3A_1661] {strides = array<i32>} : memref<128x128xf32, #tpu.memory_space<vmem>>, vector<1x16xf32>,
    %swap3A_1663 = vector.shape_cast %swap3A_1662 : vector<1x16xf32> to vector<16xf32>
    %swap3A_1664 = vector.shape_cast %broadcast_in_dim3A_423 : vector<16xf32> to vector<1x16xf32>
    tpu.vector_store %arg6[%swap3A_1660, %swap3A_1661], %swap3A_1664 {strides = array<i32>} : memref<128x128xf32, #tpu.memory_space<vmem>>, vector<1x16xf32>,
    %swap3A_1665 = arith.constant 25 : i32
    %swap3A_1666 = arith.index_cast %swap3A_1665 : i32 to index
    %swap3A_1667 = arith.constant 112 : index
    %swap3A_1668 = tpu.vector_load %arg6[%swap3A_1666, %swap3A_1667] {strides = array<i32>} : memref<128x128xf32, #tpu.memory_space<vmem>>, vector<1x16xf32>,
    %swap3A_1669 = vector.shape_cast %swap3A_1668 : vector<1x16xf32> to vector<16xf32>
    %swap3A_1670 = vector.shape_cast %broadcast_in_dim3A_423 : vector<16xf32> to vector<1x16xf32>
    tpu.vector_store %arg6[%swap3A_1666, %swap3A_1667], %swap3A_1670 {strides = array<i32>} : memref<128x128xf32, #tpu.memory_space<vmem>>, vector<1x16xf32>,
    %swap3A_1671 = arith.constant 26 : i32
    %swap3A_1672 = arith.index_cast %swap3A_1671 : i32 to index
    %swap3A_1673 = arith.constant 0 : index
    %swap3A_1674 = tpu.vector_load %arg6[%swap3A_1672, %swap3A_1673] {strides = array<i32>} : memref<128x128xf32, #tpu.memory_space<vmem>>, vector<1x16xf32>,
    %swap3A_1675 = vector.shape_cast %swap3A_1674 : vector<1x16xf32> to vector<16xf32>
    %swap3A_1676 = vector.shape_cast %broadcast_in_dim3A_423 : vector<16xf32> to vector<1x16xf32>
    tpu.vector_store %arg6[%swap3A_1672, %swap3A_1673], %swap3A_1676 {strides = array<i32>} : memref<128x128xf32, #tpu.memory_space<vmem>>, vector<1x16xf32>,
    %swap3A_1677 = arith.constant 26 : i32
    %swap3A_1678 = arith.index_cast %swap3A_1677 : i32 to index
    %swap3A_1679 = arith.constant 16 : index
    %swap3A_1680 = tpu.vector_load %arg6[%swap3A_1678, %swap3A_1679] {strides = array<i32>} : memref<128x128xf32, #tpu.memory_space<vmem>>, vector<1x16xf32>,
    %swap3A_1681 = vector.shape_cast %swap3A_1680 : vector<1x16xf32> to vector<16xf32>
    %swap3A_1682 = vector.shape_cast %broadcast_in_dim3A_423 : vector<16xf32> to vector<1x16xf32>
    tpu.vector_store %arg6[%swap3A_1678, %swap3A_1679], %swap3A_1682 {strides = array<i32>} : memref<128x128xf32, #tpu.memory_space<vmem>>, vector<1x16xf32>,
    %swap3A_1683 = arith.constant 26 : i32
    %swap3A_1684 = arith.index_cast %swap3A_1683 : i32 to index
    %swap3A_1685 = arith.constant 32 : index
    %swap3A_1686 = tpu.vector_load %arg6[%swap3A_1684, %swap3A_1685] {strides = array<i32>} : memref<128x128xf32, #tpu.memory_space<vmem>>, vector<1x16xf32>,
    %swap3A_1687 = vector.shape_cast %swap3A_1686 : vector<1x16xf32> to vector<16xf32>
    %swap3A_1688 = vector.shape_cast %broadcast_in_dim3A_423 : vector<16xf32> to vector<1x16xf32>
    tpu.vector_store %arg6[%swap3A_1684, %swap3A_1685], %swap3A_1688 {strides = array<i32>} : memref<128x128xf32, #tpu.memory_space<vmem>>, vector<1x16xf32>,
    %swap3A_1689 = arith.constant 26 : i32
    %swap3A_1690 = arith.index_cast %swap3A_1689 : i32 to index
    %swap3A_1691 = arith.constant 48 : index
    %swap3A_1692 = tpu.vector_load %arg6[%swap3A_1690, %swap3A_1691] {strides = array<i32>} : memref<128x128xf32, #tpu.memory_space<vmem>>, vector<1x16xf32>,
    %swap3A_1693 = vector.shape_cast %swap3A_1692 : vector<1x16xf32> to vector<16xf32>
    %swap3A_1694 = vector.shape_cast %broadcast_in_dim3A_423 : vector<16xf32> to vector<1x16xf32>
    tpu.vector_store %arg6[%swap3A_1690, %swap3A_1691], %swap3A_1694 {strides = array<i32>} : memref<128x128xf32, #tpu.memory_space<vmem>>, vector<1x16xf32>,
    %swap3A_1695 = arith.constant 26 : i32
    %swap3A_1696 = arith.index_cast %swap3A_1695 : i32 to index
    %swap3A_1697 = arith.constant 64 : index
    %swap3A_1698 = tpu.vector_load %arg6[%swap3A_1696, %swap3A_1697] {strides = array<i32>} : memref<128x128xf32, #tpu.memory_space<vmem>>, vector<1x16xf32>,
    %swap3A_1699 = vector.shape_cast %swap3A_1698 : vector<1x16xf32> to vector<16xf32>
    %swap3A_1700 = vector.shape_cast %broadcast_in_dim3A_423 : vector<16xf32> to vector<1x16xf32>
    tpu.vector_store %arg6[%swap3A_1696, %swap3A_1697], %swap3A_1700 {strides = array<i32>} : memref<128x128xf32, #tpu.memory_space<vmem>>, vector<1x16xf32>,
    %swap3A_1701 = arith.constant 26 : i32
    %swap3A_1702 = arith.index_cast %swap3A_1701 : i32 to index
    %swap3A_1703 = arith.constant 80 : index
    %swap3A_1704 = tpu.vector_load %arg6[%swap3A_1702, %swap3A_1703] {strides = array<i32>} : memref<128x128xf32, #tpu.memory_space<vmem>>, vector<1x16xf32>,
    %swap3A_1705 = vector.shape_cast %swap3A_1704 : vector<1x16xf32> to vector<16xf32>
    %swap3A_1706 = vector.shape_cast %broadcast_in_dim3A_423 : vector<16xf32> to vector<1x16xf32>
    tpu.vector_store %arg6[%swap3A_1702, %swap3A_1703], %swap3A_1706 {strides = array<i32>} : memref<128x128xf32, #tpu.memory_space<vmem>>, vector<1x16xf32>,
    %swap3A_1707 = arith.constant 26 : i32
    %swap3A_1708 = arith.index_cast %swap3A_1707 : i32 to index
    %swap3A_1709 = arith.constant 96 : index
    %swap3A_1710 = tpu.vector_load %arg6[%swap3A_1708, %swap3A_1709] {strides = array<i32>} : memref<128x128xf32, #tpu.memory_space<vmem>>, vector<1x16xf32>,
    %swap3A_1711 = vector.shape_cast %swap3A_1710 : vector<1x16xf32> to vector<16xf32>
    %swap3A_1712 = vector.shape_cast %broadcast_in_dim3A_423 : vector<16xf32> to vector<1x16xf32>
    tpu.vector_store %arg6[%swap3A_1708, %swap3A_1709], %swap3A_1712 {strides = array<i32>} : memref<128x128xf32, #tpu.memory_space<vmem>>, vector<1x16xf32>,
    %swap3A_1713 = arith.constant 26 : i32
    %swap3A_1714 = arith.index_cast %swap3A_1713 : i32 to index
    %swap3A_1715 = arith.constant 112 : index
    %swap3A_1716 = tpu.vector_load %arg6[%swap3A_1714, %swap3A_1715] {strides = array<i32>} : memref<128x128xf32, #tpu.memory_space<vmem>>, vector<1x16xf32>,
    %swap3A_1717 = vector.shape_cast %swap3A_1716 : vector<1x16xf32> to vector<16xf32>
    %swap3A_1718 = vector.shape_cast %broadcast_in_dim3A_423 : vector<16xf32> to vector<1x16xf32>
    tpu.vector_store %arg6[%swap3A_1714, %swap3A_1715], %swap3A_1718 {strides = array<i32>} : memref<128x128xf32, #tpu.memory_space<vmem>>, vector<1x16xf32>,
    %swap3A_1719 = arith.constant 27 : i32
    %swap3A_1720 = arith.index_cast %swap3A_1719 : i32 to index
    %swap3A_1721 = arith.constant 0 : index
    %swap3A_1722 = tpu.vector_load %arg6[%swap3A_1720, %swap3A_1721] {strides = array<i32>} : memref<128x128xf32, #tpu.memory_space<vmem>>, vector<1x16xf32>,
    %swap3A_1723 = vector.shape_cast %swap3A_1722 : vector<1x16xf32> to vector<16xf32>
    %swap3A_1724 = vector.shape_cast %broadcast_in_dim3A_423 : vector<16xf32> to vector<1x16xf32>
    tpu.vector_store %arg6[%swap3A_1720, %swap3A_1721], %swap3A_1724 {strides = array<i32>} : memref<128x128xf32, #tpu.memory_space<vmem>>, vector<1x16xf32>,
    %swap3A_1725 = arith.constant 27 : i32
    %swap3A_1726 = arith.index_cast %swap3A_1725 : i32 to index
    %swap3A_1727 = arith.constant 16 : index
    %swap3A_1728 = tpu.vector_load %arg6[%swap3A_1726, %swap3A_1727] {strides = array<i32>} : memref<128x128xf32, #tpu.memory_space<vmem>>, vector<1x16xf32>,
    %swap3A_1729 = vector.shape_cast %swap3A_1728 : vector<1x16xf32> to vector<16xf32>
    %swap3A_1730 = vector.shape_cast %broadcast_in_dim3A_423 : vector<16xf32> to vector<1x16xf32>
    tpu.vector_store %arg6[%swap3A_1726, %swap3A_1727], %swap3A_1730 {strides = array<i32>} : memref<128x128xf32, #tpu.memory_space<vmem>>, vector<1x16xf32>,
    %swap3A_1731 = arith.constant 27 : i32
    %swap3A_1732 = arith.index_cast %swap3A_1731 : i32 to index
    %swap3A_1733 = arith.constant 32 : index
    %swap3A_1734 = tpu.vector_load %arg6[%swap3A_1732, %swap3A_1733] {strides = array<i32>} : memref<128x128xf32, #tpu.memory_space<vmem>>, vector<1x16xf32>,
    %swap3A_1735 = vector.shape_cast %swap3A_1734 : vector<1x16xf32> to vector<16xf32>
    %swap3A_1736 = vector.shape_cast %broadcast_in_dim3A_423 : vector<16xf32> to vector<1x16xf32>
    tpu.vector_store %arg6[%swap3A_1732, %swap3A_1733], %swap3A_1736 {strides = array<i32>} : memref<128x128xf32, #tpu.memory_space<vmem>>, vector<1x16xf32>,
    %swap3A_1737 = arith.constant 27 : i32
    %swap3A_1738 = arith.index_cast %swap3A_1737 : i32 to index
    %swap3A_1739 = arith.constant 48 : index
    %swap3A_1740 = tpu.vector_load %arg6[%swap3A_1738, %swap3A_1739] {strides = array<i32>} : memref<128x128xf32, #tpu.memory_space<vmem>>, vector<1x16xf32>,
    %swap3A_1741 = vector.shape_cast %swap3A_1740 : vector<1x16xf32> to vector<16xf32>
    %swap3A_1742 = vector.shape_cast %broadcast_in_dim3A_423 : vector<16xf32> to vector<1x16xf32>
    tpu.vector_store %arg6[%swap3A_1738, %swap3A_1739], %swap3A_1742 {strides = array<i32>} : memref<128x128xf32, #tpu.memory_space<vmem>>, vector<1x16xf32>,
    %swap3A_1743 = arith.constant 27 : i32
    %swap3A_1744 = arith.index_cast %swap3A_1743 : i32 to index
    %swap3A_1745 = arith.constant 64 : index
    %swap3A_1746 = tpu.vector_load %arg6[%swap3A_1744, %swap3A_1745] {strides = array<i32>} : memref<128x128xf32, #tpu.memory_space<vmem>>, vector<1x16xf32>,
    %swap3A_1747 = vector.shape_cast %swap3A_1746 : vector<1x16xf32> to vector<16xf32>
    %swap3A_1748 = vector.shape_cast %broadcast_in_dim3A_423 : vector<16xf32> to vector<1x16xf32>
    tpu.vector_store %arg6[%swap3A_1744, %swap3A_1745], %swap3A_1748 {strides = array<i32>} : memref<128x128xf32, #tpu.memory_space<vmem>>, vector<1x16xf32>,
    %swap3A_1749 = arith.constant 27 : i32
    %swap3A_1750 = arith.index_cast %swap3A_1749 : i32 to index
    %swap3A_1751 = arith.constant 80 : index
    %swap3A_1752 = tpu.vector_load %arg6[%swap3A_1750, %swap3A_1751] {strides = array<i32>} : memref<128x128xf32, #tpu.memory_space<vmem>>, vector<1x16xf32>,
    %swap3A_1753 = vector.shape_cast %swap3A_1752 : vector<1x16xf32> to vector<16xf32>
    %swap3A_1754 = vector.shape_cast %broadcast_in_dim3A_423 : vector<16xf32> to vector<1x16xf32>
    tpu.vector_store %arg6[%swap3A_1750, %swap3A_1751], %swap3A_1754 {strides = array<i32>} : memref<128x128xf32, #tpu.memory_space<vmem>>, vector<1x16xf32>,
    %swap3A_1755 = arith.constant 27 : i32
    %swap3A_1756 = arith.index_cast %swap3A_1755 : i32 to index
    %swap3A_1757 = arith.constant 96 : index
    %swap3A_1758 = tpu.vector_load %arg6[%swap3A_1756, %swap3A_1757] {strides = array<i32>} : memref<128x128xf32, #tpu.memory_space<vmem>>, vector<1x16xf32>,
    %swap3A_1759 = vector.shape_cast %swap3A_1758 : vector<1x16xf32> to vector<16xf32>
    %swap3A_1760 = vector.shape_cast %broadcast_in_dim3A_423 : vector<16xf32> to vector<1x16xf32>
    tpu.vector_store %arg6[%swap3A_1756, %swap3A_1757], %swap3A_1760 {strides = array<i32>} : memref<128x128xf32, #tpu.memory_space<vmem>>, vector<1x16xf32>,
    %swap3A_1761 = arith.constant 27 : i32
    %swap3A_1762 = arith.index_cast %swap3A_1761 : i32 to index
    %swap3A_1763 = arith.constant 112 : index
    %swap3A_1764 = tpu.vector_load %arg6[%swap3A_1762, %swap3A_1763] {strides = array<i32>} : memref<128x128xf32, #tpu.memory_space<vmem>>, vector<1x16xf32>,
    %swap3A_1765 = vector.shape_cast %swap3A_1764 : vector<1x16xf32> to vector<16xf32>
    %swap3A_1766 = vector.shape_cast %broadcast_in_dim3A_423 : vector<16xf32> to vector<1x16xf32>
    tpu.vector_store %arg6[%swap3A_1762, %swap3A_1763], %swap3A_1766 {strides = array<i32>} : memref<128x128xf32, #tpu.memory_space<vmem>>, vector<1x16xf32>,
    %swap3A_1767 = arith.constant 28 : i32
    %swap3A_1768 = arith.index_cast %swap3A_1767 : i32 to index
    %swap3A_1769 = arith.constant 0 : index
    %swap3A_1770 = tpu.vector_load %arg6[%swap3A_1768, %swap3A_1769] {strides = array<i32>} : memref<128x128xf32, #tpu.memory_space<vmem>>, vector<1x16xf32>,
    %swap3A_1771 = vector.shape_cast %swap3A_1770 : vector<1x16xf32> to vector<16xf32>
    %swap3A_1772 = vector.shape_cast %broadcast_in_dim3A_423 : vector<16xf32> to vector<1x16xf32>
    tpu.vector_store %arg6[%swap3A_1768, %swap3A_1769], %swap3A_1772 {strides = array<i32>} : memref<128x128xf32, #tpu.memory_space<vmem>>, vector<1x16xf32>,
    %swap3A_1773 = arith.constant 28 : i32
    %swap3A_1774 = arith.index_cast %swap3A_1773 : i32 to index
    %swap3A_1775 = arith.constant 16 : index
    %swap3A_1776 = tpu.vector_load %arg6[%swap3A_1774, %swap3A_1775] {strides = array<i32>} : memref<128x128xf32, #tpu.memory_space<vmem>>, vector<1x16xf32>,
    %swap3A_1777 = vector.shape_cast %swap3A_1776 : vector<1x16xf32> to vector<16xf32>
    %swap3A_1778 = vector.shape_cast %broadcast_in_dim3A_423 : vector<16xf32> to vector<1x16xf32>
    tpu.vector_store %arg6[%swap3A_1774, %swap3A_1775], %swap3A_1778 {strides = array<i32>} : memref<128x128xf32, #tpu.memory_space<vmem>>, vector<1x16xf32>,
    %swap3A_1779 = arith.constant 28 : i32
    %swap3A_1780 = arith.index_cast %swap3A_1779 : i32 to index
    %swap3A_1781 = arith.constant 32 : index
    %swap3A_1782 = tpu.vector_load %arg6[%swap3A_1780, %swap3A_1781] {strides = array<i32>} : memref<128x128xf32, #tpu.memory_space<vmem>>, vector<1x16xf32>,
    %swap3A_1783 = vector.shape_cast %swap3A_1782 : vector<1x16xf32> to vector<16xf32>
    %swap3A_1784 = vector.shape_cast %broadcast_in_dim3A_423 : vector<16xf32> to vector<1x16xf32>
    tpu.vector_store %arg6[%swap3A_1780, %swap3A_1781], %swap3A_1784 {strides = array<i32>} : memref<128x128xf32, #tpu.memory_space<vmem>>, vector<1x16xf32>,
    %swap3A_1785 = arith.constant 28 : i32
    %swap3A_1786 = arith.index_cast %swap3A_1785 : i32 to index
    %swap3A_1787 = arith.constant 48 : index
    %swap3A_1788 = tpu.vector_load %arg6[%swap3A_1786, %swap3A_1787] {strides = array<i32>} : memref<128x128xf32, #tpu.memory_space<vmem>>, vector<1x16xf32>,
    %swap3A_1789 = vector.shape_cast %swap3A_1788 : vector<1x16xf32> to vector<16xf32>
    %swap3A_1790 = vector.shape_cast %broadcast_in_dim3A_423 : vector<16xf32> to vector<1x16xf32>
    tpu.vector_store %arg6[%swap3A_1786, %swap3A_1787], %swap3A_1790 {strides = array<i32>} : memref<128x128xf32, #tpu.memory_space<vmem>>, vector<1x16xf32>,
    %swap3A_1791 = arith.constant 28 : i32
    %swap3A_1792 = arith.index_cast %swap3A_1791 : i32 to index
    %swap3A_1793 = arith.constant 64 : index
    %swap3A_1794 = tpu.vector_load %arg6[%swap3A_1792, %swap3A_1793] {strides = array<i32>} : memref<128x128xf32, #tpu.memory_space<vmem>>, vector<1x16xf32>,
    %swap3A_1795 = vector.shape_cast %swap3A_1794 : vector<1x16xf32> to vector<16xf32>
    %swap3A_1796 = vector.shape_cast %broadcast_in_dim3A_423 : vector<16xf32> to vector<1x16xf32>
    tpu.vector_store %arg6[%swap3A_1792, %swap3A_1793], %swap3A_1796 {strides = array<i32>} : memref<128x128xf32, #tpu.memory_space<vmem>>, vector<1x16xf32>,
    %swap3A_1797 = arith.constant 28 : i32
    %swap3A_1798 = arith.index_cast %swap3A_1797 : i32 to index
    %swap3A_1799 = arith.constant 80 : index
    %swap3A_1800 = tpu.vector_load %arg6[%swap3A_1798, %swap3A_1799] {strides = array<i32>} : memref<128x128xf32, #tpu.memory_space<vmem>>, vector<1x16xf32>,
    %swap3A_1801 = vector.shape_cast %swap3A_1800 : vector<1x16xf32> to vector<16xf32>
    %swap3A_1802 = vector.shape_cast %broadcast_in_dim3A_423 : vector<16xf32> to vector<1x16xf32>
    tpu.vector_store %arg6[%swap3A_1798, %swap3A_1799], %swap3A_1802 {strides = array<i32>} : memref<128x128xf32, #tpu.memory_space<vmem>>, vector<1x16xf32>,
    %swap3A_1803 = arith.constant 28 : i32
    %swap3A_1804 = arith.index_cast %swap3A_1803 : i32 to index
    %swap3A_1805 = arith.constant 96 : index
    %swap3A_1806 = tpu.vector_load %arg6[%swap3A_1804, %swap3A_1805] {strides = array<i32>} : memref<128x128xf32, #tpu.memory_space<vmem>>, vector<1x16xf32>,
    %swap3A_1807 = vector.shape_cast %swap3A_1806 : vector<1x16xf32> to vector<16xf32>
    %swap3A_1808 = vector.shape_cast %broadcast_in_dim3A_423 : vector<16xf32> to vector<1x16xf32>
    tpu.vector_store %arg6[%swap3A_1804, %swap3A_1805], %swap3A_1808 {strides = array<i32>} : memref<128x128xf32, #tpu.memory_space<vmem>>, vector<1x16xf32>,
    %swap3A_1809 = arith.constant 28 : i32
    %swap3A_1810 = arith.index_cast %swap3A_1809 : i32 to index
    %swap3A_1811 = arith.constant 112 : index
    %swap3A_1812 = tpu.vector_load %arg6[%swap3A_1810, %swap3A_1811] {strides = array<i32>} : memref<128x128xf32, #tpu.memory_space<vmem>>, vector<1x16xf32>,
    %swap3A_1813 = vector.shape_cast %swap3A_1812 : vector<1x16xf32> to vector<16xf32>
    %swap3A_1814 = vector.shape_cast %broadcast_in_dim3A_423 : vector<16xf32> to vector<1x16xf32>
    tpu.vector_store %arg6[%swap3A_1810, %swap3A_1811], %swap3A_1814 {strides = array<i32>} : memref<128x128xf32, #tpu.memory_space<vmem>>, vector<1x16xf32>,
    %swap3A_1815 = arith.constant 29 : i32
    %swap3A_1816 = arith.index_cast %swap3A_1815 : i32 to index
    %swap3A_1817 = arith.constant 0 : index
    %swap3A_1818 = tpu.vector_load %arg6[%swap3A_1816, %swap3A_1817] {strides = array<i32>} : memref<128x128xf32, #tpu.memory_space<vmem>>, vector<1x16xf32>,
    %swap3A_1819 = vector.shape_cast %swap3A_1818 : vector<1x16xf32> to vector<16xf32>
    %swap3A_1820 = vector.shape_cast %broadcast_in_dim3A_423 : vector<16xf32> to vector<1x16xf32>
    tpu.vector_store %arg6[%swap3A_1816, %swap3A_1817], %swap3A_1820 {strides = array<i32>} : memref<128x128xf32, #tpu.memory_space<vmem>>, vector<1x16xf32>,
    %swap3A_1821 = arith.constant 29 : i32
    %swap3A_1822 = arith.index_cast %swap3A_1821 : i32 to index
    %swap3A_1823 = arith.constant 16 : index
    %swap3A_1824 = tpu.vector_load %arg6[%swap3A_1822, %swap3A_1823] {strides = array<i32>} : memref<128x128xf32, #tpu.memory_space<vmem>>, vector<1x16xf32>,
    %swap3A_1825 = vector.shape_cast %swap3A_1824 : vector<1x16xf32> to vector<16xf32>
    %swap3A_1826 = vector.shape_cast %broadcast_in_dim3A_423 : vector<16xf32> to vector<1x16xf32>
    tpu.vector_store %arg6[%swap3A_1822, %swap3A_1823], %swap3A_1826 {strides = array<i32>} : memref<128x128xf32, #tpu.memory_space<vmem>>, vector<1x16xf32>,
    %swap3A_1827 = arith.constant 29 : i32
    %swap3A_1828 = arith.index_cast %swap3A_1827 : i32 to index
    %swap3A_1829 = arith.constant 32 : index
    %swap3A_1830 = tpu.vector_load %arg6[%swap3A_1828, %swap3A_1829] {strides = array<i32>} : memref<128x128xf32, #tpu.memory_space<vmem>>, vector<1x16xf32>,
    %swap3A_1831 = vector.shape_cast %swap3A_1830 : vector<1x16xf32> to vector<16xf32>
    %swap3A_1832 = vector.shape_cast %broadcast_in_dim3A_423 : vector<16xf32> to vector<1x16xf32>
    tpu.vector_store %arg6[%swap3A_1828, %swap3A_1829], %swap3A_1832 {strides = array<i32>} : memref<128x128xf32, #tpu.memory_space<vmem>>, vector<1x16xf32>,
    %swap3A_1833 = arith.constant 29 : i32
    %swap3A_1834 = arith.index_cast %swap3A_1833 : i32 to index
    %swap3A_1835 = arith.constant 48 : index
    %swap3A_1836 = tpu.vector_load %arg6[%swap3A_1834, %swap3A_1835] {strides = array<i32>} : memref<128x128xf32, #tpu.memory_space<vmem>>, vector<1x16xf32>,
    %swap3A_1837 = vector.shape_cast %swap3A_1836 : vector<1x16xf32> to vector<16xf32>
    %swap3A_1838 = vector.shape_cast %broadcast_in_dim3A_423 : vector<16xf32> to vector<1x16xf32>
    tpu.vector_store %arg6[%swap3A_1834, %swap3A_1835], %swap3A_1838 {strides = array<i32>} : memref<128x128xf32, #tpu.memory_space<vmem>>, vector<1x16xf32>,
    %swap3A_1839 = arith.constant 29 : i32
    %swap3A_1840 = arith.index_cast %swap3A_1839 : i32 to index
    %swap3A_1841 = arith.constant 64 : index
    %swap3A_1842 = tpu.vector_load %arg6[%swap3A_1840, %swap3A_1841] {strides = array<i32>} : memref<128x128xf32, #tpu.memory_space<vmem>>, vector<1x16xf32>,
    %swap3A_1843 = vector.shape_cast %swap3A_1842 : vector<1x16xf32> to vector<16xf32>
    %swap3A_1844 = vector.shape_cast %broadcast_in_dim3A_423 : vector<16xf32> to vector<1x16xf32>
    tpu.vector_store %arg6[%swap3A_1840, %swap3A_1841], %swap3A_1844 {strides = array<i32>} : memref<128x128xf32, #tpu.memory_space<vmem>>, vector<1x16xf32>,
    %swap3A_1845 = arith.constant 29 : i32
    %swap3A_1846 = arith.index_cast %swap3A_1845 : i32 to index
    %swap3A_1847 = arith.constant 80 : index
    %swap3A_1848 = tpu.vector_load %arg6[%swap3A_1846, %swap3A_1847] {strides = array<i32>} : memref<128x128xf32, #tpu.memory_space<vmem>>, vector<1x16xf32>,
    %swap3A_1849 = vector.shape_cast %swap3A_1848 : vector<1x16xf32> to vector<16xf32>
    %swap3A_1850 = vector.shape_cast %broadcast_in_dim3A_423 : vector<16xf32> to vector<1x16xf32>
    tpu.vector_store %arg6[%swap3A_1846, %swap3A_1847], %swap3A_1850 {strides = array<i32>} : memref<128x128xf32, #tpu.memory_space<vmem>>, vector<1x16xf32>,
    %swap3A_1851 = arith.constant 29 : i32
    %swap3A_1852 = arith.index_cast %swap3A_1851 : i32 to index
    %swap3A_1853 = arith.constant 96 : index
    %swap3A_1854 = tpu.vector_load %arg6[%swap3A_1852, %swap3A_1853] {strides = array<i32>} : memref<128x128xf32, #tpu.memory_space<vmem>>, vector<1x16xf32>,
    %swap3A_1855 = vector.shape_cast %swap3A_1854 : vector<1x16xf32> to vector<16xf32>
    %swap3A_1856 = vector.shape_cast %broadcast_in_dim3A_423 : vector<16xf32> to vector<1x16xf32>
    tpu.vector_store %arg6[%swap3A_1852, %swap3A_1853], %swap3A_1856 {strides = array<i32>} : memref<128x128xf32, #tpu.memory_space<vmem>>, vector<1x16xf32>,
    %swap3A_1857 = arith.constant 29 : i32
    %swap3A_1858 = arith.index_cast %swap3A_1857 : i32 to index
    %swap3A_1859 = arith.constant 112 : index
    %swap3A_1860 = tpu.vector_load %arg6[%swap3A_1858, %swap3A_1859] {strides = array<i32>} : memref<128x128xf32, #tpu.memory_space<vmem>>, vector<1x16xf32>,
    %swap3A_1861 = vector.shape_cast %swap3A_1860 : vector<1x16xf32> to vector<16xf32>
    %swap3A_1862 = vector.shape_cast %broadcast_in_dim3A_423 : vector<16xf32> to vector<1x16xf32>
    tpu.vector_store %arg6[%swap3A_1858, %swap3A_1859], %swap3A_1862 {strides = array<i32>} : memref<128x128xf32, #tpu.memory_space<vmem>>, vector<1x16xf32>,
    %swap3A_1863 = arith.constant 30 : i32
    %swap3A_1864 = arith.index_cast %swap3A_1863 : i32 to index
    %swap3A_1865 = arith.constant 0 : index
    %swap3A_1866 = tpu.vector_load %arg6[%swap3A_1864, %swap3A_1865] {strides = array<i32>} : memref<128x128xf32, #tpu.memory_space<vmem>>, vector<1x16xf32>,
    %swap3A_1867 = vector.shape_cast %swap3A_1866 : vector<1x16xf32> to vector<16xf32>
    %swap3A_1868 = vector.shape_cast %broadcast_in_dim3A_423 : vector<16xf32> to vector<1x16xf32>
    tpu.vector_store %arg6[%swap3A_1864, %swap3A_1865], %swap3A_1868 {strides = array<i32>} : memref<128x128xf32, #tpu.memory_space<vmem>>, vector<1x16xf32>,
    %swap3A_1869 = arith.constant 30 : i32
    %swap3A_1870 = arith.index_cast %swap3A_1869 : i32 to index
    %swap3A_1871 = arith.constant 16 : index
    %swap3A_1872 = tpu.vector_load %arg6[%swap3A_1870, %swap3A_1871] {strides = array<i32>} : memref<128x128xf32, #tpu.memory_space<vmem>>, vector<1x16xf32>,
    %swap3A_1873 = vector.shape_cast %swap3A_1872 : vector<1x16xf32> to vector<16xf32>
    %swap3A_1874 = vector.shape_cast %broadcast_in_dim3A_423 : vector<16xf32> to vector<1x16xf32>
    tpu.vector_store %arg6[%swap3A_1870, %swap3A_1871], %swap3A_1874 {strides = array<i32>} : memref<128x128xf32, #tpu.memory_space<vmem>>, vector<1x16xf32>,
    %swap3A_1875 = arith.constant 30 : i32
    %swap3A_1876 = arith.index_cast %swap3A_1875 : i32 to index
    %swap3A_1877 = arith.constant 32 : index
    %swap3A_1878 = tpu.vector_load %arg6[%swap3A_1876, %swap3A_1877] {strides = array<i32>} : memref<128x128xf32, #tpu.memory_space<vmem>>, vector<1x16xf32>,
    %swap3A_1879 = vector.shape_cast %swap3A_1878 : vector<1x16xf32> to vector<16xf32>
    %swap3A_1880 = vector.shape_cast %broadcast_in_dim3A_423 : vector<16xf32> to vector<1x16xf32>
    tpu.vector_store %arg6[%swap3A_1876, %swap3A_1877], %swap3A_1880 {strides = array<i32>} : memref<128x128xf32, #tpu.memory_space<vmem>>, vector<1x16xf32>,
    %swap3A_1881 = arith.constant 30 : i32
    %swap3A_1882 = arith.index_cast %swap3A_1881 : i32 to index
    %swap3A_1883 = arith.constant 48 : index
    %swap3A_1884 = tpu.vector_load %arg6[%swap3A_1882, %swap3A_1883] {strides = array<i32>} : memref<128x128xf32, #tpu.memory_space<vmem>>, vector<1x16xf32>,
    %swap3A_1885 = vector.shape_cast %swap3A_1884 : vector<1x16xf32> to vector<16xf32>
    %swap3A_1886 = vector.shape_cast %broadcast_in_dim3A_423 : vector<16xf32> to vector<1x16xf32>
    tpu.vector_store %arg6[%swap3A_1882, %swap3A_1883], %swap3A_1886 {strides = array<i32>} : memref<128x128xf32, #tpu.memory_space<vmem>>, vector<1x16xf32>,
    %swap3A_1887 = arith.constant 30 : i32
    %swap3A_1888 = arith.index_cast %swap3A_1887 : i32 to index
    %swap3A_1889 = arith.constant 64 : index
    %swap3A_1890 = tpu.vector_load %arg6[%swap3A_1888, %swap3A_1889] {strides = array<i32>} : memref<128x128xf32, #tpu.memory_space<vmem>>, vector<1x16xf32>,
    %swap3A_1891 = vector.shape_cast %swap3A_1890 : vector<1x16xf32> to vector<16xf32>
    %swap3A_1892 = vector.shape_cast %broadcast_in_dim3A_423 : vector<16xf32> to vector<1x16xf32>
    tpu.vector_store %arg6[%swap3A_1888, %swap3A_1889], %swap3A_1892 {strides = array<i32>} : memref<128x128xf32, #tpu.memory_space<vmem>>, vector<1x16xf32>,
    %swap3A_1893 = arith.constant 30 : i32
    %swap3A_1894 = arith.index_cast %swap3A_1893 : i32 to index
    %swap3A_1895 = arith.constant 80 : index
    %swap3A_1896 = tpu.vector_load %arg6[%swap3A_1894, %swap3A_1895] {strides = array<i32>} : memref<128x128xf32, #tpu.memory_space<vmem>>, vector<1x16xf32>,
    %swap3A_1897 = vector.shape_cast %swap3A_1896 : vector<1x16xf32> to vector<16xf32>
    %swap3A_1898 = vector.shape_cast %broadcast_in_dim3A_423 : vector<16xf32> to vector<1x16xf32>
    tpu.vector_store %arg6[%swap3A_1894, %swap3A_1895], %swap3A_1898 {strides = array<i32>} : memref<128x128xf32, #tpu.memory_space<vmem>>, vector<1x16xf32>,
    %swap3A_1899 = arith.constant 30 : i32
    %swap3A_1900 = arith.index_cast %swap3A_1899 : i32 to index
    %swap3A_1901 = arith.constant 96 : index
    %swap3A_1902 = tpu.vector_load %arg6[%swap3A_1900, %swap3A_1901] {strides = array<i32>} : memref<128x128xf32, #tpu.memory_space<vmem>>, vector<1x16xf32>,
    %swap3A_1903 = vector.shape_cast %swap3A_1902 : vector<1x16xf32> to vector<16xf32>
    %swap3A_1904 = vector.shape_cast %broadcast_in_dim3A_423 : vector<16xf32> to vector<1x16xf32>
    tpu.vector_store %arg6[%swap3A_1900, %swap3A_1901], %swap3A_1904 {strides = array<i32>} : memref<128x128xf32, #tpu.memory_space<vmem>>, vector<1x16xf32>,
    %swap3A_1905 = arith.constant 30 : i32
    %swap3A_1906 = arith.index_cast %swap3A_1905 : i32 to index
    %swap3A_1907 = arith.constant 112 : index
    %swap3A_1908 = tpu.vector_load %arg6[%swap3A_1906, %swap3A_1907] {strides = array<i32>} : memref<128x128xf32, #tpu.memory_space<vmem>>, vector<1x16xf32>,
    %swap3A_1909 = vector.shape_cast %swap3A_1908 : vector<1x16xf32> to vector<16xf32>
    %swap3A_1910 = vector.shape_cast %broadcast_in_dim3A_423 : vector<16xf32> to vector<1x16xf32>
    tpu.vector_store %arg6[%swap3A_1906, %swap3A_1907], %swap3A_1910 {strides = array<i32>} : memref<128x128xf32, #tpu.memory_space<vmem>>, vector<1x16xf32>,
    %swap3A_1911 = arith.constant 31 : i32
    %swap3A_1912 = arith.index_cast %swap3A_1911 : i32 to index
    %swap3A_1913 = arith.constant 0 : index
    %swap3A_1914 = tpu.vector_load %arg6[%swap3A_1912, %swap3A_1913] {strides = array<i32>} : memref<128x128xf32, #tpu.memory_space<vmem>>, vector<1x16xf32>,
    %swap3A_1915 = vector.shape_cast %swap3A_1914 : vector<1x16xf32> to vector<16xf32>
    %swap3A_1916 = vector.shape_cast %broadcast_in_dim3A_423 : vector<16xf32> to vector<1x16xf32>
    tpu.vector_store %arg6[%swap3A_1912, %swap3A_1913], %swap3A_1916 {strides = array<i32>} : memref<128x128xf32, #tpu.memory_space<vmem>>, vector<1x16xf32>,
    %swap3A_1917 = arith.constant 31 : i32
    %swap3A_1918 = arith.index_cast %swap3A_1917 : i32 to index
    %swap3A_1919 = arith.constant 16 : index
    %swap3A_1920 = tpu.vector_load %arg6[%swap3A_1918, %swap3A_1919] {strides = array<i32>} : memref<128x128xf32, #tpu.memory_space<vmem>>, vector<1x16xf32>,
    %swap3A_1921 = vector.shape_cast %swap3A_1920 : vector<1x16xf32> to vector<16xf32>
    %swap3A_1922 = vector.shape_cast %broadcast_in_dim3A_423 : vector<16xf32> to vector<1x16xf32>
    tpu.vector_store %arg6[%swap3A_1918, %swap3A_1919], %swap3A_1922 {strides = array<i32>} : memref<128x128xf32, #tpu.memory_space<vmem>>, vector<1x16xf32>,
    %swap3A_1923 = arith.constant 31 : i32
    %swap3A_1924 = arith.index_cast %swap3A_1923 : i32 to index
    %swap3A_1925 = arith.constant 32 : index
    %swap3A_1926 = tpu.vector_load %arg6[%swap3A_1924, %swap3A_1925] {strides = array<i32>} : memref<128x128xf32, #tpu.memory_space<vmem>>, vector<1x16xf32>,
    %swap3A_1927 = vector.shape_cast %swap3A_1926 : vector<1x16xf32> to vector<16xf32>
    %swap3A_1928 = vector.shape_cast %broadcast_in_dim3A_423 : vector<16xf32> to vector<1x16xf32>
    tpu.vector_store %arg6[%swap3A_1924, %swap3A_1925], %swap3A_1928 {strides = array<i32>} : memref<128x128xf32, #tpu.memory_space<vmem>>, vector<1x16xf32>,
    %swap3A_1929 = arith.constant 31 : i32
    %swap3A_1930 = arith.index_cast %swap3A_1929 : i32 to index
    %swap3A_1931 = arith.constant 48 : index
    %swap3A_1932 = tpu.vector_load %arg6[%swap3A_1930, %swap3A_1931] {strides = array<i32>} : memref<128x128xf32, #tpu.memory_space<vmem>>, vector<1x16xf32>,
    %swap3A_1933 = vector.shape_cast %swap3A_1932 : vector<1x16xf32> to vector<16xf32>
    %swap3A_1934 = vector.shape_cast %broadcast_in_dim3A_423 : vector<16xf32> to vector<1x16xf32>
    tpu.vector_store %arg6[%swap3A_1930, %swap3A_1931], %swap3A_1934 {strides = array<i32>} : memref<128x128xf32, #tpu.memory_space<vmem>>, vector<1x16xf32>,
    %swap3A_1935 = arith.constant 31 : i32
    %swap3A_1936 = arith.index_cast %swap3A_1935 : i32 to index
    %swap3A_1937 = arith.constant 64 : index
    %swap3A_1938 = tpu.vector_load %arg6[%swap3A_1936, %swap3A_1937] {strides = array<i32>} : memref<128x128xf32, #tpu.memory_space<vmem>>, vector<1x16xf32>,
    %swap3A_1939 = vector.shape_cast %swap3A_1938 : vector<1x16xf32> to vector<16xf32>
    %swap3A_1940 = vector.shape_cast %broadcast_in_dim3A_423 : vector<16xf32> to vector<1x16xf32>
    tpu.vector_store %arg6[%swap3A_1936, %swap3A_1937], %swap3A_1940 {strides = array<i32>} : memref<128x128xf32, #tpu.memory_space<vmem>>, vector<1x16xf32>,
    %swap3A_1941 = arith.constant 31 : i32
    %swap3A_1942 = arith.index_cast %swap3A_1941 : i32 to index
    %swap3A_1943 = arith.constant 80 : index
    %swap3A_1944 = tpu.vector_load %arg6[%swap3A_1942, %swap3A_1943] {strides = array<i32>} : memref<128x128xf32, #tpu.memory_space<vmem>>, vector<1x16xf32>,
    %swap3A_1945 = vector.shape_cast %swap3A_1944 : vector<1x16xf32> to vector<16xf32>
    %swap3A_1946 = vector.shape_cast %broadcast_in_dim3A_423 : vector<16xf32> to vector<1x16xf32>
    tpu.vector_store %arg6[%swap3A_1942, %swap3A_1943], %swap3A_1946 {strides = array<i32>} : memref<128x128xf32, #tpu.memory_space<vmem>>, vector<1x16xf32>,
    %swap3A_1947 = arith.constant 31 : i32
    %swap3A_1948 = arith.index_cast %swap3A_1947 : i32 to index
    %swap3A_1949 = arith.constant 96 : index
    %swap3A_1950 = tpu.vector_load %arg6[%swap3A_1948, %swap3A_1949] {strides = array<i32>} : memref<128x128xf32, #tpu.memory_space<vmem>>, vector<1x16xf32>,
    %swap3A_1951 = vector.shape_cast %swap3A_1950 : vector<1x16xf32> to vector<16xf32>
    %swap3A_1952 = vector.shape_cast %broadcast_in_dim3A_423 : vector<16xf32> to vector<1x16xf32>
    tpu.vector_store %arg6[%swap3A_1948, %swap3A_1949], %swap3A_1952 {strides = array<i32>} : memref<128x128xf32, #tpu.memory_space<vmem>>, vector<1x16xf32>,
    %swap3A_1953 = arith.constant 31 : i32
    %swap3A_1954 = arith.index_cast %swap3A_1953 : i32 to index
    %swap3A_1955 = arith.constant 112 : index
    %swap3A_1956 = tpu.vector_load %arg6[%swap3A_1954, %swap3A_1955] {strides = array<i32>} : memref<128x128xf32, #tpu.memory_space<vmem>>, vector<1x16xf32>,
    %swap3A_1957 = vector.shape_cast %swap3A_1956 : vector<1x16xf32> to vector<16xf32>
    %swap3A_1958 = vector.shape_cast %broadcast_in_dim3A_423 : vector<16xf32> to vector<1x16xf32>
    tpu.vector_store %arg6[%swap3A_1954, %swap3A_1955], %swap3A_1958 {strides = array<i32>} : memref<128x128xf32, #tpu.memory_space<vmem>>, vector<1x16xf32>,
    %mul3A_1959 = arith.constant 32 : i32
    %mul3A_1960 = arith.muli %arg1, %mul3A_1959 : i32
    "tpu.region"() ({
      %run_scoped3A = tpu.sem_alloc : memref<!tpu.dma_semaphore, #tpu.memory_space<semaphore_mem>>
      %dma_start3A_2847 = arith.constant 0 : i32
      %dma_start3A_2848 = arith.constant 0 : i32
      %dma_start3A_2849 = tpu.memref_slice %arg6[%dma_start3A_2847, %dma_start3A_2848] : memref<128x128xf32, #tpu.memory_space<vmem>> -> memref<32x128xf32, #tpu.memory_space<vmem>>
      %dma_start3A_2850 = arith.constant 0 : i32
      %dma_start3A_2851 = tpu.memref_slice %arg5[%mul3A_1960, %dma_start3A_2850] : memref<512x128xf32, #tpu.memory_space<vmem_shared>> -> memref<32x128xf32, #tpu.memory_space<vmem_shared>>
      %dma_start3A_2852 = arith.constant 0 : i32
      %dma_start3A_2853 = tpu.memref_slice %arg5[%mul3A_1960, %dma_start3A_2852] : memref<512x128xf32, #tpu.memory_space<vmem_shared>> -> memref<32x128xf32, #tpu.memory_space<vmem_shared>>
      %dma_start3A_2854 = arith.constant 0 : i32
      %dma_start3A_2855 = arith.constant 0 : i32
      %dma_start3A_2856 = tpu.memref_slice %arg6[%dma_start3A_2854, %dma_start3A_2855] : memref<128x128xf32, #tpu.memory_space<vmem>> -> memref<32x128xf32, #tpu.memory_space<vmem>>
      tpu.enqueue_dma source(%dma_start3A_2856 : memref<32x128xf32, #tpu.memory_space<vmem>>) target(%dma_start3A_2853 : memref<32x128xf32, #tpu.memory_space<vmem_shared>>) target_semaphore(%run_scoped3A : memref<!tpu.dma_semaphore, #tpu.memory_space<semaphore_mem>>)
      %dma_wait3A_2857 = arith.constant 0 : i32
      %dma_wait3A_2858 = arith.constant 0 : i32
      %dma_wait3A_2859 = tpu.memref_slice %arg6[%dma_wait3A_2857, %dma_wait3A_2858] : memref<128x128xf32, #tpu.memory_space<vmem>> -> memref<32x128xf32, #tpu.memory_space<vmem>>
      %dma_wait3A_2860 = arith.constant 0 : i32
      %dma_wait3A_2861 = tpu.memref_slice %arg5[%mul3A_1960, %dma_wait3A_2860] : memref<512x128xf32, #tpu.memory_space<vmem_shared>> -> memref<32x128xf32, #tpu.memory_space<vmem_shared>>
      %dma_wait3A_2862 = arith.constant 0 : i32
      %dma_wait3A_2863 = tpu.memref_slice %arg5[%mul3A_1960, %dma_wait3A_2862] : memref<512x128xf32, #tpu.memory_space<vmem_shared>> -> memref<32x128xf32, #tpu.memory_space<vmem_shared>>
      %dma_wait3A_2864 = arith.constant 0 : i32
      %dma_wait3A_2865 = arith.constant 0 : i32
      %dma_wait3A_2866 = tpu.memref_slice %arg6[%dma_wait3A_2864, %dma_wait3A_2865] : memref<128x128xf32, #tpu.memory_space<vmem>> -> memref<32x128xf32, #tpu.memory_space<vmem>>
      tpu.wait_dma2 semaphore(%run_scoped3A : memref<!tpu.dma_semaphore, #tpu.memory_space<semaphore_mem>>) src(%dma_wait3A_2866 : memref<32x128xf32, #tpu.memory_space<vmem>>) dst(%dma_wait3A_2863 : memref<32x128xf32, #tpu.memory_space<vmem_shared>>)
      tpu.yield
    }) : () -> ()
    %add3A_1961 = arith.constant 0 : i32
    %add3A_1962 = arith.addi %add3A_1961, %add3A : i32
    %mul3A_1963 = arith.constant 128 : i32
    %mul3A_1964 = arith.muli %add3A_1962, %mul3A_1963 : i32
    %multiple_of3A_1965 = tpu.assume_multiple %mul3A_1964, 128 : i32
    %dma_start3A_1966 = arith.constant 0 : i32
    %dma_start3A_1967 = tpu.memref_slice %arg2[%multiple_of3A_1965, %dma_start3A_1966] : memref<100000x128xf32, #tpu.memory_space<hbm>> -> memref<128x128xf32, #tpu.memory_space<hbm>>
    %dma_start3A_1968 = arith.constant 0 : i32
    %dma_start3A_1969 = tpu.memref_slice %arg2[%multiple_of3A_1965, %dma_start3A_1968] : memref<100000x128xf32, #tpu.memory_space<hbm>> -> memref<128x128xf32, #tpu.memory_space<hbm>>
    tpu.enqueue_dma source(%dma_start3A_1969 : memref<128x128xf32, #tpu.memory_space<hbm>>) target(%arg6 : memref<128x128xf32, #tpu.memory_space<vmem>>) target_semaphore(%arg15 : memref<!tpu.dma_semaphore, #tpu.memory_space<semaphore_mem>>)
    %add3A_1970 = arith.constant 32 : i32
    %add3A_1971 = arith.addi %add3A_1970, %add3A : i32
    %mul3A_1972 = arith.constant 128 : i32
    %mul3A_1973 = arith.muli %add3A_1971, %mul3A_1972 : i32
    %multiple_of3A_1974 = tpu.assume_multiple %mul3A_1973, 128 : i32
    %dma_start3A_1975 = arith.constant 0 : i32
    %dma_start3A_1976 = tpu.memref_slice %arg2[%multiple_of3A_1974, %dma_start3A_1975] : memref<100000x128xf32, #tpu.memory_space<hbm>> -> memref<128x128xf32, #tpu.memory_space<hbm>>
    %dma_start3A_1977 = arith.constant 0 : i32
    %dma_start3A_1978 = tpu.memref_slice %arg2[%multiple_of3A_1974, %dma_start3A_1977] : memref<100000x128xf32, #tpu.memory_space<hbm>> -> memref<128x128xf32, #tpu.memory_space<hbm>>
    tpu.enqueue_dma source(%dma_start3A_1978 : memref<128x128xf32, #tpu.memory_space<hbm>>) target(%arg7 : memref<128x128xf32, #tpu.memory_space<vmem>>) target_semaphore(%arg16 : memref<!tpu.dma_semaphore, #tpu.memory_space<semaphore_mem>>)
    %add3A_1979 = arith.constant 64 : i32
    %add3A_1980 = arith.addi %add3A_1979, %add3A : i32
    %mul3A_1981 = arith.constant 128 : i32
    %mul3A_1982 = arith.muli %add3A_1980, %mul3A_1981 : i32
    %multiple_of3A_1983 = tpu.assume_multiple %mul3A_1982, 128 : i32
    %dma_start3A_1984 = arith.constant 0 : i32
    %dma_start3A_1985 = tpu.memref_slice %arg2[%multiple_of3A_1983, %dma_start3A_1984] : memref<100000x128xf32, #tpu.memory_space<hbm>> -> memref<128x128xf32, #tpu.memory_space<hbm>>
    %dma_start3A_1986 = arith.constant 0 : i32
    %dma_start3A_1987 = tpu.memref_slice %arg2[%multiple_of3A_1983, %dma_start3A_1986] : memref<100000x128xf32, #tpu.memory_space<hbm>> -> memref<128x128xf32, #tpu.memory_space<hbm>>
    tpu.enqueue_dma source(%dma_start3A_1987 : memref<128x128xf32, #tpu.memory_space<hbm>>) target(%arg8 : memref<128x128xf32, #tpu.memory_space<vmem>>) target_semaphore(%arg17 : memref<!tpu.dma_semaphore, #tpu.memory_space<semaphore_mem>>)
    %dma_wait3A = arith.constant 0 : i32
    %dma_wait3A_1988 = arith.constant 0 : i32
    %dma_wait3A_1989 = tpu.memref_slice %arg12[%dma_wait3A, %dma_wait3A_1988] : memref<25x128xi32, #tpu.memory_space<vmem>> -> memref<1x128xi32, #tpu.memory_space<vmem>>
    %dma_wait3A_1990 = tpu.memref_squeeze %dma_wait3A_1989 : memref<1x128xi32, #tpu.memory_space<vmem>> -> memref<128xi32, #tpu.memory_space<vmem>>
    %dma_wait3A_1991 = tpu.memref_slice %arg3[%multiple_of3A] : memref<100000xi32, #tpu.memory_space<hbm>> -> memref<128xi32, #tpu.memory_space<hbm>>
    %dma_wait3A_1992 = arith.constant 0 : i32
    %dma_wait3A_1993 = tpu.memref_slice %arg12[%dma_wait3A, %dma_wait3A_1992] : memref<25x128xi32, #tpu.memory_space<vmem>> -> memref<1x128xi32, #tpu.memory_space<vmem>>
    %dma_wait3A_1994 = tpu.memref_squeeze %dma_wait3A_1993 : memref<1x128xi32, #tpu.memory_space<vmem>> -> memref<128xi32, #tpu.memory_space<vmem>>
    %dma_wait3A_1995 = tpu.memref_slice %arg3[%multiple_of3A] : memref<100000xi32, #tpu.memory_space<hbm>> -> memref<128xi32, #tpu.memory_space<hbm>>
    tpu.wait_dma2 semaphore(%arg27 : memref<!tpu.dma_semaphore, #tpu.memory_space<semaphore_mem>>) src(%dma_wait3A_1995 : memref<128xi32, #tpu.memory_space<hbm>>) dst(%dma_wait3A_1994 : memref<128xi32, #tpu.memory_space<vmem>>)
    %dma_wait3A_1996 = arith.constant 1 : i32
    %dma_wait3A_1997 = arith.constant 0 : i32
    %dma_wait3A_1998 = tpu.memref_slice %arg12[%dma_wait3A_1996, %dma_wait3A_1997] : memref<25x128xi32, #tpu.memory_space<vmem>> -> memref<1x128xi32, #tpu.memory_space<vmem>>
    %dma_wait3A_1999 = tpu.memref_squeeze %dma_wait3A_1998 : memref<1x128xi32, #tpu.memory_space<vmem>> -> memref<128xi32, #tpu.memory_space<vmem>>
    %dma_wait3A_2000 = tpu.memref_slice %arg3[%multiple_of3A_91] : memref<100000xi32, #tpu.memory_space<hbm>> -> memref<128xi32, #tpu.memory_space<hbm>>
    %dma_wait3A_2001 = arith.constant 0 : i32
    %dma_wait3A_2002 = tpu.memref_slice %arg12[%dma_wait3A_1996, %dma_wait3A_2001] : memref<25x128xi32, #tpu.memory_space<vmem>> -> memref<1x128xi32, #tpu.memory_space<vmem>>
    %dma_wait3A_2003 = tpu.memref_squeeze %dma_wait3A_2002 : memref<1x128xi32, #tpu.memory_space<vmem>> -> memref<128xi32, #tpu.memory_space<vmem>>
    %dma_wait3A_2004 = tpu.memref_slice %arg3[%multiple_of3A_91] : memref<100000xi32, #tpu.memory_space<hbm>> -> memref<128xi32, #tpu.memory_space<hbm>>
    tpu.wait_dma2 semaphore(%arg27 : memref<!tpu.dma_semaphore, #tpu.memory_space<semaphore_mem>>) src(%dma_wait3A_2004 : memref<128xi32, #tpu.memory_space<hbm>>) dst(%dma_wait3A_2003 : memref<128xi32, #tpu.memory_space<vmem>>)
    %dma_wait3A_2005 = arith.constant 2 : i32
    %dma_wait3A_2006 = arith.constant 0 : i32
    %dma_wait3A_2007 = tpu.memref_slice %arg12[%dma_wait3A_2005, %dma_wait3A_2006] : memref<25x128xi32, #tpu.memory_space<vmem>> -> memref<1x128xi32, #tpu.memory_space<vmem>>
    %dma_wait3A_2008 = tpu.memref_squeeze %dma_wait3A_2007 : memref<1x128xi32, #tpu.memory_space<vmem>> -> memref<128xi32, #tpu.memory_space<vmem>>
    %dma_wait3A_2009 = tpu.memref_slice %arg3[%multiple_of3A_105] : memref<100000xi32, #tpu.memory_space<hbm>> -> memref<128xi32, #tpu.memory_space<hbm>>
    %dma_wait3A_2010 = arith.constant 0 : i32
    %dma_wait3A_2011 = tpu.memref_slice %arg12[%dma_wait3A_2005, %dma_wait3A_2010] : memref<25x128xi32, #tpu.memory_space<vmem>> -> memref<1x128xi32, #tpu.memory_space<vmem>>
    %dma_wait3A_2012 = tpu.memref_squeeze %dma_wait3A_2011 : memref<1x128xi32, #tpu.memory_space<vmem>> -> memref<128xi32, #tpu.memory_space<vmem>>
    %dma_wait3A_2013 = tpu.memref_slice %arg3[%multiple_of3A_105] : memref<100000xi32, #tpu.memory_space<hbm>> -> memref<128xi32, #tpu.memory_space<hbm>>
    tpu.wait_dma2 semaphore(%arg27 : memref<!tpu.dma_semaphore, #tpu.memory_space<semaphore_mem>>) src(%dma_wait3A_2013 : memref<128xi32, #tpu.memory_space<hbm>>) dst(%dma_wait3A_2012 : memref<128xi32, #tpu.memory_space<vmem>>)
    %dma_wait3A_2014 = arith.constant 3 : i32
    %dma_wait3A_2015 = arith.constant 0 : i32
    %dma_wait3A_2016 = tpu.memref_slice %arg12[%dma_wait3A_2014, %dma_wait3A_2015] : memref<25x128xi32, #tpu.memory_space<vmem>> -> memref<1x128xi32, #tpu.memory_space<vmem>>
    %dma_wait3A_2017 = tpu.memref_squeeze %dma_wait3A_2016 : memref<1x128xi32, #tpu.memory_space<vmem>> -> memref<128xi32, #tpu.memory_space<vmem>>
    %dma_wait3A_2018 = tpu.memref_slice %arg3[%multiple_of3A_119] : memref<100000xi32, #tpu.memory_space<hbm>> -> memref<128xi32, #tpu.memory_space<hbm>>
    %dma_wait3A_2019 = arith.constant 0 : i32
    %dma_wait3A_2020 = tpu.memref_slice %arg12[%dma_wait3A_2014, %dma_wait3A_2019] : memref<25x128xi32, #tpu.memory_space<vmem>> -> memref<1x128xi32, #tpu.memory_space<vmem>>
    %dma_wait3A_2021 = tpu.memref_squeeze %dma_wait3A_2020 : memref<1x128xi32, #tpu.memory_space<vmem>> -> memref<128xi32, #tpu.memory_space<vmem>>
    %dma_wait3A_2022 = tpu.memref_slice %arg3[%multiple_of3A_119] : memref<100000xi32, #tpu.memory_space<hbm>> -> memref<128xi32, #tpu.memory_space<hbm>>
    tpu.wait_dma2 semaphore(%arg27 : memref<!tpu.dma_semaphore, #tpu.memory_space<semaphore_mem>>) src(%dma_wait3A_2022 : memref<128xi32, #tpu.memory_space<hbm>>) dst(%dma_wait3A_2021 : memref<128xi32, #tpu.memory_space<vmem>>)
    %dma_wait3A_2023 = arith.constant 4 : i32
    %dma_wait3A_2024 = arith.constant 0 : i32
    %dma_wait3A_2025 = tpu.memref_slice %arg12[%dma_wait3A_2023, %dma_wait3A_2024] : memref<25x128xi32, #tpu.memory_space<vmem>> -> memref<1x128xi32, #tpu.memory_space<vmem>>
    %dma_wait3A_2026 = tpu.memref_squeeze %dma_wait3A_2025 : memref<1x128xi32, #tpu.memory_space<vmem>> -> memref<128xi32, #tpu.memory_space<vmem>>
    %dma_wait3A_2027 = tpu.memref_slice %arg3[%multiple_of3A_133] : memref<100000xi32, #tpu.memory_space<hbm>> -> memref<128xi32, #tpu.memory_space<hbm>>
    %dma_wait3A_2028 = arith.constant 0 : i32
    %dma_wait3A_2029 = tpu.memref_slice %arg12[%dma_wait3A_2023, %dma_wait3A_2028] : memref<25x128xi32, #tpu.memory_space<vmem>> -> memref<1x128xi32, #tpu.memory_space<vmem>>
    %dma_wait3A_2030 = tpu.memref_squeeze %dma_wait3A_2029 : memref<1x128xi32, #tpu.memory_space<vmem>> -> memref<128xi32, #tpu.memory_space<vmem>>
    %dma_wait3A_2031 = tpu.memref_slice %arg3[%multiple_of3A_133] : memref<100000xi32, #tpu.memory_space<hbm>> -> memref<128xi32, #tpu.memory_space<hbm>>
    tpu.wait_dma2 semaphore(%arg27 : memref<!tpu.dma_semaphore, #tpu.memory_space<semaphore_mem>>) src(%dma_wait3A_2031 : memref<128xi32, #tpu.memory_space<hbm>>) dst(%dma_wait3A_2030 : memref<128xi32, #tpu.memory_space<vmem>>)
    %dma_wait3A_2032 = arith.constant 5 : i32
    %dma_wait3A_2033 = arith.constant 0 : i32
    %dma_wait3A_2034 = tpu.memref_slice %arg12[%dma_wait3A_2032, %dma_wait3A_2033] : memref<25x128xi32, #tpu.memory_space<vmem>> -> memref<1x128xi32, #tpu.memory_space<vmem>>
    %dma_wait3A_2035 = tpu.memref_squeeze %dma_wait3A_2034 : memref<1x128xi32, #tpu.memory_space<vmem>> -> memref<128xi32, #tpu.memory_space<vmem>>
    %dma_wait3A_2036 = tpu.memref_slice %arg3[%multiple_of3A_147] : memref<100000xi32, #tpu.memory_space<hbm>> -> memref<128xi32, #tpu.memory_space<hbm>>
    %dma_wait3A_2037 = arith.constant 0 : i32
    %dma_wait3A_2038 = tpu.memref_slice %arg12[%dma_wait3A_2032, %dma_wait3A_2037] : memref<25x128xi32, #tpu.memory_space<vmem>> -> memref<1x128xi32, #tpu.memory_space<vmem>>
    %dma_wait3A_2039 = tpu.memref_squeeze %dma_wait3A_2038 : memref<1x128xi32, #tpu.memory_space<vmem>> -> memref<128xi32, #tpu.memory_space<vmem>>
    %dma_wait3A_2040 = tpu.memref_slice %arg3[%multiple_of3A_147] : memref<100000xi32, #tpu.memory_space<hbm>> -> memref<128xi32, #tpu.memory_space<hbm>>
    tpu.wait_dma2 semaphore(%arg27 : memref<!tpu.dma_semaphore, #tpu.memory_space<semaphore_mem>>) src(%dma_wait3A_2040 : memref<128xi32, #tpu.memory_space<hbm>>) dst(%dma_wait3A_2039 : memref<128xi32, #tpu.memory_space<vmem>>)
    %dma_wait3A_2041 = arith.constant 6 : i32
    %dma_wait3A_2042 = arith.constant 0 : i32
    %dma_wait3A_2043 = tpu.memref_slice %arg12[%dma_wait3A_2041, %dma_wait3A_2042] : memref<25x128xi32, #tpu.memory_space<vmem>> -> memref<1x128xi32, #tpu.memory_space<vmem>>
    %dma_wait3A_2044 = tpu.memref_squeeze %dma_wait3A_2043 : memref<1x128xi32, #tpu.memory_space<vmem>> -> memref<128xi32, #tpu.memory_space<vmem>>
    %dma_wait3A_2045 = tpu.memref_slice %arg3[%multiple_of3A_161] : memref<100000xi32, #tpu.memory_space<hbm>> -> memref<128xi32, #tpu.memory_space<hbm>>
    %dma_wait3A_2046 = arith.constant 0 : i32
    %dma_wait3A_2047 = tpu.memref_slice %arg12[%dma_wait3A_2041, %dma_wait3A_2046] : memref<25x128xi32, #tpu.memory_space<vmem>> -> memref<1x128xi32, #tpu.memory_space<vmem>>
    %dma_wait3A_2048 = tpu.memref_squeeze %dma_wait3A_2047 : memref<1x128xi32, #tpu.memory_space<vmem>> -> memref<128xi32, #tpu.memory_space<vmem>>
    %dma_wait3A_2049 = tpu.memref_slice %arg3[%multiple_of3A_161] : memref<100000xi32, #tpu.memory_space<hbm>> -> memref<128xi32, #tpu.memory_space<hbm>>
    tpu.wait_dma2 semaphore(%arg27 : memref<!tpu.dma_semaphore, #tpu.memory_space<semaphore_mem>>) src(%dma_wait3A_2049 : memref<128xi32, #tpu.memory_space<hbm>>) dst(%dma_wait3A_2048 : memref<128xi32, #tpu.memory_space<vmem>>)
    %dma_wait3A_2050 = arith.constant 7 : i32
    %dma_wait3A_2051 = arith.constant 0 : i32
    %dma_wait3A_2052 = tpu.memref_slice %arg12[%dma_wait3A_2050, %dma_wait3A_2051] : memref<25x128xi32, #tpu.memory_space<vmem>> -> memref<1x128xi32, #tpu.memory_space<vmem>>
    %dma_wait3A_2053 = tpu.memref_squeeze %dma_wait3A_2052 : memref<1x128xi32, #tpu.memory_space<vmem>> -> memref<128xi32, #tpu.memory_space<vmem>>
    %dma_wait3A_2054 = tpu.memref_slice %arg3[%multiple_of3A_175] : memref<100000xi32, #tpu.memory_space<hbm>> -> memref<128xi32, #tpu.memory_space<hbm>>
    %dma_wait3A_2055 = arith.constant 0 : i32
    %dma_wait3A_2056 = tpu.memref_slice %arg12[%dma_wait3A_2050, %dma_wait3A_2055] : memref<25x128xi32, #tpu.memory_space<vmem>> -> memref<1x128xi32, #tpu.memory_space<vmem>>
    %dma_wait3A_2057 = tpu.memref_squeeze %dma_wait3A_2056 : memref<1x128xi32, #tpu.memory_space<vmem>> -> memref<128xi32, #tpu.memory_space<vmem>>
    %dma_wait3A_2058 = tpu.memref_slice %arg3[%multiple_of3A_175] : memref<100000xi32, #tpu.memory_space<hbm>> -> memref<128xi32, #tpu.memory_space<hbm>>
    tpu.wait_dma2 semaphore(%arg27 : memref<!tpu.dma_semaphore, #tpu.memory_space<semaphore_mem>>) src(%dma_wait3A_2058 : memref<128xi32, #tpu.memory_space<hbm>>) dst(%dma_wait3A_2057 : memref<128xi32, #tpu.memory_space<vmem>>)
    %dma_wait3A_2059 = arith.constant 8 : i32
    %dma_wait3A_2060 = arith.constant 0 : i32
    %dma_wait3A_2061 = tpu.memref_slice %arg12[%dma_wait3A_2059, %dma_wait3A_2060] : memref<25x128xi32, #tpu.memory_space<vmem>> -> memref<1x128xi32, #tpu.memory_space<vmem>>
    %dma_wait3A_2062 = tpu.memref_squeeze %dma_wait3A_2061 : memref<1x128xi32, #tpu.memory_space<vmem>> -> memref<128xi32, #tpu.memory_space<vmem>>
    %dma_wait3A_2063 = tpu.memref_slice %arg3[%multiple_of3A_189] : memref<100000xi32, #tpu.memory_space<hbm>> -> memref<128xi32, #tpu.memory_space<hbm>>
    %dma_wait3A_2064 = arith.constant 0 : i32
    %dma_wait3A_2065 = tpu.memref_slice %arg12[%dma_wait3A_2059, %dma_wait3A_2064] : memref<25x128xi32, #tpu.memory_space<vmem>> -> memref<1x128xi32, #tpu.memory_space<vmem>>
    %dma_wait3A_2066 = tpu.memref_squeeze %dma_wait3A_2065 : memref<1x128xi32, #tpu.memory_space<vmem>> -> memref<128xi32, #tpu.memory_space<vmem>>
    %dma_wait3A_2067 = tpu.memref_slice %arg3[%multiple_of3A_189] : memref<100000xi32, #tpu.memory_space<hbm>> -> memref<128xi32, #tpu.memory_space<hbm>>
    tpu.wait_dma2 semaphore(%arg27 : memref<!tpu.dma_semaphore, #tpu.memory_space<semaphore_mem>>) src(%dma_wait3A_2067 : memref<128xi32, #tpu.memory_space<hbm>>) dst(%dma_wait3A_2066 : memref<128xi32, #tpu.memory_space<vmem>>)
    %dma_wait3A_2068 = arith.constant 9 : i32
    %dma_wait3A_2069 = arith.constant 0 : i32
    %dma_wait3A_2070 = tpu.memref_slice %arg12[%dma_wait3A_2068, %dma_wait3A_2069] : memref<25x128xi32, #tpu.memory_space<vmem>> -> memref<1x128xi32, #tpu.memory_space<vmem>>
    %dma_wait3A_2071 = tpu.memref_squeeze %dma_wait3A_2070 : memref<1x128xi32, #tpu.memory_space<vmem>> -> memref<128xi32, #tpu.memory_space<vmem>>
    %dma_wait3A_2072 = tpu.memref_slice %arg3[%multiple_of3A_203] : memref<100000xi32, #tpu.memory_space<hbm>> -> memref<128xi32, #tpu.memory_space<hbm>>
    %dma_wait3A_2073 = arith.constant 0 : i32
    %dma_wait3A_2074 = tpu.memref_slice %arg12[%dma_wait3A_2068, %dma_wait3A_2073] : memref<25x128xi32, #tpu.memory_space<vmem>> -> memref<1x128xi32, #tpu.memory_space<vmem>>
    %dma_wait3A_2075 = tpu.memref_squeeze %dma_wait3A_2074 : memref<1x128xi32, #tpu.memory_space<vmem>> -> memref<128xi32, #tpu.memory_space<vmem>>
    %dma_wait3A_2076 = tpu.memref_slice %arg3[%multiple_of3A_203] : memref<100000xi32, #tpu.memory_space<hbm>> -> memref<128xi32, #tpu.memory_space<hbm>>
    tpu.wait_dma2 semaphore(%arg27 : memref<!tpu.dma_semaphore, #tpu.memory_space<semaphore_mem>>) src(%dma_wait3A_2076 : memref<128xi32, #tpu.memory_space<hbm>>) dst(%dma_wait3A_2075 : memref<128xi32, #tpu.memory_space<vmem>>)
    %dma_wait3A_2077 = arith.constant 10 : i32
    %dma_wait3A_2078 = arith.constant 0 : i32
    %dma_wait3A_2079 = tpu.memref_slice %arg12[%dma_wait3A_2077, %dma_wait3A_2078] : memref<25x128xi32, #tpu.memory_space<vmem>> -> memref<1x128xi32, #tpu.memory_space<vmem>>
    %dma_wait3A_2080 = tpu.memref_squeeze %dma_wait3A_2079 : memref<1x128xi32, #tpu.memory_space<vmem>> -> memref<128xi32, #tpu.memory_space<vmem>>
    %dma_wait3A_2081 = tpu.memref_slice %arg3[%multiple_of3A_217] : memref<100000xi32, #tpu.memory_space<hbm>> -> memref<128xi32, #tpu.memory_space<hbm>>
    %dma_wait3A_2082 = arith.constant 0 : i32
    %dma_wait3A_2083 = tpu.memref_slice %arg12[%dma_wait3A_2077, %dma_wait3A_2082] : memref<25x128xi32, #tpu.memory_space<vmem>> -> memref<1x128xi32, #tpu.memory_space<vmem>>
    %dma_wait3A_2084 = tpu.memref_squeeze %dma_wait3A_2083 : memref<1x128xi32, #tpu.memory_space<vmem>> -> memref<128xi32, #tpu.memory_space<vmem>>
    %dma_wait3A_2085 = tpu.memref_slice %arg3[%multiple_of3A_217] : memref<100000xi32, #tpu.memory_space<hbm>> -> memref<128xi32, #tpu.memory_space<hbm>>
    tpu.wait_dma2 semaphore(%arg27 : memref<!tpu.dma_semaphore, #tpu.memory_space<semaphore_mem>>) src(%dma_wait3A_2085 : memref<128xi32, #tpu.memory_space<hbm>>) dst(%dma_wait3A_2084 : memref<128xi32, #tpu.memory_space<vmem>>)
    %dma_wait3A_2086 = arith.constant 11 : i32
    %dma_wait3A_2087 = arith.constant 0 : i32
    %dma_wait3A_2088 = tpu.memref_slice %arg12[%dma_wait3A_2086, %dma_wait3A_2087] : memref<25x128xi32, #tpu.memory_space<vmem>> -> memref<1x128xi32, #tpu.memory_space<vmem>>
    %dma_wait3A_2089 = tpu.memref_squeeze %dma_wait3A_2088 : memref<1x128xi32, #tpu.memory_space<vmem>> -> memref<128xi32, #tpu.memory_space<vmem>>
    %dma_wait3A_2090 = tpu.memref_slice %arg3[%multiple_of3A_231] : memref<100000xi32, #tpu.memory_space<hbm>> -> memref<128xi32, #tpu.memory_space<hbm>>
    %dma_wait3A_2091 = arith.constant 0 : i32
    %dma_wait3A_2092 = tpu.memref_slice %arg12[%dma_wait3A_2086, %dma_wait3A_2091] : memref<25x128xi32, #tpu.memory_space<vmem>> -> memref<1x128xi32, #tpu.memory_space<vmem>>
    %dma_wait3A_2093 = tpu.memref_squeeze %dma_wait3A_2092 : memref<1x128xi32, #tpu.memory_space<vmem>> -> memref<128xi32, #tpu.memory_space<vmem>>
    %dma_wait3A_2094 = tpu.memref_slice %arg3[%multiple_of3A_231] : memref<100000xi32, #tpu.memory_space<hbm>> -> memref<128xi32, #tpu.memory_space<hbm>>
    tpu.wait_dma2 semaphore(%arg27 : memref<!tpu.dma_semaphore, #tpu.memory_space<semaphore_mem>>) src(%dma_wait3A_2094 : memref<128xi32, #tpu.memory_space<hbm>>) dst(%dma_wait3A_2093 : memref<128xi32, #tpu.memory_space<vmem>>)
    %dma_wait3A_2095 = arith.constant 12 : i32
    %dma_wait3A_2096 = arith.constant 0 : i32
    %dma_wait3A_2097 = tpu.memref_slice %arg12[%dma_wait3A_2095, %dma_wait3A_2096] : memref<25x128xi32, #tpu.memory_space<vmem>> -> memref<1x128xi32, #tpu.memory_space<vmem>>
    %dma_wait3A_2098 = tpu.memref_squeeze %dma_wait3A_2097 : memref<1x128xi32, #tpu.memory_space<vmem>> -> memref<128xi32, #tpu.memory_space<vmem>>
    %dma_wait3A_2099 = tpu.memref_slice %arg3[%multiple_of3A_245] : memref<100000xi32, #tpu.memory_space<hbm>> -> memref<128xi32, #tpu.memory_space<hbm>>
    %dma_wait3A_2100 = arith.constant 0 : i32
    %dma_wait3A_2101 = tpu.memref_slice %arg12[%dma_wait3A_2095, %dma_wait3A_2100] : memref<25x128xi32, #tpu.memory_space<vmem>> -> memref<1x128xi32, #tpu.memory_space<vmem>>
    %dma_wait3A_2102 = tpu.memref_squeeze %dma_wait3A_2101 : memref<1x128xi32, #tpu.memory_space<vmem>> -> memref<128xi32, #tpu.memory_space<vmem>>
    %dma_wait3A_2103 = tpu.memref_slice %arg3[%multiple_of3A_245] : memref<100000xi32, #tpu.memory_space<hbm>> -> memref<128xi32, #tpu.memory_space<hbm>>
    tpu.wait_dma2 semaphore(%arg27 : memref<!tpu.dma_semaphore, #tpu.memory_space<semaphore_mem>>) src(%dma_wait3A_2103 : memref<128xi32, #tpu.memory_space<hbm>>) dst(%dma_wait3A_2102 : memref<128xi32, #tpu.memory_space<vmem>>)
    %dma_wait3A_2104 = arith.constant 13 : i32
    %dma_wait3A_2105 = arith.constant 0 : i32
    %dma_wait3A_2106 = tpu.memref_slice %arg12[%dma_wait3A_2104, %dma_wait3A_2105] : memref<25x128xi32, #tpu.memory_space<vmem>> -> memref<1x128xi32, #tpu.memory_space<vmem>>
    %dma_wait3A_2107 = tpu.memref_squeeze %dma_wait3A_2106 : memref<1x128xi32, #tpu.memory_space<vmem>> -> memref<128xi32, #tpu.memory_space<vmem>>
    %dma_wait3A_2108 = tpu.memref_slice %arg3[%multiple_of3A_259] : memref<100000xi32, #tpu.memory_space<hbm>> -> memref<128xi32, #tpu.memory_space<hbm>>
    %dma_wait3A_2109 = arith.constant 0 : i32
    %dma_wait3A_2110 = tpu.memref_slice %arg12[%dma_wait3A_2104, %dma_wait3A_2109] : memref<25x128xi32, #tpu.memory_space<vmem>> -> memref<1x128xi32, #tpu.memory_space<vmem>>
    %dma_wait3A_2111 = tpu.memref_squeeze %dma_wait3A_2110 : memref<1x128xi32, #tpu.memory_space<vmem>> -> memref<128xi32, #tpu.memory_space<vmem>>
    %dma_wait3A_2112 = tpu.memref_slice %arg3[%multiple_of3A_259] : memref<100000xi32, #tpu.memory_space<hbm>> -> memref<128xi32, #tpu.memory_space<hbm>>
    tpu.wait_dma2 semaphore(%arg27 : memref<!tpu.dma_semaphore, #tpu.memory_space<semaphore_mem>>) src(%dma_wait3A_2112 : memref<128xi32, #tpu.memory_space<hbm>>) dst(%dma_wait3A_2111 : memref<128xi32, #tpu.memory_space<vmem>>)
    %dma_wait3A_2113 = arith.constant 14 : i32
    %dma_wait3A_2114 = arith.constant 0 : i32
    %dma_wait3A_2115 = tpu.memref_slice %arg12[%dma_wait3A_2113, %dma_wait3A_2114] : memref<25x128xi32, #tpu.memory_space<vmem>> -> memref<1x128xi32, #tpu.memory_space<vmem>>
    %dma_wait3A_2116 = tpu.memref_squeeze %dma_wait3A_2115 : memref<1x128xi32, #tpu.memory_space<vmem>> -> memref<128xi32, #tpu.memory_space<vmem>>
    %dma_wait3A_2117 = tpu.memref_slice %arg3[%multiple_of3A_273] : memref<100000xi32, #tpu.memory_space<hbm>> -> memref<128xi32, #tpu.memory_space<hbm>>
    %dma_wait3A_2118 = arith.constant 0 : i32
    %dma_wait3A_2119 = tpu.memref_slice %arg12[%dma_wait3A_2113, %dma_wait3A_2118] : memref<25x128xi32, #tpu.memory_space<vmem>> -> memref<1x128xi32, #tpu.memory_space<vmem>>
    %dma_wait3A_2120 = tpu.memref_squeeze %dma_wait3A_2119 : memref<1x128xi32, #tpu.memory_space<vmem>> -> memref<128xi32, #tpu.memory_space<vmem>>
    %dma_wait3A_2121 = tpu.memref_slice %arg3[%multiple_of3A_273] : memref<100000xi32, #tpu.memory_space<hbm>> -> memref<128xi32, #tpu.memory_space<hbm>>
    tpu.wait_dma2 semaphore(%arg27 : memref<!tpu.dma_semaphore, #tpu.memory_space<semaphore_mem>>) src(%dma_wait3A_2121 : memref<128xi32, #tpu.memory_space<hbm>>) dst(%dma_wait3A_2120 : memref<128xi32, #tpu.memory_space<vmem>>)
    %dma_wait3A_2122 = arith.constant 15 : i32
    %dma_wait3A_2123 = arith.constant 0 : i32
    %dma_wait3A_2124 = tpu.memref_slice %arg12[%dma_wait3A_2122, %dma_wait3A_2123] : memref<25x128xi32, #tpu.memory_space<vmem>> -> memref<1x128xi32, #tpu.memory_space<vmem>>
    %dma_wait3A_2125 = tpu.memref_squeeze %dma_wait3A_2124 : memref<1x128xi32, #tpu.memory_space<vmem>> -> memref<128xi32, #tpu.memory_space<vmem>>
    %dma_wait3A_2126 = tpu.memref_slice %arg3[%multiple_of3A_287] : memref<100000xi32, #tpu.memory_space<hbm>> -> memref<128xi32, #tpu.memory_space<hbm>>
    %dma_wait3A_2127 = arith.constant 0 : i32
    %dma_wait3A_2128 = tpu.memref_slice %arg12[%dma_wait3A_2122, %dma_wait3A_2127] : memref<25x128xi32, #tpu.memory_space<vmem>> -> memref<1x128xi32, #tpu.memory_space<vmem>>
    %dma_wait3A_2129 = tpu.memref_squeeze %dma_wait3A_2128 : memref<1x128xi32, #tpu.memory_space<vmem>> -> memref<128xi32, #tpu.memory_space<vmem>>
    %dma_wait3A_2130 = tpu.memref_slice %arg3[%multiple_of3A_287] : memref<100000xi32, #tpu.memory_space<hbm>> -> memref<128xi32, #tpu.memory_space<hbm>>
    tpu.wait_dma2 semaphore(%arg27 : memref<!tpu.dma_semaphore, #tpu.memory_space<semaphore_mem>>) src(%dma_wait3A_2130 : memref<128xi32, #tpu.memory_space<hbm>>) dst(%dma_wait3A_2129 : memref<128xi32, #tpu.memory_space<vmem>>)
    %dma_wait3A_2131 = arith.constant 16 : i32
    %dma_wait3A_2132 = arith.constant 0 : i32
    %dma_wait3A_2133 = tpu.memref_slice %arg12[%dma_wait3A_2131, %dma_wait3A_2132] : memref<25x128xi32, #tpu.memory_space<vmem>> -> memref<1x128xi32, #tpu.memory_space<vmem>>
    %dma_wait3A_2134 = tpu.memref_squeeze %dma_wait3A_2133 : memref<1x128xi32, #tpu.memory_space<vmem>> -> memref<128xi32, #tpu.memory_space<vmem>>
    %dma_wait3A_2135 = tpu.memref_slice %arg3[%multiple_of3A_301] : memref<100000xi32, #tpu.memory_space<hbm>> -> memref<128xi32, #tpu.memory_space<hbm>>
    %dma_wait3A_2136 = arith.constant 0 : i32
    %dma_wait3A_2137 = tpu.memref_slice %arg12[%dma_wait3A_2131, %dma_wait3A_2136] : memref<25x128xi32, #tpu.memory_space<vmem>> -> memref<1x128xi32, #tpu.memory_space<vmem>>
    %dma_wait3A_2138 = tpu.memref_squeeze %dma_wait3A_2137 : memref<1x128xi32, #tpu.memory_space<vmem>> -> memref<128xi32, #tpu.memory_space<vmem>>
    %dma_wait3A_2139 = tpu.memref_slice %arg3[%multiple_of3A_301] : memref<100000xi32, #tpu.memory_space<hbm>> -> memref<128xi32, #tpu.memory_space<hbm>>
    tpu.wait_dma2 semaphore(%arg27 : memref<!tpu.dma_semaphore, #tpu.memory_space<semaphore_mem>>) src(%dma_wait3A_2139 : memref<128xi32, #tpu.memory_space<hbm>>) dst(%dma_wait3A_2138 : memref<128xi32, #tpu.memory_space<vmem>>)
    %dma_wait3A_2140 = arith.constant 17 : i32
    %dma_wait3A_2141 = arith.constant 0 : i32
    %dma_wait3A_2142 = tpu.memref_slice %arg12[%dma_wait3A_2140, %dma_wait3A_2141] : memref<25x128xi32, #tpu.memory_space<vmem>> -> memref<1x128xi32, #tpu.memory_space<vmem>>
    %dma_wait3A_2143 = tpu.memref_squeeze %dma_wait3A_2142 : memref<1x128xi32, #tpu.memory_space<vmem>> -> memref<128xi32, #tpu.memory_space<vmem>>
    %dma_wait3A_2144 = tpu.memref_slice %arg3[%multiple_of3A_315] : memref<100000xi32, #tpu.memory_space<hbm>> -> memref<128xi32, #tpu.memory_space<hbm>>
    %dma_wait3A_2145 = arith.constant 0 : i32
    %dma_wait3A_2146 = tpu.memref_slice %arg12[%dma_wait3A_2140, %dma_wait3A_2145] : memref<25x128xi32, #tpu.memory_space<vmem>> -> memref<1x128xi32, #tpu.memory_space<vmem>>
    %dma_wait3A_2147 = tpu.memref_squeeze %dma_wait3A_2146 : memref<1x128xi32, #tpu.memory_space<vmem>> -> memref<128xi32, #tpu.memory_space<vmem>>
    %dma_wait3A_2148 = tpu.memref_slice %arg3[%multiple_of3A_315] : memref<100000xi32, #tpu.memory_space<hbm>> -> memref<128xi32, #tpu.memory_space<hbm>>
    tpu.wait_dma2 semaphore(%arg27 : memref<!tpu.dma_semaphore, #tpu.memory_space<semaphore_mem>>) src(%dma_wait3A_2148 : memref<128xi32, #tpu.memory_space<hbm>>) dst(%dma_wait3A_2147 : memref<128xi32, #tpu.memory_space<vmem>>)
    %dma_wait3A_2149 = arith.constant 18 : i32
    %dma_wait3A_2150 = arith.constant 0 : i32
    %dma_wait3A_2151 = tpu.memref_slice %arg12[%dma_wait3A_2149, %dma_wait3A_2150] : memref<25x128xi32, #tpu.memory_space<vmem>> -> memref<1x128xi32, #tpu.memory_space<vmem>>
    %dma_wait3A_2152 = tpu.memref_squeeze %dma_wait3A_2151 : memref<1x128xi32, #tpu.memory_space<vmem>> -> memref<128xi32, #tpu.memory_space<vmem>>
    %dma_wait3A_2153 = tpu.memref_slice %arg3[%multiple_of3A_329] : memref<100000xi32, #tpu.memory_space<hbm>> -> memref<128xi32, #tpu.memory_space<hbm>>
    %dma_wait3A_2154 = arith.constant 0 : i32
    %dma_wait3A_2155 = tpu.memref_slice %arg12[%dma_wait3A_2149, %dma_wait3A_2154] : memref<25x128xi32, #tpu.memory_space<vmem>> -> memref<1x128xi32, #tpu.memory_space<vmem>>
    %dma_wait3A_2156 = tpu.memref_squeeze %dma_wait3A_2155 : memref<1x128xi32, #tpu.memory_space<vmem>> -> memref<128xi32, #tpu.memory_space<vmem>>
    %dma_wait3A_2157 = tpu.memref_slice %arg3[%multiple_of3A_329] : memref<100000xi32, #tpu.memory_space<hbm>> -> memref<128xi32, #tpu.memory_space<hbm>>
    tpu.wait_dma2 semaphore(%arg27 : memref<!tpu.dma_semaphore, #tpu.memory_space<semaphore_mem>>) src(%dma_wait3A_2157 : memref<128xi32, #tpu.memory_space<hbm>>) dst(%dma_wait3A_2156 : memref<128xi32, #tpu.memory_space<vmem>>)
    %dma_wait3A_2158 = arith.constant 19 : i32
    %dma_wait3A_2159 = arith.constant 0 : i32
    %dma_wait3A_2160 = tpu.memref_slice %arg12[%dma_wait3A_2158, %dma_wait3A_2159] : memref<25x128xi32, #tpu.memory_space<vmem>> -> memref<1x128xi32, #tpu.memory_space<vmem>>
    %dma_wait3A_2161 = tpu.memref_squeeze %dma_wait3A_2160 : memref<1x128xi32, #tpu.memory_space<vmem>> -> memref<128xi32, #tpu.memory_space<vmem>>
    %dma_wait3A_2162 = tpu.memref_slice %arg3[%multiple_of3A_343] : memref<100000xi32, #tpu.memory_space<hbm>> -> memref<128xi32, #tpu.memory_space<hbm>>
    %dma_wait3A_2163 = arith.constant 0 : i32
    %dma_wait3A_2164 = tpu.memref_slice %arg12[%dma_wait3A_2158, %dma_wait3A_2163] : memref<25x128xi32, #tpu.memory_space<vmem>> -> memref<1x128xi32, #tpu.memory_space<vmem>>
    %dma_wait3A_2165 = tpu.memref_squeeze %dma_wait3A_2164 : memref<1x128xi32, #tpu.memory_space<vmem>> -> memref<128xi32, #tpu.memory_space<vmem>>
    %dma_wait3A_2166 = tpu.memref_slice %arg3[%multiple_of3A_343] : memref<100000xi32, #tpu.memory_space<hbm>> -> memref<128xi32, #tpu.memory_space<hbm>>
    tpu.wait_dma2 semaphore(%arg27 : memref<!tpu.dma_semaphore, #tpu.memory_space<semaphore_mem>>) src(%dma_wait3A_2166 : memref<128xi32, #tpu.memory_space<hbm>>) dst(%dma_wait3A_2165 : memref<128xi32, #tpu.memory_space<vmem>>)
    %dma_wait3A_2167 = arith.constant 20 : i32
    %dma_wait3A_2168 = arith.constant 0 : i32
    %dma_wait3A_2169 = tpu.memref_slice %arg12[%dma_wait3A_2167, %dma_wait3A_2168] : memref<25x128xi32, #tpu.memory_space<vmem>> -> memref<1x128xi32, #tpu.memory_space<vmem>>
    %dma_wait3A_2170 = tpu.memref_squeeze %dma_wait3A_2169 : memref<1x128xi32, #tpu.memory_space<vmem>> -> memref<128xi32, #tpu.memory_space<vmem>>
    %dma_wait3A_2171 = tpu.memref_slice %arg3[%multiple_of3A_357] : memref<100000xi32, #tpu.memory_space<hbm>> -> memref<128xi32, #tpu.memory_space<hbm>>
    %dma_wait3A_2172 = arith.constant 0 : i32
    %dma_wait3A_2173 = tpu.memref_slice %arg12[%dma_wait3A_2167, %dma_wait3A_2172] : memref<25x128xi32, #tpu.memory_space<vmem>> -> memref<1x128xi32, #tpu.memory_space<vmem>>
    %dma_wait3A_2174 = tpu.memref_squeeze %dma_wait3A_2173 : memref<1x128xi32, #tpu.memory_space<vmem>> -> memref<128xi32, #tpu.memory_space<vmem>>
    %dma_wait3A_2175 = tpu.memref_slice %arg3[%multiple_of3A_357] : memref<100000xi32, #tpu.memory_space<hbm>> -> memref<128xi32, #tpu.memory_space<hbm>>
    tpu.wait_dma2 semaphore(%arg27 : memref<!tpu.dma_semaphore, #tpu.memory_space<semaphore_mem>>) src(%dma_wait3A_2175 : memref<128xi32, #tpu.memory_space<hbm>>) dst(%dma_wait3A_2174 : memref<128xi32, #tpu.memory_space<vmem>>)
    %dma_wait3A_2176 = arith.constant 21 : i32
    %dma_wait3A_2177 = arith.constant 0 : i32
    %dma_wait3A_2178 = tpu.memref_slice %arg12[%dma_wait3A_2176, %dma_wait3A_2177] : memref<25x128xi32, #tpu.memory_space<vmem>> -> memref<1x128xi32, #tpu.memory_space<vmem>>
    %dma_wait3A_2179 = tpu.memref_squeeze %dma_wait3A_2178 : memref<1x128xi32, #tpu.memory_space<vmem>> -> memref<128xi32, #tpu.memory_space<vmem>>
    %dma_wait3A_2180 = tpu.memref_slice %arg3[%multiple_of3A_371] : memref<100000xi32, #tpu.memory_space<hbm>> -> memref<128xi32, #tpu.memory_space<hbm>>
    %dma_wait3A_2181 = arith.constant 0 : i32
    %dma_wait3A_2182 = tpu.memref_slice %arg12[%dma_wait3A_2176, %dma_wait3A_2181] : memref<25x128xi32, #tpu.memory_space<vmem>> -> memref<1x128xi32, #tpu.memory_space<vmem>>
    %dma_wait3A_2183 = tpu.memref_squeeze %dma_wait3A_2182 : memref<1x128xi32, #tpu.memory_space<vmem>> -> memref<128xi32, #tpu.memory_space<vmem>>
    %dma_wait3A_2184 = tpu.memref_slice %arg3[%multiple_of3A_371] : memref<100000xi32, #tpu.memory_space<hbm>> -> memref<128xi32, #tpu.memory_space<hbm>>
    tpu.wait_dma2 semaphore(%arg27 : memref<!tpu.dma_semaphore, #tpu.memory_space<semaphore_mem>>) src(%dma_wait3A_2184 : memref<128xi32, #tpu.memory_space<hbm>>) dst(%dma_wait3A_2183 : memref<128xi32, #tpu.memory_space<vmem>>)
    %dma_wait3A_2185 = arith.constant 22 : i32
    %dma_wait3A_2186 = arith.constant 0 : i32
    %dma_wait3A_2187 = tpu.memref_slice %arg12[%dma_wait3A_2185, %dma_wait3A_2186] : memref<25x128xi32, #tpu.memory_space<vmem>> -> memref<1x128xi32, #tpu.memory_space<vmem>>
    %dma_wait3A_2188 = tpu.memref_squeeze %dma_wait3A_2187 : memref<1x128xi32, #tpu.memory_space<vmem>> -> memref<128xi32, #tpu.memory_space<vmem>>
    %dma_wait3A_2189 = tpu.memref_slice %arg3[%multiple_of3A_385] : memref<100000xi32, #tpu.memory_space<hbm>> -> memref<128xi32, #tpu.memory_space<hbm>>
    %dma_wait3A_2190 = arith.constant 0 : i32
    %dma_wait3A_2191 = tpu.memref_slice %arg12[%dma_wait3A_2185, %dma_wait3A_2190] : memref<25x128xi32, #tpu.memory_space<vmem>> -> memref<1x128xi32, #tpu.memory_space<vmem>>
    %dma_wait3A_2192 = tpu.memref_squeeze %dma_wait3A_2191 : memref<1x128xi32, #tpu.memory_space<vmem>> -> memref<128xi32, #tpu.memory_space<vmem>>
    %dma_wait3A_2193 = tpu.memref_slice %arg3[%multiple_of3A_385] : memref<100000xi32, #tpu.memory_space<hbm>> -> memref<128xi32, #tpu.memory_space<hbm>>
    tpu.wait_dma2 semaphore(%arg27 : memref<!tpu.dma_semaphore, #tpu.memory_space<semaphore_mem>>) src(%dma_wait3A_2193 : memref<128xi32, #tpu.memory_space<hbm>>) dst(%dma_wait3A_2192 : memref<128xi32, #tpu.memory_space<vmem>>)
    %dma_wait3A_2194 = arith.constant 23 : i32
    %dma_wait3A_2195 = arith.constant 0 : i32
    %dma_wait3A_2196 = tpu.memref_slice %arg12[%dma_wait3A_2194, %dma_wait3A_2195] : memref<25x128xi32, #tpu.memory_space<vmem>> -> memref<1x128xi32, #tpu.memory_space<vmem>>
    %dma_wait3A_2197 = tpu.memref_squeeze %dma_wait3A_2196 : memref<1x128xi32, #tpu.memory_space<vmem>> -> memref<128xi32, #tpu.memory_space<vmem>>
    %dma_wait3A_2198 = tpu.memref_slice %arg3[%multiple_of3A_399] : memref<100000xi32, #tpu.memory_space<hbm>> -> memref<128xi32, #tpu.memory_space<hbm>>
    %dma_wait3A_2199 = arith.constant 0 : i32
    %dma_wait3A_2200 = tpu.memref_slice %arg12[%dma_wait3A_2194, %dma_wait3A_2199] : memref<25x128xi32, #tpu.memory_space<vmem>> -> memref<1x128xi32, #tpu.memory_space<vmem>>
    %dma_wait3A_2201 = tpu.memref_squeeze %dma_wait3A_2200 : memref<1x128xi32, #tpu.memory_space<vmem>> -> memref<128xi32, #tpu.memory_space<vmem>>
    %dma_wait3A_2202 = tpu.memref_slice %arg3[%multiple_of3A_399] : memref<100000xi32, #tpu.memory_space<hbm>> -> memref<128xi32, #tpu.memory_space<hbm>>
    tpu.wait_dma2 semaphore(%arg27 : memref<!tpu.dma_semaphore, #tpu.memory_space<semaphore_mem>>) src(%dma_wait3A_2202 : memref<128xi32, #tpu.memory_space<hbm>>) dst(%dma_wait3A_2201 : memref<128xi32, #tpu.memory_space<vmem>>)
    %dma_wait3A_2203 = arith.constant 24 : i32
    %dma_wait3A_2204 = arith.constant 0 : i32
    %dma_wait3A_2205 = tpu.memref_slice %arg12[%dma_wait3A_2203, %dma_wait3A_2204] : memref<25x128xi32, #tpu.memory_space<vmem>> -> memref<1x128xi32, #tpu.memory_space<vmem>>
    %dma_wait3A_2206 = tpu.memref_squeeze %dma_wait3A_2205 : memref<1x128xi32, #tpu.memory_space<vmem>> -> memref<128xi32, #tpu.memory_space<vmem>>
    %dma_wait3A_2207 = tpu.memref_slice %arg3[%multiple_of3A_413] : memref<100000xi32, #tpu.memory_space<hbm>> -> memref<128xi32, #tpu.memory_space<hbm>>
    %dma_wait3A_2208 = arith.constant 0 : i32
    %dma_wait3A_2209 = tpu.memref_slice %arg12[%dma_wait3A_2203, %dma_wait3A_2208] : memref<25x128xi32, #tpu.memory_space<vmem>> -> memref<1x128xi32, #tpu.memory_space<vmem>>
    %dma_wait3A_2210 = tpu.memref_squeeze %dma_wait3A_2209 : memref<1x128xi32, #tpu.memory_space<vmem>> -> memref<128xi32, #tpu.memory_space<vmem>>
    %dma_wait3A_2211 = tpu.memref_slice %arg3[%multiple_of3A_413] : memref<100000xi32, #tpu.memory_space<hbm>> -> memref<128xi32, #tpu.memory_space<hbm>>
    tpu.wait_dma2 semaphore(%arg27 : memref<!tpu.dma_semaphore, #tpu.memory_space<semaphore_mem>>) src(%dma_wait3A_2211 : memref<128xi32, #tpu.memory_space<hbm>>) dst(%dma_wait3A_2210 : memref<128xi32, #tpu.memory_space<vmem>>)
    %barrier3A = arith.constant 0 : index
    tpu.barrier barrier_id(%barrier3A)
    %add3A_2212 = arith.constant 96 : i32
    %add3A_2213 = arith.addi %add3A_2212, %add3A : i32
    %mul3A_2214 = arith.constant 128 : i32
    %mul3A_2215 = arith.muli %add3A_2213, %mul3A_2214 : i32
    %multiple_of3A_2216 = tpu.assume_multiple %mul3A_2215, 128 : i32
    %dma_start3A_2217 = arith.constant 0 : i32
    %dma_start3A_2218 = tpu.memref_slice %arg2[%multiple_of3A_2216, %dma_start3A_2217] : memref<100000x128xf32, #tpu.memory_space<hbm>> -> memref<128x128xf32, #tpu.memory_space<hbm>>
    %dma_start3A_2219 = arith.constant 0 : i32
    %dma_start3A_2220 = tpu.memref_slice %arg2[%multiple_of3A_2216, %dma_start3A_2219] : memref<100000x128xf32, #tpu.memory_space<hbm>> -> memref<128x128xf32, #tpu.memory_space<hbm>>
    tpu.enqueue_dma source(%dma_start3A_2220 : memref<128x128xf32, #tpu.memory_space<hbm>>) target(%arg9 : memref<128x128xf32, #tpu.memory_space<vmem>>) target_semaphore(%arg18 : memref<!tpu.dma_semaphore, #tpu.memory_space<semaphore_mem>>)
    %dma_wait3A_2221 = arith.constant 0 : i32
    %dma_wait3A_2222 = tpu.memref_slice %arg2[%multiple_of3A_1965, %dma_wait3A_2221] : memref<100000x128xf32, #tpu.memory_space<hbm>> -> memref<128x128xf32, #tpu.memory_space<hbm>>
    %dma_wait3A_2223 = arith.constant 0 : i32
    %dma_wait3A_2224 = tpu.memref_slice %arg2[%multiple_of3A_1965, %dma_wait3A_2223] : memref<100000x128xf32, #tpu.memory_space<hbm>> -> memref<128x128xf32, #tpu.memory_space<hbm>>
    tpu.wait_dma2 semaphore(%arg15 : memref<!tpu.dma_semaphore, #tpu.memory_space<semaphore_mem>>) src(%dma_wait3A_2224 : memref<128x128xf32, #tpu.memory_space<hbm>>) dst(%arg6 : memref<128x128xf32, #tpu.memory_space<vmem>>)
    %dma_start3A_2225 = arith.constant 0 : i32
    %dma_start3A_2226 = arith.constant 0 : i32
    %dma_start3A_2227 = tpu.memref_slice %arg12[%dma_start3A_2225, %dma_start3A_2226] : memref<25x128xi32, #tpu.memory_space<vmem>> -> memref<1x128xi32, #tpu.memory_space<vmem>>
    %dma_start3A_2228 = tpu.memref_squeeze %dma_start3A_2227 : memref<1x128xi32, #tpu.memory_space<vmem>> -> memref<128xi32, #tpu.memory_space<vmem>>
    %dma_start3A_2229 = arith.constant 0 : i32
    %dma_start3A_2230 = arith.constant 0 : i32
    %dma_start3A_2231 = tpu.memref_slice %arg5[%dma_start3A_2229, %dma_start3A_2230] : memref<512x128xf32, #tpu.memory_space<vmem_shared>> -> memref<512x128xf32, #tpu.memory_space<vmem_shared>>
    tpu.enqueue_indirect_dma source(%arg6 : memref<128x128xf32, #tpu.memory_space<vmem>>) target(%dma_start3A_2231 : memref<512x128xf32, #tpu.memory_space<vmem_shared>>) offsets(%dma_start3A_2228 : memref<128xi32, #tpu.memory_space<vmem>>) semaphore(%arg21 : memref<!tpu.dma_semaphore, #tpu.memory_space<semaphore_mem>>) {add = true}
    %add3A_2232 = arith.constant 128 : i32
    %add3A_2233 = arith.addi %add3A_2232, %add3A : i32
    %mul3A_2234 = arith.constant 128 : i32
    %mul3A_2235 = arith.muli %add3A_2233, %mul3A_2234 : i32
    %multiple_of3A_2236 = tpu.assume_multiple %mul3A_2235, 128 : i32
    %dma_start3A_2237 = arith.constant 0 : i32
    %dma_start3A_2238 = tpu.memref_slice %arg2[%multiple_of3A_2236, %dma_start3A_2237] : memref<100000x128xf32, #tpu.memory_space<hbm>> -> memref<128x128xf32, #tpu.memory_space<hbm>>
    %dma_start3A_2239 = arith.constant 0 : i32
    %dma_start3A_2240 = tpu.memref_slice %arg2[%multiple_of3A_2236, %dma_start3A_2239] : memref<100000x128xf32, #tpu.memory_space<hbm>> -> memref<128x128xf32, #tpu.memory_space<hbm>>
    tpu.enqueue_dma source(%dma_start3A_2240 : memref<128x128xf32, #tpu.memory_space<hbm>>) target(%arg10 : memref<128x128xf32, #tpu.memory_space<vmem>>) target_semaphore(%arg19 : memref<!tpu.dma_semaphore, #tpu.memory_space<semaphore_mem>>)
    %dma_wait3A_2241 = arith.constant 0 : i32
    %dma_wait3A_2242 = tpu.memref_slice %arg2[%multiple_of3A_1974, %dma_wait3A_2241] : memref<100000x128xf32, #tpu.memory_space<hbm>> -> memref<128x128xf32, #tpu.memory_space<hbm>>
    %dma_wait3A_2243 = arith.constant 0 : i32
    %dma_wait3A_2244 = tpu.memref_slice %arg2[%multiple_of3A_1974, %dma_wait3A_2243] : memref<100000x128xf32, #tpu.memory_space<hbm>> -> memref<128x128xf32, #tpu.memory_space<hbm>>
    tpu.wait_dma2 semaphore(%arg16 : memref<!tpu.dma_semaphore, #tpu.memory_space<semaphore_mem>>) src(%dma_wait3A_2244 : memref<128x128xf32, #tpu.memory_space<hbm>>) dst(%arg7 : memref<128x128xf32, #tpu.memory_space<vmem>>)
    %dma_start3A_2245 = arith.constant 1 : i32
    %dma_start3A_2246 = arith.constant 0 : i32
    %dma_start3A_2247 = tpu.memref_slice %arg12[%dma_start3A_2245, %dma_start3A_2246] : memref<25x128xi32, #tpu.memory_space<vmem>> -> memref<1x128xi32, #tpu.memory_space<vmem>>
    %dma_start3A_2248 = tpu.memref_squeeze %dma_start3A_2247 : memref<1x128xi32, #tpu.memory_space<vmem>> -> memref<128xi32, #tpu.memory_space<vmem>>
    %dma_start3A_2249 = arith.constant 0 : i32
    %dma_start3A_2250 = arith.constant 0 : i32
    %dma_start3A_2251 = tpu.memref_slice %arg5[%dma_start3A_2249, %dma_start3A_2250] : memref<512x128xf32, #tpu.memory_space<vmem_shared>> -> memref<512x128xf32, #tpu.memory_space<vmem_shared>>
    tpu.enqueue_indirect_dma source(%arg7 : memref<128x128xf32, #tpu.memory_space<vmem>>) target(%dma_start3A_2251 : memref<512x128xf32, #tpu.memory_space<vmem_shared>>) offsets(%dma_start3A_2248 : memref<128xi32, #tpu.memory_space<vmem>>) semaphore(%arg22 : memref<!tpu.dma_semaphore, #tpu.memory_space<semaphore_mem>>) {add = true}
    %add3A_2252 = arith.constant 160 : i32
    %add3A_2253 = arith.addi %add3A_2252, %add3A : i32
    %mul3A_2254 = arith.constant 128 : i32
    %mul3A_2255 = arith.muli %add3A_2253, %mul3A_2254 : i32
    %multiple_of3A_2256 = tpu.assume_multiple %mul3A_2255, 128 : i32
    %dma_start3A_2257 = arith.constant 0 : i32
    %dma_start3A_2258 = tpu.memref_slice %arg2[%multiple_of3A_2256, %dma_start3A_2257] : memref<100000x128xf32, #tpu.memory_space<hbm>> -> memref<128x128xf32, #tpu.memory_space<hbm>>
    %dma_start3A_2259 = arith.constant 0 : i32
    %dma_start3A_2260 = tpu.memref_slice %arg2[%multiple_of3A_2256, %dma_start3A_2259] : memref<100000x128xf32, #tpu.memory_space<hbm>> -> memref<128x128xf32, #tpu.memory_space<hbm>>
    tpu.enqueue_dma source(%dma_start3A_2260 : memref<128x128xf32, #tpu.memory_space<hbm>>) target(%arg11 : memref<128x128xf32, #tpu.memory_space<vmem>>) target_semaphore(%arg20 : memref<!tpu.dma_semaphore, #tpu.memory_space<semaphore_mem>>)
    %dma_wait3A_2261 = arith.constant 0 : i32
    %dma_wait3A_2262 = tpu.memref_slice %arg2[%multiple_of3A_1983, %dma_wait3A_2261] : memref<100000x128xf32, #tpu.memory_space<hbm>> -> memref<128x128xf32, #tpu.memory_space<hbm>>
    %dma_wait3A_2263 = arith.constant 0 : i32
    %dma_wait3A_2264 = tpu.memref_slice %arg2[%multiple_of3A_1983, %dma_wait3A_2263] : memref<100000x128xf32, #tpu.memory_space<hbm>> -> memref<128x128xf32, #tpu.memory_space<hbm>>
    tpu.wait_dma2 semaphore(%arg17 : memref<!tpu.dma_semaphore, #tpu.memory_space<semaphore_mem>>) src(%dma_wait3A_2264 : memref<128x128xf32, #tpu.memory_space<hbm>>) dst(%arg8 : memref<128x128xf32, #tpu.memory_space<vmem>>)
    %dma_start3A_2265 = arith.constant 2 : i32
    %dma_start3A_2266 = arith.constant 0 : i32
    %dma_start3A_2267 = tpu.memref_slice %arg12[%dma_start3A_2265, %dma_start3A_2266] : memref<25x128xi32, #tpu.memory_space<vmem>> -> memref<1x128xi32, #tpu.memory_space<vmem>>
    %dma_start3A_2268 = tpu.memref_squeeze %dma_start3A_2267 : memref<1x128xi32, #tpu.memory_space<vmem>> -> memref<128xi32, #tpu.memory_space<vmem>>
    %dma_start3A_2269 = arith.constant 0 : i32
    %dma_start3A_2270 = arith.constant 0 : i32
    %dma_start3A_2271 = tpu.memref_slice %arg5[%dma_start3A_2269, %dma_start3A_2270] : memref<512x128xf32, #tpu.memory_space<vmem_shared>> -> memref<512x128xf32, #tpu.memory_space<vmem_shared>>
    tpu.enqueue_indirect_dma source(%arg8 : memref<128x128xf32, #tpu.memory_space<vmem>>) target(%dma_start3A_2271 : memref<512x128xf32, #tpu.memory_space<vmem_shared>>) offsets(%dma_start3A_2268 : memref<128xi32, #tpu.memory_space<vmem>>) semaphore(%arg23 : memref<!tpu.dma_semaphore, #tpu.memory_space<semaphore_mem>>) {add = true}
    %dma_wait3A_2272 = arith.constant 0 : i32
    %dma_wait3A_2273 = arith.constant 0 : i32
    %dma_wait3A_2274 = tpu.memref_slice %arg12[%dma_wait3A_2272, %dma_wait3A_2273] : memref<25x128xi32, #tpu.memory_space<vmem>> -> memref<1x128xi32, #tpu.memory_space<vmem>>
    %dma_wait3A_2275 = tpu.memref_squeeze %dma_wait3A_2274 : memref<1x128xi32, #tpu.memory_space<vmem>> -> memref<128xi32, #tpu.memory_space<vmem>>
    %dma_wait3A_2276 = arith.constant 0 : i32
    %dma_wait3A_2277 = arith.constant 0 : i32
    %dma_wait3A_2278 = tpu.memref_slice %arg5[%dma_wait3A_2276, %dma_wait3A_2277] : memref<512x128xf32, #tpu.memory_space<vmem_shared>> -> memref<512x128xf32, #tpu.memory_space<vmem_shared>>
    tpu.wait_indirect_dma semaphore(%arg21 : memref<!tpu.dma_semaphore, #tpu.memory_space<semaphore_mem>>) src(%arg6 : memref<128x128xf32, #tpu.memory_space<vmem>>) dst(%dma_wait3A_2278 : memref<512x128xf32, #tpu.memory_space<vmem_shared>>)
    %add3A_2279 = arith.constant 192 : i32
    %add3A_2280 = arith.addi %add3A_2279, %add3A : i32
    %mul3A_2281 = arith.constant 128 : i32
    %mul3A_2282 = arith.muli %add3A_2280, %mul3A_2281 : i32
    %multiple_of3A_2283 = tpu.assume_multiple %mul3A_2282, 128 : i32
    %dma_start3A_2284 = arith.constant 0 : i32
    %dma_start3A_2285 = tpu.memref_slice %arg2[%multiple_of3A_2283, %dma_start3A_2284] : memref<100000x128xf32, #tpu.memory_space<hbm>> -> memref<128x128xf32, #tpu.memory_space<hbm>>
    %dma_start3A_2286 = arith.constant 0 : i32
    %dma_start3A_2287 = tpu.memref_slice %arg2[%multiple_of3A_2283, %dma_start3A_2286] : memref<100000x128xf32, #tpu.memory_space<hbm>> -> memref<128x128xf32, #tpu.memory_space<hbm>>
    tpu.enqueue_dma source(%dma_start3A_2287 : memref<128x128xf32, #tpu.memory_space<hbm>>) target(%arg6 : memref<128x128xf32, #tpu.memory_space<vmem>>) target_semaphore(%arg15 : memref<!tpu.dma_semaphore, #tpu.memory_space<semaphore_mem>>)
    %dma_wait3A_2288 = arith.constant 0 : i32
    %dma_wait3A_2289 = tpu.memref_slice %arg2[%multiple_of3A_2216, %dma_wait3A_2288] : memref<100000x128xf32, #tpu.memory_space<hbm>> -> memref<128x128xf32, #tpu.memory_space<hbm>>
    %dma_wait3A_2290 = arith.constant 0 : i32
    %dma_wait3A_2291 = tpu.memref_slice %arg2[%multiple_of3A_2216, %dma_wait3A_2290] : memref<100000x128xf32, #tpu.memory_space<hbm>> -> memref<128x128xf32, #tpu.memory_space<hbm>>
    tpu.wait_dma2 semaphore(%arg18 : memref<!tpu.dma_semaphore, #tpu.memory_space<semaphore_mem>>) src(%dma_wait3A_2291 : memref<128x128xf32, #tpu.memory_space<hbm>>) dst(%arg9 : memref<128x128xf32, #tpu.memory_space<vmem>>)
    %dma_start3A_2292 = arith.constant 3 : i32
    %dma_start3A_2293 = arith.constant 0 : i32
    %dma_start3A_2294 = tpu.memref_slice %arg12[%dma_start3A_2292, %dma_start3A_2293] : memref<25x128xi32, #tpu.memory_space<vmem>> -> memref<1x128xi32, #tpu.memory_space<vmem>>
    %dma_start3A_2295 = tpu.memref_squeeze %dma_start3A_2294 : memref<1x128xi32, #tpu.memory_space<vmem>> -> memref<128xi32, #tpu.memory_space<vmem>>
    %dma_start3A_2296 = arith.constant 0 : i32
    %dma_start3A_2297 = arith.constant 0 : i32
    %dma_start3A_2298 = tpu.memref_slice %arg5[%dma_start3A_2296, %dma_start3A_2297] : memref<512x128xf32, #tpu.memory_space<vmem_shared>> -> memref<512x128xf32, #tpu.memory_space<vmem_shared>>
    tpu.enqueue_indirect_dma source(%arg9 : memref<128x128xf32, #tpu.memory_space<vmem>>) target(%dma_start3A_2298 : memref<512x128xf32, #tpu.memory_space<vmem_shared>>) offsets(%dma_start3A_2295 : memref<128xi32, #tpu.memory_space<vmem>>) semaphore(%arg24 : memref<!tpu.dma_semaphore, #tpu.memory_space<semaphore_mem>>) {add = true}
    %dma_wait3A_2299 = arith.constant 1 : i32
    %dma_wait3A_2300 = arith.constant 0 : i32
    %dma_wait3A_2301 = tpu.memref_slice %arg12[%dma_wait3A_2299, %dma_wait3A_2300] : memref<25x128xi32, #tpu.memory_space<vmem>> -> memref<1x128xi32, #tpu.memory_space<vmem>>
    %dma_wait3A_2302 = tpu.memref_squeeze %dma_wait3A_2301 : memref<1x128xi32, #tpu.memory_space<vmem>> -> memref<128xi32, #tpu.memory_space<vmem>>
    %dma_wait3A_2303 = arith.constant 0 : i32
    %dma_wait3A_2304 = arith.constant 0 : i32
    %dma_wait3A_2305 = tpu.memref_slice %arg5[%dma_wait3A_2303, %dma_wait3A_2304] : memref<512x128xf32, #tpu.memory_space<vmem_shared>> -> memref<512x128xf32, #tpu.memory_space<vmem_shared>>
    tpu.wait_indirect_dma semaphore(%arg22 : memref<!tpu.dma_semaphore, #tpu.memory_space<semaphore_mem>>) src(%arg7 : memref<128x128xf32, #tpu.memory_space<vmem>>) dst(%dma_wait3A_2305 : memref<512x128xf32, #tpu.memory_space<vmem_shared>>)
    %add3A_2306 = arith.constant 224 : i32
    %add3A_2307 = arith.addi %add3A_2306, %add3A : i32
    %mul3A_2308 = arith.constant 128 : i32
    %mul3A_2309 = arith.muli %add3A_2307, %mul3A_2308 : i32
    %multiple_of3A_2310 = tpu.assume_multiple %mul3A_2309, 128 : i32
    %dma_start3A_2311 = arith.constant 0 : i32
    %dma_start3A_2312 = tpu.memref_slice %arg2[%multiple_of3A_2310, %dma_start3A_2311] : memref<100000x128xf32, #tpu.memory_space<hbm>> -> memref<128x128xf32, #tpu.memory_space<hbm>>
    %dma_start3A_2313 = arith.constant 0 : i32
    %dma_start3A_2314 = tpu.memref_slice %arg2[%multiple_of3A_2310, %dma_start3A_2313] : memref<100000x128xf32, #tpu.memory_space<hbm>> -> memref<128x128xf32, #tpu.memory_space<hbm>>
    tpu.enqueue_dma source(%dma_start3A_2314 : memref<128x128xf32, #tpu.memory_space<hbm>>) target(%arg7 : memref<128x128xf32, #tpu.memory_space<vmem>>) target_semaphore(%arg16 : memref<!tpu.dma_semaphore, #tpu.memory_space<semaphore_mem>>)
    %dma_wait3A_2315 = arith.constant 0 : i32
    %dma_wait3A_2316 = tpu.memref_slice %arg2[%multiple_of3A_2236, %dma_wait3A_2315] : memref<100000x128xf32, #tpu.memory_space<hbm>> -> memref<128x128xf32, #tpu.memory_space<hbm>>
    %dma_wait3A_2317 = arith.constant 0 : i32
    %dma_wait3A_2318 = tpu.memref_slice %arg2[%multiple_of3A_2236, %dma_wait3A_2317] : memref<100000x128xf32, #tpu.memory_space<hbm>> -> memref<128x128xf32, #tpu.memory_space<hbm>>
    tpu.wait_dma2 semaphore(%arg19 : memref<!tpu.dma_semaphore, #tpu.memory_space<semaphore_mem>>) src(%dma_wait3A_2318 : memref<128x128xf32, #tpu.memory_space<hbm>>) dst(%arg10 : memref<128x128xf32, #tpu.memory_space<vmem>>)
    %dma_start3A_2319 = arith.constant 4 : i32
    %dma_start3A_2320 = arith.constant 0 : i32
    %dma_start3A_2321 = tpu.memref_slice %arg12[%dma_start3A_2319, %dma_start3A_2320] : memref<25x128xi32, #tpu.memory_space<vmem>> -> memref<1x128xi32, #tpu.memory_space<vmem>>
    %dma_start3A_2322 = tpu.memref_squeeze %dma_start3A_2321 : memref<1x128xi32, #tpu.memory_space<vmem>> -> memref<128xi32, #tpu.memory_space<vmem>>
    %dma_start3A_2323 = arith.constant 0 : i32
    %dma_start3A_2324 = arith.constant 0 : i32
    %dma_start3A_2325 = tpu.memref_slice %arg5[%dma_start3A_2323, %dma_start3A_2324] : memref<512x128xf32, #tpu.memory_space<vmem_shared>> -> memref<512x128xf32, #tpu.memory_space<vmem_shared>>
    tpu.enqueue_indirect_dma source(%arg10 : memref<128x128xf32, #tpu.memory_space<vmem>>) target(%dma_start3A_2325 : memref<512x128xf32, #tpu.memory_space<vmem_shared>>) offsets(%dma_start3A_2322 : memref<128xi32, #tpu.memory_space<vmem>>) semaphore(%arg25 : memref<!tpu.dma_semaphore, #tpu.memory_space<semaphore_mem>>) {add = true}
    %dma_wait3A_2326 = arith.constant 2 : i32
    %dma_wait3A_2327 = arith.constant 0 : i32
    %dma_wait3A_2328 = tpu.memref_slice %arg12[%dma_wait3A_2326, %dma_wait3A_2327] : memref<25x128xi32, #tpu.memory_space<vmem>> -> memref<1x128xi32, #tpu.memory_space<vmem>>
    %dma_wait3A_2329 = tpu.memref_squeeze %dma_wait3A_2328 : memref<1x128xi32, #tpu.memory_space<vmem>> -> memref<128xi32, #tpu.memory_space<vmem>>
    %dma_wait3A_2330 = arith.constant 0 : i32
    %dma_wait3A_2331 = arith.constant 0 : i32
    %dma_wait3A_2332 = tpu.memref_slice %arg5[%dma_wait3A_2330, %dma_wait3A_2331] : memref<512x128xf32, #tpu.memory_space<vmem_shared>> -> memref<512x128xf32, #tpu.memory_space<vmem_shared>>
    tpu.wait_indirect_dma semaphore(%arg23 : memref<!tpu.dma_semaphore, #tpu.memory_space<semaphore_mem>>) src(%arg8 : memref<128x128xf32, #tpu.memory_space<vmem>>) dst(%dma_wait3A_2332 : memref<512x128xf32, #tpu.memory_space<vmem_shared>>)
    %add3A_2333 = arith.constant 256 : i32
    %add3A_2334 = arith.addi %add3A_2333, %add3A : i32
    %mul3A_2335 = arith.constant 128 : i32
    %mul3A_2336 = arith.muli %add3A_2334, %mul3A_2335 : i32
    %multiple_of3A_2337 = tpu.assume_multiple %mul3A_2336, 128 : i32
    %dma_start3A_2338 = arith.constant 0 : i32
    %dma_start3A_2339 = tpu.memref_slice %arg2[%multiple_of3A_2337, %dma_start3A_2338] : memref<100000x128xf32, #tpu.memory_space<hbm>> -> memref<128x128xf32, #tpu.memory_space<hbm>>
    %dma_start3A_2340 = arith.constant 0 : i32
    %dma_start3A_2341 = tpu.memref_slice %arg2[%multiple_of3A_2337, %dma_start3A_2340] : memref<100000x128xf32, #tpu.memory_space<hbm>> -> memref<128x128xf32, #tpu.memory_space<hbm>>
    tpu.enqueue_dma source(%dma_start3A_2341 : memref<128x128xf32, #tpu.memory_space<hbm>>) target(%arg8 : memref<128x128xf32, #tpu.memory_space<vmem>>) target_semaphore(%arg17 : memref<!tpu.dma_semaphore, #tpu.memory_space<semaphore_mem>>)
    %dma_wait3A_2342 = arith.constant 0 : i32
    %dma_wait3A_2343 = tpu.memref_slice %arg2[%multiple_of3A_2256, %dma_wait3A_2342] : memref<100000x128xf32, #tpu.memory_space<hbm>> -> memref<128x128xf32, #tpu.memory_space<hbm>>
    %dma_wait3A_2344 = arith.constant 0 : i32
    %dma_wait3A_2345 = tpu.memref_slice %arg2[%multiple_of3A_2256, %dma_wait3A_2344] : memref<100000x128xf32, #tpu.memory_space<hbm>> -> memref<128x128xf32, #tpu.memory_space<hbm>>
    tpu.wait_dma2 semaphore(%arg20 : memref<!tpu.dma_semaphore, #tpu.memory_space<semaphore_mem>>) src(%dma_wait3A_2345 : memref<128x128xf32, #tpu.memory_space<hbm>>) dst(%arg11 : memref<128x128xf32, #tpu.memory_space<vmem>>)
    %dma_start3A_2346 = arith.constant 5 : i32
    %dma_start3A_2347 = arith.constant 0 : i32
    %dma_start3A_2348 = tpu.memref_slice %arg12[%dma_start3A_2346, %dma_start3A_2347] : memref<25x128xi32, #tpu.memory_space<vmem>> -> memref<1x128xi32, #tpu.memory_space<vmem>>
    %dma_start3A_2349 = tpu.memref_squeeze %dma_start3A_2348 : memref<1x128xi32, #tpu.memory_space<vmem>> -> memref<128xi32, #tpu.memory_space<vmem>>
    %dma_start3A_2350 = arith.constant 0 : i32
    %dma_start3A_2351 = arith.constant 0 : i32
    %dma_start3A_2352 = tpu.memref_slice %arg5[%dma_start3A_2350, %dma_start3A_2351] : memref<512x128xf32, #tpu.memory_space<vmem_shared>> -> memref<512x128xf32, #tpu.memory_space<vmem_shared>>
    tpu.enqueue_indirect_dma source(%arg11 : memref<128x128xf32, #tpu.memory_space<vmem>>) target(%dma_start3A_2352 : memref<512x128xf32, #tpu.memory_space<vmem_shared>>) offsets(%dma_start3A_2349 : memref<128xi32, #tpu.memory_space<vmem>>) semaphore(%arg26 : memref<!tpu.dma_semaphore, #tpu.memory_space<semaphore_mem>>) {add = true}
    %dma_wait3A_2353 = arith.constant 3 : i32
    %dma_wait3A_2354 = arith.constant 0 : i32
    %dma_wait3A_2355 = tpu.memref_slice %arg12[%dma_wait3A_2353, %dma_wait3A_2354] : memref<25x128xi32, #tpu.memory_space<vmem>> -> memref<1x128xi32, #tpu.memory_space<vmem>>
    %dma_wait3A_2356 = tpu.memref_squeeze %dma_wait3A_2355 : memref<1x128xi32, #tpu.memory_space<vmem>> -> memref<128xi32, #tpu.memory_space<vmem>>
    %dma_wait3A_2357 = arith.constant 0 : i32
    %dma_wait3A_2358 = arith.constant 0 : i32
    %dma_wait3A_2359 = tpu.memref_slice %arg5[%dma_wait3A_2357, %dma_wait3A_2358] : memref<512x128xf32, #tpu.memory_space<vmem_shared>> -> memref<512x128xf32, #tpu.memory_space<vmem_shared>>
    tpu.wait_indirect_dma semaphore(%arg24 : memref<!tpu.dma_semaphore, #tpu.memory_space<semaphore_mem>>) src(%arg9 : memref<128x128xf32, #tpu.memory_space<vmem>>) dst(%dma_wait3A_2359 : memref<512x128xf32, #tpu.memory_space<vmem_shared>>)
    %add3A_2360 = arith.constant 288 : i32
    %add3A_2361 = arith.addi %add3A_2360, %add3A : i32
    %mul3A_2362 = arith.constant 128 : i32
    %mul3A_2363 = arith.muli %add3A_2361, %mul3A_2362 : i32
    %multiple_of3A_2364 = tpu.assume_multiple %mul3A_2363, 128 : i32
    %dma_start3A_2365 = arith.constant 0 : i32
    %dma_start3A_2366 = tpu.memref_slice %arg2[%multiple_of3A_2364, %dma_start3A_2365] : memref<100000x128xf32, #tpu.memory_space<hbm>> -> memref<128x128xf32, #tpu.memory_space<hbm>>
    %dma_start3A_2367 = arith.constant 0 : i32
    %dma_start3A_2368 = tpu.memref_slice %arg2[%multiple_of3A_2364, %dma_start3A_2367] : memref<100000x128xf32, #tpu.memory_space<hbm>> -> memref<128x128xf32, #tpu.memory_space<hbm>>
    tpu.enqueue_dma source(%dma_start3A_2368 : memref<128x128xf32, #tpu.memory_space<hbm>>) target(%arg9 : memref<128x128xf32, #tpu.memory_space<vmem>>) target_semaphore(%arg18 : memref<!tpu.dma_semaphore, #tpu.memory_space<semaphore_mem>>)
    %dma_wait3A_2369 = arith.constant 0 : i32
    %dma_wait3A_2370 = tpu.memref_slice %arg2[%multiple_of3A_2283, %dma_wait3A_2369] : memref<100000x128xf32, #tpu.memory_space<hbm>> -> memref<128x128xf32, #tpu.memory_space<hbm>>
    %dma_wait3A_2371 = arith.constant 0 : i32
    %dma_wait3A_2372 = tpu.memref_slice %arg2[%multiple_of3A_2283, %dma_wait3A_2371] : memref<100000x128xf32, #tpu.memory_space<hbm>> -> memref<128x128xf32, #tpu.memory_space<hbm>>
    tpu.wait_dma2 semaphore(%arg15 : memref<!tpu.dma_semaphore, #tpu.memory_space<semaphore_mem>>) src(%dma_wait3A_2372 : memref<128x128xf32, #tpu.memory_space<hbm>>) dst(%arg6 : memref<128x128xf32, #tpu.memory_space<vmem>>)
    %dma_start3A_2373 = arith.constant 6 : i32
    %dma_start3A_2374 = arith.constant 0 : i32
    %dma_start3A_2375 = tpu.memref_slice %arg12[%dma_start3A_2373, %dma_start3A_2374] : memref<25x128xi32, #tpu.memory_space<vmem>> -> memref<1x128xi32, #tpu.memory_space<vmem>>
    %dma_start3A_2376 = tpu.memref_squeeze %dma_start3A_2375 : memref<1x128xi32, #tpu.memory_space<vmem>> -> memref<128xi32, #tpu.memory_space<vmem>>
    %dma_start3A_2377 = arith.constant 0 : i32
    %dma_start3A_2378 = arith.constant 0 : i32
    %dma_start3A_2379 = tpu.memref_slice %arg5[%dma_start3A_2377, %dma_start3A_2378] : memref<512x128xf32, #tpu.memory_space<vmem_shared>> -> memref<512x128xf32, #tpu.memory_space<vmem_shared>>
    tpu.enqueue_indirect_dma source(%arg6 : memref<128x128xf32, #tpu.memory_space<vmem>>) target(%dma_start3A_2379 : memref<512x128xf32, #tpu.memory_space<vmem_shared>>) offsets(%dma_start3A_2376 : memref<128xi32, #tpu.memory_space<vmem>>) semaphore(%arg21 : memref<!tpu.dma_semaphore, #tpu.memory_space<semaphore_mem>>) {add = true}
    %dma_wait3A_2380 = arith.constant 4 : i32
    %dma_wait3A_2381 = arith.constant 0 : i32
    %dma_wait3A_2382 = tpu.memref_slice %arg12[%dma_wait3A_2380, %dma_wait3A_2381] : memref<25x128xi32, #tpu.memory_space<vmem>> -> memref<1x128xi32, #tpu.memory_space<vmem>>
    %dma_wait3A_2383 = tpu.memref_squeeze %dma_wait3A_2382 : memref<1x128xi32, #tpu.memory_space<vmem>> -> memref<128xi32, #tpu.memory_space<vmem>>
    %dma_wait3A_2384 = arith.constant 0 : i32
    %dma_wait3A_2385 = arith.constant 0 : i32
    %dma_wait3A_2386 = tpu.memref_slice %arg5[%dma_wait3A_2384, %dma_wait3A_2385] : memref<512x128xf32, #tpu.memory_space<vmem_shared>> -> memref<512x128xf32, #tpu.memory_space<vmem_shared>>
    tpu.wait_indirect_dma semaphore(%arg25 : memref<!tpu.dma_semaphore, #tpu.memory_space<semaphore_mem>>) src(%arg10 : memref<128x128xf32, #tpu.memory_space<vmem>>) dst(%dma_wait3A_2386 : memref<512x128xf32, #tpu.memory_space<vmem_shared>>)
    %add3A_2387 = arith.constant 320 : i32
    %add3A_2388 = arith.addi %add3A_2387, %add3A : i32
    %mul3A_2389 = arith.constant 128 : i32
    %mul3A_2390 = arith.muli %add3A_2388, %mul3A_2389 : i32
    %multiple_of3A_2391 = tpu.assume_multiple %mul3A_2390, 128 : i32
    %dma_start3A_2392 = arith.constant 0 : i32
    %dma_start3A_2393 = tpu.memref_slice %arg2[%multiple_of3A_2391, %dma_start3A_2392] : memref<100000x128xf32, #tpu.memory_space<hbm>> -> memref<128x128xf32, #tpu.memory_space<hbm>>
    %dma_start3A_2394 = arith.constant 0 : i32
    %dma_start3A_2395 = tpu.memref_slice %arg2[%multiple_of3A_2391, %dma_start3A_2394] : memref<100000x128xf32, #tpu.memory_space<hbm>> -> memref<128x128xf32, #tpu.memory_space<hbm>>
    tpu.enqueue_dma source(%dma_start3A_2395 : memref<128x128xf32, #tpu.memory_space<hbm>>) target(%arg10 : memref<128x128xf32, #tpu.memory_space<vmem>>) target_semaphore(%arg19 : memref<!tpu.dma_semaphore, #tpu.memory_space<semaphore_mem>>)
    %dma_wait3A_2396 = arith.constant 0 : i32
    %dma_wait3A_2397 = tpu.memref_slice %arg2[%multiple_of3A_2310, %dma_wait3A_2396] : memref<100000x128xf32, #tpu.memory_space<hbm>> -> memref<128x128xf32, #tpu.memory_space<hbm>>
    %dma_wait3A_2398 = arith.constant 0 : i32
    %dma_wait3A_2399 = tpu.memref_slice %arg2[%multiple_of3A_2310, %dma_wait3A_2398] : memref<100000x128xf32, #tpu.memory_space<hbm>> -> memref<128x128xf32, #tpu.memory_space<hbm>>
    tpu.wait_dma2 semaphore(%arg16 : memref<!tpu.dma_semaphore, #tpu.memory_space<semaphore_mem>>) src(%dma_wait3A_2399 : memref<128x128xf32, #tpu.memory_space<hbm>>) dst(%arg7 : memref<128x128xf32, #tpu.memory_space<vmem>>)
    %dma_start3A_2400 = arith.constant 7 : i32
    %dma_start3A_2401 = arith.constant 0 : i32
    %dma_start3A_2402 = tpu.memref_slice %arg12[%dma_start3A_2400, %dma_start3A_2401] : memref<25x128xi32, #tpu.memory_space<vmem>> -> memref<1x128xi32, #tpu.memory_space<vmem>>
    %dma_start3A_2403 = tpu.memref_squeeze %dma_start3A_2402 : memref<1x128xi32, #tpu.memory_space<vmem>> -> memref<128xi32, #tpu.memory_space<vmem>>
    %dma_start3A_2404 = arith.constant 0 : i32
    %dma_start3A_2405 = arith.constant 0 : i32
    %dma_start3A_2406 = tpu.memref_slice %arg5[%dma_start3A_2404, %dma_start3A_2405] : memref<512x128xf32, #tpu.memory_space<vmem_shared>> -> memref<512x128xf32, #tpu.memory_space<vmem_shared>>
    tpu.enqueue_indirect_dma source(%arg7 : memref<128x128xf32, #tpu.memory_space<vmem>>) target(%dma_start3A_2406 : memref<512x128xf32, #tpu.memory_space<vmem_shared>>) offsets(%dma_start3A_2403 : memref<128xi32, #tpu.memory_space<vmem>>) semaphore(%arg22 : memref<!tpu.dma_semaphore, #tpu.memory_space<semaphore_mem>>) {add = true}
    %dma_wait3A_2407 = arith.constant 5 : i32
    %dma_wait3A_2408 = arith.constant 0 : i32
    %dma_wait3A_2409 = tpu.memref_slice %arg12[%dma_wait3A_2407, %dma_wait3A_2408] : memref<25x128xi32, #tpu.memory_space<vmem>> -> memref<1x128xi32, #tpu.memory_space<vmem>>
    %dma_wait3A_2410 = tpu.memref_squeeze %dma_wait3A_2409 : memref<1x128xi32, #tpu.memory_space<vmem>> -> memref<128xi32, #tpu.memory_space<vmem>>
    %dma_wait3A_2411 = arith.constant 0 : i32
    %dma_wait3A_2412 = arith.constant 0 : i32
    %dma_wait3A_2413 = tpu.memref_slice %arg5[%dma_wait3A_2411, %dma_wait3A_2412] : memref<512x128xf32, #tpu.memory_space<vmem_shared>> -> memref<512x128xf32, #tpu.memory_space<vmem_shared>>
    tpu.wait_indirect_dma semaphore(%arg26 : memref<!tpu.dma_semaphore, #tpu.memory_space<semaphore_mem>>) src(%arg11 : memref<128x128xf32, #tpu.memory_space<vmem>>) dst(%dma_wait3A_2413 : memref<512x128xf32, #tpu.memory_space<vmem_shared>>)
    %add3A_2414 = arith.constant 352 : i32
    %add3A_2415 = arith.addi %add3A_2414, %add3A : i32
    %mul3A_2416 = arith.constant 128 : i32
    %mul3A_2417 = arith.muli %add3A_2415, %mul3A_2416 : i32
    %multiple_of3A_2418 = tpu.assume_multiple %mul3A_2417, 128 : i32
    %dma_start3A_2419 = arith.constant 0 : i32
    %dma_start3A_2420 = tpu.memref_slice %arg2[%multiple_of3A_2418, %dma_start3A_2419] : memref<100000x128xf32, #tpu.memory_space<hbm>> -> memref<128x128xf32, #tpu.memory_space<hbm>>
    %dma_start3A_2421 = arith.constant 0 : i32
    %dma_start3A_2422 = tpu.memref_slice %arg2[%multiple_of3A_2418, %dma_start3A_2421] : memref<100000x128xf32, #tpu.memory_space<hbm>> -> memref<128x128xf32, #tpu.memory_space<hbm>>
    tpu.enqueue_dma source(%dma_start3A_2422 : memref<128x128xf32, #tpu.memory_space<hbm>>) target(%arg11 : memref<128x128xf32, #tpu.memory_space<vmem>>) target_semaphore(%arg20 : memref<!tpu.dma_semaphore, #tpu.memory_space<semaphore_mem>>)
    %dma_wait3A_2423 = arith.constant 0 : i32
    %dma_wait3A_2424 = tpu.memref_slice %arg2[%multiple_of3A_2337, %dma_wait3A_2423] : memref<100000x128xf32, #tpu.memory_space<hbm>> -> memref<128x128xf32, #tpu.memory_space<hbm>>
    %dma_wait3A_2425 = arith.constant 0 : i32
    %dma_wait3A_2426 = tpu.memref_slice %arg2[%multiple_of3A_2337, %dma_wait3A_2425] : memref<100000x128xf32, #tpu.memory_space<hbm>> -> memref<128x128xf32, #tpu.memory_space<hbm>>
    tpu.wait_dma2 semaphore(%arg17 : memref<!tpu.dma_semaphore, #tpu.memory_space<semaphore_mem>>) src(%dma_wait3A_2426 : memref<128x128xf32, #tpu.memory_space<hbm>>) dst(%arg8 : memref<128x128xf32, #tpu.memory_space<vmem>>)
    %dma_start3A_2427 = arith.constant 8 : i32
    %dma_start3A_2428 = arith.constant 0 : i32
    %dma_start3A_2429 = tpu.memref_slice %arg12[%dma_start3A_2427, %dma_start3A_2428] : memref<25x128xi32, #tpu.memory_space<vmem>> -> memref<1x128xi32, #tpu.memory_space<vmem>>
    %dma_start3A_2430 = tpu.memref_squeeze %dma_start3A_2429 : memref<1x128xi32, #tpu.memory_space<vmem>> -> memref<128xi32, #tpu.memory_space<vmem>>
    %dma_start3A_2431 = arith.constant 0 : i32
    %dma_start3A_2432 = arith.constant 0 : i32
    %dma_start3A_2433 = tpu.memref_slice %arg5[%dma_start3A_2431, %dma_start3A_2432] : memref<512x128xf32, #tpu.memory_space<vmem_shared>> -> memref<512x128xf32, #tpu.memory_space<vmem_shared>>
    tpu.enqueue_indirect_dma source(%arg8 : memref<128x128xf32, #tpu.memory_space<vmem>>) target(%dma_start3A_2433 : memref<512x128xf32, #tpu.memory_space<vmem_shared>>) offsets(%dma_start3A_2430 : memref<128xi32, #tpu.memory_space<vmem>>) semaphore(%arg23 : memref<!tpu.dma_semaphore, #tpu.memory_space<semaphore_mem>>) {add = true}
    %dma_wait3A_2434 = arith.constant 6 : i32
    %dma_wait3A_2435 = arith.constant 0 : i32
    %dma_wait3A_2436 = tpu.memref_slice %arg12[%dma_wait3A_2434, %dma_wait3A_2435] : memref<25x128xi32, #tpu.memory_space<vmem>> -> memref<1x128xi32, #tpu.memory_space<vmem>>
    %dma_wait3A_2437 = tpu.memref_squeeze %dma_wait3A_2436 : memref<1x128xi32, #tpu.memory_space<vmem>> -> memref<128xi32, #tpu.memory_space<vmem>>
    %dma_wait3A_2438 = arith.constant 0 : i32
    %dma_wait3A_2439 = arith.constant 0 : i32
    %dma_wait3A_2440 = tpu.memref_slice %arg5[%dma_wait3A_2438, %dma_wait3A_2439] : memref<512x128xf32, #tpu.memory_space<vmem_shared>> -> memref<512x128xf32, #tpu.memory_space<vmem_shared>>
    tpu.wait_indirect_dma semaphore(%arg21 : memref<!tpu.dma_semaphore, #tpu.memory_space<semaphore_mem>>) src(%arg6 : memref<128x128xf32, #tpu.memory_space<vmem>>) dst(%dma_wait3A_2440 : memref<512x128xf32, #tpu.memory_space<vmem_shared>>)
    %add3A_2441 = arith.constant 384 : i32
    %add3A_2442 = arith.addi %add3A_2441, %add3A : i32
    %mul3A_2443 = arith.constant 128 : i32
    %mul3A_2444 = arith.muli %add3A_2442, %mul3A_2443 : i32
    %multiple_of3A_2445 = tpu.assume_multiple %mul3A_2444, 128 : i32
    %dma_start3A_2446 = arith.constant 0 : i32
    %dma_start3A_2447 = tpu.memref_slice %arg2[%multiple_of3A_2445, %dma_start3A_2446] : memref<100000x128xf32, #tpu.memory_space<hbm>> -> memref<128x128xf32, #tpu.memory_space<hbm>>
    %dma_start3A_2448 = arith.constant 0 : i32
    %dma_start3A_2449 = tpu.memref_slice %arg2[%multiple_of3A_2445, %dma_start3A_2448] : memref<100000x128xf32, #tpu.memory_space<hbm>> -> memref<128x128xf32, #tpu.memory_space<hbm>>
    tpu.enqueue_dma source(%dma_start3A_2449 : memref<128x128xf32, #tpu.memory_space<hbm>>) target(%arg6 : memref<128x128xf32, #tpu.memory_space<vmem>>) target_semaphore(%arg15 : memref<!tpu.dma_semaphore, #tpu.memory_space<semaphore_mem>>)
    %dma_wait3A_2450 = arith.constant 0 : i32
    %dma_wait3A_2451 = tpu.memref_slice %arg2[%multiple_of3A_2364, %dma_wait3A_2450] : memref<100000x128xf32, #tpu.memory_space<hbm>> -> memref<128x128xf32, #tpu.memory_space<hbm>>
    %dma_wait3A_2452 = arith.constant 0 : i32
    %dma_wait3A_2453 = tpu.memref_slice %arg2[%multiple_of3A_2364, %dma_wait3A_2452] : memref<100000x128xf32, #tpu.memory_space<hbm>> -> memref<128x128xf32, #tpu.memory_space<hbm>>
    tpu.wait_dma2 semaphore(%arg18 : memref<!tpu.dma_semaphore, #tpu.memory_space<semaphore_mem>>) src(%dma_wait3A_2453 : memref<128x128xf32, #tpu.memory_space<hbm>>) dst(%arg9 : memref<128x128xf32, #tpu.memory_space<vmem>>)
    %dma_start3A_2454 = arith.constant 9 : i32
    %dma_start3A_2455 = arith.constant 0 : i32
    %dma_start3A_2456 = tpu.memref_slice %arg12[%dma_start3A_2454, %dma_start3A_2455] : memref<25x128xi32, #tpu.memory_space<vmem>> -> memref<1x128xi32, #tpu.memory_space<vmem>>
    %dma_start3A_2457 = tpu.memref_squeeze %dma_start3A_2456 : memref<1x128xi32, #tpu.memory_space<vmem>> -> memref<128xi32, #tpu.memory_space<vmem>>
    %dma_start3A_2458 = arith.constant 0 : i32
    %dma_start3A_2459 = arith.constant 0 : i32
    %dma_start3A_2460 = tpu.memref_slice %arg5[%dma_start3A_2458, %dma_start3A_2459] : memref<512x128xf32, #tpu.memory_space<vmem_shared>> -> memref<512x128xf32, #tpu.memory_space<vmem_shared>>
    tpu.enqueue_indirect_dma source(%arg9 : memref<128x128xf32, #tpu.memory_space<vmem>>) target(%dma_start3A_2460 : memref<512x128xf32, #tpu.memory_space<vmem_shared>>) offsets(%dma_start3A_2457 : memref<128xi32, #tpu.memory_space<vmem>>) semaphore(%arg24 : memref<!tpu.dma_semaphore, #tpu.memory_space<semaphore_mem>>) {add = true}
    %dma_wait3A_2461 = arith.constant 7 : i32
    %dma_wait3A_2462 = arith.constant 0 : i32
    %dma_wait3A_2463 = tpu.memref_slice %arg12[%dma_wait3A_2461, %dma_wait3A_2462] : memref<25x128xi32, #tpu.memory_space<vmem>> -> memref<1x128xi32, #tpu.memory_space<vmem>>
    %dma_wait3A_2464 = tpu.memref_squeeze %dma_wait3A_2463 : memref<1x128xi32, #tpu.memory_space<vmem>> -> memref<128xi32, #tpu.memory_space<vmem>>
    %dma_wait3A_2465 = arith.constant 0 : i32
    %dma_wait3A_2466 = arith.constant 0 : i32
    %dma_wait3A_2467 = tpu.memref_slice %arg5[%dma_wait3A_2465, %dma_wait3A_2466] : memref<512x128xf32, #tpu.memory_space<vmem_shared>> -> memref<512x128xf32, #tpu.memory_space<vmem_shared>>
    tpu.wait_indirect_dma semaphore(%arg22 : memref<!tpu.dma_semaphore, #tpu.memory_space<semaphore_mem>>) src(%arg7 : memref<128x128xf32, #tpu.memory_space<vmem>>) dst(%dma_wait3A_2467 : memref<512x128xf32, #tpu.memory_space<vmem_shared>>)
    %add3A_2468 = arith.constant 416 : i32
    %add3A_2469 = arith.addi %add3A_2468, %add3A : i32
    %mul3A_2470 = arith.constant 128 : i32
    %mul3A_2471 = arith.muli %add3A_2469, %mul3A_2470 : i32
    %multiple_of3A_2472 = tpu.assume_multiple %mul3A_2471, 128 : i32
    %dma_start3A_2473 = arith.constant 0 : i32
    %dma_start3A_2474 = tpu.memref_slice %arg2[%multiple_of3A_2472, %dma_start3A_2473] : memref<100000x128xf32, #tpu.memory_space<hbm>> -> memref<128x128xf32, #tpu.memory_space<hbm>>
    %dma_start3A_2475 = arith.constant 0 : i32
    %dma_start3A_2476 = tpu.memref_slice %arg2[%multiple_of3A_2472, %dma_start3A_2475] : memref<100000x128xf32, #tpu.memory_space<hbm>> -> memref<128x128xf32, #tpu.memory_space<hbm>>
    tpu.enqueue_dma source(%dma_start3A_2476 : memref<128x128xf32, #tpu.memory_space<hbm>>) target(%arg7 : memref<128x128xf32, #tpu.memory_space<vmem>>) target_semaphore(%arg16 : memref<!tpu.dma_semaphore, #tpu.memory_space<semaphore_mem>>)
    %dma_wait3A_2477 = arith.constant 0 : i32
    %dma_wait3A_2478 = tpu.memref_slice %arg2[%multiple_of3A_2391, %dma_wait3A_2477] : memref<100000x128xf32, #tpu.memory_space<hbm>> -> memref<128x128xf32, #tpu.memory_space<hbm>>
    %dma_wait3A_2479 = arith.constant 0 : i32
    %dma_wait3A_2480 = tpu.memref_slice %arg2[%multiple_of3A_2391, %dma_wait3A_2479] : memref<100000x128xf32, #tpu.memory_space<hbm>> -> memref<128x128xf32, #tpu.memory_space<hbm>>
    tpu.wait_dma2 semaphore(%arg19 : memref<!tpu.dma_semaphore, #tpu.memory_space<semaphore_mem>>) src(%dma_wait3A_2480 : memref<128x128xf32, #tpu.memory_space<hbm>>) dst(%arg10 : memref<128x128xf32, #tpu.memory_space<vmem>>)
    %dma_start3A_2481 = arith.constant 10 : i32
    %dma_start3A_2482 = arith.constant 0 : i32
    %dma_start3A_2483 = tpu.memref_slice %arg12[%dma_start3A_2481, %dma_start3A_2482] : memref<25x128xi32, #tpu.memory_space<vmem>> -> memref<1x128xi32, #tpu.memory_space<vmem>>
    %dma_start3A_2484 = tpu.memref_squeeze %dma_start3A_2483 : memref<1x128xi32, #tpu.memory_space<vmem>> -> memref<128xi32, #tpu.memory_space<vmem>>
    %dma_start3A_2485 = arith.constant 0 : i32
    %dma_start3A_2486 = arith.constant 0 : i32
    %dma_start3A_2487 = tpu.memref_slice %arg5[%dma_start3A_2485, %dma_start3A_2486] : memref<512x128xf32, #tpu.memory_space<vmem_shared>> -> memref<512x128xf32, #tpu.memory_space<vmem_shared>>
    tpu.enqueue_indirect_dma source(%arg10 : memref<128x128xf32, #tpu.memory_space<vmem>>) target(%dma_start3A_2487 : memref<512x128xf32, #tpu.memory_space<vmem_shared>>) offsets(%dma_start3A_2484 : memref<128xi32, #tpu.memory_space<vmem>>) semaphore(%arg25 : memref<!tpu.dma_semaphore, #tpu.memory_space<semaphore_mem>>) {add = true}
    %dma_wait3A_2488 = arith.constant 8 : i32
    %dma_wait3A_2489 = arith.constant 0 : i32
    %dma_wait3A_2490 = tpu.memref_slice %arg12[%dma_wait3A_2488, %dma_wait3A_2489] : memref<25x128xi32, #tpu.memory_space<vmem>> -> memref<1x128xi32, #tpu.memory_space<vmem>>
    %dma_wait3A_2491 = tpu.memref_squeeze %dma_wait3A_2490 : memref<1x128xi32, #tpu.memory_space<vmem>> -> memref<128xi32, #tpu.memory_space<vmem>>
    %dma_wait3A_2492 = arith.constant 0 : i32
    %dma_wait3A_2493 = arith.constant 0 : i32
    %dma_wait3A_2494 = tpu.memref_slice %arg5[%dma_wait3A_2492, %dma_wait3A_2493] : memref<512x128xf32, #tpu.memory_space<vmem_shared>> -> memref<512x128xf32, #tpu.memory_space<vmem_shared>>
    tpu.wait_indirect_dma semaphore(%arg23 : memref<!tpu.dma_semaphore, #tpu.memory_space<semaphore_mem>>) src(%arg8 : memref<128x128xf32, #tpu.memory_space<vmem>>) dst(%dma_wait3A_2494 : memref<512x128xf32, #tpu.memory_space<vmem_shared>>)
    %add3A_2495 = arith.constant 448 : i32
    %add3A_2496 = arith.addi %add3A_2495, %add3A : i32
    %mul3A_2497 = arith.constant 128 : i32
    %mul3A_2498 = arith.muli %add3A_2496, %mul3A_2497 : i32
    %multiple_of3A_2499 = tpu.assume_multiple %mul3A_2498, 128 : i32
    %dma_start3A_2500 = arith.constant 0 : i32
    %dma_start3A_2501 = tpu.memref_slice %arg2[%multiple_of3A_2499, %dma_start3A_2500] : memref<100000x128xf32, #tpu.memory_space<hbm>> -> memref<128x128xf32, #tpu.memory_space<hbm>>
    %dma_start3A_2502 = arith.constant 0 : i32
    %dma_start3A_2503 = tpu.memref_slice %arg2[%multiple_of3A_2499, %dma_start3A_2502] : memref<100000x128xf32, #tpu.memory_space<hbm>> -> memref<128x128xf32, #tpu.memory_space<hbm>>
    tpu.enqueue_dma source(%dma_start3A_2503 : memref<128x128xf32, #tpu.memory_space<hbm>>) target(%arg8 : memref<128x128xf32, #tpu.memory_space<vmem>>) target_semaphore(%arg17 : memref<!tpu.dma_semaphore, #tpu.memory_space<semaphore_mem>>)
    %dma_wait3A_2504 = arith.constant 0 : i32
    %dma_wait3A_2505 = tpu.memref_slice %arg2[%multiple_of3A_2418, %dma_wait3A_2504] : memref<100000x128xf32, #tpu.memory_space<hbm>> -> memref<128x128xf32, #tpu.memory_space<hbm>>
    %dma_wait3A_2506 = arith.constant 0 : i32
    %dma_wait3A_2507 = tpu.memref_slice %arg2[%multiple_of3A_2418, %dma_wait3A_2506] : memref<100000x128xf32, #tpu.memory_space<hbm>> -> memref<128x128xf32, #tpu.memory_space<hbm>>
    tpu.wait_dma2 semaphore(%arg20 : memref<!tpu.dma_semaphore, #tpu.memory_space<semaphore_mem>>) src(%dma_wait3A_2507 : memref<128x128xf32, #tpu.memory_space<hbm>>) dst(%arg11 : memref<128x128xf32, #tpu.memory_space<vmem>>)
    %dma_start3A_2508 = arith.constant 11 : i32
    %dma_start3A_2509 = arith.constant 0 : i32
    %dma_start3A_2510 = tpu.memref_slice %arg12[%dma_start3A_2508, %dma_start3A_2509] : memref<25x128xi32, #tpu.memory_space<vmem>> -> memref<1x128xi32, #tpu.memory_space<vmem>>
    %dma_start3A_2511 = tpu.memref_squeeze %dma_start3A_2510 : memref<1x128xi32, #tpu.memory_space<vmem>> -> memref<128xi32, #tpu.memory_space<vmem>>
    %dma_start3A_2512 = arith.constant 0 : i32
    %dma_start3A_2513 = arith.constant 0 : i32
    %dma_start3A_2514 = tpu.memref_slice %arg5[%dma_start3A_2512, %dma_start3A_2513] : memref<512x128xf32, #tpu.memory_space<vmem_shared>> -> memref<512x128xf32, #tpu.memory_space<vmem_shared>>
    tpu.enqueue_indirect_dma source(%arg11 : memref<128x128xf32, #tpu.memory_space<vmem>>) target(%dma_start3A_2514 : memref<512x128xf32, #tpu.memory_space<vmem_shared>>) offsets(%dma_start3A_2511 : memref<128xi32, #tpu.memory_space<vmem>>) semaphore(%arg26 : memref<!tpu.dma_semaphore, #tpu.memory_space<semaphore_mem>>) {add = true}
    %dma_wait3A_2515 = arith.constant 9 : i32
    %dma_wait3A_2516 = arith.constant 0 : i32
    %dma_wait3A_2517 = tpu.memref_slice %arg12[%dma_wait3A_2515, %dma_wait3A_2516] : memref<25x128xi32, #tpu.memory_space<vmem>> -> memref<1x128xi32, #tpu.memory_space<vmem>>
    %dma_wait3A_2518 = tpu.memref_squeeze %dma_wait3A_2517 : memref<1x128xi32, #tpu.memory_space<vmem>> -> memref<128xi32, #tpu.memory_space<vmem>>
    %dma_wait3A_2519 = arith.constant 0 : i32
    %dma_wait3A_2520 = arith.constant 0 : i32
    %dma_wait3A_2521 = tpu.memref_slice %arg5[%dma_wait3A_2519, %dma_wait3A_2520] : memref<512x128xf32, #tpu.memory_space<vmem_shared>> -> memref<512x128xf32, #tpu.memory_space<vmem_shared>>
    tpu.wait_indirect_dma semaphore(%arg24 : memref<!tpu.dma_semaphore, #tpu.memory_space<semaphore_mem>>) src(%arg9 : memref<128x128xf32, #tpu.memory_space<vmem>>) dst(%dma_wait3A_2521 : memref<512x128xf32, #tpu.memory_space<vmem_shared>>)
    %add3A_2522 = arith.constant 480 : i32
    %add3A_2523 = arith.addi %add3A_2522, %add3A : i32
    %mul3A_2524 = arith.constant 128 : i32
    %mul3A_2525 = arith.muli %add3A_2523, %mul3A_2524 : i32
    %multiple_of3A_2526 = tpu.assume_multiple %mul3A_2525, 128 : i32
    %dma_start3A_2527 = arith.constant 0 : i32
    %dma_start3A_2528 = tpu.memref_slice %arg2[%multiple_of3A_2526, %dma_start3A_2527] : memref<100000x128xf32, #tpu.memory_space<hbm>> -> memref<128x128xf32, #tpu.memory_space<hbm>>
    %dma_start3A_2529 = arith.constant 0 : i32
    %dma_start3A_2530 = tpu.memref_slice %arg2[%multiple_of3A_2526, %dma_start3A_2529] : memref<100000x128xf32, #tpu.memory_space<hbm>> -> memref<128x128xf32, #tpu.memory_space<hbm>>
    tpu.enqueue_dma source(%dma_start3A_2530 : memref<128x128xf32, #tpu.memory_space<hbm>>) target(%arg9 : memref<128x128xf32, #tpu.memory_space<vmem>>) target_semaphore(%arg18 : memref<!tpu.dma_semaphore, #tpu.memory_space<semaphore_mem>>)
    %dma_wait3A_2531 = arith.constant 0 : i32
    %dma_wait3A_2532 = tpu.memref_slice %arg2[%multiple_of3A_2445, %dma_wait3A_2531] : memref<100000x128xf32, #tpu.memory_space<hbm>> -> memref<128x128xf32, #tpu.memory_space<hbm>>
    %dma_wait3A_2533 = arith.constant 0 : i32
    %dma_wait3A_2534 = tpu.memref_slice %arg2[%multiple_of3A_2445, %dma_wait3A_2533] : memref<100000x128xf32, #tpu.memory_space<hbm>> -> memref<128x128xf32, #tpu.memory_space<hbm>>
    tpu.wait_dma2 semaphore(%arg15 : memref<!tpu.dma_semaphore, #tpu.memory_space<semaphore_mem>>) src(%dma_wait3A_2534 : memref<128x128xf32, #tpu.memory_space<hbm>>) dst(%arg6 : memref<128x128xf32, #tpu.memory_space<vmem>>)
    %dma_start3A_2535 = arith.constant 12 : i32
    %dma_start3A_2536 = arith.constant 0 : i32
    %dma_start3A_2537 = tpu.memref_slice %arg12[%dma_start3A_2535, %dma_start3A_2536] : memref<25x128xi32, #tpu.memory_space<vmem>> -> memref<1x128xi32, #tpu.memory_space<vmem>>
    %dma_start3A_2538 = tpu.memref_squeeze %dma_start3A_2537 : memref<1x128xi32, #tpu.memory_space<vmem>> -> memref<128xi32, #tpu.memory_space<vmem>>
    %dma_start3A_2539 = arith.constant 0 : i32
    %dma_start3A_2540 = arith.constant 0 : i32
    %dma_start3A_2541 = tpu.memref_slice %arg5[%dma_start3A_2539, %dma_start3A_2540] : memref<512x128xf32, #tpu.memory_space<vmem_shared>> -> memref<512x128xf32, #tpu.memory_space<vmem_shared>>
    tpu.enqueue_indirect_dma source(%arg6 : memref<128x128xf32, #tpu.memory_space<vmem>>) target(%dma_start3A_2541 : memref<512x128xf32, #tpu.memory_space<vmem_shared>>) offsets(%dma_start3A_2538 : memref<128xi32, #tpu.memory_space<vmem>>) semaphore(%arg21 : memref<!tpu.dma_semaphore, #tpu.memory_space<semaphore_mem>>) {add = true}
    %dma_wait3A_2542 = arith.constant 10 : i32
    %dma_wait3A_2543 = arith.constant 0 : i32
    %dma_wait3A_2544 = tpu.memref_slice %arg12[%dma_wait3A_2542, %dma_wait3A_2543] : memref<25x128xi32, #tpu.memory_space<vmem>> -> memref<1x128xi32, #tpu.memory_space<vmem>>
    %dma_wait3A_2545 = tpu.memref_squeeze %dma_wait3A_2544 : memref<1x128xi32, #tpu.memory_space<vmem>> -> memref<128xi32, #tpu.memory_space<vmem>>
    %dma_wait3A_2546 = arith.constant 0 : i32
    %dma_wait3A_2547 = arith.constant 0 : i32
    %dma_wait3A_2548 = tpu.memref_slice %arg5[%dma_wait3A_2546, %dma_wait3A_2547] : memref<512x128xf32, #tpu.memory_space<vmem_shared>> -> memref<512x128xf32, #tpu.memory_space<vmem_shared>>
    tpu.wait_indirect_dma semaphore(%arg25 : memref<!tpu.dma_semaphore, #tpu.memory_space<semaphore_mem>>) src(%arg10 : memref<128x128xf32, #tpu.memory_space<vmem>>) dst(%dma_wait3A_2548 : memref<512x128xf32, #tpu.memory_space<vmem_shared>>)
    %add3A_2549 = arith.constant 512 : i32
    %add3A_2550 = arith.addi %add3A_2549, %add3A : i32
    %mul3A_2551 = arith.constant 128 : i32
    %mul3A_2552 = arith.muli %add3A_2550, %mul3A_2551 : i32
    %multiple_of3A_2553 = tpu.assume_multiple %mul3A_2552, 128 : i32
    %dma_start3A_2554 = arith.constant 0 : i32
    %dma_start3A_2555 = tpu.memref_slice %arg2[%multiple_of3A_2553, %dma_start3A_2554] : memref<100000x128xf32, #tpu.memory_space<hbm>> -> memref<128x128xf32, #tpu.memory_space<hbm>>
    %dma_start3A_2556 = arith.constant 0 : i32
    %dma_start3A_2557 = tpu.memref_slice %arg2[%multiple_of3A_2553, %dma_start3A_2556] : memref<100000x128xf32, #tpu.memory_space<hbm>> -> memref<128x128xf32, #tpu.memory_space<hbm>>
    tpu.enqueue_dma source(%dma_start3A_2557 : memref<128x128xf32, #tpu.memory_space<hbm>>) target(%arg10 : memref<128x128xf32, #tpu.memory_space<vmem>>) target_semaphore(%arg19 : memref<!tpu.dma_semaphore, #tpu.memory_space<semaphore_mem>>)
    %dma_wait3A_2558 = arith.constant 0 : i32
    %dma_wait3A_2559 = tpu.memref_slice %arg2[%multiple_of3A_2472, %dma_wait3A_2558] : memref<100000x128xf32, #tpu.memory_space<hbm>> -> memref<128x128xf32, #tpu.memory_space<hbm>>
    %dma_wait3A_2560 = arith.constant 0 : i32
    %dma_wait3A_2561 = tpu.memref_slice %arg2[%multiple_of3A_2472, %dma_wait3A_2560] : memref<100000x128xf32, #tpu.memory_space<hbm>> -> memref<128x128xf32, #tpu.memory_space<hbm>>
    tpu.wait_dma2 semaphore(%arg16 : memref<!tpu.dma_semaphore, #tpu.memory_space<semaphore_mem>>) src(%dma_wait3A_2561 : memref<128x128xf32, #tpu.memory_space<hbm>>) dst(%arg7 : memref<128x128xf32, #tpu.memory_space<vmem>>)
    %dma_start3A_2562 = arith.constant 13 : i32
    %dma_start3A_2563 = arith.constant 0 : i32
    %dma_start3A_2564 = tpu.memref_slice %arg12[%dma_start3A_2562, %dma_start3A_2563] : memref<25x128xi32, #tpu.memory_space<vmem>> -> memref<1x128xi32, #tpu.memory_space<vmem>>
    %dma_start3A_2565 = tpu.memref_squeeze %dma_start3A_2564 : memref<1x128xi32, #tpu.memory_space<vmem>> -> memref<128xi32, #tpu.memory_space<vmem>>
    %dma_start3A_2566 = arith.constant 0 : i32
    %dma_start3A_2567 = arith.constant 0 : i32
    %dma_start3A_2568 = tpu.memref_slice %arg5[%dma_start3A_2566, %dma_start3A_2567] : memref<512x128xf32, #tpu.memory_space<vmem_shared>> -> memref<512x128xf32, #tpu.memory_space<vmem_shared>>
    tpu.enqueue_indirect_dma source(%arg7 : memref<128x128xf32, #tpu.memory_space<vmem>>) target(%dma_start3A_2568 : memref<512x128xf32, #tpu.memory_space<vmem_shared>>) offsets(%dma_start3A_2565 : memref<128xi32, #tpu.memory_space<vmem>>) semaphore(%arg22 : memref<!tpu.dma_semaphore, #tpu.memory_space<semaphore_mem>>) {add = true}
    %dma_wait3A_2569 = arith.constant 11 : i32
    %dma_wait3A_2570 = arith.constant 0 : i32
    %dma_wait3A_2571 = tpu.memref_slice %arg12[%dma_wait3A_2569, %dma_wait3A_2570] : memref<25x128xi32, #tpu.memory_space<vmem>> -> memref<1x128xi32, #tpu.memory_space<vmem>>
    %dma_wait3A_2572 = tpu.memref_squeeze %dma_wait3A_2571 : memref<1x128xi32, #tpu.memory_space<vmem>> -> memref<128xi32, #tpu.memory_space<vmem>>
    %dma_wait3A_2573 = arith.constant 0 : i32
    %dma_wait3A_2574 = arith.constant 0 : i32
    %dma_wait3A_2575 = tpu.memref_slice %arg5[%dma_wait3A_2573, %dma_wait3A_2574] : memref<512x128xf32, #tpu.memory_space<vmem_shared>> -> memref<512x128xf32, #tpu.memory_space<vmem_shared>>
    tpu.wait_indirect_dma semaphore(%arg26 : memref<!tpu.dma_semaphore, #tpu.memory_space<semaphore_mem>>) src(%arg11 : memref<128x128xf32, #tpu.memory_space<vmem>>) dst(%dma_wait3A_2575 : memref<512x128xf32, #tpu.memory_space<vmem_shared>>)
    %add3A_2576 = arith.constant 544 : i32
    %add3A_2577 = arith.addi %add3A_2576, %add3A : i32
    %mul3A_2578 = arith.constant 128 : i32
    %mul3A_2579 = arith.muli %add3A_2577, %mul3A_2578 : i32
    %multiple_of3A_2580 = tpu.assume_multiple %mul3A_2579, 128 : i32
    %dma_start3A_2581 = arith.constant 0 : i32
    %dma_start3A_2582 = tpu.memref_slice %arg2[%multiple_of3A_2580, %dma_start3A_2581] : memref<100000x128xf32, #tpu.memory_space<hbm>> -> memref<128x128xf32, #tpu.memory_space<hbm>>
    %dma_start3A_2583 = arith.constant 0 : i32
    %dma_start3A_2584 = tpu.memref_slice %arg2[%multiple_of3A_2580, %dma_start3A_2583] : memref<100000x128xf32, #tpu.memory_space<hbm>> -> memref<128x128xf32, #tpu.memory_space<hbm>>
    tpu.enqueue_dma source(%dma_start3A_2584 : memref<128x128xf32, #tpu.memory_space<hbm>>) target(%arg11 : memref<128x128xf32, #tpu.memory_space<vmem>>) target_semaphore(%arg20 : memref<!tpu.dma_semaphore, #tpu.memory_space<semaphore_mem>>)
    %dma_wait3A_2585 = arith.constant 0 : i32
    %dma_wait3A_2586 = tpu.memref_slice %arg2[%multiple_of3A_2499, %dma_wait3A_2585] : memref<100000x128xf32, #tpu.memory_space<hbm>> -> memref<128x128xf32, #tpu.memory_space<hbm>>
    %dma_wait3A_2587 = arith.constant 0 : i32
    %dma_wait3A_2588 = tpu.memref_slice %arg2[%multiple_of3A_2499, %dma_wait3A_2587] : memref<100000x128xf32, #tpu.memory_space<hbm>> -> memref<128x128xf32, #tpu.memory_space<hbm>>
    tpu.wait_dma2 semaphore(%arg17 : memref<!tpu.dma_semaphore, #tpu.memory_space<semaphore_mem>>) src(%dma_wait3A_2588 : memref<128x128xf32, #tpu.memory_space<hbm>>) dst(%arg8 : memref<128x128xf32, #tpu.memory_space<vmem>>)
    %dma_start3A_2589 = arith.constant 14 : i32
    %dma_start3A_2590 = arith.constant 0 : i32
    %dma_start3A_2591 = tpu.memref_slice %arg12[%dma_start3A_2589, %dma_start3A_2590] : memref<25x128xi32, #tpu.memory_space<vmem>> -> memref<1x128xi32, #tpu.memory_space<vmem>>
    %dma_start3A_2592 = tpu.memref_squeeze %dma_start3A_2591 : memref<1x128xi32, #tpu.memory_space<vmem>> -> memref<128xi32, #tpu.memory_space<vmem>>
    %dma_start3A_2593 = arith.constant 0 : i32
    %dma_start3A_2594 = arith.constant 0 : i32
    %dma_start3A_2595 = tpu.memref_slice %arg5[%dma_start3A_2593, %dma_start3A_2594] : memref<512x128xf32, #tpu.memory_space<vmem_shared>> -> memref<512x128xf32, #tpu.memory_space<vmem_shared>>
    tpu.enqueue_indirect_dma source(%arg8 : memref<128x128xf32, #tpu.memory_space<vmem>>) target(%dma_start3A_2595 : memref<512x128xf32, #tpu.memory_space<vmem_shared>>) offsets(%dma_start3A_2592 : memref<128xi32, #tpu.memory_space<vmem>>) semaphore(%arg23 : memref<!tpu.dma_semaphore, #tpu.memory_space<semaphore_mem>>) {add = true}
    %dma_wait3A_2596 = arith.constant 12 : i32
    %dma_wait3A_2597 = arith.constant 0 : i32
    %dma_wait3A_2598 = tpu.memref_slice %arg12[%dma_wait3A_2596, %dma_wait3A_2597] : memref<25x128xi32, #tpu.memory_space<vmem>> -> memref<1x128xi32, #tpu.memory_space<vmem>>
    %dma_wait3A_2599 = tpu.memref_squeeze %dma_wait3A_2598 : memref<1x128xi32, #tpu.memory_space<vmem>> -> memref<128xi32, #tpu.memory_space<vmem>>
    %dma_wait3A_2600 = arith.constant 0 : i32
    %dma_wait3A_2601 = arith.constant 0 : i32
    %dma_wait3A_2602 = tpu.memref_slice %arg5[%dma_wait3A_2600, %dma_wait3A_2601] : memref<512x128xf32, #tpu.memory_space<vmem_shared>> -> memref<512x128xf32, #tpu.memory_space<vmem_shared>>
    tpu.wait_indirect_dma semaphore(%arg21 : memref<!tpu.dma_semaphore, #tpu.memory_space<semaphore_mem>>) src(%arg6 : memref<128x128xf32, #tpu.memory_space<vmem>>) dst(%dma_wait3A_2602 : memref<512x128xf32, #tpu.memory_space<vmem_shared>>)
    %add3A_2603 = arith.constant 576 : i32
    %add3A_2604 = arith.addi %add3A_2603, %add3A : i32
    %mul3A_2605 = arith.constant 128 : i32
    %mul3A_2606 = arith.muli %add3A_2604, %mul3A_2605 : i32
    %multiple_of3A_2607 = tpu.assume_multiple %mul3A_2606, 128 : i32
    %dma_start3A_2608 = arith.constant 0 : i32
    %dma_start3A_2609 = tpu.memref_slice %arg2[%multiple_of3A_2607, %dma_start3A_2608] : memref<100000x128xf32, #tpu.memory_space<hbm>> -> memref<128x128xf32, #tpu.memory_space<hbm>>
    %dma_start3A_2610 = arith.constant 0 : i32
    %dma_start3A_2611 = tpu.memref_slice %arg2[%multiple_of3A_2607, %dma_start3A_2610] : memref<100000x128xf32, #tpu.memory_space<hbm>> -> memref<128x128xf32, #tpu.memory_space<hbm>>
    tpu.enqueue_dma source(%dma_start3A_2611 : memref<128x128xf32, #tpu.memory_space<hbm>>) target(%arg6 : memref<128x128xf32, #tpu.memory_space<vmem>>) target_semaphore(%arg15 : memref<!tpu.dma_semaphore, #tpu.memory_space<semaphore_mem>>)
    %dma_wait3A_2612 = arith.constant 0 : i32
    %dma_wait3A_2613 = tpu.memref_slice %arg2[%multiple_of3A_2526, %dma_wait3A_2612] : memref<100000x128xf32, #tpu.memory_space<hbm>> -> memref<128x128xf32, #tpu.memory_space<hbm>>
    %dma_wait3A_2614 = arith.constant 0 : i32
    %dma_wait3A_2615 = tpu.memref_slice %arg2[%multiple_of3A_2526, %dma_wait3A_2614] : memref<100000x128xf32, #tpu.memory_space<hbm>> -> memref<128x128xf32, #tpu.memory_space<hbm>>
    tpu.wait_dma2 semaphore(%arg18 : memref<!tpu.dma_semaphore, #tpu.memory_space<semaphore_mem>>) src(%dma_wait3A_2615 : memref<128x128xf32, #tpu.memory_space<hbm>>) dst(%arg9 : memref<128x128xf32, #tpu.memory_space<vmem>>)
    %dma_start3A_2616 = arith.constant 15 : i32
    %dma_start3A_2617 = arith.constant 0 : i32
    %dma_start3A_2618 = tpu.memref_slice %arg12[%dma_start3A_2616, %dma_start3A_2617] : memref<25x128xi32, #tpu.memory_space<vmem>> -> memref<1x128xi32, #tpu.memory_space<vmem>>
    %dma_start3A_2619 = tpu.memref_squeeze %dma_start3A_2618 : memref<1x128xi32, #tpu.memory_space<vmem>> -> memref<128xi32, #tpu.memory_space<vmem>>
    %dma_start3A_2620 = arith.constant 0 : i32
    %dma_start3A_2621 = arith.constant 0 : i32
    %dma_start3A_2622 = tpu.memref_slice %arg5[%dma_start3A_2620, %dma_start3A_2621] : memref<512x128xf32, #tpu.memory_space<vmem_shared>> -> memref<512x128xf32, #tpu.memory_space<vmem_shared>>
    tpu.enqueue_indirect_dma source(%arg9 : memref<128x128xf32, #tpu.memory_space<vmem>>) target(%dma_start3A_2622 : memref<512x128xf32, #tpu.memory_space<vmem_shared>>) offsets(%dma_start3A_2619 : memref<128xi32, #tpu.memory_space<vmem>>) semaphore(%arg24 : memref<!tpu.dma_semaphore, #tpu.memory_space<semaphore_mem>>) {add = true}
    %dma_wait3A_2623 = arith.constant 13 : i32
    %dma_wait3A_2624 = arith.constant 0 : i32
    %dma_wait3A_2625 = tpu.memref_slice %arg12[%dma_wait3A_2623, %dma_wait3A_2624] : memref<25x128xi32, #tpu.memory_space<vmem>> -> memref<1x128xi32, #tpu.memory_space<vmem>>
    %dma_wait3A_2626 = tpu.memref_squeeze %dma_wait3A_2625 : memref<1x128xi32, #tpu.memory_space<vmem>> -> memref<128xi32, #tpu.memory_space<vmem>>
    %dma_wait3A_2627 = arith.constant 0 : i32
    %dma_wait3A_2628 = arith.constant 0 : i32
    %dma_wait3A_2629 = tpu.memref_slice %arg5[%dma_wait3A_2627, %dma_wait3A_2628] : memref<512x128xf32, #tpu.memory_space<vmem_shared>> -> memref<512x128xf32, #tpu.memory_space<vmem_shared>>
    tpu.wait_indirect_dma semaphore(%arg22 : memref<!tpu.dma_semaphore, #tpu.memory_space<semaphore_mem>>) src(%arg7 : memref<128x128xf32, #tpu.memory_space<vmem>>) dst(%dma_wait3A_2629 : memref<512x128xf32, #tpu.memory_space<vmem_shared>>)
    %add3A_2630 = arith.constant 608 : i32
    %add3A_2631 = arith.addi %add3A_2630, %add3A : i32
    %mul3A_2632 = arith.constant 128 : i32
    %mul3A_2633 = arith.muli %add3A_2631, %mul3A_2632 : i32
    %multiple_of3A_2634 = tpu.assume_multiple %mul3A_2633, 128 : i32
    %dma_start3A_2635 = arith.constant 0 : i32
    %dma_start3A_2636 = tpu.memref_slice %arg2[%multiple_of3A_2634, %dma_start3A_2635] : memref<100000x128xf32, #tpu.memory_space<hbm>> -> memref<128x128xf32, #tpu.memory_space<hbm>>
    %dma_start3A_2637 = arith.constant 0 : i32
    %dma_start3A_2638 = tpu.memref_slice %arg2[%multiple_of3A_2634, %dma_start3A_2637] : memref<100000x128xf32, #tpu.memory_space<hbm>> -> memref<128x128xf32, #tpu.memory_space<hbm>>
    tpu.enqueue_dma source(%dma_start3A_2638 : memref<128x128xf32, #tpu.memory_space<hbm>>) target(%arg7 : memref<128x128xf32, #tpu.memory_space<vmem>>) target_semaphore(%arg16 : memref<!tpu.dma_semaphore, #tpu.memory_space<semaphore_mem>>)
    %dma_wait3A_2639 = arith.constant 0 : i32
    %dma_wait3A_2640 = tpu.memref_slice %arg2[%multiple_of3A_2553, %dma_wait3A_2639] : memref<100000x128xf32, #tpu.memory_space<hbm>> -> memref<128x128xf32, #tpu.memory_space<hbm>>
    %dma_wait3A_2641 = arith.constant 0 : i32
    %dma_wait3A_2642 = tpu.memref_slice %arg2[%multiple_of3A_2553, %dma_wait3A_2641] : memref<100000x128xf32, #tpu.memory_space<hbm>> -> memref<128x128xf32, #tpu.memory_space<hbm>>
    tpu.wait_dma2 semaphore(%arg19 : memref<!tpu.dma_semaphore, #tpu.memory_space<semaphore_mem>>) src(%dma_wait3A_2642 : memref<128x128xf32, #tpu.memory_space<hbm>>) dst(%arg10 : memref<128x128xf32, #tpu.memory_space<vmem>>)
    %dma_start3A_2643 = arith.constant 16 : i32
    %dma_start3A_2644 = arith.constant 0 : i32
    %dma_start3A_2645 = tpu.memref_slice %arg12[%dma_start3A_2643, %dma_start3A_2644] : memref<25x128xi32, #tpu.memory_space<vmem>> -> memref<1x128xi32, #tpu.memory_space<vmem>>
    %dma_start3A_2646 = tpu.memref_squeeze %dma_start3A_2645 : memref<1x128xi32, #tpu.memory_space<vmem>> -> memref<128xi32, #tpu.memory_space<vmem>>
    %dma_start3A_2647 = arith.constant 0 : i32
    %dma_start3A_2648 = arith.constant 0 : i32
    %dma_start3A_2649 = tpu.memref_slice %arg5[%dma_start3A_2647, %dma_start3A_2648] : memref<512x128xf32, #tpu.memory_space<vmem_shared>> -> memref<512x128xf32, #tpu.memory_space<vmem_shared>>
    tpu.enqueue_indirect_dma source(%arg10 : memref<128x128xf32, #tpu.memory_space<vmem>>) target(%dma_start3A_2649 : memref<512x128xf32, #tpu.memory_space<vmem_shared>>) offsets(%dma_start3A_2646 : memref<128xi32, #tpu.memory_space<vmem>>) semaphore(%arg25 : memref<!tpu.dma_semaphore, #tpu.memory_space<semaphore_mem>>) {add = true}
    %dma_wait3A_2650 = arith.constant 14 : i32
    %dma_wait3A_2651 = arith.constant 0 : i32
    %dma_wait3A_2652 = tpu.memref_slice %arg12[%dma_wait3A_2650, %dma_wait3A_2651] : memref<25x128xi32, #tpu.memory_space<vmem>> -> memref<1x128xi32, #tpu.memory_space<vmem>>
    %dma_wait3A_2653 = tpu.memref_squeeze %dma_wait3A_2652 : memref<1x128xi32, #tpu.memory_space<vmem>> -> memref<128xi32, #tpu.memory_space<vmem>>
    %dma_wait3A_2654 = arith.constant 0 : i32
    %dma_wait3A_2655 = arith.constant 0 : i32
    %dma_wait3A_2656 = tpu.memref_slice %arg5[%dma_wait3A_2654, %dma_wait3A_2655] : memref<512x128xf32, #tpu.memory_space<vmem_shared>> -> memref<512x128xf32, #tpu.memory_space<vmem_shared>>
    tpu.wait_indirect_dma semaphore(%arg23 : memref<!tpu.dma_semaphore, #tpu.memory_space<semaphore_mem>>) src(%arg8 : memref<128x128xf32, #tpu.memory_space<vmem>>) dst(%dma_wait3A_2656 : memref<512x128xf32, #tpu.memory_space<vmem_shared>>)
    %add3A_2657 = arith.constant 640 : i32
    %add3A_2658 = arith.addi %add3A_2657, %add3A : i32
    %mul3A_2659 = arith.constant 128 : i32
    %mul3A_2660 = arith.muli %add3A_2658, %mul3A_2659 : i32
    %multiple_of3A_2661 = tpu.assume_multiple %mul3A_2660, 128 : i32
    %dma_start3A_2662 = arith.constant 0 : i32
    %dma_start3A_2663 = tpu.memref_slice %arg2[%multiple_of3A_2661, %dma_start3A_2662] : memref<100000x128xf32, #tpu.memory_space<hbm>> -> memref<128x128xf32, #tpu.memory_space<hbm>>
    %dma_start3A_2664 = arith.constant 0 : i32
    %dma_start3A_2665 = tpu.memref_slice %arg2[%multiple_of3A_2661, %dma_start3A_2664] : memref<100000x128xf32, #tpu.memory_space<hbm>> -> memref<128x128xf32, #tpu.memory_space<hbm>>
    tpu.enqueue_dma source(%dma_start3A_2665 : memref<128x128xf32, #tpu.memory_space<hbm>>) target(%arg8 : memref<128x128xf32, #tpu.memory_space<vmem>>) target_semaphore(%arg17 : memref<!tpu.dma_semaphore, #tpu.memory_space<semaphore_mem>>)
    %dma_wait3A_2666 = arith.constant 0 : i32
    %dma_wait3A_2667 = tpu.memref_slice %arg2[%multiple_of3A_2580, %dma_wait3A_2666] : memref<100000x128xf32, #tpu.memory_space<hbm>> -> memref<128x128xf32, #tpu.memory_space<hbm>>
    %dma_wait3A_2668 = arith.constant 0 : i32
    %dma_wait3A_2669 = tpu.memref_slice %arg2[%multiple_of3A_2580, %dma_wait3A_2668] : memref<100000x128xf32, #tpu.memory_space<hbm>> -> memref<128x128xf32, #tpu.memory_space<hbm>>
    tpu.wait_dma2 semaphore(%arg20 : memref<!tpu.dma_semaphore, #tpu.memory_space<semaphore_mem>>) src(%dma_wait3A_2669 : memref<128x128xf32, #tpu.memory_space<hbm>>) dst(%arg11 : memref<128x128xf32, #tpu.memory_space<vmem>>)
    %dma_start3A_2670 = arith.constant 17 : i32
    %dma_start3A_2671 = arith.constant 0 : i32
    %dma_start3A_2672 = tpu.memref_slice %arg12[%dma_start3A_2670, %dma_start3A_2671] : memref<25x128xi32, #tpu.memory_space<vmem>> -> memref<1x128xi32, #tpu.memory_space<vmem>>
    %dma_start3A_2673 = tpu.memref_squeeze %dma_start3A_2672 : memref<1x128xi32, #tpu.memory_space<vmem>> -> memref<128xi32, #tpu.memory_space<vmem>>
    %dma_start3A_2674 = arith.constant 0 : i32
    %dma_start3A_2675 = arith.constant 0 : i32
    %dma_start3A_2676 = tpu.memref_slice %arg5[%dma_start3A_2674, %dma_start3A_2675] : memref<512x128xf32, #tpu.memory_space<vmem_shared>> -> memref<512x128xf32, #tpu.memory_space<vmem_shared>>
    tpu.enqueue_indirect_dma source(%arg11 : memref<128x128xf32, #tpu.memory_space<vmem>>) target(%dma_start3A_2676 : memref<512x128xf32, #tpu.memory_space<vmem_shared>>) offsets(%dma_start3A_2673 : memref<128xi32, #tpu.memory_space<vmem>>) semaphore(%arg26 : memref<!tpu.dma_semaphore, #tpu.memory_space<semaphore_mem>>) {add = true}
    %dma_wait3A_2677 = arith.constant 15 : i32
    %dma_wait3A_2678 = arith.constant 0 : i32
    %dma_wait3A_2679 = tpu.memref_slice %arg12[%dma_wait3A_2677, %dma_wait3A_2678] : memref<25x128xi32, #tpu.memory_space<vmem>> -> memref<1x128xi32, #tpu.memory_space<vmem>>
    %dma_wait3A_2680 = tpu.memref_squeeze %dma_wait3A_2679 : memref<1x128xi32, #tpu.memory_space<vmem>> -> memref<128xi32, #tpu.memory_space<vmem>>
    %dma_wait3A_2681 = arith.constant 0 : i32
    %dma_wait3A_2682 = arith.constant 0 : i32
    %dma_wait3A_2683 = tpu.memref_slice %arg5[%dma_wait3A_2681, %dma_wait3A_2682] : memref<512x128xf32, #tpu.memory_space<vmem_shared>> -> memref<512x128xf32, #tpu.memory_space<vmem_shared>>
    tpu.wait_indirect_dma semaphore(%arg24 : memref<!tpu.dma_semaphore, #tpu.memory_space<semaphore_mem>>) src(%arg9 : memref<128x128xf32, #tpu.memory_space<vmem>>) dst(%dma_wait3A_2683 : memref<512x128xf32, #tpu.memory_space<vmem_shared>>)
    %add3A_2684 = arith.constant 672 : i32
    %add3A_2685 = arith.addi %add3A_2684, %add3A : i32
    %mul3A_2686 = arith.constant 128 : i32
    %mul3A_2687 = arith.muli %add3A_2685, %mul3A_2686 : i32
    %multiple_of3A_2688 = tpu.assume_multiple %mul3A_2687, 128 : i32
    %dma_start3A_2689 = arith.constant 0 : i32
    %dma_start3A_2690 = tpu.memref_slice %arg2[%multiple_of3A_2688, %dma_start3A_2689] : memref<100000x128xf32, #tpu.memory_space<hbm>> -> memref<128x128xf32, #tpu.memory_space<hbm>>
    %dma_start3A_2691 = arith.constant 0 : i32
    %dma_start3A_2692 = tpu.memref_slice %arg2[%multiple_of3A_2688, %dma_start3A_2691] : memref<100000x128xf32, #tpu.memory_space<hbm>> -> memref<128x128xf32, #tpu.memory_space<hbm>>
    tpu.enqueue_dma source(%dma_start3A_2692 : memref<128x128xf32, #tpu.memory_space<hbm>>) target(%arg9 : memref<128x128xf32, #tpu.memory_space<vmem>>) target_semaphore(%arg18 : memref<!tpu.dma_semaphore, #tpu.memory_space<semaphore_mem>>)
    %dma_wait3A_2693 = arith.constant 0 : i32
    %dma_wait3A_2694 = tpu.memref_slice %arg2[%multiple_of3A_2607, %dma_wait3A_2693] : memref<100000x128xf32, #tpu.memory_space<hbm>> -> memref<128x128xf32, #tpu.memory_space<hbm>>
    %dma_wait3A_2695 = arith.constant 0 : i32
    %dma_wait3A_2696 = tpu.memref_slice %arg2[%multiple_of3A_2607, %dma_wait3A_2695] : memref<100000x128xf32, #tpu.memory_space<hbm>> -> memref<128x128xf32, #tpu.memory_space<hbm>>
    tpu.wait_dma2 semaphore(%arg15 : memref<!tpu.dma_semaphore, #tpu.memory_space<semaphore_mem>>) src(%dma_wait3A_2696 : memref<128x128xf32, #tpu.memory_space<hbm>>) dst(%arg6 : memref<128x128xf32, #tpu.memory_space<vmem>>)
    %dma_start3A_2697 = arith.constant 18 : i32
    %dma_start3A_2698 = arith.constant 0 : i32
    %dma_start3A_2699 = tpu.memref_slice %arg12[%dma_start3A_2697, %dma_start3A_2698] : memref<25x128xi32, #tpu.memory_space<vmem>> -> memref<1x128xi32, #tpu.memory_space<vmem>>
    %dma_start3A_2700 = tpu.memref_squeeze %dma_start3A_2699 : memref<1x128xi32, #tpu.memory_space<vmem>> -> memref<128xi32, #tpu.memory_space<vmem>>
    %dma_start3A_2701 = arith.constant 0 : i32
    %dma_start3A_2702 = arith.constant 0 : i32
    %dma_start3A_2703 = tpu.memref_slice %arg5[%dma_start3A_2701, %dma_start3A_2702] : memref<512x128xf32, #tpu.memory_space<vmem_shared>> -> memref<512x128xf32, #tpu.memory_space<vmem_shared>>
    tpu.enqueue_indirect_dma source(%arg6 : memref<128x128xf32, #tpu.memory_space<vmem>>) target(%dma_start3A_2703 : memref<512x128xf32, #tpu.memory_space<vmem_shared>>) offsets(%dma_start3A_2700 : memref<128xi32, #tpu.memory_space<vmem>>) semaphore(%arg21 : memref<!tpu.dma_semaphore, #tpu.memory_space<semaphore_mem>>) {add = true}
    %dma_wait3A_2704 = arith.constant 16 : i32
    %dma_wait3A_2705 = arith.constant 0 : i32
    %dma_wait3A_2706 = tpu.memref_slice %arg12[%dma_wait3A_2704, %dma_wait3A_2705] : memref<25x128xi32, #tpu.memory_space<vmem>> -> memref<1x128xi32, #tpu.memory_space<vmem>>
    %dma_wait3A_2707 = tpu.memref_squeeze %dma_wait3A_2706 : memref<1x128xi32, #tpu.memory_space<vmem>> -> memref<128xi32, #tpu.memory_space<vmem>>
    %dma_wait3A_2708 = arith.constant 0 : i32
    %dma_wait3A_2709 = arith.constant 0 : i32
    %dma_wait3A_2710 = tpu.memref_slice %arg5[%dma_wait3A_2708, %dma_wait3A_2709] : memref<512x128xf32, #tpu.memory_space<vmem_shared>> -> memref<512x128xf32, #tpu.memory_space<vmem_shared>>
    tpu.wait_indirect_dma semaphore(%arg25 : memref<!tpu.dma_semaphore, #tpu.memory_space<semaphore_mem>>) src(%arg10 : memref<128x128xf32, #tpu.memory_space<vmem>>) dst(%dma_wait3A_2710 : memref<512x128xf32, #tpu.memory_space<vmem_shared>>)
    %add3A_2711 = arith.constant 704 : i32
    %add3A_2712 = arith.addi %add3A_2711, %add3A : i32
    %mul3A_2713 = arith.constant 128 : i32
    %mul3A_2714 = arith.muli %add3A_2712, %mul3A_2713 : i32
    %multiple_of3A_2715 = tpu.assume_multiple %mul3A_2714, 128 : i32
    %dma_start3A_2716 = arith.constant 0 : i32
    %dma_start3A_2717 = tpu.memref_slice %arg2[%multiple_of3A_2715, %dma_start3A_2716] : memref<100000x128xf32, #tpu.memory_space<hbm>> -> memref<128x128xf32, #tpu.memory_space<hbm>>
    %dma_start3A_2718 = arith.constant 0 : i32
    %dma_start3A_2719 = tpu.memref_slice %arg2[%multiple_of3A_2715, %dma_start3A_2718] : memref<100000x128xf32, #tpu.memory_space<hbm>> -> memref<128x128xf32, #tpu.memory_space<hbm>>
    tpu.enqueue_dma source(%dma_start3A_2719 : memref<128x128xf32, #tpu.memory_space<hbm>>) target(%arg10 : memref<128x128xf32, #tpu.memory_space<vmem>>) target_semaphore(%arg19 : memref<!tpu.dma_semaphore, #tpu.memory_space<semaphore_mem>>)
    %dma_wait3A_2720 = arith.constant 0 : i32
    %dma_wait3A_2721 = tpu.memref_slice %arg2[%multiple_of3A_2634, %dma_wait3A_2720] : memref<100000x128xf32, #tpu.memory_space<hbm>> -> memref<128x128xf32, #tpu.memory_space<hbm>>
    %dma_wait3A_2722 = arith.constant 0 : i32
    %dma_wait3A_2723 = tpu.memref_slice %arg2[%multiple_of3A_2634, %dma_wait3A_2722] : memref<100000x128xf32, #tpu.memory_space<hbm>> -> memref<128x128xf32, #tpu.memory_space<hbm>>
    tpu.wait_dma2 semaphore(%arg16 : memref<!tpu.dma_semaphore, #tpu.memory_space<semaphore_mem>>) src(%dma_wait3A_2723 : memref<128x128xf32, #tpu.memory_space<hbm>>) dst(%arg7 : memref<128x128xf32, #tpu.memory_space<vmem>>)
    %dma_start3A_2724 = arith.constant 19 : i32
    %dma_start3A_2725 = arith.constant 0 : i32
    %dma_start3A_2726 = tpu.memref_slice %arg12[%dma_start3A_2724, %dma_start3A_2725] : memref<25x128xi32, #tpu.memory_space<vmem>> -> memref<1x128xi32, #tpu.memory_space<vmem>>
    %dma_start3A_2727 = tpu.memref_squeeze %dma_start3A_2726 : memref<1x128xi32, #tpu.memory_space<vmem>> -> memref<128xi32, #tpu.memory_space<vmem>>
    %dma_start3A_2728 = arith.constant 0 : i32
    %dma_start3A_2729 = arith.constant 0 : i32
    %dma_start3A_2730 = tpu.memref_slice %arg5[%dma_start3A_2728, %dma_start3A_2729] : memref<512x128xf32, #tpu.memory_space<vmem_shared>> -> memref<512x128xf32, #tpu.memory_space<vmem_shared>>
    tpu.enqueue_indirect_dma source(%arg7 : memref<128x128xf32, #tpu.memory_space<vmem>>) target(%dma_start3A_2730 : memref<512x128xf32, #tpu.memory_space<vmem_shared>>) offsets(%dma_start3A_2727 : memref<128xi32, #tpu.memory_space<vmem>>) semaphore(%arg22 : memref<!tpu.dma_semaphore, #tpu.memory_space<semaphore_mem>>) {add = true}
    %dma_wait3A_2731 = arith.constant 17 : i32
    %dma_wait3A_2732 = arith.constant 0 : i32
    %dma_wait3A_2733 = tpu.memref_slice %arg12[%dma_wait3A_2731, %dma_wait3A_2732] : memref<25x128xi32, #tpu.memory_space<vmem>> -> memref<1x128xi32, #tpu.memory_space<vmem>>
    %dma_wait3A_2734 = tpu.memref_squeeze %dma_wait3A_2733 : memref<1x128xi32, #tpu.memory_space<vmem>> -> memref<128xi32, #tpu.memory_space<vmem>>
    %dma_wait3A_2735 = arith.constant 0 : i32
    %dma_wait3A_2736 = arith.constant 0 : i32
    %dma_wait3A_2737 = tpu.memref_slice %arg5[%dma_wait3A_2735, %dma_wait3A_2736] : memref<512x128xf32, #tpu.memory_space<vmem_shared>> -> memref<512x128xf32, #tpu.memory_space<vmem_shared>>
    tpu.wait_indirect_dma semaphore(%arg26 : memref<!tpu.dma_semaphore, #tpu.memory_space<semaphore_mem>>) src(%arg11 : memref<128x128xf32, #tpu.memory_space<vmem>>) dst(%dma_wait3A_2737 : memref<512x128xf32, #tpu.memory_space<vmem_shared>>)
    %add3A_2738 = arith.constant 736 : i32
    %add3A_2739 = arith.addi %add3A_2738, %add3A : i32
    %mul3A_2740 = arith.constant 128 : i32
    %mul3A_2741 = arith.muli %add3A_2739, %mul3A_2740 : i32
    %multiple_of3A_2742 = tpu.assume_multiple %mul3A_2741, 128 : i32
    %dma_start3A_2743 = arith.constant 0 : i32
    %dma_start3A_2744 = tpu.memref_slice %arg2[%multiple_of3A_2742, %dma_start3A_2743] : memref<100000x128xf32, #tpu.memory_space<hbm>> -> memref<128x128xf32, #tpu.memory_space<hbm>>
    %dma_start3A_2745 = arith.constant 0 : i32
    %dma_start3A_2746 = tpu.memref_slice %arg2[%multiple_of3A_2742, %dma_start3A_2745] : memref<100000x128xf32, #tpu.memory_space<hbm>> -> memref<128x128xf32, #tpu.memory_space<hbm>>
    tpu.enqueue_dma source(%dma_start3A_2746 : memref<128x128xf32, #tpu.memory_space<hbm>>) target(%arg11 : memref<128x128xf32, #tpu.memory_space<vmem>>) target_semaphore(%arg20 : memref<!tpu.dma_semaphore, #tpu.memory_space<semaphore_mem>>)
    %dma_wait3A_2747 = arith.constant 0 : i32
    %dma_wait3A_2748 = tpu.memref_slice %arg2[%multiple_of3A_2661, %dma_wait3A_2747] : memref<100000x128xf32, #tpu.memory_space<hbm>> -> memref<128x128xf32, #tpu.memory_space<hbm>>
    %dma_wait3A_2749 = arith.constant 0 : i32
    %dma_wait3A_2750 = tpu.memref_slice %arg2[%multiple_of3A_2661, %dma_wait3A_2749] : memref<100000x128xf32, #tpu.memory_space<hbm>> -> memref<128x128xf32, #tpu.memory_space<hbm>>
    tpu.wait_dma2 semaphore(%arg17 : memref<!tpu.dma_semaphore, #tpu.memory_space<semaphore_mem>>) src(%dma_wait3A_2750 : memref<128x128xf32, #tpu.memory_space<hbm>>) dst(%arg8 : memref<128x128xf32, #tpu.memory_space<vmem>>)
    %dma_start3A_2751 = arith.constant 20 : i32
    %dma_start3A_2752 = arith.constant 0 : i32
    %dma_start3A_2753 = tpu.memref_slice %arg12[%dma_start3A_2751, %dma_start3A_2752] : memref<25x128xi32, #tpu.memory_space<vmem>> -> memref<1x128xi32, #tpu.memory_space<vmem>>
    %dma_start3A_2754 = tpu.memref_squeeze %dma_start3A_2753 : memref<1x128xi32, #tpu.memory_space<vmem>> -> memref<128xi32, #tpu.memory_space<vmem>>
    %dma_start3A_2755 = arith.constant 0 : i32
    %dma_start3A_2756 = arith.constant 0 : i32
    %dma_start3A_2757 = tpu.memref_slice %arg5[%dma_start3A_2755, %dma_start3A_2756] : memref<512x128xf32, #tpu.memory_space<vmem_shared>> -> memref<512x128xf32, #tpu.memory_space<vmem_shared>>
    tpu.enqueue_indirect_dma source(%arg8 : memref<128x128xf32, #tpu.memory_space<vmem>>) target(%dma_start3A_2757 : memref<512x128xf32, #tpu.memory_space<vmem_shared>>) offsets(%dma_start3A_2754 : memref<128xi32, #tpu.memory_space<vmem>>) semaphore(%arg23 : memref<!tpu.dma_semaphore, #tpu.memory_space<semaphore_mem>>) {add = true}
    %dma_wait3A_2758 = arith.constant 18 : i32
    %dma_wait3A_2759 = arith.constant 0 : i32
    %dma_wait3A_2760 = tpu.memref_slice %arg12[%dma_wait3A_2758, %dma_wait3A_2759] : memref<25x128xi32, #tpu.memory_space<vmem>> -> memref<1x128xi32, #tpu.memory_space<vmem>>
    %dma_wait3A_2761 = tpu.memref_squeeze %dma_wait3A_2760 : memref<1x128xi32, #tpu.memory_space<vmem>> -> memref<128xi32, #tpu.memory_space<vmem>>
    %dma_wait3A_2762 = arith.constant 0 : i32
    %dma_wait3A_2763 = arith.constant 0 : i32
    %dma_wait3A_2764 = tpu.memref_slice %arg5[%dma_wait3A_2762, %dma_wait3A_2763] : memref<512x128xf32, #tpu.memory_space<vmem_shared>> -> memref<512x128xf32, #tpu.memory_space<vmem_shared>>
    tpu.wait_indirect_dma semaphore(%arg21 : memref<!tpu.dma_semaphore, #tpu.memory_space<semaphore_mem>>) src(%arg6 : memref<128x128xf32, #tpu.memory_space<vmem>>) dst(%dma_wait3A_2764 : memref<512x128xf32, #tpu.memory_space<vmem_shared>>)
    %dma_wait3A_2765 = arith.constant 0 : i32
    %dma_wait3A_2766 = tpu.memref_slice %arg2[%multiple_of3A_2688, %dma_wait3A_2765] : memref<100000x128xf32, #tpu.memory_space<hbm>> -> memref<128x128xf32, #tpu.memory_space<hbm>>
    %dma_wait3A_2767 = arith.constant 0 : i32
    %dma_wait3A_2768 = tpu.memref_slice %arg2[%multiple_of3A_2688, %dma_wait3A_2767] : memref<100000x128xf32, #tpu.memory_space<hbm>> -> memref<128x128xf32, #tpu.memory_space<hbm>>
    tpu.wait_dma2 semaphore(%arg18 : memref<!tpu.dma_semaphore, #tpu.memory_space<semaphore_mem>>) src(%dma_wait3A_2768 : memref<128x128xf32, #tpu.memory_space<hbm>>) dst(%arg9 : memref<128x128xf32, #tpu.memory_space<vmem>>)
    %dma_start3A_2769 = arith.constant 21 : i32
    %dma_start3A_2770 = arith.constant 0 : i32
    %dma_start3A_2771 = tpu.memref_slice %arg12[%dma_start3A_2769, %dma_start3A_2770] : memref<25x128xi32, #tpu.memory_space<vmem>> -> memref<1x128xi32, #tpu.memory_space<vmem>>
    %dma_start3A_2772 = tpu.memref_squeeze %dma_start3A_2771 : memref<1x128xi32, #tpu.memory_space<vmem>> -> memref<128xi32, #tpu.memory_space<vmem>>
    %dma_start3A_2773 = arith.constant 0 : i32
    %dma_start3A_2774 = arith.constant 0 : i32
    %dma_start3A_2775 = tpu.memref_slice %arg5[%dma_start3A_2773, %dma_start3A_2774] : memref<512x128xf32, #tpu.memory_space<vmem_shared>> -> memref<512x128xf32, #tpu.memory_space<vmem_shared>>
    tpu.enqueue_indirect_dma source(%arg9 : memref<128x128xf32, #tpu.memory_space<vmem>>) target(%dma_start3A_2775 : memref<512x128xf32, #tpu.memory_space<vmem_shared>>) offsets(%dma_start3A_2772 : memref<128xi32, #tpu.memory_space<vmem>>) semaphore(%arg24 : memref<!tpu.dma_semaphore, #tpu.memory_space<semaphore_mem>>) {add = true}
    %dma_wait3A_2776 = arith.constant 19 : i32
    %dma_wait3A_2777 = arith.constant 0 : i32
    %dma_wait3A_2778 = tpu.memref_slice %arg12[%dma_wait3A_2776, %dma_wait3A_2777] : memref<25x128xi32, #tpu.memory_space<vmem>> -> memref<1x128xi32, #tpu.memory_space<vmem>>
    %dma_wait3A_2779 = tpu.memref_squeeze %dma_wait3A_2778 : memref<1x128xi32, #tpu.memory_space<vmem>> -> memref<128xi32, #tpu.memory_space<vmem>>
    %dma_wait3A_2780 = arith.constant 0 : i32
    %dma_wait3A_2781 = arith.constant 0 : i32
    %dma_wait3A_2782 = tpu.memref_slice %arg5[%dma_wait3A_2780, %dma_wait3A_2781] : memref<512x128xf32, #tpu.memory_space<vmem_shared>> -> memref<512x128xf32, #tpu.memory_space<vmem_shared>>
    tpu.wait_indirect_dma semaphore(%arg22 : memref<!tpu.dma_semaphore, #tpu.memory_space<semaphore_mem>>) src(%arg7 : memref<128x128xf32, #tpu.memory_space<vmem>>) dst(%dma_wait3A_2782 : memref<512x128xf32, #tpu.memory_space<vmem_shared>>)
    %dma_wait3A_2783 = arith.constant 0 : i32
    %dma_wait3A_2784 = tpu.memref_slice %arg2[%multiple_of3A_2715, %dma_wait3A_2783] : memref<100000x128xf32, #tpu.memory_space<hbm>> -> memref<128x128xf32, #tpu.memory_space<hbm>>
    %dma_wait3A_2785 = arith.constant 0 : i32
    %dma_wait3A_2786 = tpu.memref_slice %arg2[%multiple_of3A_2715, %dma_wait3A_2785] : memref<100000x128xf32, #tpu.memory_space<hbm>> -> memref<128x128xf32, #tpu.memory_space<hbm>>
    tpu.wait_dma2 semaphore(%arg19 : memref<!tpu.dma_semaphore, #tpu.memory_space<semaphore_mem>>) src(%dma_wait3A_2786 : memref<128x128xf32, #tpu.memory_space<hbm>>) dst(%arg10 : memref<128x128xf32, #tpu.memory_space<vmem>>)
    %dma_start3A_2787 = arith.constant 22 : i32
    %dma_start3A_2788 = arith.constant 0 : i32
    %dma_start3A_2789 = tpu.memref_slice %arg12[%dma_start3A_2787, %dma_start3A_2788] : memref<25x128xi32, #tpu.memory_space<vmem>> -> memref<1x128xi32, #tpu.memory_space<vmem>>
    %dma_start3A_2790 = tpu.memref_squeeze %dma_start3A_2789 : memref<1x128xi32, #tpu.memory_space<vmem>> -> memref<128xi32, #tpu.memory_space<vmem>>
    %dma_start3A_2791 = arith.constant 0 : i32
    %dma_start3A_2792 = arith.constant 0 : i32
    %dma_start3A_2793 = tpu.memref_slice %arg5[%dma_start3A_2791, %dma_start3A_2792] : memref<512x128xf32, #tpu.memory_space<vmem_shared>> -> memref<512x128xf32, #tpu.memory_space<vmem_shared>>
    tpu.enqueue_indirect_dma source(%arg10 : memref<128x128xf32, #tpu.memory_space<vmem>>) target(%dma_start3A_2793 : memref<512x128xf32, #tpu.memory_space<vmem_shared>>) offsets(%dma_start3A_2790 : memref<128xi32, #tpu.memory_space<vmem>>) semaphore(%arg25 : memref<!tpu.dma_semaphore, #tpu.memory_space<semaphore_mem>>) {add = true}
    %dma_wait3A_2794 = arith.constant 20 : i32
    %dma_wait3A_2795 = arith.constant 0 : i32
    %dma_wait3A_2796 = tpu.memref_slice %arg12[%dma_wait3A_2794, %dma_wait3A_2795] : memref<25x128xi32, #tpu.memory_space<vmem>> -> memref<1x128xi32, #tpu.memory_space<vmem>>
    %dma_wait3A_2797 = tpu.memref_squeeze %dma_wait3A_2796 : memref<1x128xi32, #tpu.memory_space<vmem>> -> memref<128xi32, #tpu.memory_space<vmem>>
    %dma_wait3A_2798 = arith.constant 0 : i32
    %dma_wait3A_2799 = arith.constant 0 : i32
    %dma_wait3A_2800 = tpu.memref_slice %arg5[%dma_wait3A_2798, %dma_wait3A_2799] : memref<512x128xf32, #tpu.memory_space<vmem_shared>> -> memref<512x128xf32, #tpu.memory_space<vmem_shared>>
    tpu.wait_indirect_dma semaphore(%arg23 : memref<!tpu.dma_semaphore, #tpu.memory_space<semaphore_mem>>) src(%arg8 : memref<128x128xf32, #tpu.memory_space<vmem>>) dst(%dma_wait3A_2800 : memref<512x128xf32, #tpu.memory_space<vmem_shared>>)
    %dma_wait3A_2801 = arith.constant 0 : i32
    %dma_wait3A_2802 = tpu.memref_slice %arg2[%multiple_of3A_2742, %dma_wait3A_2801] : memref<100000x128xf32, #tpu.memory_space<hbm>> -> memref<128x128xf32, #tpu.memory_space<hbm>>
    %dma_wait3A_2803 = arith.constant 0 : i32
    %dma_wait3A_2804 = tpu.memref_slice %arg2[%multiple_of3A_2742, %dma_wait3A_2803] : memref<100000x128xf32, #tpu.memory_space<hbm>> -> memref<128x128xf32, #tpu.memory_space<hbm>>
    tpu.wait_dma2 semaphore(%arg20 : memref<!tpu.dma_semaphore, #tpu.memory_space<semaphore_mem>>) src(%dma_wait3A_2804 : memref<128x128xf32, #tpu.memory_space<hbm>>) dst(%arg11 : memref<128x128xf32, #tpu.memory_space<vmem>>)
    %dma_start3A_2805 = arith.constant 23 : i32
    %dma_start3A_2806 = arith.constant 0 : i32
    %dma_start3A_2807 = tpu.memref_slice %arg12[%dma_start3A_2805, %dma_start3A_2806] : memref<25x128xi32, #tpu.memory_space<vmem>> -> memref<1x128xi32, #tpu.memory_space<vmem>>
    %dma_start3A_2808 = tpu.memref_squeeze %dma_start3A_2807 : memref<1x128xi32, #tpu.memory_space<vmem>> -> memref<128xi32, #tpu.memory_space<vmem>>
    %dma_start3A_2809 = arith.constant 0 : i32
    %dma_start3A_2810 = arith.constant 0 : i32
    %dma_start3A_2811 = tpu.memref_slice %arg5[%dma_start3A_2809, %dma_start3A_2810] : memref<512x128xf32, #tpu.memory_space<vmem_shared>> -> memref<512x128xf32, #tpu.memory_space<vmem_shared>>
    tpu.enqueue_indirect_dma source(%arg11 : memref<128x128xf32, #tpu.memory_space<vmem>>) target(%dma_start3A_2811 : memref<512x128xf32, #tpu.memory_space<vmem_shared>>) offsets(%dma_start3A_2808 : memref<128xi32, #tpu.memory_space<vmem>>) semaphore(%arg26 : memref<!tpu.dma_semaphore, #tpu.memory_space<semaphore_mem>>) {add = true}
    %dma_wait3A_2812 = arith.constant 21 : i32
    %dma_wait3A_2813 = arith.constant 0 : i32
    %dma_wait3A_2814 = tpu.memref_slice %arg12[%dma_wait3A_2812, %dma_wait3A_2813] : memref<25x128xi32, #tpu.memory_space<vmem>> -> memref<1x128xi32, #tpu.memory_space<vmem>>
    %dma_wait3A_2815 = tpu.memref_squeeze %dma_wait3A_2814 : memref<1x128xi32, #tpu.memory_space<vmem>> -> memref<128xi32, #tpu.memory_space<vmem>>
    %dma_wait3A_2816 = arith.constant 0 : i32
    %dma_wait3A_2817 = arith.constant 0 : i32
    %dma_wait3A_2818 = tpu.memref_slice %arg5[%dma_wait3A_2816, %dma_wait3A_2817] : memref<512x128xf32, #tpu.memory_space<vmem_shared>> -> memref<512x128xf32, #tpu.memory_space<vmem_shared>>
    tpu.wait_indirect_dma semaphore(%arg24 : memref<!tpu.dma_semaphore, #tpu.memory_space<semaphore_mem>>) src(%arg9 : memref<128x128xf32, #tpu.memory_space<vmem>>) dst(%dma_wait3A_2818 : memref<512x128xf32, #tpu.memory_space<vmem_shared>>)
    %dma_wait3A_2819 = arith.constant 22 : i32
    %dma_wait3A_2820 = arith.constant 0 : i32
    %dma_wait3A_2821 = tpu.memref_slice %arg12[%dma_wait3A_2819, %dma_wait3A_2820] : memref<25x128xi32, #tpu.memory_space<vmem>> -> memref<1x128xi32, #tpu.memory_space<vmem>>
    %dma_wait3A_2822 = tpu.memref_squeeze %dma_wait3A_2821 : memref<1x128xi32, #tpu.memory_space<vmem>> -> memref<128xi32, #tpu.memory_space<vmem>>
    %dma_wait3A_2823 = arith.constant 0 : i32
    %dma_wait3A_2824 = arith.constant 0 : i32
    %dma_wait3A_2825 = tpu.memref_slice %arg5[%dma_wait3A_2823, %dma_wait3A_2824] : memref<512x128xf32, #tpu.memory_space<vmem_shared>> -> memref<512x128xf32, #tpu.memory_space<vmem_shared>>
    tpu.wait_indirect_dma semaphore(%arg25 : memref<!tpu.dma_semaphore, #tpu.memory_space<semaphore_mem>>) src(%arg10 : memref<128x128xf32, #tpu.memory_space<vmem>>) dst(%dma_wait3A_2825 : memref<512x128xf32, #tpu.memory_space<vmem_shared>>)
    %dma_wait3A_2826 = arith.constant 23 : i32
    %dma_wait3A_2827 = arith.constant 0 : i32
    %dma_wait3A_2828 = tpu.memref_slice %arg12[%dma_wait3A_2826, %dma_wait3A_2827] : memref<25x128xi32, #tpu.memory_space<vmem>> -> memref<1x128xi32, #tpu.memory_space<vmem>>
    %dma_wait3A_2829 = tpu.memref_squeeze %dma_wait3A_2828 : memref<1x128xi32, #tpu.memory_space<vmem>> -> memref<128xi32, #tpu.memory_space<vmem>>
    %dma_wait3A_2830 = arith.constant 0 : i32
    %dma_wait3A_2831 = arith.constant 0 : i32
    %dma_wait3A_2832 = tpu.memref_slice %arg5[%dma_wait3A_2830, %dma_wait3A_2831] : memref<512x128xf32, #tpu.memory_space<vmem_shared>> -> memref<512x128xf32, #tpu.memory_space<vmem_shared>>
    tpu.wait_indirect_dma semaphore(%arg26 : memref<!tpu.dma_semaphore, #tpu.memory_space<semaphore_mem>>) src(%arg11 : memref<128x128xf32, #tpu.memory_space<vmem>>) dst(%dma_wait3A_2832 : memref<512x128xf32, #tpu.memory_space<vmem_shared>>)
    %convert_element_type3A = arith.extui %or3A : i1 to i32
    %cond3A = arith.constant 0 : i32
    %cond3A_2833 = arith.cmpi ne, %convert_element_type3A, %cond3A : i32
    scf.if %cond3A_2833 {
      %add3A_2847 = arith.constant 768 : i32
      %add3A_2848 = arith.addi %add3A_2847, %add3A_74 : i32
      %mul3A_2849 = arith.constant 128 : i32
      %mul3A_2850 = arith.muli %add3A_2848, %mul3A_2849 : i32
      %multiple_of3A_2851 = tpu.assume_multiple %mul3A_2850, 128 : i32
      %dma_start3A_2852 = arith.constant 0 : i32
      %dma_start3A_2853 = tpu.memref_slice %arg2[%multiple_of3A_2851, %dma_start3A_2852] : memref<100000x128xf32, #tpu.memory_space<hbm>> -> memref<128x128xf32, #tpu.memory_space<hbm>>
      %dma_start3A_2854 = arith.constant 0 : i32
      %dma_start3A_2855 = tpu.memref_slice %arg2[%multiple_of3A_2851, %dma_start3A_2854] : memref<100000x128xf32, #tpu.memory_space<hbm>> -> memref<128x128xf32, #tpu.memory_space<hbm>>
      tpu.enqueue_dma source(%dma_start3A_2855 : memref<128x128xf32, #tpu.memory_space<hbm>>) target(%arg6 : memref<128x128xf32, #tpu.memory_space<vmem>>) target_semaphore(%arg15 : memref<!tpu.dma_semaphore, #tpu.memory_space<semaphore_mem>>)
      %dma_wait3A_2856 = arith.constant 0 : i32
      %dma_wait3A_2857 = tpu.memref_slice %arg2[%multiple_of3A_2851, %dma_wait3A_2856] : memref<100000x128xf32, #tpu.memory_space<hbm>> -> memref<128x128xf32, #tpu.memory_space<hbm>>
      %dma_wait3A_2858 = arith.constant 0 : i32
      %dma_wait3A_2859 = tpu.memref_slice %arg2[%multiple_of3A_2851, %dma_wait3A_2858] : memref<100000x128xf32, #tpu.memory_space<hbm>> -> memref<128x128xf32, #tpu.memory_space<hbm>>
      tpu.wait_dma2 semaphore(%arg15 : memref<!tpu.dma_semaphore, #tpu.memory_space<semaphore_mem>>) src(%dma_wait3A_2859 : memref<128x128xf32, #tpu.memory_space<hbm>>) dst(%arg6 : memref<128x128xf32, #tpu.memory_space<vmem>>)
      %run_scoped3A = arith.constant 24 : i32
      "tpu.region"() ({
        %run_scoped3A_2860 = tpu.sem_alloc : memref<!tpu.dma_semaphore, #tpu.memory_space<semaphore_mem>>
        %dma_start3A_2861 = arith.constant 0 : i32
        %dma_start3A_2862 = tpu.memref_slice %arg12[%run_scoped3A, %dma_start3A_2861] : memref<25x128xi32, #tpu.memory_space<vmem>> -> memref<1x128xi32, #tpu.memory_space<vmem>>
        %dma_start3A_2863 = tpu.memref_squeeze %dma_start3A_2862 : memref<1x128xi32, #tpu.memory_space<vmem>> -> memref<128xi32, #tpu.memory_space<vmem>>
        %dma_start3A_2864 = arith.constant 0 : i32
        %dma_start3A_2865 = arith.constant 0 : i32
        %dma_start3A_2866 = tpu.memref_slice %arg5[%dma_start3A_2864, %dma_start3A_2865] : memref<512x128xf32, #tpu.memory_space<vmem_shared>> -> memref<512x128xf32, #tpu.memory_space<vmem_shared>>
        tpu.enqueue_indirect_dma source(%arg6 : memref<128x128xf32, #tpu.memory_space<vmem>>) target(%dma_start3A_2866 : memref<512x128xf32, #tpu.memory_space<vmem_shared>>) offsets(%dma_start3A_2863 : memref<128xi32, #tpu.memory_space<vmem>>) semaphore(%run_scoped3A_2860 : memref<!tpu.dma_semaphore, #tpu.memory_space<semaphore_mem>>) {add = true}
        %dma_wait3A_2867 = arith.constant 0 : i32
        %dma_wait3A_2868 = tpu.memref_slice %arg12[%run_scoped3A, %dma_wait3A_2867] : memref<25x128xi32, #tpu.memory_space<vmem>> -> memref<1x128xi32, #tpu.memory_space<vmem>>
        %dma_wait3A_2869 = tpu.memref_squeeze %dma_wait3A_2868 : memref<1x128xi32, #tpu.memory_space<vmem>> -> memref<128xi32, #tpu.memory_space<vmem>>
        %dma_wait3A_2870 = arith.constant 0 : i32
        %dma_wait3A_2871 = arith.constant 0 : i32
        %dma_wait3A_2872 = tpu.memref_slice %arg5[%dma_wait3A_2870, %dma_wait3A_2871] : memref<512x128xf32, #tpu.memory_space<vmem_shared>> -> memref<512x128xf32, #tpu.memory_space<vmem_shared>>
        tpu.wait_indirect_dma semaphore(%run_scoped3A_2860 : memref<!tpu.dma_semaphore, #tpu.memory_space<semaphore_mem>>) src(%arg6 : memref<128x128xf32, #tpu.memory_space<vmem>>) dst(%dma_wait3A_2872 : memref<512x128xf32, #tpu.memory_space<vmem_shared>>)
        tpu.yield
      }) : () -> ()
    } else {
    }
    %eq3A_2834 = arith.constant 1 : i32
    %eq3A_2835 = arith.cmpi eq, %add3A, %eq3A_2834 : i32
    %convert_element_type3A_2836 = arith.extui %eq3A_2835 : i1 to i32
    %cond3A_2837 = arith.constant 0 : i32
    %cond3A_2838 = arith.cmpi ne, %convert_element_type3A_2836, %cond3A_2837 : i32
    scf.if %cond3A_2838 {
      %dma_start3A_2847 = arith.constant 99968 : i32
      %dma_start3A_2848 = arith.constant 0 : i32
      %dma_start3A_2849 = tpu.memref_slice %arg2[%dma_start3A_2847, %dma_start3A_2848] : memref<100000x128xf32, #tpu.memory_space<hbm>> -> memref<32x128xf32, #tpu.memory_space<hbm>>
      %dma_start3A_2850 = arith.constant 99968 : i32
      %dma_start3A_2851 = arith.constant 0 : i32
      %dma_start3A_2852 = tpu.memref_slice %arg2[%dma_start3A_2850, %dma_start3A_2851] : memref<100000x128xf32, #tpu.memory_space<hbm>> -> memref<32x128xf32, #tpu.memory_space<hbm>>
      tpu.enqueue_dma source(%dma_start3A_2852 : memref<32x128xf32, #tpu.memory_space<hbm>>) target(%arg13 : memref<32x128xf32, #tpu.memory_space<vmem>>) target_semaphore(%arg15 : memref<!tpu.dma_semaphore, #tpu.memory_space<semaphore_mem>>)
      %dma_start3A_2853 = arith.constant 99968 : i32
      %dma_start3A_2854 = tpu.memref_slice %arg3[%dma_start3A_2853] : memref<100000xi32, #tpu.memory_space<hbm>> -> memref<32xi32, #tpu.memory_space<hbm>>
      %dma_start3A_2855 = arith.constant 99968 : i32
      %dma_start3A_2856 = tpu.memref_slice %arg3[%dma_start3A_2855] : memref<100000xi32, #tpu.memory_space<hbm>> -> memref<32xi32, #tpu.memory_space<hbm>>
      tpu.enqueue_dma source(%dma_start3A_2856 : memref<32xi32, #tpu.memory_space<hbm>>) target(%arg14 : memref<32xi32, #tpu.memory_space<vmem>>) target_semaphore(%arg16 : memref<!tpu.dma_semaphore, #tpu.memory_space<semaphore_mem>>)
      %dma_wait3A_2857 = arith.constant 99968 : i32
      %dma_wait3A_2858 = arith.constant 0 : i32
      %dma_wait3A_2859 = tpu.memref_slice %arg2[%dma_wait3A_2857, %dma_wait3A_2858] : memref<100000x128xf32, #tpu.memory_space<hbm>> -> memref<32x128xf32, #tpu.memory_space<hbm>>
      %dma_wait3A_2860 = arith.constant 99968 : i32
      %dma_wait3A_2861 = arith.constant 0 : i32
      %dma_wait3A_2862 = tpu.memref_slice %arg2[%dma_wait3A_2860, %dma_wait3A_2861] : memref<100000x128xf32, #tpu.memory_space<hbm>> -> memref<32x128xf32, #tpu.memory_space<hbm>>
      tpu.wait_dma2 semaphore(%arg15 : memref<!tpu.dma_semaphore, #tpu.memory_space<semaphore_mem>>) src(%dma_wait3A_2862 : memref<32x128xf32, #tpu.memory_space<hbm>>) dst(%arg13 : memref<32x128xf32, #tpu.memory_space<vmem>>)
      %dma_wait3A_2863 = arith.constant 99968 : i32
      %dma_wait3A_2864 = tpu.memref_slice %arg3[%dma_wait3A_2863] : memref<100000xi32, #tpu.memory_space<hbm>> -> memref<32xi32, #tpu.memory_space<hbm>>
      %dma_wait3A_2865 = arith.constant 99968 : i32
      %dma_wait3A_2866 = tpu.memref_slice %arg3[%dma_wait3A_2865] : memref<100000xi32, #tpu.memory_space<hbm>> -> memref<32xi32, #tpu.memory_space<hbm>>
      tpu.wait_dma2 semaphore(%arg16 : memref<!tpu.dma_semaphore, #tpu.memory_space<semaphore_mem>>) src(%dma_wait3A_2866 : memref<32xi32, #tpu.memory_space<hbm>>) dst(%arg14 : memref<32xi32, #tpu.memory_space<vmem>>)
      "tpu.region"() ({
        %run_scoped3A = tpu.sem_alloc : memref<!tpu.dma_semaphore, #tpu.memory_space<semaphore_mem>>
        %dma_start3A_2867 = arith.constant 0 : i32
        %dma_start3A_2868 = arith.constant 0 : i32
        %dma_start3A_2869 = tpu.memref_slice %arg5[%dma_start3A_2867, %dma_start3A_2868] : memref<512x128xf32, #tpu.memory_space<vmem_shared>> -> memref<512x128xf32, #tpu.memory_space<vmem_shared>>
        tpu.enqueue_indirect_dma source(%arg13 : memref<32x128xf32, #tpu.memory_space<vmem>>) target(%dma_start3A_2869 : memref<512x128xf32, #tpu.memory_space<vmem_shared>>) offsets(%arg14 : memref<32xi32, #tpu.memory_space<vmem>>) semaphore(%run_scoped3A : memref<!tpu.dma_semaphore, #tpu.memory_space<semaphore_mem>>) {add = true}
        %dma_wait3A_2870 = arith.constant 0 : i32
        %dma_wait3A_2871 = arith.constant 0 : i32
        %dma_wait3A_2872 = tpu.memref_slice %arg5[%dma_wait3A_2870, %dma_wait3A_2871] : memref<512x128xf32, #tpu.memory_space<vmem_shared>> -> memref<512x128xf32, #tpu.memory_space<vmem_shared>>
        tpu.wait_indirect_dma semaphore(%run_scoped3A : memref<!tpu.dma_semaphore, #tpu.memory_space<semaphore_mem>>) src(%arg13 : memref<32x128xf32, #tpu.memory_space<vmem>>) dst(%dma_wait3A_2872 : memref<512x128xf32, #tpu.memory_space<vmem_shared>>)
        tpu.yield
      }) : () -> ()
    } else {
    }
    %barrier3A_2839 = arith.constant 0 : index
    tpu.barrier barrier_id(%barrier3A_2839)
    %mul3A_2840 = arith.constant 32 : i32
    %mul3A_2841 = arith.muli %arg1, %mul3A_2840 : i32
    %mul3A_2842 = arith.constant 512 : i32
    %mul3A_2843 = arith.muli %arg0, %mul3A_2842 : i32
    %mul3A_2844 = arith.constant 32 : i32
    %mul3A_2845 = arith.muli %arg1, %mul3A_2844 : i32
    %add3A_2846 = arith.addi %mul3A_2843, %mul3A_2845 : i32
    "tpu.region"() ({
      %run_scoped3A = tpu.sem_alloc : memref<!tpu.dma_semaphore, #tpu.memory_space<semaphore_mem>>
      %dma_start3A_2847 = arith.constant 0 : i32
      %dma_start3A_2848 = tpu.memref_slice %arg4[%add3A_2846, %dma_start3A_2847] : memref<1024x128xf32, #tpu.memory_space<hbm>> -> memref<32x128xf32, #tpu.memory_space<hbm>>
      %dma_start3A_2849 = arith.constant 0 : i32
      %dma_start3A_2850 = tpu.memref_slice %arg5[%mul3A_2841, %dma_start3A_2849] : memref<512x128xf32, #tpu.memory_space<vmem_shared>> -> memref<32x128xf32, #tpu.memory_space<vmem_shared>>
      tpu.enqueue_dma source(%dma_start3A_2850 : memref<32x128xf32, #tpu.memory_space<vmem_shared>>) target(%dma_start3A_2848 : memref<32x128xf32, #tpu.memory_space<hbm>>) target_semaphore(%run_scoped3A : memref<!tpu.dma_semaphore, #tpu.memory_space<semaphore_mem>>)
      %dma_wait3A_2851 = arith.constant 0 : i32
      %dma_wait3A_2852 = tpu.memref_slice %arg4[%add3A_2846, %dma_wait3A_2851] : memref<1024x128xf32, #tpu.memory_space<hbm>> -> memref<32x128xf32, #tpu.memory_space<hbm>>
      %dma_wait3A_2853 = arith.constant 0 : i32
      %dma_wait3A_2854 = tpu.memref_slice %arg5[%mul3A_2841, %dma_wait3A_2853] : memref<512x128xf32, #tpu.memory_space<vmem_shared>> -> memref<32x128xf32, #tpu.memory_space<vmem_shared>>
      tpu.wait_dma2 semaphore(%run_scoped3A : memref<!tpu.dma_semaphore, #tpu.memory_space<semaphore_mem>>) src(%dma_wait3A_2854 : memref<32x128xf32, #tpu.memory_space<vmem_shared>>) dst(%dma_wait3A_2852 : memref<32x128xf32, #tpu.memory_space<hbm>>)
      tpu.yield
    }) : () -> ()
    return
  }
}

module attributes {stable_mosaic.version = 14 : i64} {
  func.func @_tc_merge(%arg0: memref<1024x128xf32, #tpu.memory_space<vmem>>, %arg1: memref<512x128xf32, #tpu.memory_space<vmem>>) attributes {dimension_semantics = [], scalar_prefetch = 0 : i64, scratch_operands = 0 : i64, tpu.core_type = #tpu.core_type<tc>} {
    %get3A = arith.constant 0 : index
    %get3A_0 = arith.constant 0 : index
    %get3A_1 = vector.load %arg0[%get3A, %get3A_0] : memref<1024x128xf32, #tpu.memory_space<vmem>>, vector<512x128xf32>
    %get3A_2 = arith.constant 512 : index
    %get3A_3 = arith.constant 0 : index
    %get3A_4 = vector.load %arg0[%get3A_2, %get3A_3] : memref<1024x128xf32, #tpu.memory_space<vmem>>, vector<512x128xf32>
    %add3A = arith.addf %get3A_1, %get3A_4 : vector<512x128xf32>
    %swap3A = arith.constant 0 : index
    %swap3A_5 = arith.constant 0 : index
    %swap3A_6 = vector.load %arg1[%swap3A, %swap3A_5] : memref<512x128xf32, #tpu.memory_space<vmem>>, vector<512x128xf32>
    tpu.vector_store %arg1[%swap3A, %swap3A_5], %add3A {strides = array<i32>} : memref<512x128xf32, #tpu.memory_space<vmem>>, vector<512x128xf32>,
    return
  }
}

</mosaic_0001>

<sc_bundles>
// kernel: kernel.4.cloned.1.call-start
scs
__scs_entry_jumppad:
0x0: {  	(pc) =	sbr.rel $0x88, $3  }
0x1: {  	(tag) =	ssettag $0x0;
	lr =	simm.s32 $0x1  }
0x2: {  	[smem:$0x3F9F] =	sst lr;
	_ =	strace $0xD0000000  }
0x3: {  	_ = 	snop  }
0x4: {  	_ = 	snop  }
0x5: {  	_ = 	snop  }
0x6: {  	_ = 	snop  }
0x7: {  	_ = 	snop  }
__scs_overlays_trampoline_lowered:
0x8: {  	[smem:$0x3FAE] =	sst s0  }
0x9: {  	[smem:$0x3FAF] =	sst s1  }
0xa: {  	[smem:$0x3FB0] =	sst s2  }
0xb: {  	[smem:$0x3FB1] =	sst s3  }
0xc: {  	[smem:$0x3FB2] =	sst s4  }
0xd: {  	[smem:$0x3FB3] =	sst s5  }
0xe: {  	[smem:$0x3FB4] =	sst s6  }
0xf: {  	[smem:$0x3FB5] =	sst s7  }
0x10: {  	[smem:$0x3FB6] =	sst s8  }
0x11: {  	[smem:$0x3FB7] =	sst s9;
	s0 =	simm.s32 @!p0 $0x0  }
0x12: {  	s1 =	sld [smem:$0x3F9D];
	s0 =	simm.s32 @p0 $0x1  }
0x13: {  	[smem:$0x3FB8] =	sst s0;
	s0 =	simm.s32 @!p1 $0x0  }
0x14: {  	s2 =	sld [smem:$0x3F9C];
	s0 =	simm.s32 @p1 $0x1  }
0x15: {  	[smem:$0x3FB9] =	sst s0;
	s0 =	simm.s32 @!p2 $0x0  }
0x16: {  	s3 =	sld [smem:$0x3FDB];
	s0 =	simm.s32 @p2 $0x1  }
0x17: {  	s4 =	simm.s32 $0x1BF5;
	[smem:$0x3FBB] =	sst s0  }
0x18: {  	s0 =	sld [smem:$0x3F9E];
	_ =	swait.ge [sflag:s4], $0x0  }
0x19: {  	s7 =	sld [smem:$0x3F9F]  }
0x1a: {  	s8 =	sadd.s32 $0xFFFFE003, lr  }
0x1b: {  	s9 =	sadd.s32 $0xFFFFFEF7, lr;
	s5 =	simm.s32 $0xFFFFFFFF;
	p2 =	slt.u32 s8, $0xFFFFF086  }
0x1c: {  	p1 =	slt.u32 s9, $0xF7A;
	s5 =	simm.s32 @!p2 $0x0  }
0x1d: {  	s5 =	simm.s32 @p1 $0x1;
	p0 =	seq.s32 s7, s2  }
0x1e: {  	s7 =	smul.u32 @!p0 $0xF7A, s2;
	p2 =	seq.s32 @!p0 s5, $0x0  }
0x1f: {  	s9 =	smul.u32 $0xF7A, s1;
	s8 =	simm.s32 @!p0 $0x1BF5;
	p2 =	por !p2, p0  }
0x20: {  	[sflag:s8] =	ssyncset.s32 @!p0 $0xFFFFF086;
	s6 =	sadd.s32 @!p0 s3, s7;
	s7 =	simm.s32 @!p0 $0x108  }
0x21: {  	s3 =	sadd.s32 s3, s9;
	s6 =	sadd.s32 @!p0 $0x88, s6;
	s7 =	simm.s32 @p2 $0x1082  }
0x22: {  	[simem:s7], [sflag:s8] =	dma.local @!p0 [hbm:s6], $0xF7A  }
0x23: {  	s9 =	sor.u32 $0xD0000000, s2;
	s6 =	simm.s32 $0x108;
	_ =	swait.ge @!p0 [sflag:s8], $0x0  }
0x24: {  	s3 =	sadd.s32 $0x88, s3;
	s6 =	simm.s32 @!p1 $0x1082;
	[sflag:s4] =	ssyncset.s32 $0xFFFFF086  }
0x25: {  	[simem:s6], [sflag:s4] =	dma.local [hbm:s3], $0xF7A  }
0x26: {  	[smem:$0x3F9F] =	sst s1;
	(tag) =	ssettag s2;
	_ =	strace s9  }
0x27: {  	s1 =	sld [smem:$0x3FAF]  }
0x28: {  	s2 =	sld [smem:$0x3FB0]  }
0x29: {  	s4 =	sld [smem:$0x3FB2]  }
0x2a: {  	p0 =	seq.s32 s5, $0x0;
	s5 =	sld [smem:$0x3FB3]  }
0x2b: {  	s6 =	sld [smem:$0x3FB4]  }
0x2c: {  	s7 =	sld [smem:$0x3FB5]  }
0x2d: {  	s3 =	simm.s32 $0x108;
	s8 =	sld [smem:$0x3FB6]  }
0x2e: {  	s3 =	simm.s32 @!p0 $0x1082;
	s9 =	sld [smem:$0x3FB7]  }
0x2f: {  	lr =	sadd.s32 s0, s3;
	s0 =	sld [smem:$0x3FAE]  }
0x30: {  	s3 =	sld [smem:$0x3FB1]  }
0x31: {  	[smem:$0x3FBA] =	sst s10  }
0x32: {  	s10 =	sld [smem:$0x3FB8];
	_ =	sdelay $0x3  }
0x33: {  	p0 =	seq.s32 s10, $0x1;
	s10 =	sld [smem:$0x3FBA];
	_ =	sdelay $0x3  }
0x34: {  	[smem:$0x3FBA] =	sst s10  }
0x35: {  	s10 =	sld [smem:$0x3FB9];
	_ =	sdelay $0x3  }
0x36: {  	p1 =	seq.s32 s10, $0x1;
	s10 =	sld [smem:$0x3FBA];
	_ =	sdelay $0x3  }
0x37: {  	[smem:$0x3FBA] =	sst s10  }
0x38: {  	s10 =	sld [smem:$0x3FBB]  }
0x39: {  	_ = 	snop;
	(pc) =	sbr.ind lr, $3  }
0x3a: {  	_ = 	snop  }
0x3b: {  	_ = 	snop  }
0x3c: {  	p2 =	seq.s32 s10, $0x1;
	s10 =	sld [smem:$0x3FBA]  }
0x3d: {  	_ =	shalt  }
0x3e: {  	_ =	shalt  }
0x3f: {  	_ =	shalt  }
0x40: {  	_ =	shalt  }
0x41: {  	_ =	shalt  }
0x42: {  	_ =	shalt  }
0x43: {  	_ =	shalt  }
0x44: {  	_ =	shalt  }
0x45: {  	_ =	shalt  }
0x46: {  	_ =	shalt  }
0x47: {  	_ =	shalt  }
0x48: {  	_ =	shalt  }
0x49: {  	_ =	shalt  }
0x4a: {  	_ =	shalt  }
0x4b: {  	_ =	shalt  }
0x4c: {  	_ =	shalt  }
0x4d: {  	_ =	shalt  }
0x4e: {  	_ =	shalt  }
0x4f: {  	_ =	shalt  }
0x50: {  	_ =	shalt  }
0x51: {  	_ =	shalt  }
0x52: {  	_ =	shalt  }
0x53: {  	_ =	shalt  }
0x54: {  	_ =	shalt  }
0x55: {  	_ =	shalt  }
0x56: {  	_ =	shalt  }
0x57: {  	_ =	shalt  }
0x58: {  	_ =	shalt  }
0x59: {  	_ =	shalt  }
0x5a: {  	_ =	shalt  }
0x5b: {  	_ =	shalt  }
0x5c: {  	_ =	shalt  }
0x5d: {  	_ =	shalt  }
0x5e: {  	_ =	shalt  }
0x5f: {  	_ =	shalt  }
0x60: {  	_ =	shalt  }
0x61: {  	_ =	shalt  }
0x62: {  	_ =	shalt  }
0x63: {  	_ =	shalt  }
0x64: {  	_ =	shalt  }
0x65: {  	_ =	shalt  }
0x66: {  	_ =	shalt  }
0x67: {  	_ =	shalt  }
0x68: {  	_ =	shalt  }
0x69: {  	_ =	shalt  }
0x6a: {  	_ =	shalt  }
0x6b: {  	_ =	shalt  }
0x6c: {  	_ =	shalt  }
0x6d: {  	_ =	shalt  }
0x6e: {  	_ =	shalt  }
0x6f: {  	_ =	shalt  }
0x70: {  	_ =	shalt  }
0x71: {  	_ =	shalt  }
0x72: {  	_ =	shalt  }
0x73: {  	_ =	shalt  }
0x74: {  	_ =	shalt  }
0x75: {  	_ =	shalt  }
0x76: {  	_ =	shalt  }
0x77: {  	_ =	shalt  }
0x78: {  	_ =	shalt  }
0x79: {  	_ =	shalt  }
0x7a: {  	_ =	shalt  }
0x7b: {  	_ =	shalt  }
0x7c: {  	_ =	shalt  }
0x7d: {  	_ =	shalt  }
0x7e: {  	_ =	shalt  }
0x7f: {  	_ =	shalt  }
0x80: {  	_ =	shalt  }
0x81: {  	_ =	shalt  }
0x82: {  	_ =	shalt  }
0x83: {  	_ =	shalt  }
0x84: {  	_ =	shalt  }
0x85: {  	_ =	shalt  }
0x86: {  	_ =	shalt  }
0x87: {  	_ =	shalt  }
.Lfunc_end0:
.L_simem_size_0:
called_computation_lowered:
.L_overlay_start_0:
0x88: {  	s2 =	sld [smem:$0x3FD9]  }
0x89: {  	s3 =	sld [smem:$0x3FFE];
	_ =	sdelay $0x1  }
0x8a: {  	s1 =	srdreg.scid  }
0x8b: {  	s0 =	sand.u32 $0x1, s1  }
0x8c: {  	s17 =	sshll.u32 s0, $0xA;
	s2 =	sadd.s32 s3, s2  }
0x8d: {  	s2 =	sadd.s32 s2, s17  }
0x8e: {  	[smem:$0x3FC6] =	sst s2  }
0x8f: {  	_ = 	snop  }
0x90: {  	s2 =	sld [smem:$0x3FC9]  }
0x91: {  	s18 =	sld [smem:$0x3FC8];
	(tm) =	ssettm $0x1  }
0x92: {  	s4 =	sld [smem:$0x3FFB];
	_ =	sdelay $0x3  }
0x93: {  	_ =	strace s4  }
0x94: {  	s4 =	sld [smem:$0x3FFC];
	_ =	sdelay $0x3  }
0x95: {  	_ =	strace s4  }
0x96: {  	s4 =	sld [smem:$0x3FFD];
	_ =	sdelay $0x3  }
0x97: {  	_ =	strace s4  }
0x98: {  	_ =	strace $0x8FFFFFFF  }
0x99: {  	s19 =	sld [smem:$0x3FDB];
	_ =	sdelay $0x1  }
0x9a: {  	s5 =	simm.s32 $_scs_section_size  }
0x9b: {  	s6 =	simm.s32 $_size__tile_overlayer_lowered;
	s7 =	simm.s32 $_tile_overlayer_lowered  }
0x9c: {  	s22 =	simm.s32 $0x1BFF;
	s21 =	sshll.u32 s7, $0x1;
	s4 =	sadd.s32 s5, s19  }
0x9d: {  	s8 =	simm.s32 $0x0;
	s20 =	sshll.u32 s6, $0x1;
	s6 =	sadd.s32 s21, s4  }
0x9e: {  	[timem:s8], [sflag:s22] =	dma.local [hbm:s6], s20  }
0x9f: {  	_ =	swait.ge [sflag:s22], s20  }
0xa0: {  	s5 =	ssub.s32 $0x0, s20;
	[sflag:s22] =	ssyncset.done $0x0  }
0xa1: {  	[sflag:s22] =	ssyncadd.s32 s5;
	_ =	sdelay $0x1  }
0xa2: {  	s23 =	simm.s32 $0x1B8B  }
0xa3: {  	_ =	swait.ge [sflag:s23], $0x1  }
0xa4: {  	[sflag:s23] =	ssyncset.done $0x0  }
0xa5: {  	s25 =	simm.s32 $0x1B8E;
	s24 =	sld [smem:$0x3FFE];
	[sflag:s23] =	ssyncadd.s32 $0xFFFFFFFF  }
0xa6: {  	s26 =	simm.s32 $execute0_lowered;
	[smem:$0x3FD2] =	sst s25  }
0xa7: {  	s6 =	sshll.u32 s26, $0x1;
	_ =	strace $0x80000046;
	[dreg:$0x1] =	wrdreg $0xFFFFFFFF  }
0xa8: {  	s28 =	simm.s32 $_size_execute0_lowered;
	s4 =	sadd.s32 s4, s6;
	[dreg:$0x0] =	wrdreg $0x0  }
0xa9: {  	s6 =	sshll.u32 s28, $0x1;
	[dreg:$0x2] =	wrdreg s4  }
0xaa: {  	[dreg:$0x3] =	wrdreg s6  }
0xab: {  	[dreg:$0x4] =	wrdreg $0xC0  }
0xac: {  	_ =	task [dreg:s8], $0x5FFFF  }
0xad: {  	[dreg:$0x1] =	wrdreg $0xFFFFFFFF  }
0xae: {  	[dreg:$0x0] =	wrdreg $0x60  }
0xaf: {  	[dreg:$0x2] =	wrdreg s2  }
0xb0: {  	[dreg:$0x3] =	wrdreg s18  }
0xb1: {  	[dreg:$0x4] =	wrdreg s24  }
0xb2: {  	[dreg:$0x5] =	wrdreg $0x0  }
0xb3: {  	[dreg:$0x6] =	wrdreg $0x9  }
0xb4: {  	_ =	task.clear_ibuf [dreg:s8], $0x7FFFF;
	_ =	strace $0x90000046  }
0xb5: {  	s29 =	simm.s32 $0x9;
	_ =	strace $0x80000048  }
0xb6: {  	_ =	swait.ge [sflag:s29], $0x1  }
0xb7: {  	[sflag:s29] =	ssyncadd.s32 $0xFFFFFFFF  }
0xb8: {  	_ =	strace $0x90000048  }
0xb9: {  	_ =	sfence  }
0xba: {  	s30 =	sld [smem:$0x0];
	_ =	sdelay $0x2  }
0xbb: {  	s31 =	sshll.u32 s1, $0xD;
	s1 =	sshrl.u32 s1, $0x2  }
0xbc: {  	s3 =	sand.u32 $0x4000, s31;
	s1 =	sadd.s32 s1, s30  }
0xbd: {  	s0 =	sor.u32 s3, s0;
	s1 =	sshll.u32 s1, $0x11  }
0xbe: {  	s0 =	sor.u32 s1, s0  }
0xbf: {  	s0 =	sadd.s32 $0x8F2B, s0  }
0xc0: {  	[sflag:s0] =	ssyncadd.remote.s32 $0x1  }
0xc1: {  	_ =	sfence.sel $0xFFFF  }
0xc2: {  	[dreg:$0x0] =	wrdreg $0xFFFFFFFF;
	(pc) =	sbr.abs _section_cstart, $3  }
0xc3: {  	[dreg:$0x1] =	wrdreg $0xFFFFFFFF  }
0xc4: {  	_ =	task.clear_ibuf [dreg:s8], $0x2FFFF;
	_ =	strace $0x9FFFFFFF  }
0xc5: {  	(tm) =	ssettm $0x7FFFFFFF  }
tec
execute0_lowered:
.L_overlay_start_1:
0x0: {  	(tag) =	ssettag $0x1  }
0x1: {  	s4 =	rddreg [dreg:$0x0];
	s0 =	srdreg.scid  }
0x2: {  	s1 =	rddreg [dreg:$0x1];
	s0 =	sand.u32 $0x1, s0  }
0x3: {  	s3 =	stileid.u32;
	[smem:$0x7E9] =	sst s0;
	s0 =	sshll.u32 s0, $0x4  }
0x4: {  	s2 =	rddreg [dreg:$0x3];
	s18 =	sor.u32 s3, s0;
	s3 =	simm.s32 $0x0  }
0x5: {  	s20 =	sshll.u32 s18, $0x7;
	[smem:$0x7FF] =	sst s3  }
0x6: {  	s8 =	sshll.u32 s18, $0x4;
	s7 =	sor.u32 $0x1000, s20;
	_ =	strace $0x80000047  }
0x7: {  	s8 =	sadd.s32 s1, s8;
	s6 =	sor.u32 $0x8000, s20;
	s9 =	sshrl.u32 s7, $0x3  }
0x8: {  	[dreg:$0x5] =	wrdreg s8;
	s8 =	sor.u32 $0x2000, s20;
	s23 =	sshrl.u32 s6, $0x3  }
0x9: {  	s7 =	sshll.u32 s7, $0x4;
	s6 =	sshll.u32 s6, $0x4;
	s9 =	sadd.s32 s1, s9  }
0xa: {  	s10 =	sshrl.u32 s8, $0x3;
	[dreg:$0x6] =	wrdreg s9;
	s9 =	sor.u32 $0x3000, s20  }
0xb: {  	s11 =	sadd.s32 s1, s10;
	s10 =	sor.u32 $0x4000, s20;
	s12 =	sshrl.u32 s9, $0x3  }
0xc: {  	[dreg:$0x7] =	wrdreg s11;
	s17 =	sshrl.u32 s10, $0x3;
	s16 =	sadd.s32 s1, s12  }
0xd: {  	s11 =	sor.u32 $0x5000, s20;
	s12 =	sadd.s32 s1, s17;
	[dreg:$0x8] =	wrdreg s16  }
0xe: {  	s13 =	sshrl.u32 s11, $0x3;
	[dreg:$0x9] =	wrdreg s12;
	s12 =	sor.u32 $0x6000, s20  }
0xf: {  	s14 =	sadd.s32 s1, s13;
	s13 =	sor.u32 $0x7000, s20;
	s15 =	sshrl.u32 s12, $0x3  }
0x10: {  	[dreg:$0xa] =	wrdreg s14;
	s21 =	sshrl.u32 s13, $0x3;
	s19 =	sadd.s32 s1, s15  }
0x11: {  	s7 =	sadd.s32 s4, s7;
	s22 =	sadd.s32 s1, s21;
	[dreg:$0xb] =	wrdreg s19  }
0x12: {  	s14 =	sor.u32 $0x9000, s20;
	s15 =	sadd.s32 s1, s23;
	[dreg:$0xc] =	wrdreg s22  }
0x13: {  	s16 =	sshrl.u32 s14, $0x3;
	s19 =	sor.u32 $0xA000, s20;
	[dreg:$0xd] =	wrdreg s15  }
0x14: {  	s24 =	sadd.s32 s1, s16;
	s15 =	sor.u32 $0xB000, s20;
	s25 =	sshrl.u32 s19, $0x3  }
0x15: {  	[dreg:$0xe] =	wrdreg s24;
	s17 =	sshrl.u32 s15, $0x3;
	s16 =	sadd.s32 s1, s25  }
0x16: {  	s21 =	sadd.s32 s1, s17;
	[dreg:$0xf] =	wrdreg s16;
	s16 =	sor.u32 $0xC000, s20  }
0x17: {  	s17 =	sor.u32 $0xD000, s20;
	[dreg:$0x10] =	wrdreg s21;
	s22 =	sshrl.u32 s16, $0x3  }
0x18: {  	s28 =	sshrl.u32 s17, $0x3;
	s21 =	sor.u32 $0xE000, s20;
	s26 =	sadd.s32 s1, s22  }
0x19: {  	s23 =	sshrl.u32 s21, $0x3;
	s22 =	sadd.s32 s1, s28;
	[dreg:$0x11] =	wrdreg s26  }
0x1a: {  	s24 =	sadd.s32 s1, s23;
	[dreg:$0x12] =	wrdreg s22;
	s22 =	sor.u32 $0xF000, s20  }
0x1b: {  	s23 =	sor.u32 $0x10000, s20;
	[dreg:$0x13] =	wrdreg s24;
	s25 =	sshrl.u32 s22, $0x3  }
0x1c: {  	s30 =	sshrl.u32 s23, $0x3;
	s24 =	sor.u32 $0x11000, s20;
	s29 =	sadd.s32 s1, s25  }
0x1d: {  	s26 =	sshrl.u32 s24, $0x3;
	s25 =	sadd.s32 s1, s30;
	[dreg:$0x14] =	wrdreg s29  }
0x1e: {  	s26 =	sadd.s32 s1, s26;
	s30 =	smul.u32 $0x34, s18;
	[dreg:$0x15] =	wrdreg s25  }
0x1f: {  	s25 =	sor.u32 $0x12000, s20;
	[dreg:$0x16] =	wrdreg s26;
	s26 =	sor.u32 $0x13000, s20  }
0x20: {  	s28 =	sshrl.u32 s25, $0x3;
	s0 =	sshrl.u32 s30, $0x8;
	s29 =	sshrl.u32 s26, $0x3  }
0x21: {  	s30 =	sand.u32 $0x700, s30;
	s28 =	sadd.s32 s1, s28;
	s31 =	smul.u32 $0x5, s0  }
0x22: {  	s29 =	sadd.s32 s1, s29;
	[dreg:$0x17] =	wrdreg s28;
	s28 =	sor.u32 $0x14000, s20  }
0x23: {  	[dreg:$0x18] =	wrdreg s29;
	s29 =	sor.u32 $0x15000, s20;
	s0 =	sshrl.u32 s28, $0x3  }
0x24: {  	s5 =	ssub.s32 s18, s31;
	s31 =	sshrl.u32 s29, $0x3;
	s0 =	sadd.s32 s1, s0  }
0x25: {  	[dreg:$0x19] =	wrdreg s0;
	s0 =	sadd.s32 s1, s31;
	s31 =	sand.u32 $0xFF, s5  }
0x26: {  	p0 =	seq.s32 s31, $0x2;
	[dreg:$0x1a] =	wrdreg s0;
	s0 =	simm.s32 $0x80  }
0x27: {  	[smem:$0x7E0] =	sst s5;
	s31 =	sor.u32 $0x16000, s20;
	s0 =	simm.s32 @!p0 $0x0  }
0x28: {  	s20 =	sor.u32 $0x17000, s20;
	s5 =	sshrl.u32 s31, $0x3;
	s0 =	sor.u32 s30, s0  }
0x29: {  	s30 =	sadd.s32 s1, s5;
	s5 =	sor.u32 $0x18000, s0;
	s0 =	sshrl.u32 s20, $0x3  }
0x2a: {  	[dreg:$0x1b] =	wrdreg s30;
	s0 =	sadd.s32 s1, s0;
	s30 =	sshrl.u32 s5, $0x3  }
0x2b: {  	[dreg:$0x1c] =	wrdreg s0;
	s0 =	sadd.s32 s1, s30;
	s30 =	sshll.u32 s18, $0xB  }
0x2c: {  	[dreg:$0x1f] =	wrdreg s7;
	p0 =	sne.s32 s18, $0x1;
	s30 =	sadd.s32 s4, s30  }
0x2d: {  	s5 =	sshll.u32 s5, $0x4;
	[dreg:$0x1e] =	wrdreg s30;
	s30 =	sshll.u32 s8, $0x4  }
0x2e: {  	[dreg:$0x1d] =	wrdreg s0;
	s8 =	sshll.u32 s9, $0x4;
	s7 =	sadd.s32 s4, s30  }
0x2f: {  	s9 =	sadd.s32 s4, s8;
	s30 =	sshll.u32 s10, $0x4;
	[smem:$0x7E1] =	sst s7  }
0x30: {  	s18 =	simm.s32 $0x4;
	[smem:$0x7E2] =	sst s9;
	s8 =	sadd.s32 s4, s30  }
0x31: {  	s9 =	sshll.u32 s11, $0x4;
	s30 =	sshll.u32 s13, $0x4;
	s13 =	rddreg [dreg:$0x2]  }
0x32: {  	s11 =	sshll.u32 s12, $0x4;
	[smem:$0x7E3] =	sst s8;
	s10 =	sadd.s32 s4, s9  }
0x33: {  	s12 =	sadd.s32 s4, s11;
	s8 =	sadd.s32 s4, s30;
	s9 =	sadd.s32 s4, s6  }
0x34: {  	s11 =	sshll.u32 s19, $0x4;
	s19 =	sshll.u32 s15, $0x4;
	[smem:$0x7E4] =	sst s10  }
0x35: {  	s30 =	sshll.u32 s16, $0x4;
	s16 =	sshll.u32 s22, $0x4;
	[smem:$0x7E5] =	sst s12  }
0x36: {  	s22 =	sshll.u32 s24, $0x4;
	s24 =	sshll.u32 s25, $0x4;
	[smem:$0x7E6] =	sst s8  }
0x37: {  	[smem:$0x7E7] =	sst s9;
	s10 =	sshll.u32 s14, $0x4;
	s14 =	sadd.s32 s4, s11  }
0x38: {  	s11 =	sld [smem:$0x7E9];
	s9 =	sadd.s32 s4, s30;
	s25 =	sadd.s32 s4, s24  }
0x39: {  	s30 =	sshll.u32 s26, $0x4;
	s24 =	sadd.s32 $0x30D0, s1;
	[smem:$0x7EA] =	sst s14  }
0x3a: {  	s0 =	sadd.s32 s4, s10;
	s10 =	stileid.u32;
	[smem:$0x7EC] =	sst s9  }
0x3b: {  	s14 =	sshll.u32 s21, $0x4;
	[smem:$0x7F2] =	sst s25;
	s9 =	sadd.s32 s4, s30  }
0x3c: {  	[smem:$0x7FA] =	sst s24;
	s30 =	simm.s32 $0x19C00;
	s24 =	simm.s32 $0xB  }
0x3d: {  	s12 =	sshll.u32 s10, $0x9;
	[smem:$0x7E8] =	sst s0;
	s0 =	sadd.s32 s4, s19  }
0x3e: {  	s15 =	sadd.s32 s4, s14;
	s19 =	sshll.u32 s23, $0x4;
	s23 =	sadd.s32 s4, s22  }
0x3f: {  	[smem:$0x7F3] =	sst s9;
	s14 =	sshll.u32 s29, $0x4;
	s22 =	sadd.s32 $0x186800, s4  }
0x40: {  	s26 =	sshll.u32 s10, $0xC;
	[smem:$0x7FD] =	sst s30;
	s9 =	simm.s32 $0x9000  }
0x41: {  	s10 =	simm.s32 $0xD;
	s7 =	sadd.s32 s12, s13;
	[smem:$0x7EB] =	sst s0  }
0x42: {  	s6 =	ssub.s32 $0x2, s11;
	s12 =	sshll.u32 s17, $0x4;
	[smem:$0x7EE] =	sst s15  }
0x43: {  	s17 =	sadd.s32 s4, s16;
	s21 =	sadd.s32 s4, s19;
	[smem:$0x7F1] =	sst s23  }
0x44: {  	s15 =	sadd.s32 s4, s14;
	s16 =	sshll.u32 s31, $0x4;
	s19 =	sshll.u32 s20, $0x4  }
0x45: {  	s23 =	sshll.u32 s11, $0xD;
	[smem:$0x7F9] =	sst s22;
	s29 =	sadd.s32 s26, s2  }
0x46: {  	s0 =	simm.s32 $0x1000;
	s11 =	simm.s32 $0xD000;
	s14 =	simm.s32 $0x2  }
0x47: {  	s22 =	simm.s32 $0x6;
	s31 =	simm.s32 $0x19100;
	[smem:$0x7EF] =	sst s17  }
0x48: {  	s8 =	sshrl.u32 s6, $0x1;
	s13 =	sadd.s32 s4, s12;
	[smem:$0x7F0] =	sst s21  }
0x49: {  	s12 =	sshll.u32 s28, $0x4;
	[smem:$0x7F5] =	sst s15;
	s17 =	sadd.s32 s4, s16  }
0x4a: {  	s20 =	sadd.s32 s4, s19;
	s21 =	sadd.s32 s4, s5;
	[smem:$0x7FB] =	sst s29  }
0x4b: {  	s25 =	sadd.s32 s23, s7;
	s5 =	simm.s32 $0x80;
	[smem:$0x7ED] =	sst s13  }
0x4c: {  	s15 =	simm.s32 $0x15000;
	s16 =	simm.s32 $0x3;
	[smem:$0x7F6] =	sst s17  }
0x4d: {  	s19 =	simm.s32 $0x8;
	s23 =	simm.s32 $0xA;
	[smem:$0x7F7] =	sst s20  }
0x4e: {  	s13 =	sadd.s32 s4, s12;
	s8 =	ssub.s32 s6, s8;
	[smem:$0x7F8] =	sst s21  }
0x4f: {  	s28 =	sadd.s32 $0x600, s25;
	s6 =	simm.s32 $0xE;
	s12 =	simm.s32 $0x1  }
0x50: {  	s17 =	simm.s32 $0x7;
	s20 =	simm.s32 $0x5;
	[smem:$0x7F4] =	sst s13  }
0x51: {  	s21 =	simm.s32 $0x9;
	s25 =	simm.s32 $0xC;
	[smem:$0x7FC] =	sst s28  }
0x52: {  	v0 =	vimm.f32 $0.0e+00;
	s7 =	smax.u32 s8, $0x1;
	s8 =	simm.s32 $0x5000;
	s13 =	simm.s32 $0x11000  }
.LBB2_1:
0x53: {  	s26 =	rddreg [dreg:$0x5]  }
0x54: {  	s28 =	rddreg [dreg:$0x6];
	s29 =	simm.s32 $0x19000  }
0x55: {  	[tilespmem:s29], [sflag:$0xD] =	stream.linear.gather [hbm4b:s26+s3], $0x80, $0x38;
	[tilespmem:$0x1B080] =	vst v63  }
0x56: {  	s1 =	rddreg [dreg:$0x7];
	s30 =	simm.s32 $0x19080  }
0x57: {  	[tilespmem:s30], [sflag:$0xD] =	stream.linear.gather [hbm4b:s28+s3], $0x80, $0x38;
	[tilespmem:$0x1B080] =	vst v63  }
0x58: {  	s4 =	rddreg [dreg:$0x8]  }
0x59: {  	[tilespmem:s31], [sflag:$0xD] =	stream.linear.gather [hbm4b:s1+s3], $0x80, $0x38;
	[tilespmem:$0x1B080] =	vst v63  }
0x5a: {  	s26 =	rddreg [dreg:$0x9];
	s1 =	simm.s32 $0x19180  }
0x5b: {  	[tilespmem:s1], [sflag:$0xD] =	stream.linear.gather [hbm4b:s4+s3], $0x80, $0x38;
	[tilespmem:$0x1B080] =	vst v63  }
0x5c: {  	s28 =	rddreg [dreg:$0xa];
	s4 =	simm.s32 $0x19200  }
0x5d: {  	[tilespmem:s4], [sflag:$0xD] =	stream.linear.gather [hbm4b:s26+s3], $0x80, $0x38;
	[tilespmem:$0x1B080] =	vst v63  }
0x5e: {  	s26 =	rddreg [dreg:$0xb];
	s4 =	simm.s32 $0x19280  }
0x5f: {  	[tilespmem:s4], [sflag:$0xD] =	stream.linear.gather [hbm4b:s28+s3], $0x80, $0x38;
	[tilespmem:$0x1B080] =	vst v63  }
0x60: {  	s28 =	rddreg [dreg:$0xc];
	s4 =	simm.s32 $0x19300  }
0x61: {  	[tilespmem:s4], [sflag:$0xD] =	stream.linear.gather [hbm4b:s26+s3], $0x80, $0x38;
	[tilespmem:$0x1B080] =	vst v63  }
0x62: {  	s26 =	rddreg [dreg:$0xd];
	s4 =	simm.s32 $0x19380  }
0x63: {  	[tilespmem:s4], [sflag:$0xD] =	stream.linear.gather [hbm4b:s28+s3], $0x80, $0x38;
	[tilespmem:$0x1B080] =	vst v63  }
0x64: {  	s28 =	rddreg [dreg:$0xe];
	s4 =	simm.s32 $0x19400  }
0x65: {  	[tilespmem:s4], [sflag:$0xD] =	stream.linear.gather [hbm4b:s26+s3], $0x80, $0x38;
	[tilespmem:$0x1B080] =	vst v63  }
0x66: {  	s26 =	rddreg [dreg:$0xf];
	s4 =	simm.s32 $0x19480  }
0x67: {  	[tilespmem:s4], [sflag:$0xD] =	stream.linear.gather [hbm4b:s28+s3], $0x80, $0x38;
	[tilespmem:$0x1B080] =	vst v63  }
0x68: {  	s28 =	rddreg [dreg:$0x10];
	s4 =	simm.s32 $0x19500  }
0x69: {  	[tilespmem:s4], [sflag:$0xD] =	stream.linear.gather [hbm4b:s26+s3], $0x80, $0x38;
	[tilespmem:$0x1B080] =	vst v63  }
0x6a: {  	s26 =	rddreg [dreg:$0x11];
	s4 =	simm.s32 $0x19580  }
0x6b: {  	[tilespmem:s4], [sflag:$0xD] =	stream.linear.gather [hbm4b:s28+s3], $0x80, $0x38;
	[tilespmem:$0x1B080] =	vst v63  }
0x6c: {  	s28 =	rddreg [dreg:$0x12];
	s4 =	simm.s32 $0x19600  }
0x6d: {  	[tilespmem:s4], [sflag:$0xD] =	stream.linear.gather [hbm4b:s26+s3], $0x80, $0x38;
	[tilespmem:$0x1B080] =	vst v63  }
0x6e: {  	s26 =	rddreg [dreg:$0x13];
	s4 =	simm.s32 $0x19680  }
0x6f: {  	[tilespmem:s4], [sflag:$0xD] =	stream.linear.gather [hbm4b:s28+s3], $0x80, $0x38;
	[tilespmem:$0x1B080] =	vst v63  }
0x70: {  	s28 =	rddreg [dreg:$0x14];
	s4 =	simm.s32 $0x19700  }
0x71: {  	[tilespmem:s4], [sflag:$0xD] =	stream.linear.gather [hbm4b:s26+s3], $0x80, $0x38;
	[tilespmem:$0x1B080] =	vst v63  }
0x72: {  	s26 =	rddreg [dreg:$0x15];
	s4 =	simm.s32 $0x19780  }
0x73: {  	[tilespmem:s4], [sflag:$0xD] =	stream.linear.gather [hbm4b:s28+s3], $0x80, $0x38;
	[tilespmem:$0x1B080] =	vst v63  }
0x74: {  	s28 =	rddreg [dreg:$0x16];
	s4 =	simm.s32 $0x19800  }
0x75: {  	[tilespmem:s4], [sflag:$0xD] =	stream.linear.gather [hbm4b:s26+s3], $0x80, $0x38;
	[tilespmem:$0x1B080] =	vst v63  }
0x76: {  	s26 =	rddreg [dreg:$0x17];
	s4 =	simm.s32 $0x19880  }
0x77: {  	[tilespmem:s4], [sflag:$0xD] =	stream.linear.gather [hbm4b:s28+s3], $0x80, $0x38;
	[tilespmem:$0x1B080] =	vst v63  }
0x78: {  	s28 =	rddreg [dreg:$0x18];
	s4 =	simm.s32 $0x19900  }
0x79: {  	[tilespmem:s4], [sflag:$0xD] =	stream.linear.gather [hbm4b:s26+s3], $0x80, $0x38;
	[tilespmem:$0x1B080] =	vst v63  }
0x7a: {  	s26 =	rddreg [dreg:$0x19];
	s4 =	simm.s32 $0x19980  }
0x7b: {  	[tilespmem:s4], [sflag:$0xD] =	stream.linear.gather [hbm4b:s28+s3], $0x80, $0x38;
	[tilespmem:$0x1B080] =	vst v63  }
0x7c: {  	s28 =	rddreg [dreg:$0x1a];
	s4 =	simm.s32 $0x19A00  }
0x7d: {  	[tilespmem:s4], [sflag:$0xD] =	stream.linear.gather [hbm4b:s26+s3], $0x80, $0x38;
	[tilespmem:$0x1B080] =	vst v63  }
0x7e: {  	s26 =	rddreg [dreg:$0x1b];
	s4 =	simm.s32 $0x19A80  }
0x7f: {  	[tilespmem:s4], [sflag:$0xD] =	stream.linear.gather [hbm4b:s28+s3], $0x80, $0x38;
	[tilespmem:$0x1B080] =	vst v63  }
0x80: {  	s28 =	rddreg [dreg:$0x1c];
	s4 =	simm.s32 $0x19B00  }
0x81: {  	[tilespmem:s4], [sflag:$0xD] =	stream.linear.gather [hbm4b:s26+s3], $0x80, $0x38;
	[tilespmem:$0x1B080] =	vst v63  }
0x82: {  	s26 =	simm.s32 $0x19B80;
	s4 =	sld [smem:$0x7FD]  }
0x83: {  	[tilespmem:s26], [sflag:$0xD] =	stream.linear.gather [hbm4b:s28+s3], $0x80, $0x38;
	[tilespmem:$0x1B080] =	vst v63  }
0x84: {  	s26 =	rddreg [dreg:$0x1d]  }
0x85: {  	[tilespmem:s4], [sflag:$0xD] =	stream.linear.gather [hbm4b:s26+s3], $0x80, $0x38;
	[tilespmem:$0x1000] =	vst v0  }
0x86: {  	[tilespmem:$0x1010] =	vst v0  }
0x87: {  	[tilespmem:$0x1020] =	vst v0  }
0x88: {  	[tilespmem:$0x1030] =	vst v0  }
0x89: {  	[tilespmem:$0x1040] =	vst v0  }
0x8a: {  	[tilespmem:$0x1050] =	vst v0  }
0x8b: {  	[tilespmem:$0x1060] =	vst v0  }
0x8c: {  	[tilespmem:$0x1070] =	vst v0  }
0x8d: {  	[tilespmem:$0x1080] =	vst v0  }
0x8e: {  	[tilespmem:$0x1090] =	vst v0  }
0x8f: {  	[tilespmem:$0x10A0] =	vst v0  }
0x90: {  	[tilespmem:$0x10B0] =	vst v0  }
0x91: {  	[tilespmem:$0x10C0] =	vst v0  }
0x92: {  	[tilespmem:$0x10D0] =	vst v0  }
0x93: {  	[tilespmem:$0x10E0] =	vst v0  }
0x94: {  	[tilespmem:$0x10F0] =	vst v0  }
0x95: {  	[tilespmem:$0x1100] =	vst v0  }
0x96: {  	[tilespmem:$0x1110] =	vst v0  }
0x97: {  	[tilespmem:$0x1120] =	vst v0  }
0x98: {  	[tilespmem:$0x1130] =	vst v0  }
0x99: {  	[tilespmem:$0x1140] =	vst v0  }
0x9a: {  	[tilespmem:$0x1150] =	vst v0  }
0x9b: {  	[tilespmem:$0x1160] =	vst v0  }
0x9c: {  	[tilespmem:$0x1170] =	vst v0  }
0x9d: {  	[tilespmem:$0x1180] =	vst v0  }
0x9e: {  	[tilespmem:$0x1190] =	vst v0  }
0x9f: {  	[tilespmem:$0x11A0] =	vst v0  }
0xa0: {  	[tilespmem:$0x11B0] =	vst v0  }
0xa1: {  	[tilespmem:$0x11C0] =	vst v0  }
0xa2: {  	[tilespmem:$0x11D0] =	vst v0  }
0xa3: {  	[tilespmem:$0x11E0] =	vst v0  }
0xa4: {  	[tilespmem:$0x11F0] =	vst v0  }
0xa5: {  	[tilespmem:$0x1200] =	vst v0  }
0xa6: {  	[tilespmem:$0x1210] =	vst v0  }
0xa7: {  	[tilespmem:$0x1220] =	vst v0  }
0xa8: {  	[tilespmem:$0x1230] =	vst v0  }
0xa9: {  	[tilespmem:$0x1240] =	vst v0  }
0xaa: {  	[tilespmem:$0x1250] =	vst v0  }
0xab: {  	[tilespmem:$0x1260] =	vst v0  }
0xac: {  	[tilespmem:$0x1270] =	vst v0  }
0xad: {  	[tilespmem:$0x1280] =	vst v0  }
0xae: {  	[tilespmem:$0x1290] =	vst v0  }
0xaf: {  	[tilespmem:$0x12A0] =	vst v0  }
0xb0: {  	[tilespmem:$0x12B0] =	vst v0  }
0xb1: {  	[tilespmem:$0x12C0] =	vst v0  }
0xb2: {  	[tilespmem:$0x12D0] =	vst v0  }
0xb3: {  	[tilespmem:$0x12E0] =	vst v0  }
0xb4: {  	[tilespmem:$0x12F0] =	vst v0  }
0xb5: {  	[tilespmem:$0x1300] =	vst v0  }
0xb6: {  	[tilespmem:$0x1310] =	vst v0  }
0xb7: {  	[tilespmem:$0x1320] =	vst v0  }
0xb8: {  	[tilespmem:$0x1330] =	vst v0  }
0xb9: {  	[tilespmem:$0x1340] =	vst v0  }
0xba: {  	[tilespmem:$0x1350] =	vst v0  }
0xbb: {  	[tilespmem:$0x1360] =	vst v0  }
0xbc: {  	[tilespmem:$0x1370] =	vst v0  }
0xbd: {  	[tilespmem:$0x1380] =	vst v0  }
0xbe: {  	[tilespmem:$0x1390] =	vst v0  }
0xbf: {  	[tilespmem:$0x13A0] =	vst v0  }
0xc0: {  	[tilespmem:$0x13B0] =	vst v0  }
0xc1: {  	[tilespmem:$0x13C0] =	vst v0  }
0xc2: {  	[tilespmem:$0x13D0] =	vst v0  }
0xc3: {  	[tilespmem:$0x13E0] =	vst v0  }
0xc4: {  	[tilespmem:$0x13F0] =	vst v0  }
0xc5: {  	[tilespmem:$0x1400] =	vst v0  }
0xc6: {  	[tilespmem:$0x1410] =	vst v0  }
0xc7: {  	[tilespmem:$0x1420] =	vst v0  }
0xc8: {  	[tilespmem:$0x1430] =	vst v0  }
0xc9: {  	[tilespmem:$0x1440] =	vst v0  }
0xca: {  	[tilespmem:$0x1450] =	vst v0  }
0xcb: {  	[tilespmem:$0x1460] =	vst v0  }
0xcc: {  	[tilespmem:$0x1470] =	vst v0  }
0xcd: {  	[tilespmem:$0x1480] =	vst v0  }
0xce: {  	[tilespmem:$0x1490] =	vst v0  }
0xcf: {  	[tilespmem:$0x14A0] =	vst v0  }
0xd0: {  	[tilespmem:$0x14B0] =	vst v0  }
0xd1: {  	[tilespmem:$0x14C0] =	vst v0  }
0xd2: {  	[tilespmem:$0x14D0] =	vst v0  }
0xd3: {  	[tilespmem:$0x14E0] =	vst v0  }
0xd4: {  	[tilespmem:$0x14F0] =	vst v0  }
0xd5: {  	[tilespmem:$0x1500] =	vst v0  }
0xd6: {  	[tilespmem:$0x1510] =	vst v0  }
0xd7: {  	[tilespmem:$0x1520] =	vst v0  }
0xd8: {  	[tilespmem:$0x1530] =	vst v0  }
0xd9: {  	[tilespmem:$0x1540] =	vst v0  }
0xda: {  	[tilespmem:$0x1550] =	vst v0  }
0xdb: {  	[tilespmem:$0x1560] =	vst v0  }
0xdc: {  	[tilespmem:$0x1570] =	vst v0  }
0xdd: {  	[tilespmem:$0x1580] =	vst v0  }
0xde: {  	[tilespmem:$0x1590] =	vst v0  }
0xdf: {  	[tilespmem:$0x15A0] =	vst v0  }
0xe0: {  	[tilespmem:$0x15B0] =	vst v0  }
0xe1: {  	[tilespmem:$0x15C0] =	vst v0  }
0xe2: {  	[tilespmem:$0x15D0] =	vst v0  }
0xe3: {  	[tilespmem:$0x15E0] =	vst v0  }
0xe4: {  	[tilespmem:$0x15F0] =	vst v0  }
0xe5: {  	[tilespmem:$0x1600] =	vst v0  }
0xe6: {  	[tilespmem:$0x1610] =	vst v0  }
0xe7: {  	[tilespmem:$0x1620] =	vst v0  }
0xe8: {  	[tilespmem:$0x1630] =	vst v0  }
0xe9: {  	[tilespmem:$0x1640] =	vst v0  }
0xea: {  	[tilespmem:$0x1650] =	vst v0  }
0xeb: {  	[tilespmem:$0x1660] =	vst v0  }
0xec: {  	[tilespmem:$0x1670] =	vst v0  }
0xed: {  	[tilespmem:$0x1680] =	vst v0  }
0xee: {  	[tilespmem:$0x1690] =	vst v0  }
0xef: {  	[tilespmem:$0x16A0] =	vst v0  }
0xf0: {  	[tilespmem:$0x16B0] =	vst v0  }
0xf1: {  	[tilespmem:$0x16C0] =	vst v0  }
0xf2: {  	[tilespmem:$0x16D0] =	vst v0  }
0xf3: {  	[tilespmem:$0x16E0] =	vst v0  }
0xf4: {  	[tilespmem:$0x16F0] =	vst v0  }
0xf5: {  	[tilespmem:$0x1700] =	vst v0  }
0xf6: {  	[tilespmem:$0x1710] =	vst v0  }
0xf7: {  	[tilespmem:$0x1720] =	vst v0  }
0xf8: {  	[tilespmem:$0x1730] =	vst v0  }
0xf9: {  	[tilespmem:$0x1740] =	vst v0  }
0xfa: {  	[tilespmem:$0x1750] =	vst v0  }
0xfb: {  	[tilespmem:$0x1760] =	vst v0  }
0xfc: {  	[tilespmem:$0x1770] =	vst v0  }
0xfd: {  	[tilespmem:$0x1780] =	vst v0  }
0xfe: {  	[tilespmem:$0x1790] =	vst v0  }
0xff: {  	[tilespmem:$0x17A0] =	vst v0  }
0x100: {  	[tilespmem:$0x17B0] =	vst v0  }
0x101: {  	[tilespmem:$0x17C0] =	vst v0  }
0x102: {  	[tilespmem:$0x17D0] =	vst v0  }
0x103: {  	[tilespmem:$0x17E0] =	vst v0  }
0x104: {  	[tilespmem:$0x17F0] =	vst v0  }
0x105: {  	[tilespmem:$0x1800] =	vst v0  }
0x106: {  	[tilespmem:$0x1810] =	vst v0  }
0x107: {  	[tilespmem:$0x1820] =	vst v0  }
0x108: {  	[tilespmem:$0x1830] =	vst v0  }
0x109: {  	[tilespmem:$0x1840] =	vst v0  }
0x10a: {  	[tilespmem:$0x1850] =	vst v0  }
0x10b: {  	[tilespmem:$0x1860] =	vst v0  }
0x10c: {  	[tilespmem:$0x1870] =	vst v0  }
0x10d: {  	[tilespmem:$0x1880] =	vst v0  }
0x10e: {  	[tilespmem:$0x1890] =	vst v0  }
0x10f: {  	[tilespmem:$0x18A0] =	vst v0  }
0x110: {  	[tilespmem:$0x18B0] =	vst v0  }
0x111: {  	[tilespmem:$0x18C0] =	vst v0  }
0x112: {  	[tilespmem:$0x18D0] =	vst v0  }
0x113: {  	[tilespmem:$0x18E0] =	vst v0  }
0x114: {  	[tilespmem:$0x18F0] =	vst v0  }
0x115: {  	[tilespmem:$0x1900] =	vst v0  }
0x116: {  	[tilespmem:$0x1910] =	vst v0  }
0x117: {  	[tilespmem:$0x1920] =	vst v0  }
0x118: {  	[tilespmem:$0x1930] =	vst v0  }
0x119: {  	[tilespmem:$0x1940] =	vst v0  }
0x11a: {  	[tilespmem:$0x1950] =	vst v0  }
0x11b: {  	[tilespmem:$0x1960] =	vst v0  }
0x11c: {  	[tilespmem:$0x1970] =	vst v0  }
0x11d: {  	[tilespmem:$0x1980] =	vst v0  }
0x11e: {  	[tilespmem:$0x1990] =	vst v0  }
0x11f: {  	[tilespmem:$0x19A0] =	vst v0  }
0x120: {  	[tilespmem:$0x19B0] =	vst v0  }
0x121: {  	[tilespmem:$0x19C0] =	vst v0  }
0x122: {  	[tilespmem:$0x19D0] =	vst v0  }
0x123: {  	[tilespmem:$0x19E0] =	vst v0  }
0x124: {  	[tilespmem:$0x19F0] =	vst v0  }
0x125: {  	[tilespmem:$0x1A00] =	vst v0  }
0x126: {  	[tilespmem:$0x1A10] =	vst v0  }
0x127: {  	[tilespmem:$0x1A20] =	vst v0  }
0x128: {  	[tilespmem:$0x1A30] =	vst v0  }
0x129: {  	[tilespmem:$0x1A40] =	vst v0  }
0x12a: {  	[tilespmem:$0x1A50] =	vst v0  }
0x12b: {  	[tilespmem:$0x1A60] =	vst v0  }
0x12c: {  	[tilespmem:$0x1A70] =	vst v0  }
0x12d: {  	[tilespmem:$0x1A80] =	vst v0  }
0x12e: {  	[tilespmem:$0x1A90] =	vst v0  }
0x12f: {  	[tilespmem:$0x1AA0] =	vst v0  }
0x130: {  	[tilespmem:$0x1AB0] =	vst v0  }
0x131: {  	[tilespmem:$0x1AC0] =	vst v0  }
0x132: {  	[tilespmem:$0x1AD0] =	vst v0  }
0x133: {  	[tilespmem:$0x1AE0] =	vst v0  }
0x134: {  	[tilespmem:$0x1AF0] =	vst v0  }
0x135: {  	[tilespmem:$0x1B00] =	vst v0  }
0x136: {  	[tilespmem:$0x1B10] =	vst v0  }
0x137: {  	[tilespmem:$0x1B20] =	vst v0  }
0x138: {  	[tilespmem:$0x1B30] =	vst v0  }
0x139: {  	[tilespmem:$0x1B40] =	vst v0  }
0x13a: {  	[tilespmem:$0x1B50] =	vst v0  }
0x13b: {  	[tilespmem:$0x1B60] =	vst v0  }
0x13c: {  	[tilespmem:$0x1B70] =	vst v0  }
0x13d: {  	[tilespmem:$0x1B80] =	vst v0  }
0x13e: {  	[tilespmem:$0x1B90] =	vst v0  }
0x13f: {  	[tilespmem:$0x1BA0] =	vst v0  }
0x140: {  	[tilespmem:$0x1BB0] =	vst v0  }
0x141: {  	[tilespmem:$0x1BC0] =	vst v0  }
0x142: {  	[tilespmem:$0x1BD0] =	vst v0  }
0x143: {  	[tilespmem:$0x1BE0] =	vst v0  }
0x144: {  	[tilespmem:$0x1BF0] =	vst v0  }
0x145: {  	[tilespmem:$0x1C00] =	vst v0  }
0x146: {  	[tilespmem:$0x1C10] =	vst v0  }
0x147: {  	[tilespmem:$0x1C20] =	vst v0  }
0x148: {  	[tilespmem:$0x1C30] =	vst v0  }
0x149: {  	[tilespmem:$0x1C40] =	vst v0  }
0x14a: {  	[tilespmem:$0x1C50] =	vst v0  }
0x14b: {  	[tilespmem:$0x1C60] =	vst v0  }
0x14c: {  	[tilespmem:$0x1C70] =	vst v0  }
0x14d: {  	[tilespmem:$0x1C80] =	vst v0  }
0x14e: {  	[tilespmem:$0x1C90] =	vst v0  }
0x14f: {  	[tilespmem:$0x1CA0] =	vst v0  }
0x150: {  	[tilespmem:$0x1CB0] =	vst v0  }
0x151: {  	[tilespmem:$0x1CC0] =	vst v0  }
0x152: {  	[tilespmem:$0x1CD0] =	vst v0  }
0x153: {  	[tilespmem:$0x1CE0] =	vst v0  }
0x154: {  	[tilespmem:$0x1CF0] =	vst v0  }
0x155: {  	[tilespmem:$0x1D00] =	vst v0  }
0x156: {  	[tilespmem:$0x1D10] =	vst v0  }
0x157: {  	[tilespmem:$0x1D20] =	vst v0  }
0x158: {  	[tilespmem:$0x1D30] =	vst v0  }
0x159: {  	[tilespmem:$0x1D40] =	vst v0  }
0x15a: {  	[tilespmem:$0x1D50] =	vst v0  }
0x15b: {  	[tilespmem:$0x1D60] =	vst v0  }
0x15c: {  	[tilespmem:$0x1D70] =	vst v0  }
0x15d: {  	[tilespmem:$0x1D80] =	vst v0  }
0x15e: {  	[tilespmem:$0x1D90] =	vst v0  }
0x15f: {  	[tilespmem:$0x1DA0] =	vst v0  }
0x160: {  	[tilespmem:$0x1DB0] =	vst v0  }
0x161: {  	[tilespmem:$0x1DC0] =	vst v0  }
0x162: {  	[tilespmem:$0x1DD0] =	vst v0  }
0x163: {  	[tilespmem:$0x1DE0] =	vst v0  }
0x164: {  	[tilespmem:$0x1DF0] =	vst v0  }
0x165: {  	[tilespmem:$0x1E00] =	vst v0  }
0x166: {  	[tilespmem:$0x1E10] =	vst v0  }
0x167: {  	[tilespmem:$0x1E20] =	vst v0  }
0x168: {  	[tilespmem:$0x1E30] =	vst v0  }
0x169: {  	[tilespmem:$0x1E40] =	vst v0  }
0x16a: {  	[tilespmem:$0x1E50] =	vst v0  }
0x16b: {  	[tilespmem:$0x1E60] =	vst v0  }
0x16c: {  	[tilespmem:$0x1E70] =	vst v0  }
0x16d: {  	[tilespmem:$0x1E80] =	vst v0  }
0x16e: {  	[tilespmem:$0x1E90] =	vst v0  }
0x16f: {  	[tilespmem:$0x1EA0] =	vst v0  }
0x170: {  	[tilespmem:$0x1EB0] =	vst v0  }
0x171: {  	[tilespmem:$0x1EC0] =	vst v0  }
0x172: {  	[tilespmem:$0x1ED0] =	vst v0  }
0x173: {  	[tilespmem:$0x1EE0] =	vst v0  }
0x174: {  	[tilespmem:$0x1EF0] =	vst v0  }
0x175: {  	[tilespmem:$0x1F00] =	vst v0  }
0x176: {  	[tilespmem:$0x1F10] =	vst v0  }
0x177: {  	[tilespmem:$0x1F20] =	vst v0  }
0x178: {  	[tilespmem:$0x1F30] =	vst v0  }
0x179: {  	[tilespmem:$0x1F40] =	vst v0  }
0x17a: {  	[tilespmem:$0x1F50] =	vst v0  }
0x17b: {  	[tilespmem:$0x1F60] =	vst v0  }
0x17c: {  	[tilespmem:$0x1F70] =	vst v0  }
0x17d: {  	[tilespmem:$0x1F80] =	vst v0  }
0x17e: {  	[tilespmem:$0x1F90] =	vst v0  }
0x17f: {  	[tilespmem:$0x1FA0] =	vst v0  }
0x180: {  	[tilespmem:$0x1FB0] =	vst v0  }
0x181: {  	[tilespmem:$0x1FC0] =	vst v0  }
0x182: {  	[tilespmem:$0x1FD0] =	vst v0;
	s4 =	sld [smem:$0x7FB]  }
0x183: {  	[tilespmem:$0x1FE0] =	vst v0  }
0x184: {  	[tilespmem:$0x1FF0] =	vst v0  }
0x185: {  	[spmem:s4] =	stream.linear.scatter [tilespmem:s0], [sflag:$0xE], $0x1000, $0x38;
	[tilespmem:$0x1B080] =	vst v63  }
0x186: {  	_ =	swait.ge [sflag:s6], $0x1000  }
0x187: {  	s26 =	rddreg [dreg:$0x1e];
	[sflag:s6] =	ssyncset.done $0x0  }
0x188: {  	s28 =	rddreg [dreg:$0x1f];
	[sflag:s6] =	ssyncadd.s32 $0xFFFFF000  }
0x189: {  	[tilespmem:s0], [sflag:$0x1] =	stream.linear.gather [hbm4b:s26+s3], $0x4000, $0x38;
	[tilespmem:$0x1B080] =	vst v63  }
0x18a: {  	s26 =	sld [smem:$0x7E1]  }
0x18b: {  	[tilespmem:s8], [sflag:$0x2] =	stream.linear.gather [hbm4b:s28+s3], $0x4000, $0x38;
	[tilespmem:$0x1B080] =	vst v63  }
0x18c: {  	_ = 	snop  }
0x18d: {  	[tilespmem:s9], [sflag:$0x3] =	stream.linear.gather [hbm4b:s26+s3], $0x4000, $0x38;
	[tilespmem:$0x1B080] =	vst v63  }
0x18e: {  	_ =	swait.ge [sflag:s10], $0x80  }
0x18f: {  	[sflag:s10] =	ssyncset.done $0x0  }
0x190: {  	[sflag:s10] =	ssyncadd.s32 $0xFFFFFF80  }
0x191: {  	_ =	swait.ge [sflag:s10], $0x80  }
0x192: {  	[sflag:s10] =	ssyncset.done $0x0  }
0x193: {  	[sflag:s10] =	ssyncadd.s32 $0xFFFFFF80  }
0x194: {  	_ =	swait.ge [sflag:s10], $0x80  }
0x195: {  	[sflag:s10] =	ssyncset.done $0x0  }
0x196: {  	[sflag:s10] =	ssyncadd.s32 $0xFFFFFF80  }
0x197: {  	_ =	swait.ge [sflag:s10], $0x80  }
0x198: {  	[sflag:s10] =	ssyncset.done $0x0  }
0x199: {  	[sflag:s10] =	ssyncadd.s32 $0xFFFFFF80  }
0x19a: {  	_ =	swait.ge [sflag:s10], $0x80  }
0x19b: {  	[sflag:s10] =	ssyncset.done $0x0  }
0x19c: {  	[sflag:s10] =	ssyncadd.s32 $0xFFFFFF80  }
0x19d: {  	_ =	swait.ge [sflag:s10], $0x80  }
0x19e: {  	[sflag:s10] =	ssyncset.done $0x0  }
0x19f: {  	[sflag:s10] =	ssyncadd.s32 $0xFFFFFF80  }
0x1a0: {  	_ =	swait.ge [sflag:s10], $0x80  }
0x1a1: {  	[sflag:s10] =	ssyncset.done $0x0  }
0x1a2: {  	[sflag:s10] =	ssyncadd.s32 $0xFFFFFF80  }
0x1a3: {  	_ =	swait.ge [sflag:s10], $0x80  }
0x1a4: {  	[sflag:s10] =	ssyncset.done $0x0  }
0x1a5: {  	[sflag:s10] =	ssyncadd.s32 $0xFFFFFF80  }
0x1a6: {  	_ =	swait.ge [sflag:s10], $0x80  }
0x1a7: {  	[sflag:s10] =	ssyncset.done $0x0  }
0x1a8: {  	[sflag:s10] =	ssyncadd.s32 $0xFFFFFF80  }
0x1a9: {  	_ =	swait.ge [sflag:s10], $0x80  }
0x1aa: {  	[sflag:s10] =	ssyncset.done $0x0  }
0x1ab: {  	[sflag:s10] =	ssyncadd.s32 $0xFFFFFF80  }
0x1ac: {  	_ =	swait.ge [sflag:s10], $0x80  }
0x1ad: {  	[sflag:s10] =	ssyncset.done $0x0  }
0x1ae: {  	[sflag:s10] =	ssyncadd.s32 $0xFFFFFF80  }
0x1af: {  	_ =	swait.ge [sflag:s10], $0x80  }
0x1b0: {  	[sflag:s10] =	ssyncset.done $0x0  }
0x1b1: {  	[sflag:s10] =	ssyncadd.s32 $0xFFFFFF80  }
0x1b2: {  	_ =	swait.ge [sflag:s10], $0x80  }
0x1b3: {  	[sflag:s10] =	ssyncset.done $0x0  }
0x1b4: {  	[sflag:s10] =	ssyncadd.s32 $0xFFFFFF80  }
0x1b5: {  	_ =	swait.ge [sflag:s10], $0x80  }
0x1b6: {  	[sflag:s10] =	ssyncset.done $0x0  }
0x1b7: {  	[sflag:s10] =	ssyncadd.s32 $0xFFFFFF80  }
0x1b8: {  	_ =	swait.ge [sflag:s10], $0x80  }
0x1b9: {  	[sflag:s10] =	ssyncset.done $0x0  }
0x1ba: {  	[sflag:s10] =	ssyncadd.s32 $0xFFFFFF80  }
0x1bb: {  	_ =	swait.ge [sflag:s10], $0x80  }
0x1bc: {  	[sflag:s10] =	ssyncset.done $0x0  }
0x1bd: {  	[sflag:s10] =	ssyncadd.s32 $0xFFFFFF80  }
0x1be: {  	_ =	swait.ge [sflag:s10], $0x80  }
0x1bf: {  	[sflag:s10] =	ssyncset.done $0x0  }
0x1c0: {  	[sflag:s10] =	ssyncadd.s32 $0xFFFFFF80  }
0x1c1: {  	_ =	swait.ge [sflag:s10], $0x80  }
0x1c2: {  	[sflag:s10] =	ssyncset.done $0x0  }
0x1c3: {  	[sflag:s10] =	ssyncadd.s32 $0xFFFFFF80  }
0x1c4: {  	_ =	swait.ge [sflag:s10], $0x80  }
0x1c5: {  	[sflag:s10] =	ssyncset.done $0x0  }
0x1c6: {  	[sflag:s10] =	ssyncadd.s32 $0xFFFFFF80  }
0x1c7: {  	_ =	swait.ge [sflag:s10], $0x80  }
0x1c8: {  	[sflag:s10] =	ssyncset.done $0x0  }
0x1c9: {  	[sflag:s10] =	ssyncadd.s32 $0xFFFFFF80  }
0x1ca: {  	_ =	swait.ge [sflag:s10], $0x80  }
0x1cb: {  	[sflag:s10] =	ssyncset.done $0x0  }
0x1cc: {  	[sflag:s10] =	ssyncadd.s32 $0xFFFFFF80  }
0x1cd: {  	_ =	swait.ge [sflag:s10], $0x80  }
0x1ce: {  	[sflag:s10] =	ssyncset.done $0x0  }
0x1cf: {  	[sflag:s10] =	ssyncadd.s32 $0xFFFFFF80  }
0x1d0: {  	_ =	swait.ge [sflag:s10], $0x80  }
0x1d1: {  	[sflag:s10] =	ssyncset.done $0x0  }
0x1d2: {  	[sflag:s10] =	ssyncadd.s32 $0xFFFFFF80  }
0x1d3: {  	_ =	swait.ge [sflag:s10], $0x80  }
0x1d4: {  	[sflag:s10] =	ssyncset.done $0x0  }
0x1d5: {  	[sflag:s10] =	ssyncadd.s32 $0xFFFFFF80  }
0x1d6: {  	_ =	swait.ge [sflag:s10], $0x80  }
0x1d7: {  	[sflag:s10] =	ssyncset.done $0x0  }
0x1d8: {  	[sflag:s10] =	ssyncadd.s32 $0xFFFFFF80  }
0x1d9: {  	[bflag:$0x0] =	sbarrier.arrive $0xFFFF  }
0x1da: {  	s28 =	sld [smem:$0x7E2];
	_ =	sdelay $0x2  }
0x1db: {  	[tilespmem:s11], [sflag:$0x4] =	stream.linear.gather [hbm4b:s28+s3], $0x4000, $0x38;
	[tilespmem:$0x1B080] =	vst v63  }
0x1dc: {  	_ =	swait.ge [sflag:s12], $0x4000  }
0x1dd: {  	[sflag:s12] =	ssyncset.done $0x0  }
0x1de: {  	s28 =	sld [smem:$0x7E3];
	[sflag:s12] =	ssyncadd.s32 $0xFFFFC000  }
0x1df: {  	[spmem:s2] =	stream.indirect.scatter.add.f32 [tilespmem:s0], [sflag:$0x7], $0x80, s29, s5, $0xb8;
	[tilespmem:$0x1B080] =	vst v63  }
0x1e0: {  	_ = 	snop  }
0x1e1: {  	[tilespmem:s13], [sflag:$0x5] =	stream.linear.gather [hbm4b:s28+s3], $0x4000, $0x38;
	[tilespmem:$0x1B080] =	vst v63  }
0x1e2: {  	_ =	swait.ge [sflag:s14], $0x4000  }
0x1e3: {  	[sflag:s14] =	ssyncset.done $0x0  }
0x1e4: {  	s29 =	sld [smem:$0x7E4];
	[sflag:s14] =	ssyncadd.s32 $0xFFFFC000  }
0x1e5: {  	[spmem:s2] =	stream.indirect.scatter.add.f32 [tilespmem:s8], [sflag:$0x8], $0x80, s30, s5, $0xb8;
	[tilespmem:$0x1B080] =	vst v63  }
0x1e6: {  	_ = 	snop  }
0x1e7: {  	[tilespmem:s15], [sflag:$0x6] =	stream.linear.gather [hbm4b:s29+s3], $0x4000, $0x38;
	[tilespmem:$0x1B080] =	vst v63  }
0x1e8: {  	_ =	swait.ge [sflag:s16], $0x4000  }
0x1e9: {  	[sflag:s16] =	ssyncset.done $0x0  }
0x1ea: {  	[sflag:s16] =	ssyncadd.s32 $0xFFFFC000  }
0x1eb: {  	[spmem:s2] =	stream.indirect.scatter.add.f32 [tilespmem:s9], [sflag:$0x9], $0x80, s31, s5, $0xb8;
	[tilespmem:$0x1B080] =	vst v63  }
0x1ec: {  	_ =	swait.ge [sflag:s17], $0x4000  }
0x1ed: {  	s28 =	sld [smem:$0x7E5]  }
0x1ee: {  	[sflag:s17] =	ssyncset.done $0x0  }
0x1ef: {  	[sflag:s17] =	ssyncadd.s32 $0xFFFFC000  }
0x1f0: {  	[tilespmem:s0], [sflag:$0x1] =	stream.linear.gather [hbm4b:s28+s3], $0x4000, $0x38;
	[tilespmem:$0x1B080] =	vst v63  }
0x1f1: {  	_ =	swait.ge [sflag:s18], $0x4000  }
0x1f2: {  	[sflag:s18] =	ssyncset.done $0x0  }
0x1f3: {  	[sflag:s18] =	ssyncadd.s32 $0xFFFFC000  }
0x1f4: {  	[spmem:s2] =	stream.indirect.scatter.add.f32 [tilespmem:s11], [sflag:$0xA], $0x80, s1, s5, $0xb8;
	[tilespmem:$0x1B080] =	vst v63  }
0x1f5: {  	_ =	swait.ge [sflag:s19], $0x4000  }
0x1f6: {  	s29 =	sld [smem:$0x7E6]  }
0x1f7: {  	[sflag:s19] =	ssyncset.done $0x0  }
0x1f8: {  	[sflag:s19] =	ssyncadd.s32 $0xFFFFC000  }
0x1f9: {  	[tilespmem:s8], [sflag:$0x2] =	stream.linear.gather [hbm4b:s29+s3], $0x4000, $0x38;
	[tilespmem:$0x1B080] =	vst v63  }
0x1fa: {  	_ =	swait.ge [sflag:s20], $0x4000  }
0x1fb: {  	[sflag:s20] =	ssyncset.done $0x0  }
0x1fc: {  	s30 =	simm.s32 $0x19200;
	[sflag:s20] =	ssyncadd.s32 $0xFFFFC000  }
0x1fd: {  	[spmem:s2] =	stream.indirect.scatter.add.f32 [tilespmem:s13], [sflag:$0xB], $0x80, s30, s5, $0xb8;
	[tilespmem:$0x1B080] =	vst v63  }
0x1fe: {  	_ =	swait.ge [sflag:s21], $0x4000  }
0x1ff: {  	s1 =	sld [smem:$0x7E7]  }
0x200: {  	[sflag:s21] =	ssyncset.done $0x0  }
0x201: {  	[sflag:s21] =	ssyncadd.s32 $0xFFFFC000  }
0x202: {  	[tilespmem:s9], [sflag:$0x3] =	stream.linear.gather [hbm4b:s1+s3], $0x4000, $0x38;
	[tilespmem:$0x1B080] =	vst v63  }
0x203: {  	_ =	swait.ge [sflag:s22], $0x4000  }
0x204: {  	[sflag:s22] =	ssyncset.done $0x0  }
0x205: {  	s28 =	simm.s32 $0x19280;
	[sflag:s22] =	ssyncadd.s32 $0xFFFFC000  }
0x206: {  	[spmem:s2] =	stream.indirect.scatter.add.f32 [tilespmem:s15], [sflag:$0xC], $0x80, s28, s5, $0xb8;
	[tilespmem:$0x1B080] =	vst v63  }
0x207: {  	_ =	swait.ge [sflag:s23], $0x4000  }
0x208: {  	s29 =	sld [smem:$0x7E8]  }
0x209: {  	[sflag:s23] =	ssyncset.done $0x0  }
0x20a: {  	[sflag:s23] =	ssyncadd.s32 $0xFFFFC000  }
0x20b: {  	[tilespmem:s11], [sflag:$0x4] =	stream.linear.gather [hbm4b:s29+s3], $0x4000, $0x38;
	[tilespmem:$0x1B080] =	vst v63  }
0x20c: {  	_ =	swait.ge [sflag:s12], $0x4000  }
0x20d: {  	[sflag:s12] =	ssyncset.done $0x0  }
0x20e: {  	s30 =	simm.s32 $0x19300;
	[sflag:s12] =	ssyncadd.s32 $0xFFFFC000  }
0x20f: {  	[spmem:s2] =	stream.indirect.scatter.add.f32 [tilespmem:s0], [sflag:$0x7], $0x80, s30, s5, $0xb8;
	[tilespmem:$0x1B080] =	vst v63  }
0x210: {  	_ =	swait.ge [sflag:s24], $0x4000  }
0x211: {  	s1 =	sld [smem:$0x7EA]  }
0x212: {  	[sflag:s24] =	ssyncset.done $0x0  }
0x213: {  	[sflag:s24] =	ssyncadd.s32 $0xFFFFC000  }
0x214: {  	[tilespmem:s13], [sflag:$0x5] =	stream.linear.gather [hbm4b:s1+s3], $0x4000, $0x38;
	[tilespmem:$0x1B080] =	vst v63  }
0x215: {  	_ =	swait.ge [sflag:s14], $0x4000  }
0x216: {  	[sflag:s14] =	ssyncset.done $0x0  }
0x217: {  	s28 =	simm.s32 $0x19380;
	[sflag:s14] =	ssyncadd.s32 $0xFFFFC000  }
0x218: {  	[spmem:s2] =	stream.indirect.scatter.add.f32 [tilespmem:s8], [sflag:$0x8], $0x80, s28, s5, $0xb8;
	[tilespmem:$0x1B080] =	vst v63  }
0x219: {  	_ =	swait.ge [sflag:s25], $0x4000  }
0x21a: {  	s29 =	sld [smem:$0x7EB]  }
0x21b: {  	[sflag:s25] =	ssyncset.done $0x0  }
0x21c: {  	[sflag:s25] =	ssyncadd.s32 $0xFFFFC000  }
0x21d: {  	[tilespmem:s15], [sflag:$0x6] =	stream.linear.gather [hbm4b:s29+s3], $0x4000, $0x38;
	[tilespmem:$0x1B080] =	vst v63  }
0x21e: {  	_ =	swait.ge [sflag:s16], $0x4000  }
0x21f: {  	[sflag:s16] =	ssyncset.done $0x0  }
0x220: {  	s30 =	simm.s32 $0x19400;
	[sflag:s16] =	ssyncadd.s32 $0xFFFFC000  }
0x221: {  	[spmem:s2] =	stream.indirect.scatter.add.f32 [tilespmem:s9], [sflag:$0x9], $0x80, s30, s5, $0xb8;
	[tilespmem:$0x1B080] =	vst v63  }
0x222: {  	_ =	swait.ge [sflag:s17], $0x4000  }
0x223: {  	s1 =	sld [smem:$0x7EC]  }
0x224: {  	[sflag:s17] =	ssyncset.done $0x0  }
0x225: {  	[sflag:s17] =	ssyncadd.s32 $0xFFFFC000  }
0x226: {  	[tilespmem:s0], [sflag:$0x1] =	stream.linear.gather [hbm4b:s1+s3], $0x4000, $0x38;
	[tilespmem:$0x1B080] =	vst v63  }
0x227: {  	_ =	swait.ge [sflag:s18], $0x4000  }
0x228: {  	[sflag:s18] =	ssyncset.done $0x0  }
0x229: {  	s28 =	simm.s32 $0x19480;
	[sflag:s18] =	ssyncadd.s32 $0xFFFFC000  }
0x22a: {  	[spmem:s2] =	stream.indirect.scatter.add.f32 [tilespmem:s11], [sflag:$0xA], $0x80, s28, s5, $0xb8;
	[tilespmem:$0x1B080] =	vst v63  }
0x22b: {  	_ =	swait.ge [sflag:s19], $0x4000  }
0x22c: {  	s29 =	sld [smem:$0x7ED]  }
0x22d: {  	[sflag:s19] =	ssyncset.done $0x0  }
0x22e: {  	[sflag:s19] =	ssyncadd.s32 $0xFFFFC000  }
0x22f: {  	[tilespmem:s8], [sflag:$0x2] =	stream.linear.gather [hbm4b:s29+s3], $0x4000, $0x38;
	[tilespmem:$0x1B080] =	vst v63  }
0x230: {  	_ =	swait.ge [sflag:s20], $0x4000  }
0x231: {  	[sflag:s20] =	ssyncset.done $0x0  }
0x232: {  	s30 =	simm.s32 $0x19500;
	[sflag:s20] =	ssyncadd.s32 $0xFFFFC000  }
0x233: {  	[spmem:s2] =	stream.indirect.scatter.add.f32 [tilespmem:s13], [sflag:$0xB], $0x80, s30, s5, $0xb8;
	[tilespmem:$0x1B080] =	vst v63  }
0x234: {  	_ =	swait.ge [sflag:s21], $0x4000  }
0x235: {  	s1 =	sld [smem:$0x7EE]  }
0x236: {  	[sflag:s21] =	ssyncset.done $0x0  }
0x237: {  	[sflag:s21] =	ssyncadd.s32 $0xFFFFC000  }
0x238: {  	[tilespmem:s9], [sflag:$0x3] =	stream.linear.gather [hbm4b:s1+s3], $0x4000, $0x38;
	[tilespmem:$0x1B080] =	vst v63  }
0x239: {  	_ =	swait.ge [sflag:s22], $0x4000  }
0x23a: {  	[sflag:s22] =	ssyncset.done $0x0  }
0x23b: {  	s28 =	simm.s32 $0x19580;
	[sflag:s22] =	ssyncadd.s32 $0xFFFFC000  }
0x23c: {  	[spmem:s2] =	stream.indirect.scatter.add.f32 [tilespmem:s15], [sflag:$0xC], $0x80, s28, s5, $0xb8;
	[tilespmem:$0x1B080] =	vst v63  }
0x23d: {  	_ =	swait.ge [sflag:s23], $0x4000  }
0x23e: {  	s29 =	sld [smem:$0x7EF]  }
0x23f: {  	[sflag:s23] =	ssyncset.done $0x0  }
0x240: {  	[sflag:s23] =	ssyncadd.s32 $0xFFFFC000  }
0x241: {  	[tilespmem:s11], [sflag:$0x4] =	stream.linear.gather [hbm4b:s29+s3], $0x4000, $0x38;
	[tilespmem:$0x1B080] =	vst v63  }
0x242: {  	_ =	swait.ge [sflag:s12], $0x4000  }
0x243: {  	[sflag:s12] =	ssyncset.done $0x0  }
0x244: {  	s30 =	simm.s32 $0x19600;
	[sflag:s12] =	ssyncadd.s32 $0xFFFFC000  }
0x245: {  	[spmem:s2] =	stream.indirect.scatter.add.f32 [tilespmem:s0], [sflag:$0x7], $0x80, s30, s5, $0xb8;
	[tilespmem:$0x1B080] =	vst v63  }
0x246: {  	_ =	swait.ge [sflag:s24], $0x4000  }
0x247: {  	s1 =	sld [smem:$0x7F0]  }
0x248: {  	[sflag:s24] =	ssyncset.done $0x0  }
0x249: {  	[sflag:s24] =	ssyncadd.s32 $0xFFFFC000  }
0x24a: {  	[tilespmem:s13], [sflag:$0x5] =	stream.linear.gather [hbm4b:s1+s3], $0x4000, $0x38;
	[tilespmem:$0x1B080] =	vst v63  }
0x24b: {  	_ =	swait.ge [sflag:s14], $0x4000  }
0x24c: {  	[sflag:s14] =	ssyncset.done $0x0  }
0x24d: {  	s28 =	simm.s32 $0x19680;
	[sflag:s14] =	ssyncadd.s32 $0xFFFFC000  }
0x24e: {  	[spmem:s2] =	stream.indirect.scatter.add.f32 [tilespmem:s8], [sflag:$0x8], $0x80, s28, s5, $0xb8;
	[tilespmem:$0x1B080] =	vst v63  }
0x24f: {  	_ =	swait.ge [sflag:s25], $0x4000  }
0x250: {  	s29 =	sld [smem:$0x7F1]  }
0x251: {  	[sflag:s25] =	ssyncset.done $0x0  }
0x252: {  	[sflag:s25] =	ssyncadd.s32 $0xFFFFC000  }
0x253: {  	[tilespmem:s15], [sflag:$0x6] =	stream.linear.gather [hbm4b:s29+s3], $0x4000, $0x38;
	[tilespmem:$0x1B080] =	vst v63  }
0x254: {  	_ =	swait.ge [sflag:s16], $0x4000  }
0x255: {  	[sflag:s16] =	ssyncset.done $0x0  }
0x256: {  	s30 =	simm.s32 $0x19700;
	[sflag:s16] =	ssyncadd.s32 $0xFFFFC000  }
0x257: {  	[spmem:s2] =	stream.indirect.scatter.add.f32 [tilespmem:s9], [sflag:$0x9], $0x80, s30, s5, $0xb8;
	[tilespmem:$0x1B080] =	vst v63  }
0x258: {  	_ =	swait.ge [sflag:s17], $0x4000  }
0x259: {  	s1 =	sld [smem:$0x7F2]  }
0x25a: {  	[sflag:s17] =	ssyncset.done $0x0  }
0x25b: {  	[sflag:s17] =	ssyncadd.s32 $0xFFFFC000  }
0x25c: {  	[tilespmem:s0], [sflag:$0x1] =	stream.linear.gather [hbm4b:s1+s3], $0x4000, $0x38;
	[tilespmem:$0x1B080] =	vst v63  }
0x25d: {  	_ =	swait.ge [sflag:s18], $0x4000  }
0x25e: {  	[sflag:s18] =	ssyncset.done $0x0  }
0x25f: {  	s28 =	simm.s32 $0x19780;
	[sflag:s18] =	ssyncadd.s32 $0xFFFFC000  }
0x260: {  	[spmem:s2] =	stream.indirect.scatter.add.f32 [tilespmem:s11], [sflag:$0xA], $0x80, s28, s5, $0xb8;
	[tilespmem:$0x1B080] =	vst v63  }
0x261: {  	_ =	swait.ge [sflag:s19], $0x4000  }
0x262: {  	s29 =	sld [smem:$0x7F3]  }
0x263: {  	[sflag:s19] =	ssyncset.done $0x0  }
0x264: {  	[sflag:s19] =	ssyncadd.s32 $0xFFFFC000  }
0x265: {  	[tilespmem:s8], [sflag:$0x2] =	stream.linear.gather [hbm4b:s29+s3], $0x4000, $0x38;
	[tilespmem:$0x1B080] =	vst v63  }
0x266: {  	_ =	swait.ge [sflag:s20], $0x4000  }
0x267: {  	[sflag:s20] =	ssyncset.done $0x0  }
0x268: {  	s30 =	simm.s32 $0x19800;
	[sflag:s20] =	ssyncadd.s32 $0xFFFFC000  }
0x269: {  	[spmem:s2] =	stream.indirect.scatter.add.f32 [tilespmem:s13], [sflag:$0xB], $0x80, s30, s5, $0xb8;
	[tilespmem:$0x1B080] =	vst v63  }
0x26a: {  	_ =	swait.ge [sflag:s21], $0x4000  }
0x26b: {  	s1 =	sld [smem:$0x7F4]  }
0x26c: {  	[sflag:s21] =	ssyncset.done $0x0  }
0x26d: {  	[sflag:s21] =	ssyncadd.s32 $0xFFFFC000  }
0x26e: {  	[tilespmem:s9], [sflag:$0x3] =	stream.linear.gather [hbm4b:s1+s3], $0x4000, $0x38;
	[tilespmem:$0x1B080] =	vst v63  }
0x26f: {  	_ =	swait.ge [sflag:s22], $0x4000  }
0x270: {  	[sflag:s22] =	ssyncset.done $0x0  }
0x271: {  	s28 =	simm.s32 $0x19880;
	[sflag:s22] =	ssyncadd.s32 $0xFFFFC000  }
0x272: {  	[spmem:s2] =	stream.indirect.scatter.add.f32 [tilespmem:s15], [sflag:$0xC], $0x80, s28, s5, $0xb8;
	[tilespmem:$0x1B080] =	vst v63  }
0x273: {  	_ =	swait.ge [sflag:s23], $0x4000  }
0x274: {  	s29 =	sld [smem:$0x7F5]  }
0x275: {  	[sflag:s23] =	ssyncset.done $0x0  }
0x276: {  	[sflag:s23] =	ssyncadd.s32 $0xFFFFC000  }
0x277: {  	[tilespmem:s11], [sflag:$0x4] =	stream.linear.gather [hbm4b:s29+s3], $0x4000, $0x38;
	[tilespmem:$0x1B080] =	vst v63  }
0x278: {  	_ =	swait.ge [sflag:s12], $0x4000  }
0x279: {  	[sflag:s12] =	ssyncset.done $0x0  }
0x27a: {  	s30 =	simm.s32 $0x19900;
	[sflag:s12] =	ssyncadd.s32 $0xFFFFC000  }
0x27b: {  	[spmem:s2] =	stream.indirect.scatter.add.f32 [tilespmem:s0], [sflag:$0x7], $0x80, s30, s5, $0xb8;
	[tilespmem:$0x1B080] =	vst v63  }
0x27c: {  	_ =	swait.ge [sflag:s24], $0x4000  }
0x27d: {  	s1 =	sld [smem:$0x7F6]  }
0x27e: {  	[sflag:s24] =	ssyncset.done $0x0  }
0x27f: {  	[sflag:s24] =	ssyncadd.s32 $0xFFFFC000  }
0x280: {  	[tilespmem:s13], [sflag:$0x5] =	stream.linear.gather [hbm4b:s1+s3], $0x4000, $0x38;
	[tilespmem:$0x1B080] =	vst v63  }
0x281: {  	_ =	swait.ge [sflag:s14], $0x4000  }
0x282: {  	[sflag:s14] =	ssyncset.done $0x0  }
0x283: {  	s28 =	simm.s32 $0x19980;
	[sflag:s14] =	ssyncadd.s32 $0xFFFFC000  }
0x284: {  	[spmem:s2] =	stream.indirect.scatter.add.f32 [tilespmem:s8], [sflag:$0x8], $0x80, s28, s5, $0xb8;
	[tilespmem:$0x1B080] =	vst v63  }
0x285: {  	_ =	swait.ge [sflag:s25], $0x4000  }
0x286: {  	s29 =	sld [smem:$0x7F7]  }
0x287: {  	[sflag:s25] =	ssyncset.done $0x0  }
0x288: {  	[sflag:s25] =	ssyncadd.s32 $0xFFFFC000  }
0x289: {  	[tilespmem:s15], [sflag:$0x6] =	stream.linear.gather [hbm4b:s29+s3], $0x4000, $0x38;
	[tilespmem:$0x1B080] =	vst v63  }
0x28a: {  	_ =	swait.ge [sflag:s16], $0x4000  }
0x28b: {  	[sflag:s16] =	ssyncset.done $0x0  }
0x28c: {  	s30 =	simm.s32 $0x19A00;
	[sflag:s16] =	ssyncadd.s32 $0xFFFFC000  }
0x28d: {  	[spmem:s2] =	stream.indirect.scatter.add.f32 [tilespmem:s9], [sflag:$0x9], $0x80, s30, s5, $0xb8;
	[tilespmem:$0x1B080] =	vst v63  }
0x28e: {  	_ =	swait.ge [sflag:s17], $0x4000  }
0x28f: {  	[sflag:s17] =	ssyncset.done $0x0  }
0x290: {  	[sflag:s17] =	ssyncadd.s32 $0xFFFFC000  }
0x291: {  	_ =	swait.ge [sflag:s18], $0x4000  }
0x292: {  	[sflag:s18] =	ssyncset.done $0x0  }
0x293: {  	s26 =	simm.s32 $0x19A80;
	[sflag:s18] =	ssyncadd.s32 $0xFFFFC000  }
0x294: {  	[spmem:s2] =	stream.indirect.scatter.add.f32 [tilespmem:s11], [sflag:$0xA], $0x80, s26, s5, $0xb8;
	[tilespmem:$0x1B080] =	vst v63  }
0x295: {  	_ =	swait.ge [sflag:s19], $0x4000  }
0x296: {  	[sflag:s19] =	ssyncset.done $0x0  }
0x297: {  	[sflag:s19] =	ssyncadd.s32 $0xFFFFC000  }
0x298: {  	_ =	swait.ge [sflag:s20], $0x4000  }
0x299: {  	[sflag:s20] =	ssyncset.done $0x0  }
0x29a: {  	s28 =	simm.s32 $0x19B00;
	[sflag:s20] =	ssyncadd.s32 $0xFFFFC000  }
0x29b: {  	[spmem:s2] =	stream.indirect.scatter.add.f32 [tilespmem:s13], [sflag:$0xB], $0x80, s28, s5, $0xb8;
	[tilespmem:$0x1B080] =	vst v63  }
0x29c: {  	_ =	swait.ge [sflag:s21], $0x4000  }
0x29d: {  	[sflag:s21] =	ssyncset.done $0x0  }
0x29e: {  	[sflag:s21] =	ssyncadd.s32 $0xFFFFC000  }
0x29f: {  	_ =	swait.ge [sflag:s22], $0x4000  }
0x2a0: {  	[sflag:s22] =	ssyncset.done $0x0  }
0x2a1: {  	s29 =	simm.s32 $0x19B80;
	[sflag:s22] =	ssyncadd.s32 $0xFFFFC000  }
0x2a2: {  	[spmem:s2] =	stream.indirect.scatter.add.f32 [tilespmem:s15], [sflag:$0xC], $0x80, s29, s5, $0xb8;
	[tilespmem:$0x1B080] =	vst v63  }
0x2a3: {  	_ =	swait.ge [sflag:s23], $0x4000  }
0x2a4: {  	[sflag:s23] =	ssyncset.done $0x0  }
0x2a5: {  	[sflag:s23] =	ssyncadd.s32 $0xFFFFC000  }
0x2a6: {  	_ =	swait.ge [sflag:s24], $0x4000  }
0x2a7: {  	[sflag:s24] =	ssyncset.done $0x0  }
0x2a8: {  	[sflag:s24] =	ssyncadd.s32 $0xFFFFC000  }
0x2a9: {  	_ =	swait.ge [sflag:s25], $0x4000  }
0x2aa: {  	s30 =	sld [smem:$0x7E0];
	_ =	sdelay $0x2  }
0x2ab: {  	s26 =	sor.u32 $0x2, s30  }
0x2ac: {  	s28 =	sld [smem:$0x7F8];
	s26 =	sand.u32 $0xFF, s26  }
0x2ad: {  	[sflag:s25] =	ssyncset.done $0x0;
	p1 =	seq.s32 s26, $0x2  }
0x2ae: {  	[sflag:s25] =	ssyncadd.s32 $0xFFFFC000;
	s26 =	simm.s32 @p1 $0x0;
	s29 =	simm.s32 @p1 $0x1000  }
0x2af: {  	[tilespmem:s29], [sflag:$0x1] =	stream.linear.gather @p1 [hbm4b:s28+s26], $0x4000, $0x38;
	[tilespmem:$0x1B080] =	vst v63  }
0x2b0: {  	s26 =	simm.s32 @p1 $0x1  }
0x2b1: {  	_ =	swait.ge @p1 [sflag:s26], $0x4000  }
0x2b2: {  	[sflag:s26] =	ssyncset.done @p1 $0x0  }
0x2b3: {  	s28 =	simm.s32 @p1 $0x19C00;
	[sflag:s26] =	ssyncadd.s32 @p1 $0xFFFFC000;
	s26 =	simm.s32 @p1 $0x80  }
0x2b4: {  	[spmem:s2] =	stream.indirect.scatter.add.f32 @p1 [tilespmem:s29], [sflag:$0xE], $0x80, s28, s26, $0xb8;
	[tilespmem:$0x1B080] =	vst v63  }
0x2b5: {  	s26 =	simm.s32 @p1 $0xE  }
0x2b6: {  	_ =	swait.ge @p1 [sflag:s26], $0x4000  }
0x2b7: {  	s28 =	sld [smem:$0x7F9]  }
0x2b8: {  	s29 =	simm.s32 @!p0 $0x1A000;
	[sflag:s26] =	ssyncset.done @p1 $0x0  }
0x2b9: {  	s30 =	sld [smem:$0x7FA];
	[sflag:s26] =	ssyncadd.s32 @p1 $0xFFFFC000;
	s26 =	simm.s32 @!p0 $0x0  }
0x2ba: {  	[tilespmem:s29], [sflag:$0x1] =	stream.linear.gather @!p0 [hbm4b:s28+s26], $0x1000, $0x38;
	[tilespmem:$0x1B080] =	vst v63  }
0x2bb: {  	s28 =	simm.s32 @!p0 $0x1B000  }
0x2bc: {  	[tilespmem:s28], [sflag:$0x2] =	stream.linear.gather @!p0 [hbm4b:s30+s26], $0x20, $0x38;
	[tilespmem:$0x1B080] =	vst v63  }
0x2bd: {  	s26 =	simm.s32 @!p0 $0x1  }
0x2be: {  	_ =	swait.ge @!p0 [sflag:s26], $0x1000  }
0x2bf: {  	[sflag:s26] =	ssyncset.done @!p0 $0x0  }
0x2c0: {  	[sflag:s26] =	ssyncadd.s32 @!p0 $0xFFFFF000;
	s26 =	simm.s32 @!p0 $0x2  }
0x2c1: {  	_ =	swait.ge @!p0 [sflag:s26], $0x20  }
0x2c2: {  	[sflag:s26] =	ssyncset.done @!p0 $0x0  }
0x2c3: {  	[sflag:s26] =	ssyncadd.s32 @!p0 $0xFFFFFFE0;
	s26 =	simm.s32 @!p0 $0x20  }
0x2c4: {  	[spmem:s2] =	stream.indirect.scatter.add.f32 @!p0 [tilespmem:s29], [sflag:$0xE], $0x80, s28, s26, $0xb8;
	[tilespmem:$0x1B080] =	vst v63  }
0x2c5: {  	s26 =	simm.s32 @!p0 $0xE  }
0x2c6: {  	_ =	swait.ge @!p0 [sflag:s26], $0x1000  }
0x2c7: {  	[sflag:s26] =	ssyncset.done @!p0 $0x0  }
0x2c8: {  	[sflag:s26] =	ssyncadd.s32 @!p0 $0xFFFFF000  }
0x2c9: {  	[bflag:$0x0] =	sbarrier.arrive $0xFFFF  }
0x2ca: {  	s7 =	sadd.s32 $0xFFFFFFFF, s7;
	s29 =	stileid.u32;
	s1 =	sld [smem:$0x7FC]  }
0x2cb: {  	p1 =	sne.s32 s7, $0x0;
	s28 =	sshll.u32 s29, $0x6  }
.Ltmp0:
0x2cc: {  	s30 =	sshrl.u32 s4, $0x3;
	s28 =	sor.u32 $0x1C0E, s28;
	(pc) =	sbr.rel @p1 .LBB2_1-.Ltmp0, $4  }
0x2cd: {  	[hbm:s1], [sflag:s28] =	dma.local [spmem:s30], $0x200  }
0x2ce: {  	_ =	swait.ge [sflag:s6], $0x200  }
0x2cf: {  	[sflag:s6] =	ssyncset.done $0x0  }
0x2d0: {  	[sflag:s6] =	ssyncadd.s32 $0xFFFFFE00  }
0x2d1: {  	_ =	sfence.sel $0x180000  }
0x2d2: {  	[bflag:$0x0] =	sbarrier.arrive $0xFFFF  }
0x2d3: {  	_ =	strace $0x90000047  }
0x2d4: {  	s0 =	stileid.u32;
	[bflag:$0x2] =	sbarrier.arrive $0xFFFF  }
0x2d5: {  	p0 =	sne.s32 s0, $0x0;
	s0 =	rddreg [dreg:$0x4]  }
0x2d6: {  	s0 =	sadd.s32 @!p0 $0x100000, s0  }
0x2d7: {  	[sflag:s0] =	ssyncadd.tile.s32 @!p0 $0x1;
	_ =	shalt  }
.Lfunc_end2:
_tile_overlayer_lowered:
.L_overlay_start_2:
0x2d8: {  	(tag) =	ssettag $0x2  }
0x2d9: {  	s0 =	rddreg [dreg:$0x0];
	s2 =	stileid.u32  }
0x2da: {  	s1 =	rddreg [dreg:$0x1];
	p0 =	sne.s32 s2, $0x0  }
0x2db: {  	s3 =	rddreg [dreg:$0x2];
	[bflag:$0x3] =	sbarrier.arrive $0xFFFF;
	s2 =	simm.s32 @!p0 $0x1C0E  }
0x2dc: {  	[timem:s3], [sflag:s2] =	dma.local @!p0 [hbm:s0], s1  }
0x2dd: {  	s0 =	simm.s32 @!p0 $0xE  }
0x2de: {  	_ =	swait.ge @!p0 [sflag:s0], s1  }
0x2df: {  	s1 =	ssub.s32 @!p0 $0x0, s1;
	[sflag:s0] =	ssyncset.done @!p0 $0x0  }
0x2e0: {  	[sflag:s0] =	ssyncadd.s32 @!p0 s1  }
0x2e1: {  	[bflag:$0x3] =	sbarrier.arrive $0xFFFF  }
0x2e2: {  	_ =	shalt  }

</sc_bundles>
